<compile_context>
chip_gen: v7x
topology: tpu7x:2x2x1
jax: 0.10.2.dev20260603
libtpu: 0.0.44.dev20260713+nightly
codegen_flags: <defaults>
</compile_context>

<pallas_src>
import functools
import math

import jax
import jax.numpy as jnp
from jax import lax
from jax.experimental import pallas as pl
from jax.experimental.pallas import tpu as pltpu
from jax.experimental.pallas import tpu_sc as plsc

_LANES = 16
_NBUF = 4
_LEAD = _NBUF - 1


def _build(batch, seq, dim, vocab):
    nc, ns = 2, 16
    nw = nc * ns
    spw = seq // nw
    scale = math.sqrt(dim)
    mesh = plsc.VectorSubcoreMesh(
        core_axis_name="c", subcore_axis_name="s", num_cores=nc, num_subcores=ns
    )

    scratch = [
        pltpu.VMEM((batch, spw), jnp.int32),
        pltpu.VMEM((spw, dim), jnp.float32),
    ]
    scratch += [pltpu.VMEM((spw, dim), jnp.float32) for _ in range(_NBUF)]
    scratch += [pltpu.SemaphoreType.DMA for _ in range(2 * _NBUF)]

    @functools.partial(
        pl.kernel,
        out_type=jax.ShapeDtypeStruct((batch, seq, dim), jnp.float32),
        mesh=mesh,
        scratch_types=scratch,
    )
    def emb(idx_hbm, pos_hbm, table_hbm, out_hbm, idx_v, pos_v, *bufs_sems):
        bufs = bufs_sems[:_NBUF]
        gsem = bufs_sems[_NBUF:2 * _NBUF]
        ssem = bufs_sems[2 * _NBUF:]

        w = lax.axis_index("s") * nc + lax.axis_index("c")
        s0 = w * spw

        pltpu.sync_copy(idx_hbm.at[w], idx_v)

        def gather(b, t):
            pltpu.async_copy(table_hbm.at[idx_v.at[b]], bufs[t], gsem[t])

        def wait_gather(t):
            pltpu.make_async_copy(table_hbm.at[idx_v.at[0]], bufs[t],
                                  gsem[t]).wait()

        def store(b, t):
            pltpu.async_copy(bufs[t], out_hbm.at[b, pl.ds(s0, spw), :],
                             ssem[t])

        def wait_store(t):
            pltpu.make_async_copy(bufs[t], out_hbm.at[0, pl.ds(s0, spw), :],
                                  ssem[t]).wait()

        def compute(t):
            buf = bufs[t]

            def row(i, _):
                for j in range(dim // _LANES):
                    sl = pl.ds(j * _LANES, _LANES)
                    buf[i, sl] = buf[i, sl] * scale + pos_v[i, sl]
                return ()

            lax.fori_loop(0, spw, row, ())

        for t in range(_NBUF):
            gather(t, t)
        pltpu.sync_copy(pos_hbm.at[pl.ds(s0, spw)], pos_v)

        @pl.loop(0, batch // _NBUF)
        def _block(g):
            for t in range(_NBUF):
                b = g * _NBUF + t
                wait_gather(t)
                compute(t)
                store(b, t)
                nb = b + _LEAD
                tn = (t + _LEAD) % _NBUF

                @pl.when(jnp.logical_and(nb >= _NBUF, nb < batch))
                def _():
                    wait_store(tn)
                    gather(nb, tn)

        for t in range(_NBUF):
            wait_store(t)

    return emb


def kernel(tokens, token_table, pos_table):
    batch, seq = tokens.shape
    vocab, dim = token_table.shape
    nw = 32
    spw = seq // nw
    idx = tokens.astype(jnp.int32).reshape(batch, nw, spw).transpose(1, 0, 2)
    emb = _build(batch, seq, dim, vocab)
    return emb(idx, pos_table[:seq], token_table)

# --- scband reference (transcript-rebuilt; emitter-appended) ---
"""Pipeline reference for scband-embedding-27805618274528 (READ-ONLY COPY).

The authoritative reference and input builder live on the scoring server;
editing this copy changes nothing except your own understanding.
"""

import jax, jax.numpy as jnp
import numpy as np
import math

VOCAB = 151667  # len(Qwen2.5-7B tokenizer) + 2 added special tokens
MAX_LEN = 1024
DIM = 512
BATCH = 64
SEQ_LEN = 1024

def setup_inputs(seed: int = 0) -> dict:
    key = jax.random.key(seed)
    k1, k2, k3 = jax.random.split(key, 3)
    tokens = jax.random.randint(k1, (BATCH, SEQ_LEN), 0, VOCAB, dtype=jnp.int64 if jax.config.jax_enable_x64 else jnp.int32)
    token_table = jax.random.normal(k2, (VOCAB, DIM), dtype=jnp.float32) * 0.02
    pos_table = jax.random.normal(k3, (MAX_LEN, DIM), dtype=jnp.float32) * 0.02
    return {"tokens": tokens, "token_table": token_table, "pos_table": pos_table}

def reference(tokens, token_table, pos_table):
    batch_size, seq_len = tokens.shape
    positions = jnp.broadcast_to(jnp.arange(seq_len), (batch_size, seq_len))
    tok_emb = jnp.take(token_table, tokens, axis=0)
    pos_emb = jnp.take(pos_table, positions, axis=0)
    out = tok_emb * math.sqrt(DIM) + pos_emb
    return out

if __name__ == "__main__":
    import jax
    _d = setup_inputs()
    print(jax.jit(kernel)(*tuple(_d.values())))

</pallas_src>

<mosaic_0001>
#map = affine_map<(d0, d1) -> (0, 0, 0)>
#map1 = affine_map<(d0, d1) -> (0, 0)>
module attributes {stable_mosaic.version = 14 : i64} {
  func.func @emb(%arg0: i32, %arg1: i32, %arg2: memref<32x64x32xi32, #tpu.memory_space<hbm>>, %arg3: memref<1024x512xf32, #tpu.memory_space<hbm>>, %arg4: memref<151667x512xf32, #tpu.memory_space<hbm>>, %arg5: memref<64x1024x512xf32, #tpu.memory_space<hbm>>, %arg6: memref<64x32xi32, #tpu.memory_space<vmem>>, %arg7: memref<32x512xf32, #tpu.memory_space<vmem>>, %arg8: memref<32x512xf32, #tpu.memory_space<vmem>>, %arg9: memref<32x512xf32, #tpu.memory_space<vmem>>, %arg10: memref<32x512xf32, #tpu.memory_space<vmem>>, %arg11: memref<32x512xf32, #tpu.memory_space<vmem>>, %arg12: memref<!tpu.dma_semaphore, #tpu.memory_space<semaphore_mem>>, %arg13: memref<!tpu.dma_semaphore, #tpu.memory_space<semaphore_mem>>, %arg14: memref<!tpu.dma_semaphore, #tpu.memory_space<semaphore_mem>>, %arg15: memref<!tpu.dma_semaphore, #tpu.memory_space<semaphore_mem>>, %arg16: memref<!tpu.dma_semaphore, #tpu.memory_space<semaphore_mem>>, %arg17: memref<!tpu.dma_semaphore, #tpu.memory_space<semaphore_mem>>, %arg18: memref<!tpu.dma_semaphore, #tpu.memory_space<semaphore_mem>>, %arg19: memref<!tpu.dma_semaphore, #tpu.memory_space<semaphore_mem>>) attributes {dimension_semantics = [#tpu.dimension_semantics<core_parallel>, #tpu.dimension_semantics<subcore_parallel>], iteration_bounds = array<i64: 2, 16>, scalar_prefetch = 0 : i64, scratch_operands = 14 : i64, tpu.core_type = #tpu.core_type<sc_vector_subcore>, window_params = [{transform_indices = #map}, {transform_indices = #map1}, {transform_indices = #map1}, {transform_indices = #map}]} {
    %mul3A = arith.constant 2 : i32
    %mul3A_0 = arith.muli %arg1, %mul3A : i32
    %add3A = arith.addi %mul3A_0, %arg0 : i32
    %mul3A_1 = arith.constant 32 : i32
    %mul3A_2 = arith.muli %add3A, %mul3A_1 : i32
    "tpu.region"() ({
      %run_scoped3A = tpu.sem_alloc : memref<!tpu.dma_semaphore, #tpu.memory_space<semaphore_mem>>
      %dma_start3A_61 = arith.constant 0 : i32
      %dma_start3A_62 = arith.constant 0 : i32
      %dma_start3A_63 = tpu.memref_slice %arg2[%add3A, %dma_start3A_61, %dma_start3A_62] : memref<32x64x32xi32, #tpu.memory_space<hbm>> -> memref<1x64x32xi32, #tpu.memory_space<hbm>>
      %dma_start3A_64 = tpu.memref_squeeze %dma_start3A_63 : memref<1x64x32xi32, #tpu.memory_space<hbm>> -> memref<64x32xi32, #tpu.memory_space<hbm>>
      %dma_start3A_65 = arith.constant 0 : i32
      %dma_start3A_66 = arith.constant 0 : i32
      %dma_start3A_67 = tpu.memref_slice %arg2[%add3A, %dma_start3A_65, %dma_start3A_66] : memref<32x64x32xi32, #tpu.memory_space<hbm>> -> memref<1x64x32xi32, #tpu.memory_space<hbm>>
      %dma_start3A_68 = tpu.memref_squeeze %dma_start3A_67 : memref<1x64x32xi32, #tpu.memory_space<hbm>> -> memref<64x32xi32, #tpu.memory_space<hbm>>
      tpu.enqueue_dma source(%dma_start3A_68 : memref<64x32xi32, #tpu.memory_space<hbm>>) target(%arg6 : memref<64x32xi32, #tpu.memory_space<vmem>>) target_semaphore(%run_scoped3A : memref<!tpu.dma_semaphore, #tpu.memory_space<semaphore_mem>>)
      %dma_wait3A_69 = arith.constant 0 : i32
      %dma_wait3A_70 = arith.constant 0 : i32
      %dma_wait3A_71 = tpu.memref_slice %arg2[%add3A, %dma_wait3A_69, %dma_wait3A_70] : memref<32x64x32xi32, #tpu.memory_space<hbm>> -> memref<1x64x32xi32, #tpu.memory_space<hbm>>
      %dma_wait3A_72 = tpu.memref_squeeze %dma_wait3A_71 : memref<1x64x32xi32, #tpu.memory_space<hbm>> -> memref<64x32xi32, #tpu.memory_space<hbm>>
      %dma_wait3A_73 = arith.constant 0 : i32
      %dma_wait3A_74 = arith.constant 0 : i32
      %dma_wait3A_75 = tpu.memref_slice %arg2[%add3A, %dma_wait3A_73, %dma_wait3A_74] : memref<32x64x32xi32, #tpu.memory_space<hbm>> -> memref<1x64x32xi32, #tpu.memory_space<hbm>>
      %dma_wait3A_76 = tpu.memref_squeeze %dma_wait3A_75 : memref<1x64x32xi32, #tpu.memory_space<hbm>> -> memref<64x32xi32, #tpu.memory_space<hbm>>
      tpu.wait_dma2 semaphore(%run_scoped3A : memref<!tpu.dma_semaphore, #tpu.memory_space<semaphore_mem>>) src(%dma_wait3A_76 : memref<64x32xi32, #tpu.memory_space<hbm>>) dst(%arg6 : memref<64x32xi32, #tpu.memory_space<vmem>>)
      tpu.yield
    }) : () -> ()
    %dma_start3A = arith.constant 0 : i32
    %dma_start3A_3 = arith.constant 0 : i32
    %dma_start3A_4 = tpu.memref_slice %arg6[%dma_start3A, %dma_start3A_3] : memref<64x32xi32, #tpu.memory_space<vmem>> -> memref<1x32xi32, #tpu.memory_space<vmem>>
    %dma_start3A_5 = tpu.memref_squeeze %dma_start3A_4 : memref<1x32xi32, #tpu.memory_space<vmem>> -> memref<32xi32, #tpu.memory_space<vmem>>
    %dma_start3A_6 = arith.constant 0 : i32
    %dma_start3A_7 = arith.constant 0 : i32
    %dma_start3A_8 = tpu.memref_slice %arg4[%dma_start3A_6, %dma_start3A_7] : memref<151667x512xf32, #tpu.memory_space<hbm>> -> memref<151667x512xf32, #tpu.memory_space<hbm>>
    tpu.enqueue_indirect_dma source(%dma_start3A_8 : memref<151667x512xf32, #tpu.memory_space<hbm>>) target(%arg8 : memref<32x512xf32, #tpu.memory_space<vmem>>) offsets(%dma_start3A_5 : memref<32xi32, #tpu.memory_space<vmem>>) semaphore(%arg12 : memref<!tpu.dma_semaphore, #tpu.memory_space<semaphore_mem>>)
    %dma_start3A_9 = arith.constant 1 : i32
    %dma_start3A_10 = arith.constant 0 : i32
    %dma_start3A_11 = tpu.memref_slice %arg6[%dma_start3A_9, %dma_start3A_10] : memref<64x32xi32, #tpu.memory_space<vmem>> -> memref<1x32xi32, #tpu.memory_space<vmem>>
    %dma_start3A_12 = tpu.memref_squeeze %dma_start3A_11 : memref<1x32xi32, #tpu.memory_space<vmem>> -> memref<32xi32, #tpu.memory_space<vmem>>
    %dma_start3A_13 = arith.constant 0 : i32
    %dma_start3A_14 = arith.constant 0 : i32
    %dma_start3A_15 = tpu.memref_slice %arg4[%dma_start3A_13, %dma_start3A_14] : memref<151667x512xf32, #tpu.memory_space<hbm>> -> memref<151667x512xf32, #tpu.memory_space<hbm>>
    tpu.enqueue_indirect_dma source(%dma_start3A_15 : memref<151667x512xf32, #tpu.memory_space<hbm>>) target(%arg9 : memref<32x512xf32, #tpu.memory_space<vmem>>) offsets(%dma_start3A_12 : memref<32xi32, #tpu.memory_space<vmem>>) semaphore(%arg13 : memref<!tpu.dma_semaphore, #tpu.memory_space<semaphore_mem>>)
    %dma_start3A_16 = arith.constant 2 : i32
    %dma_start3A_17 = arith.constant 0 : i32
    %dma_start3A_18 = tpu.memref_slice %arg6[%dma_start3A_16, %dma_start3A_17] : memref<64x32xi32, #tpu.memory_space<vmem>> -> memref<1x32xi32, #tpu.memory_space<vmem>>
    %dma_start3A_19 = tpu.memref_squeeze %dma_start3A_18 : memref<1x32xi32, #tpu.memory_space<vmem>> -> memref<32xi32, #tpu.memory_space<vmem>>
    %dma_start3A_20 = arith.constant 0 : i32
    %dma_start3A_21 = arith.constant 0 : i32
    %dma_start3A_22 = tpu.memref_slice %arg4[%dma_start3A_20, %dma_start3A_21] : memref<151667x512xf32, #tpu.memory_space<hbm>> -> memref<151667x512xf32, #tpu.memory_space<hbm>>
    tpu.enqueue_indirect_dma source(%dma_start3A_22 : memref<151667x512xf32, #tpu.memory_space<hbm>>) target(%arg10 : memref<32x512xf32, #tpu.memory_space<vmem>>) offsets(%dma_start3A_19 : memref<32xi32, #tpu.memory_space<vmem>>) semaphore(%arg14 : memref<!tpu.dma_semaphore, #tpu.memory_space<semaphore_mem>>)
    %dma_start3A_23 = arith.constant 3 : i32
    %dma_start3A_24 = arith.constant 0 : i32
    %dma_start3A_25 = tpu.memref_slice %arg6[%dma_start3A_23, %dma_start3A_24] : memref<64x32xi32, #tpu.memory_space<vmem>> -> memref<1x32xi32, #tpu.memory_space<vmem>>
    %dma_start3A_26 = tpu.memref_squeeze %dma_start3A_25 : memref<1x32xi32, #tpu.memory_space<vmem>> -> memref<32xi32, #tpu.memory_space<vmem>>
    %dma_start3A_27 = arith.constant 0 : i32
    %dma_start3A_28 = arith.constant 0 : i32
    %dma_start3A_29 = tpu.memref_slice %arg4[%dma_start3A_27, %dma_start3A_28] : memref<151667x512xf32, #tpu.memory_space<hbm>> -> memref<151667x512xf32, #tpu.memory_space<hbm>>
    tpu.enqueue_indirect_dma source(%dma_start3A_29 : memref<151667x512xf32, #tpu.memory_space<hbm>>) target(%arg11 : memref<32x512xf32, #tpu.memory_space<vmem>>) offsets(%dma_start3A_26 : memref<32xi32, #tpu.memory_space<vmem>>) semaphore(%arg15 : memref<!tpu.dma_semaphore, #tpu.memory_space<semaphore_mem>>)
    "tpu.region"() ({
      %run_scoped3A = tpu.sem_alloc : memref<!tpu.dma_semaphore, #tpu.memory_space<semaphore_mem>>
      %dma_start3A_61 = arith.constant 0 : i32
      %dma_start3A_62 = tpu.memref_slice %arg3[%mul3A_2, %dma_start3A_61] : memref<1024x512xf32, #tpu.memory_space<hbm>> -> memref<32x512xf32, #tpu.memory_space<hbm>>
      %dma_start3A_63 = arith.constant 0 : i32
      %dma_start3A_64 = tpu.memref_slice %arg3[%mul3A_2, %dma_start3A_63] : memref<1024x512xf32, #tpu.memory_space<hbm>> -> memref<32x512xf32, #tpu.memory_space<hbm>>
      tpu.enqueue_dma source(%dma_start3A_64 : memref<32x512xf32, #tpu.memory_space<hbm>>) target(%arg7 : memref<32x512xf32, #tpu.memory_space<vmem>>) target_semaphore(%run_scoped3A : memref<!tpu.dma_semaphore, #tpu.memory_space<semaphore_mem>>)
      %dma_wait3A_65 = arith.constant 0 : i32
      %dma_wait3A_66 = tpu.memref_slice %arg3[%mul3A_2, %dma_wait3A_65] : memref<1024x512xf32, #tpu.memory_space<hbm>> -> memref<32x512xf32, #tpu.memory_space<hbm>>
      %dma_wait3A_67 = arith.constant 0 : i32
      %dma_wait3A_68 = tpu.memref_slice %arg3[%mul3A_2, %dma_wait3A_67] : memref<1024x512xf32, #tpu.memory_space<hbm>> -> memref<32x512xf32, #tpu.memory_space<hbm>>
      tpu.wait_dma2 semaphore(%run_scoped3A : memref<!tpu.dma_semaphore, #tpu.memory_space<semaphore_mem>>) src(%dma_wait3A_68 : memref<32x512xf32, #tpu.memory_space<hbm>>) dst(%arg7 : memref<32x512xf32, #tpu.memory_space<vmem>>)
      tpu.yield
    }) : () -> ()
    %scan3A = arith.constant 0 : i32
    %scan3A_30 = arith.constant 16 : i32
    %scan3A_31 = arith.addi %scan3A, %scan3A_30 : i32
    %scan3A_32 = arith.constant 1 : i32
    scf.for %scan3A_61 = %scan3A to %scan3A_31 step %scan3A_32  : i32 {
      %mul3A_62 = arith.constant 1 : i32
      %mul3A_63 = arith.muli %scan3A_61, %mul3A_62 : i32
      %add3A_64 = arith.constant 0 : i32
      %add3A_65 = arith.addi %add3A_64, %mul3A_63 : i32
      %mul3A_66 = arith.constant 4 : i32
      %mul3A_67 = arith.muli %add3A_65, %mul3A_66 : i32
      %add3A_68 = arith.constant 0 : i32
      %add3A_69 = arith.addi %mul3A_67, %add3A_68 : i32
      %dma_wait3A_70 = arith.constant 0 : i32
      %dma_wait3A_71 = arith.constant 0 : i32
      %dma_wait3A_72 = tpu.memref_slice %arg6[%dma_wait3A_70, %dma_wait3A_71] : memref<64x32xi32, #tpu.memory_space<vmem>> -> memref<1x32xi32, #tpu.memory_space<vmem>>
      %dma_wait3A_73 = tpu.memref_squeeze %dma_wait3A_72 : memref<1x32xi32, #tpu.memory_space<vmem>> -> memref<32xi32, #tpu.memory_space<vmem>>
      %dma_wait3A_74 = arith.constant 0 : i32
      %dma_wait3A_75 = arith.constant 0 : i32
      %dma_wait3A_76 = tpu.memref_slice %arg4[%dma_wait3A_74, %dma_wait3A_75] : memref<151667x512xf32, #tpu.memory_space<hbm>> -> memref<151667x512xf32, #tpu.memory_space<hbm>>
      tpu.wait_indirect_dma semaphore(%arg12 : memref<!tpu.dma_semaphore, #tpu.memory_space<semaphore_mem>>) src(%dma_wait3A_76 : memref<151667x512xf32, #tpu.memory_space<hbm>>) dst(%arg8 : memref<32x512xf32, #tpu.memory_space<vmem>>)
      %scan3A_77 = arith.constant 0 : i32
      %scan3A_78 = arith.constant 32 : i32
      %scan3A_79 = arith.addi %scan3A_77, %scan3A_78 : i32
      %scan3A_80 = arith.constant 1 : i32
      scf.for %scan3A_189 = %scan3A_77 to %scan3A_79 step %scan3A_80  : i32 {
        %get3A = arith.index_cast %scan3A_189 : i32 to index
        %get3A_190 = arith.constant 0 : index
        %get3A_191 = tpu.vector_load %arg8[%get3A, %get3A_190] {strides = array<i32>} : memref<32x512xf32, #tpu.memory_space<vmem>>, vector<1x16xf32>,
        %get3A_192 = vector.shape_cast %get3A_191 : vector<1x16xf32> to vector<16xf32>
        %mul3A_193 = arith.constant 22.6274166 : f32
        %mul3A_194 = vector.broadcast %mul3A_193 : f32 to vector<16xf32>
        %mul3A_195 = arith.mulf %get3A_192, %mul3A_194 : vector<16xf32>
        %get3A_196 = arith.index_cast %scan3A_189 : i32 to index
        %get3A_197 = arith.constant 0 : index
        %get3A_198 = tpu.vector_load %arg7[%get3A_196, %get3A_197] {strides = array<i32>} : memref<32x512xf32, #tpu.memory_space<vmem>>, vector<1x16xf32>,
        %get3A_199 = vector.shape_cast %get3A_198 : vector<1x16xf32> to vector<16xf32>
        %add3A_200 = arith.addf %mul3A_195, %get3A_199 : vector<16xf32>
        %swap3A = arith.index_cast %scan3A_189 : i32 to index
        %swap3A_201 = arith.constant 0 : index
        %swap3A_202 = tpu.vector_load %arg8[%swap3A, %swap3A_201] {strides = array<i32>} : memref<32x512xf32, #tpu.memory_space<vmem>>, vector<1x16xf32>,
        %swap3A_203 = vector.shape_cast %swap3A_202 : vector<1x16xf32> to vector<16xf32>
        %swap3A_204 = vector.shape_cast %add3A_200 : vector<16xf32> to vector<1x16xf32>
        tpu.vector_store %arg8[%swap3A, %swap3A_201], %swap3A_204 {strides = array<i32>} : memref<32x512xf32, #tpu.memory_space<vmem>>, vector<1x16xf32>,
        %get3A_205 = arith.index_cast %scan3A_189 : i32 to index
        %get3A_206 = arith.constant 16 : index
        %get3A_207 = tpu.vector_load %arg8[%get3A_205, %get3A_206] {strides = array<i32>} : memref<32x512xf32, #tpu.memory_space<vmem>>, vector<1x16xf32>,
        %get3A_208 = vector.shape_cast %get3A_207 : vector<1x16xf32> to vector<16xf32>
        %mul3A_209 = arith.constant 22.6274166 : f32
        %mul3A_210 = vector.broadcast %mul3A_209 : f32 to vector<16xf32>
        %mul3A_211 = arith.mulf %get3A_208, %mul3A_210 : vector<16xf32>
        %get3A_212 = arith.index_cast %scan3A_189 : i32 to index
        %get3A_213 = arith.constant 16 : index
        %get3A_214 = tpu.vector_load %arg7[%get3A_212, %get3A_213] {strides = array<i32>} : memref<32x512xf32, #tpu.memory_space<vmem>>, vector<1x16xf32>,
        %get3A_215 = vector.shape_cast %get3A_214 : vector<1x16xf32> to vector<16xf32>
        %add3A_216 = arith.addf %mul3A_211, %get3A_215 : vector<16xf32>
        %swap3A_217 = arith.index_cast %scan3A_189 : i32 to index
        %swap3A_218 = arith.constant 16 : index
        %swap3A_219 = tpu.vector_load %arg8[%swap3A_217, %swap3A_218] {strides = array<i32>} : memref<32x512xf32, #tpu.memory_space<vmem>>, vector<1x16xf32>,
        %swap3A_220 = vector.shape_cast %swap3A_219 : vector<1x16xf32> to vector<16xf32>
        %swap3A_221 = vector.shape_cast %add3A_216 : vector<16xf32> to vector<1x16xf32>
        tpu.vector_store %arg8[%swap3A_217, %swap3A_218], %swap3A_221 {strides = array<i32>} : memref<32x512xf32, #tpu.memory_space<vmem>>, vector<1x16xf32>,
        %get3A_222 = arith.index_cast %scan3A_189 : i32 to index
        %get3A_223 = arith.constant 32 : index
        %get3A_224 = tpu.vector_load %arg8[%get3A_222, %get3A_223] {strides = array<i32>} : memref<32x512xf32, #tpu.memory_space<vmem>>, vector<1x16xf32>,
        %get3A_225 = vector.shape_cast %get3A_224 : vector<1x16xf32> to vector<16xf32>
        %mul3A_226 = arith.constant 22.6274166 : f32
        %mul3A_227 = vector.broadcast %mul3A_226 : f32 to vector<16xf32>
        %mul3A_228 = arith.mulf %get3A_225, %mul3A_227 : vector<16xf32>
        %get3A_229 = arith.index_cast %scan3A_189 : i32 to index
        %get3A_230 = arith.constant 32 : index
        %get3A_231 = tpu.vector_load %arg7[%get3A_229, %get3A_230] {strides = array<i32>} : memref<32x512xf32, #tpu.memory_space<vmem>>, vector<1x16xf32>,
        %get3A_232 = vector.shape_cast %get3A_231 : vector<1x16xf32> to vector<16xf32>
        %add3A_233 = arith.addf %mul3A_228, %get3A_232 : vector<16xf32>
        %swap3A_234 = arith.index_cast %scan3A_189 : i32 to index
        %swap3A_235 = arith.constant 32 : index
        %swap3A_236 = tpu.vector_load %arg8[%swap3A_234, %swap3A_235] {strides = array<i32>} : memref<32x512xf32, #tpu.memory_space<vmem>>, vector<1x16xf32>,
        %swap3A_237 = vector.shape_cast %swap3A_236 : vector<1x16xf32> to vector<16xf32>
        %swap3A_238 = vector.shape_cast %add3A_233 : vector<16xf32> to vector<1x16xf32>
        tpu.vector_store %arg8[%swap3A_234, %swap3A_235], %swap3A_238 {strides = array<i32>} : memref<32x512xf32, #tpu.memory_space<vmem>>, vector<1x16xf32>,
        %get3A_239 = arith.index_cast %scan3A_189 : i32 to index
        %get3A_240 = arith.constant 48 : index
        %get3A_241 = tpu.vector_load %arg8[%get3A_239, %get3A_240] {strides = array<i32>} : memref<32x512xf32, #tpu.memory_space<vmem>>, vector<1x16xf32>,
        %get3A_242 = vector.shape_cast %get3A_241 : vector<1x16xf32> to vector<16xf32>
        %mul3A_243 = arith.constant 22.6274166 : f32
        %mul3A_244 = vector.broadcast %mul3A_243 : f32 to vector<16xf32>
        %mul3A_245 = arith.mulf %get3A_242, %mul3A_244 : vector<16xf32>
        %get3A_246 = arith.index_cast %scan3A_189 : i32 to index
        %get3A_247 = arith.constant 48 : index
        %get3A_248 = tpu.vector_load %arg7[%get3A_246, %get3A_247] {strides = array<i32>} : memref<32x512xf32, #tpu.memory_space<vmem>>, vector<1x16xf32>,
        %get3A_249 = vector.shape_cast %get3A_248 : vector<1x16xf32> to vector<16xf32>
        %add3A_250 = arith.addf %mul3A_245, %get3A_249 : vector<16xf32>
        %swap3A_251 = arith.index_cast %scan3A_189 : i32 to index
        %swap3A_252 = arith.constant 48 : index
        %swap3A_253 = tpu.vector_load %arg8[%swap3A_251, %swap3A_252] {strides = array<i32>} : memref<32x512xf32, #tpu.memory_space<vmem>>, vector<1x16xf32>,
        %swap3A_254 = vector.shape_cast %swap3A_253 : vector<1x16xf32> to vector<16xf32>
        %swap3A_255 = vector.shape_cast %add3A_250 : vector<16xf32> to vector<1x16xf32>
        tpu.vector_store %arg8[%swap3A_251, %swap3A_252], %swap3A_255 {strides = array<i32>} : memref<32x512xf32, #tpu.memory_space<vmem>>, vector<1x16xf32>,
        %get3A_256 = arith.index_cast %scan3A_189 : i32 to index
        %get3A_257 = arith.constant 64 : index
        %get3A_258 = tpu.vector_load %arg8[%get3A_256, %get3A_257] {strides = array<i32>} : memref<32x512xf32, #tpu.memory_space<vmem>>, vector<1x16xf32>,
        %get3A_259 = vector.shape_cast %get3A_258 : vector<1x16xf32> to vector<16xf32>
        %mul3A_260 = arith.constant 22.6274166 : f32
        %mul3A_261 = vector.broadcast %mul3A_260 : f32 to vector<16xf32>
        %mul3A_262 = arith.mulf %get3A_259, %mul3A_261 : vector<16xf32>
        %get3A_263 = arith.index_cast %scan3A_189 : i32 to index
        %get3A_264 = arith.constant 64 : index
        %get3A_265 = tpu.vector_load %arg7[%get3A_263, %get3A_264] {strides = array<i32>} : memref<32x512xf32, #tpu.memory_space<vmem>>, vector<1x16xf32>,
        %get3A_266 = vector.shape_cast %get3A_265 : vector<1x16xf32> to vector<16xf32>
        %add3A_267 = arith.addf %mul3A_262, %get3A_266 : vector<16xf32>
        %swap3A_268 = arith.index_cast %scan3A_189 : i32 to index
        %swap3A_269 = arith.constant 64 : index
        %swap3A_270 = tpu.vector_load %arg8[%swap3A_268, %swap3A_269] {strides = array<i32>} : memref<32x512xf32, #tpu.memory_space<vmem>>, vector<1x16xf32>,
        %swap3A_271 = vector.shape_cast %swap3A_270 : vector<1x16xf32> to vector<16xf32>
        %swap3A_272 = vector.shape_cast %add3A_267 : vector<16xf32> to vector<1x16xf32>
        tpu.vector_store %arg8[%swap3A_268, %swap3A_269], %swap3A_272 {strides = array<i32>} : memref<32x512xf32, #tpu.memory_space<vmem>>, vector<1x16xf32>,
        %get3A_273 = arith.index_cast %scan3A_189 : i32 to index
        %get3A_274 = arith.constant 80 : index
        %get3A_275 = tpu.vector_load %arg8[%get3A_273, %get3A_274] {strides = array<i32>} : memref<32x512xf32, #tpu.memory_space<vmem>>, vector<1x16xf32>,
        %get3A_276 = vector.shape_cast %get3A_275 : vector<1x16xf32> to vector<16xf32>
        %mul3A_277 = arith.constant 22.6274166 : f32
        %mul3A_278 = vector.broadcast %mul3A_277 : f32 to vector<16xf32>
        %mul3A_279 = arith.mulf %get3A_276, %mul3A_278 : vector<16xf32>
        %get3A_280 = arith.index_cast %scan3A_189 : i32 to index
        %get3A_281 = arith.constant 80 : index
        %get3A_282 = tpu.vector_load %arg7[%get3A_280, %get3A_281] {strides = array<i32>} : memref<32x512xf32, #tpu.memory_space<vmem>>, vector<1x16xf32>,
        %get3A_283 = vector.shape_cast %get3A_282 : vector<1x16xf32> to vector<16xf32>
        %add3A_284 = arith.addf %mul3A_279, %get3A_283 : vector<16xf32>
        %swap3A_285 = arith.index_cast %scan3A_189 : i32 to index
        %swap3A_286 = arith.constant 80 : index
        %swap3A_287 = tpu.vector_load %arg8[%swap3A_285, %swap3A_286] {strides = array<i32>} : memref<32x512xf32, #tpu.memory_space<vmem>>, vector<1x16xf32>,
        %swap3A_288 = vector.shape_cast %swap3A_287 : vector<1x16xf32> to vector<16xf32>
        %swap3A_289 = vector.shape_cast %add3A_284 : vector<16xf32> to vector<1x16xf32>
        tpu.vector_store %arg8[%swap3A_285, %swap3A_286], %swap3A_289 {strides = array<i32>} : memref<32x512xf32, #tpu.memory_space<vmem>>, vector<1x16xf32>,
        %get3A_290 = arith.index_cast %scan3A_189 : i32 to index
        %get3A_291 = arith.constant 96 : index
        %get3A_292 = tpu.vector_load %arg8[%get3A_290, %get3A_291] {strides = array<i32>} : memref<32x512xf32, #tpu.memory_space<vmem>>, vector<1x16xf32>,
        %get3A_293 = vector.shape_cast %get3A_292 : vector<1x16xf32> to vector<16xf32>
        %mul3A_294 = arith.constant 22.6274166 : f32
        %mul3A_295 = vector.broadcast %mul3A_294 : f32 to vector<16xf32>
        %mul3A_296 = arith.mulf %get3A_293, %mul3A_295 : vector<16xf32>
        %get3A_297 = arith.index_cast %scan3A_189 : i32 to index
        %get3A_298 = arith.constant 96 : index
        %get3A_299 = tpu.vector_load %arg7[%get3A_297, %get3A_298] {strides = array<i32>} : memref<32x512xf32, #tpu.memory_space<vmem>>, vector<1x16xf32>,
        %get3A_300 = vector.shape_cast %get3A_299 : vector<1x16xf32> to vector<16xf32>
        %add3A_301 = arith.addf %mul3A_296, %get3A_300 : vector<16xf32>
        %swap3A_302 = arith.index_cast %scan3A_189 : i32 to index
        %swap3A_303 = arith.constant 96 : index
        %swap3A_304 = tpu.vector_load %arg8[%swap3A_302, %swap3A_303] {strides = array<i32>} : memref<32x512xf32, #tpu.memory_space<vmem>>, vector<1x16xf32>,
        %swap3A_305 = vector.shape_cast %swap3A_304 : vector<1x16xf32> to vector<16xf32>
        %swap3A_306 = vector.shape_cast %add3A_301 : vector<16xf32> to vector<1x16xf32>
        tpu.vector_store %arg8[%swap3A_302, %swap3A_303], %swap3A_306 {strides = array<i32>} : memref<32x512xf32, #tpu.memory_space<vmem>>, vector<1x16xf32>,
        %get3A_307 = arith.index_cast %scan3A_189 : i32 to index
        %get3A_308 = arith.constant 112 : index
        %get3A_309 = tpu.vector_load %arg8[%get3A_307, %get3A_308] {strides = array<i32>} : memref<32x512xf32, #tpu.memory_space<vmem>>, vector<1x16xf32>,
        %get3A_310 = vector.shape_cast %get3A_309 : vector<1x16xf32> to vector<16xf32>
        %mul3A_311 = arith.constant 22.6274166 : f32
        %mul3A_312 = vector.broadcast %mul3A_311 : f32 to vector<16xf32>
        %mul3A_313 = arith.mulf %get3A_310, %mul3A_312 : vector<16xf32>
        %get3A_314 = arith.index_cast %scan3A_189 : i32 to index
        %get3A_315 = arith.constant 112 : index
        %get3A_316 = tpu.vector_load %arg7[%get3A_314, %get3A_315] {strides = array<i32>} : memref<32x512xf32, #tpu.memory_space<vmem>>, vector<1x16xf32>,
        %get3A_317 = vector.shape_cast %get3A_316 : vector<1x16xf32> to vector<16xf32>
        %add3A_318 = arith.addf %mul3A_313, %get3A_317 : vector<16xf32>
        %swap3A_319 = arith.index_cast %scan3A_189 : i32 to index
        %swap3A_320 = arith.constant 112 : index
        %swap3A_321 = tpu.vector_load %arg8[%swap3A_319, %swap3A_320] {strides = array<i32>} : memref<32x512xf32, #tpu.memory_space<vmem>>, vector<1x16xf32>,
        %swap3A_322 = vector.shape_cast %swap3A_321 : vector<1x16xf32> to vector<16xf32>
        %swap3A_323 = vector.shape_cast %add3A_318 : vector<16xf32> to vector<1x16xf32>
        tpu.vector_store %arg8[%swap3A_319, %swap3A_320], %swap3A_323 {strides = array<i32>} : memref<32x512xf32, #tpu.memory_space<vmem>>, vector<1x16xf32>,
        %get3A_324 = arith.index_cast %scan3A_189 : i32 to index
        %get3A_325 = arith.constant 128 : index
        %get3A_326 = tpu.vector_load %arg8[%get3A_324, %get3A_325] {strides = array<i32>} : memref<32x512xf32, #tpu.memory_space<vmem>>, vector<1x16xf32>,
        %get3A_327 = vector.shape_cast %get3A_326 : vector<1x16xf32> to vector<16xf32>
        %mul3A_328 = arith.constant 22.6274166 : f32
        %mul3A_329 = vector.broadcast %mul3A_328 : f32 to vector<16xf32>
        %mul3A_330 = arith.mulf %get3A_327, %mul3A_329 : vector<16xf32>
        %get3A_331 = arith.index_cast %scan3A_189 : i32 to index
        %get3A_332 = arith.constant 128 : index
        %get3A_333 = tpu.vector_load %arg7[%get3A_331, %get3A_332] {strides = array<i32>} : memref<32x512xf32, #tpu.memory_space<vmem>>, vector<1x16xf32>,
        %get3A_334 = vector.shape_cast %get3A_333 : vector<1x16xf32> to vector<16xf32>
        %add3A_335 = arith.addf %mul3A_330, %get3A_334 : vector<16xf32>
        %swap3A_336 = arith.index_cast %scan3A_189 : i32 to index
        %swap3A_337 = arith.constant 128 : index
        %swap3A_338 = tpu.vector_load %arg8[%swap3A_336, %swap3A_337] {strides = array<i32>} : memref<32x512xf32, #tpu.memory_space<vmem>>, vector<1x16xf32>,
        %swap3A_339 = vector.shape_cast %swap3A_338 : vector<1x16xf32> to vector<16xf32>
        %swap3A_340 = vector.shape_cast %add3A_335 : vector<16xf32> to vector<1x16xf32>
        tpu.vector_store %arg8[%swap3A_336, %swap3A_337], %swap3A_340 {strides = array<i32>} : memref<32x512xf32, #tpu.memory_space<vmem>>, vector<1x16xf32>,
        %get3A_341 = arith.index_cast %scan3A_189 : i32 to index
        %get3A_342 = arith.constant 144 : index
        %get3A_343 = tpu.vector_load %arg8[%get3A_341, %get3A_342] {strides = array<i32>} : memref<32x512xf32, #tpu.memory_space<vmem>>, vector<1x16xf32>,
        %get3A_344 = vector.shape_cast %get3A_343 : vector<1x16xf32> to vector<16xf32>
        %mul3A_345 = arith.constant 22.6274166 : f32
        %mul3A_346 = vector.broadcast %mul3A_345 : f32 to vector<16xf32>
        %mul3A_347 = arith.mulf %get3A_344, %mul3A_346 : vector<16xf32>
        %get3A_348 = arith.index_cast %scan3A_189 : i32 to index
        %get3A_349 = arith.constant 144 : index
        %get3A_350 = tpu.vector_load %arg7[%get3A_348, %get3A_349] {strides = array<i32>} : memref<32x512xf32, #tpu.memory_space<vmem>>, vector<1x16xf32>,
        %get3A_351 = vector.shape_cast %get3A_350 : vector<1x16xf32> to vector<16xf32>
        %add3A_352 = arith.addf %mul3A_347, %get3A_351 : vector<16xf32>
        %swap3A_353 = arith.index_cast %scan3A_189 : i32 to index
        %swap3A_354 = arith.constant 144 : index
        %swap3A_355 = tpu.vector_load %arg8[%swap3A_353, %swap3A_354] {strides = array<i32>} : memref<32x512xf32, #tpu.memory_space<vmem>>, vector<1x16xf32>,
        %swap3A_356 = vector.shape_cast %swap3A_355 : vector<1x16xf32> to vector<16xf32>
        %swap3A_357 = vector.shape_cast %add3A_352 : vector<16xf32> to vector<1x16xf32>
        tpu.vector_store %arg8[%swap3A_353, %swap3A_354], %swap3A_357 {strides = array<i32>} : memref<32x512xf32, #tpu.memory_space<vmem>>, vector<1x16xf32>,
        %get3A_358 = arith.index_cast %scan3A_189 : i32 to index
        %get3A_359 = arith.constant 160 : index
        %get3A_360 = tpu.vector_load %arg8[%get3A_358, %get3A_359] {strides = array<i32>} : memref<32x512xf32, #tpu.memory_space<vmem>>, vector<1x16xf32>,
        %get3A_361 = vector.shape_cast %get3A_360 : vector<1x16xf32> to vector<16xf32>
        %mul3A_362 = arith.constant 22.6274166 : f32
        %mul3A_363 = vector.broadcast %mul3A_362 : f32 to vector<16xf32>
        %mul3A_364 = arith.mulf %get3A_361, %mul3A_363 : vector<16xf32>
        %get3A_365 = arith.index_cast %scan3A_189 : i32 to index
        %get3A_366 = arith.constant 160 : index
        %get3A_367 = tpu.vector_load %arg7[%get3A_365, %get3A_366] {strides = array<i32>} : memref<32x512xf32, #tpu.memory_space<vmem>>, vector<1x16xf32>,
        %get3A_368 = vector.shape_cast %get3A_367 : vector<1x16xf32> to vector<16xf32>
        %add3A_369 = arith.addf %mul3A_364, %get3A_368 : vector<16xf32>
        %swap3A_370 = arith.index_cast %scan3A_189 : i32 to index
        %swap3A_371 = arith.constant 160 : index
        %swap3A_372 = tpu.vector_load %arg8[%swap3A_370, %swap3A_371] {strides = array<i32>} : memref<32x512xf32, #tpu.memory_space<vmem>>, vector<1x16xf32>,
        %swap3A_373 = vector.shape_cast %swap3A_372 : vector<1x16xf32> to vector<16xf32>
        %swap3A_374 = vector.shape_cast %add3A_369 : vector<16xf32> to vector<1x16xf32>
        tpu.vector_store %arg8[%swap3A_370, %swap3A_371], %swap3A_374 {strides = array<i32>} : memref<32x512xf32, #tpu.memory_space<vmem>>, vector<1x16xf32>,
        %get3A_375 = arith.index_cast %scan3A_189 : i32 to index
        %get3A_376 = arith.constant 176 : index
        %get3A_377 = tpu.vector_load %arg8[%get3A_375, %get3A_376] {strides = array<i32>} : memref<32x512xf32, #tpu.memory_space<vmem>>, vector<1x16xf32>,
        %get3A_378 = vector.shape_cast %get3A_377 : vector<1x16xf32> to vector<16xf32>
        %mul3A_379 = arith.constant 22.6274166 : f32
        %mul3A_380 = vector.broadcast %mul3A_379 : f32 to vector<16xf32>
        %mul3A_381 = arith.mulf %get3A_378, %mul3A_380 : vector<16xf32>
        %get3A_382 = arith.index_cast %scan3A_189 : i32 to index
        %get3A_383 = arith.constant 176 : index
        %get3A_384 = tpu.vector_load %arg7[%get3A_382, %get3A_383] {strides = array<i32>} : memref<32x512xf32, #tpu.memory_space<vmem>>, vector<1x16xf32>,
        %get3A_385 = vector.shape_cast %get3A_384 : vector<1x16xf32> to vector<16xf32>
        %add3A_386 = arith.addf %mul3A_381, %get3A_385 : vector<16xf32>
        %swap3A_387 = arith.index_cast %scan3A_189 : i32 to index
        %swap3A_388 = arith.constant 176 : index
        %swap3A_389 = tpu.vector_load %arg8[%swap3A_387, %swap3A_388] {strides = array<i32>} : memref<32x512xf32, #tpu.memory_space<vmem>>, vector<1x16xf32>,
        %swap3A_390 = vector.shape_cast %swap3A_389 : vector<1x16xf32> to vector<16xf32>
        %swap3A_391 = vector.shape_cast %add3A_386 : vector<16xf32> to vector<1x16xf32>
        tpu.vector_store %arg8[%swap3A_387, %swap3A_388], %swap3A_391 {strides = array<i32>} : memref<32x512xf32, #tpu.memory_space<vmem>>, vector<1x16xf32>,
        %get3A_392 = arith.index_cast %scan3A_189 : i32 to index
        %get3A_393 = arith.constant 192 : index
        %get3A_394 = tpu.vector_load %arg8[%get3A_392, %get3A_393] {strides = array<i32>} : memref<32x512xf32, #tpu.memory_space<vmem>>, vector<1x16xf32>,
        %get3A_395 = vector.shape_cast %get3A_394 : vector<1x16xf32> to vector<16xf32>
        %mul3A_396 = arith.constant 22.6274166 : f32
        %mul3A_397 = vector.broadcast %mul3A_396 : f32 to vector<16xf32>
        %mul3A_398 = arith.mulf %get3A_395, %mul3A_397 : vector<16xf32>
        %get3A_399 = arith.index_cast %scan3A_189 : i32 to index
        %get3A_400 = arith.constant 192 : index
        %get3A_401 = tpu.vector_load %arg7[%get3A_399, %get3A_400] {strides = array<i32>} : memref<32x512xf32, #tpu.memory_space<vmem>>, vector<1x16xf32>,
        %get3A_402 = vector.shape_cast %get3A_401 : vector<1x16xf32> to vector<16xf32>
        %add3A_403 = arith.addf %mul3A_398, %get3A_402 : vector<16xf32>
        %swap3A_404 = arith.index_cast %scan3A_189 : i32 to index
        %swap3A_405 = arith.constant 192 : index
        %swap3A_406 = tpu.vector_load %arg8[%swap3A_404, %swap3A_405] {strides = array<i32>} : memref<32x512xf32, #tpu.memory_space<vmem>>, vector<1x16xf32>,
        %swap3A_407 = vector.shape_cast %swap3A_406 : vector<1x16xf32> to vector<16xf32>
        %swap3A_408 = vector.shape_cast %add3A_403 : vector<16xf32> to vector<1x16xf32>
        tpu.vector_store %arg8[%swap3A_404, %swap3A_405], %swap3A_408 {strides = array<i32>} : memref<32x512xf32, #tpu.memory_space<vmem>>, vector<1x16xf32>,
        %get3A_409 = arith.index_cast %scan3A_189 : i32 to index
        %get3A_410 = arith.constant 208 : index
        %get3A_411 = tpu.vector_load %arg8[%get3A_409, %get3A_410] {strides = array<i32>} : memref<32x512xf32, #tpu.memory_space<vmem>>, vector<1x16xf32>,
        %get3A_412 = vector.shape_cast %get3A_411 : vector<1x16xf32> to vector<16xf32>
        %mul3A_413 = arith.constant 22.6274166 : f32
        %mul3A_414 = vector.broadcast %mul3A_413 : f32 to vector<16xf32>
        %mul3A_415 = arith.mulf %get3A_412, %mul3A_414 : vector<16xf32>
        %get3A_416 = arith.index_cast %scan3A_189 : i32 to index
        %get3A_417 = arith.constant 208 : index
        %get3A_418 = tpu.vector_load %arg7[%get3A_416, %get3A_417] {strides = array<i32>} : memref<32x512xf32, #tpu.memory_space<vmem>>, vector<1x16xf32>,
        %get3A_419 = vector.shape_cast %get3A_418 : vector<1x16xf32> to vector<16xf32>
        %add3A_420 = arith.addf %mul3A_415, %get3A_419 : vector<16xf32>
        %swap3A_421 = arith.index_cast %scan3A_189 : i32 to index
        %swap3A_422 = arith.constant 208 : index
        %swap3A_423 = tpu.vector_load %arg8[%swap3A_421, %swap3A_422] {strides = array<i32>} : memref<32x512xf32, #tpu.memory_space<vmem>>, vector<1x16xf32>,
        %swap3A_424 = vector.shape_cast %swap3A_423 : vector<1x16xf32> to vector<16xf32>
        %swap3A_425 = vector.shape_cast %add3A_420 : vector<16xf32> to vector<1x16xf32>
        tpu.vector_store %arg8[%swap3A_421, %swap3A_422], %swap3A_425 {strides = array<i32>} : memref<32x512xf32, #tpu.memory_space<vmem>>, vector<1x16xf32>,
        %get3A_426 = arith.index_cast %scan3A_189 : i32 to index
        %get3A_427 = arith.constant 224 : index
        %get3A_428 = tpu.vector_load %arg8[%get3A_426, %get3A_427] {strides = array<i32>} : memref<32x512xf32, #tpu.memory_space<vmem>>, vector<1x16xf32>,
        %get3A_429 = vector.shape_cast %get3A_428 : vector<1x16xf32> to vector<16xf32>
        %mul3A_430 = arith.constant 22.6274166 : f32
        %mul3A_431 = vector.broadcast %mul3A_430 : f32 to vector<16xf32>
        %mul3A_432 = arith.mulf %get3A_429, %mul3A_431 : vector<16xf32>
        %get3A_433 = arith.index_cast %scan3A_189 : i32 to index
        %get3A_434 = arith.constant 224 : index
        %get3A_435 = tpu.vector_load %arg7[%get3A_433, %get3A_434] {strides = array<i32>} : memref<32x512xf32, #tpu.memory_space<vmem>>, vector<1x16xf32>,
        %get3A_436 = vector.shape_cast %get3A_435 : vector<1x16xf32> to vector<16xf32>
        %add3A_437 = arith.addf %mul3A_432, %get3A_436 : vector<16xf32>
        %swap3A_438 = arith.index_cast %scan3A_189 : i32 to index
        %swap3A_439 = arith.constant 224 : index
        %swap3A_440 = tpu.vector_load %arg8[%swap3A_438, %swap3A_439] {strides = array<i32>} : memref<32x512xf32, #tpu.memory_space<vmem>>, vector<1x16xf32>,
        %swap3A_441 = vector.shape_cast %swap3A_440 : vector<1x16xf32> to vector<16xf32>
        %swap3A_442 = vector.shape_cast %add3A_437 : vector<16xf32> to vector<1x16xf32>
        tpu.vector_store %arg8[%swap3A_438, %swap3A_439], %swap3A_442 {strides = array<i32>} : memref<32x512xf32, #tpu.memory_space<vmem>>, vector<1x16xf32>,
        %get3A_443 = arith.index_cast %scan3A_189 : i32 to index
        %get3A_444 = arith.constant 240 : index
        %get3A_445 = tpu.vector_load %arg8[%get3A_443, %get3A_444] {strides = array<i32>} : memref<32x512xf32, #tpu.memory_space<vmem>>, vector<1x16xf32>,
        %get3A_446 = vector.shape_cast %get3A_445 : vector<1x16xf32> to vector<16xf32>
        %mul3A_447 = arith.constant 22.6274166 : f32
        %mul3A_448 = vector.broadcast %mul3A_447 : f32 to vector<16xf32>
        %mul3A_449 = arith.mulf %get3A_446, %mul3A_448 : vector<16xf32>
        %get3A_450 = arith.index_cast %scan3A_189 : i32 to index
        %get3A_451 = arith.constant 240 : index
        %get3A_452 = tpu.vector_load %arg7[%get3A_450, %get3A_451] {strides = array<i32>} : memref<32x512xf32, #tpu.memory_space<vmem>>, vector<1x16xf32>,
        %get3A_453 = vector.shape_cast %get3A_452 : vector<1x16xf32> to vector<16xf32>
        %add3A_454 = arith.addf %mul3A_449, %get3A_453 : vector<16xf32>
        %swap3A_455 = arith.index_cast %scan3A_189 : i32 to index
        %swap3A_456 = arith.constant 240 : index
        %swap3A_457 = tpu.vector_load %arg8[%swap3A_455, %swap3A_456] {strides = array<i32>} : memref<32x512xf32, #tpu.memory_space<vmem>>, vector<1x16xf32>,
        %swap3A_458 = vector.shape_cast %swap3A_457 : vector<1x16xf32> to vector<16xf32>
        %swap3A_459 = vector.shape_cast %add3A_454 : vector<16xf32> to vector<1x16xf32>
        tpu.vector_store %arg8[%swap3A_455, %swap3A_456], %swap3A_459 {strides = array<i32>} : memref<32x512xf32, #tpu.memory_space<vmem>>, vector<1x16xf32>,
        %get3A_460 = arith.index_cast %scan3A_189 : i32 to index
        %get3A_461 = arith.constant 256 : index
        %get3A_462 = tpu.vector_load %arg8[%get3A_460, %get3A_461] {strides = array<i32>} : memref<32x512xf32, #tpu.memory_space<vmem>>, vector<1x16xf32>,
        %get3A_463 = vector.shape_cast %get3A_462 : vector<1x16xf32> to vector<16xf32>
        %mul3A_464 = arith.constant 22.6274166 : f32
        %mul3A_465 = vector.broadcast %mul3A_464 : f32 to vector<16xf32>
        %mul3A_466 = arith.mulf %get3A_463, %mul3A_465 : vector<16xf32>
        %get3A_467 = arith.index_cast %scan3A_189 : i32 to index
        %get3A_468 = arith.constant 256 : index
        %get3A_469 = tpu.vector_load %arg7[%get3A_467, %get3A_468] {strides = array<i32>} : memref<32x512xf32, #tpu.memory_space<vmem>>, vector<1x16xf32>,
        %get3A_470 = vector.shape_cast %get3A_469 : vector<1x16xf32> to vector<16xf32>
        %add3A_471 = arith.addf %mul3A_466, %get3A_470 : vector<16xf32>
        %swap3A_472 = arith.index_cast %scan3A_189 : i32 to index
        %swap3A_473 = arith.constant 256 : index
        %swap3A_474 = tpu.vector_load %arg8[%swap3A_472, %swap3A_473] {strides = array<i32>} : memref<32x512xf32, #tpu.memory_space<vmem>>, vector<1x16xf32>,
        %swap3A_475 = vector.shape_cast %swap3A_474 : vector<1x16xf32> to vector<16xf32>
        %swap3A_476 = vector.shape_cast %add3A_471 : vector<16xf32> to vector<1x16xf32>
        tpu.vector_store %arg8[%swap3A_472, %swap3A_473], %swap3A_476 {strides = array<i32>} : memref<32x512xf32, #tpu.memory_space<vmem>>, vector<1x16xf32>,
        %get3A_477 = arith.index_cast %scan3A_189 : i32 to index
        %get3A_478 = arith.constant 272 : index
        %get3A_479 = tpu.vector_load %arg8[%get3A_477, %get3A_478] {strides = array<i32>} : memref<32x512xf32, #tpu.memory_space<vmem>>, vector<1x16xf32>,
        %get3A_480 = vector.shape_cast %get3A_479 : vector<1x16xf32> to vector<16xf32>
        %mul3A_481 = arith.constant 22.6274166 : f32
        %mul3A_482 = vector.broadcast %mul3A_481 : f32 to vector<16xf32>
        %mul3A_483 = arith.mulf %get3A_480, %mul3A_482 : vector<16xf32>
        %get3A_484 = arith.index_cast %scan3A_189 : i32 to index
        %get3A_485 = arith.constant 272 : index
        %get3A_486 = tpu.vector_load %arg7[%get3A_484, %get3A_485] {strides = array<i32>} : memref<32x512xf32, #tpu.memory_space<vmem>>, vector<1x16xf32>,
        %get3A_487 = vector.shape_cast %get3A_486 : vector<1x16xf32> to vector<16xf32>
        %add3A_488 = arith.addf %mul3A_483, %get3A_487 : vector<16xf32>
        %swap3A_489 = arith.index_cast %scan3A_189 : i32 to index
        %swap3A_490 = arith.constant 272 : index
        %swap3A_491 = tpu.vector_load %arg8[%swap3A_489, %swap3A_490] {strides = array<i32>} : memref<32x512xf32, #tpu.memory_space<vmem>>, vector<1x16xf32>,
        %swap3A_492 = vector.shape_cast %swap3A_491 : vector<1x16xf32> to vector<16xf32>
        %swap3A_493 = vector.shape_cast %add3A_488 : vector<16xf32> to vector<1x16xf32>
        tpu.vector_store %arg8[%swap3A_489, %swap3A_490], %swap3A_493 {strides = array<i32>} : memref<32x512xf32, #tpu.memory_space<vmem>>, vector<1x16xf32>,
        %get3A_494 = arith.index_cast %scan3A_189 : i32 to index
        %get3A_495 = arith.constant 288 : index
        %get3A_496 = tpu.vector_load %arg8[%get3A_494, %get3A_495] {strides = array<i32>} : memref<32x512xf32, #tpu.memory_space<vmem>>, vector<1x16xf32>,
        %get3A_497 = vector.shape_cast %get3A_496 : vector<1x16xf32> to vector<16xf32>
        %mul3A_498 = arith.constant 22.6274166 : f32
        %mul3A_499 = vector.broadcast %mul3A_498 : f32 to vector<16xf32>
        %mul3A_500 = arith.mulf %get3A_497, %mul3A_499 : vector<16xf32>
        %get3A_501 = arith.index_cast %scan3A_189 : i32 to index
        %get3A_502 = arith.constant 288 : index
        %get3A_503 = tpu.vector_load %arg7[%get3A_501, %get3A_502] {strides = array<i32>} : memref<32x512xf32, #tpu.memory_space<vmem>>, vector<1x16xf32>,
        %get3A_504 = vector.shape_cast %get3A_503 : vector<1x16xf32> to vector<16xf32>
        %add3A_505 = arith.addf %mul3A_500, %get3A_504 : vector<16xf32>
        %swap3A_506 = arith.index_cast %scan3A_189 : i32 to index
        %swap3A_507 = arith.constant 288 : index
        %swap3A_508 = tpu.vector_load %arg8[%swap3A_506, %swap3A_507] {strides = array<i32>} : memref<32x512xf32, #tpu.memory_space<vmem>>, vector<1x16xf32>,
        %swap3A_509 = vector.shape_cast %swap3A_508 : vector<1x16xf32> to vector<16xf32>
        %swap3A_510 = vector.shape_cast %add3A_505 : vector<16xf32> to vector<1x16xf32>
        tpu.vector_store %arg8[%swap3A_506, %swap3A_507], %swap3A_510 {strides = array<i32>} : memref<32x512xf32, #tpu.memory_space<vmem>>, vector<1x16xf32>,
        %get3A_511 = arith.index_cast %scan3A_189 : i32 to index
        %get3A_512 = arith.constant 304 : index
        %get3A_513 = tpu.vector_load %arg8[%get3A_511, %get3A_512] {strides = array<i32>} : memref<32x512xf32, #tpu.memory_space<vmem>>, vector<1x16xf32>,
        %get3A_514 = vector.shape_cast %get3A_513 : vector<1x16xf32> to vector<16xf32>
        %mul3A_515 = arith.constant 22.6274166 : f32
        %mul3A_516 = vector.broadcast %mul3A_515 : f32 to vector<16xf32>
        %mul3A_517 = arith.mulf %get3A_514, %mul3A_516 : vector<16xf32>
        %get3A_518 = arith.index_cast %scan3A_189 : i32 to index
        %get3A_519 = arith.constant 304 : index
        %get3A_520 = tpu.vector_load %arg7[%get3A_518, %get3A_519] {strides = array<i32>} : memref<32x512xf32, #tpu.memory_space<vmem>>, vector<1x16xf32>,
        %get3A_521 = vector.shape_cast %get3A_520 : vector<1x16xf32> to vector<16xf32>
        %add3A_522 = arith.addf %mul3A_517, %get3A_521 : vector<16xf32>
        %swap3A_523 = arith.index_cast %scan3A_189 : i32 to index
        %swap3A_524 = arith.constant 304 : index
        %swap3A_525 = tpu.vector_load %arg8[%swap3A_523, %swap3A_524] {strides = array<i32>} : memref<32x512xf32, #tpu.memory_space<vmem>>, vector<1x16xf32>,
        %swap3A_526 = vector.shape_cast %swap3A_525 : vector<1x16xf32> to vector<16xf32>
        %swap3A_527 = vector.shape_cast %add3A_522 : vector<16xf32> to vector<1x16xf32>
        tpu.vector_store %arg8[%swap3A_523, %swap3A_524], %swap3A_527 {strides = array<i32>} : memref<32x512xf32, #tpu.memory_space<vmem>>, vector<1x16xf32>,
        %get3A_528 = arith.index_cast %scan3A_189 : i32 to index
        %get3A_529 = arith.constant 320 : index
        %get3A_530 = tpu.vector_load %arg8[%get3A_528, %get3A_529] {strides = array<i32>} : memref<32x512xf32, #tpu.memory_space<vmem>>, vector<1x16xf32>,
        %get3A_531 = vector.shape_cast %get3A_530 : vector<1x16xf32> to vector<16xf32>
        %mul3A_532 = arith.constant 22.6274166 : f32
        %mul3A_533 = vector.broadcast %mul3A_532 : f32 to vector<16xf32>
        %mul3A_534 = arith.mulf %get3A_531, %mul3A_533 : vector<16xf32>
        %get3A_535 = arith.index_cast %scan3A_189 : i32 to index
        %get3A_536 = arith.constant 320 : index
        %get3A_537 = tpu.vector_load %arg7[%get3A_535, %get3A_536] {strides = array<i32>} : memref<32x512xf32, #tpu.memory_space<vmem>>, vector<1x16xf32>,
        %get3A_538 = vector.shape_cast %get3A_537 : vector<1x16xf32> to vector<16xf32>
        %add3A_539 = arith.addf %mul3A_534, %get3A_538 : vector<16xf32>
        %swap3A_540 = arith.index_cast %scan3A_189 : i32 to index
        %swap3A_541 = arith.constant 320 : index
        %swap3A_542 = tpu.vector_load %arg8[%swap3A_540, %swap3A_541] {strides = array<i32>} : memref<32x512xf32, #tpu.memory_space<vmem>>, vector<1x16xf32>,
        %swap3A_543 = vector.shape_cast %swap3A_542 : vector<1x16xf32> to vector<16xf32>
        %swap3A_544 = vector.shape_cast %add3A_539 : vector<16xf32> to vector<1x16xf32>
        tpu.vector_store %arg8[%swap3A_540, %swap3A_541], %swap3A_544 {strides = array<i32>} : memref<32x512xf32, #tpu.memory_space<vmem>>, vector<1x16xf32>,
        %get3A_545 = arith.index_cast %scan3A_189 : i32 to index
        %get3A_546 = arith.constant 336 : index
        %get3A_547 = tpu.vector_load %arg8[%get3A_545, %get3A_546] {strides = array<i32>} : memref<32x512xf32, #tpu.memory_space<vmem>>, vector<1x16xf32>,
        %get3A_548 = vector.shape_cast %get3A_547 : vector<1x16xf32> to vector<16xf32>
        %mul3A_549 = arith.constant 22.6274166 : f32
        %mul3A_550 = vector.broadcast %mul3A_549 : f32 to vector<16xf32>
        %mul3A_551 = arith.mulf %get3A_548, %mul3A_550 : vector<16xf32>
        %get3A_552 = arith.index_cast %scan3A_189 : i32 to index
        %get3A_553 = arith.constant 336 : index
        %get3A_554 = tpu.vector_load %arg7[%get3A_552, %get3A_553] {strides = array<i32>} : memref<32x512xf32, #tpu.memory_space<vmem>>, vector<1x16xf32>,
        %get3A_555 = vector.shape_cast %get3A_554 : vector<1x16xf32> to vector<16xf32>
        %add3A_556 = arith.addf %mul3A_551, %get3A_555 : vector<16xf32>
        %swap3A_557 = arith.index_cast %scan3A_189 : i32 to index
        %swap3A_558 = arith.constant 336 : index
        %swap3A_559 = tpu.vector_load %arg8[%swap3A_557, %swap3A_558] {strides = array<i32>} : memref<32x512xf32, #tpu.memory_space<vmem>>, vector<1x16xf32>,
        %swap3A_560 = vector.shape_cast %swap3A_559 : vector<1x16xf32> to vector<16xf32>
        %swap3A_561 = vector.shape_cast %add3A_556 : vector<16xf32> to vector<1x16xf32>
        tpu.vector_store %arg8[%swap3A_557, %swap3A_558], %swap3A_561 {strides = array<i32>} : memref<32x512xf32, #tpu.memory_space<vmem>>, vector<1x16xf32>,
        %get3A_562 = arith.index_cast %scan3A_189 : i32 to index
        %get3A_563 = arith.constant 352 : index
        %get3A_564 = tpu.vector_load %arg8[%get3A_562, %get3A_563] {strides = array<i32>} : memref<32x512xf32, #tpu.memory_space<vmem>>, vector<1x16xf32>,
        %get3A_565 = vector.shape_cast %get3A_564 : vector<1x16xf32> to vector<16xf32>
        %mul3A_566 = arith.constant 22.6274166 : f32
        %mul3A_567 = vector.broadcast %mul3A_566 : f32 to vector<16xf32>
        %mul3A_568 = arith.mulf %get3A_565, %mul3A_567 : vector<16xf32>
        %get3A_569 = arith.index_cast %scan3A_189 : i32 to index
        %get3A_570 = arith.constant 352 : index
        %get3A_571 = tpu.vector_load %arg7[%get3A_569, %get3A_570] {strides = array<i32>} : memref<32x512xf32, #tpu.memory_space<vmem>>, vector<1x16xf32>,
        %get3A_572 = vector.shape_cast %get3A_571 : vector<1x16xf32> to vector<16xf32>
        %add3A_573 = arith.addf %mul3A_568, %get3A_572 : vector<16xf32>
        %swap3A_574 = arith.index_cast %scan3A_189 : i32 to index
        %swap3A_575 = arith.constant 352 : index
        %swap3A_576 = tpu.vector_load %arg8[%swap3A_574, %swap3A_575] {strides = array<i32>} : memref<32x512xf32, #tpu.memory_space<vmem>>, vector<1x16xf32>,
        %swap3A_577 = vector.shape_cast %swap3A_576 : vector<1x16xf32> to vector<16xf32>
        %swap3A_578 = vector.shape_cast %add3A_573 : vector<16xf32> to vector<1x16xf32>
        tpu.vector_store %arg8[%swap3A_574, %swap3A_575], %swap3A_578 {strides = array<i32>} : memref<32x512xf32, #tpu.memory_space<vmem>>, vector<1x16xf32>,
        %get3A_579 = arith.index_cast %scan3A_189 : i32 to index
        %get3A_580 = arith.constant 368 : index
        %get3A_581 = tpu.vector_load %arg8[%get3A_579, %get3A_580] {strides = array<i32>} : memref<32x512xf32, #tpu.memory_space<vmem>>, vector<1x16xf32>,
        %get3A_582 = vector.shape_cast %get3A_581 : vector<1x16xf32> to vector<16xf32>
        %mul3A_583 = arith.constant 22.6274166 : f32
        %mul3A_584 = vector.broadcast %mul3A_583 : f32 to vector<16xf32>
        %mul3A_585 = arith.mulf %get3A_582, %mul3A_584 : vector<16xf32>
        %get3A_586 = arith.index_cast %scan3A_189 : i32 to index
        %get3A_587 = arith.constant 368 : index
        %get3A_588 = tpu.vector_load %arg7[%get3A_586, %get3A_587] {strides = array<i32>} : memref<32x512xf32, #tpu.memory_space<vmem>>, vector<1x16xf32>,
        %get3A_589 = vector.shape_cast %get3A_588 : vector<1x16xf32> to vector<16xf32>
        %add3A_590 = arith.addf %mul3A_585, %get3A_589 : vector<16xf32>
        %swap3A_591 = arith.index_cast %scan3A_189 : i32 to index
        %swap3A_592 = arith.constant 368 : index
        %swap3A_593 = tpu.vector_load %arg8[%swap3A_591, %swap3A_592] {strides = array<i32>} : memref<32x512xf32, #tpu.memory_space<vmem>>, vector<1x16xf32>,
        %swap3A_594 = vector.shape_cast %swap3A_593 : vector<1x16xf32> to vector<16xf32>
        %swap3A_595 = vector.shape_cast %add3A_590 : vector<16xf32> to vector<1x16xf32>
        tpu.vector_store %arg8[%swap3A_591, %swap3A_592], %swap3A_595 {strides = array<i32>} : memref<32x512xf32, #tpu.memory_space<vmem>>, vector<1x16xf32>,
        %get3A_596 = arith.index_cast %scan3A_189 : i32 to index
        %get3A_597 = arith.constant 384 : index
        %get3A_598 = tpu.vector_load %arg8[%get3A_596, %get3A_597] {strides = array<i32>} : memref<32x512xf32, #tpu.memory_space<vmem>>, vector<1x16xf32>,
        %get3A_599 = vector.shape_cast %get3A_598 : vector<1x16xf32> to vector<16xf32>
        %mul3A_600 = arith.constant 22.6274166 : f32
        %mul3A_601 = vector.broadcast %mul3A_600 : f32 to vector<16xf32>
        %mul3A_602 = arith.mulf %get3A_599, %mul3A_601 : vector<16xf32>
        %get3A_603 = arith.index_cast %scan3A_189 : i32 to index
        %get3A_604 = arith.constant 384 : index
        %get3A_605 = tpu.vector_load %arg7[%get3A_603, %get3A_604] {strides = array<i32>} : memref<32x512xf32, #tpu.memory_space<vmem>>, vector<1x16xf32>,
        %get3A_606 = vector.shape_cast %get3A_605 : vector<1x16xf32> to vector<16xf32>
        %add3A_607 = arith.addf %mul3A_602, %get3A_606 : vector<16xf32>
        %swap3A_608 = arith.index_cast %scan3A_189 : i32 to index
        %swap3A_609 = arith.constant 384 : index
        %swap3A_610 = tpu.vector_load %arg8[%swap3A_608, %swap3A_609] {strides = array<i32>} : memref<32x512xf32, #tpu.memory_space<vmem>>, vector<1x16xf32>,
        %swap3A_611 = vector.shape_cast %swap3A_610 : vector<1x16xf32> to vector<16xf32>
        %swap3A_612 = vector.shape_cast %add3A_607 : vector<16xf32> to vector<1x16xf32>
        tpu.vector_store %arg8[%swap3A_608, %swap3A_609], %swap3A_612 {strides = array<i32>} : memref<32x512xf32, #tpu.memory_space<vmem>>, vector<1x16xf32>,
        %get3A_613 = arith.index_cast %scan3A_189 : i32 to index
        %get3A_614 = arith.constant 400 : index
        %get3A_615 = tpu.vector_load %arg8[%get3A_613, %get3A_614] {strides = array<i32>} : memref<32x512xf32, #tpu.memory_space<vmem>>, vector<1x16xf32>,
        %get3A_616 = vector.shape_cast %get3A_615 : vector<1x16xf32> to vector<16xf32>
        %mul3A_617 = arith.constant 22.6274166 : f32
        %mul3A_618 = vector.broadcast %mul3A_617 : f32 to vector<16xf32>
        %mul3A_619 = arith.mulf %get3A_616, %mul3A_618 : vector<16xf32>
        %get3A_620 = arith.index_cast %scan3A_189 : i32 to index
        %get3A_621 = arith.constant 400 : index
        %get3A_622 = tpu.vector_load %arg7[%get3A_620, %get3A_621] {strides = array<i32>} : memref<32x512xf32, #tpu.memory_space<vmem>>, vector<1x16xf32>,
        %get3A_623 = vector.shape_cast %get3A_622 : vector<1x16xf32> to vector<16xf32>
        %add3A_624 = arith.addf %mul3A_619, %get3A_623 : vector<16xf32>
        %swap3A_625 = arith.index_cast %scan3A_189 : i32 to index
        %swap3A_626 = arith.constant 400 : index
        %swap3A_627 = tpu.vector_load %arg8[%swap3A_625, %swap3A_626] {strides = array<i32>} : memref<32x512xf32, #tpu.memory_space<vmem>>, vector<1x16xf32>,
        %swap3A_628 = vector.shape_cast %swap3A_627 : vector<1x16xf32> to vector<16xf32>
        %swap3A_629 = vector.shape_cast %add3A_624 : vector<16xf32> to vector<1x16xf32>
        tpu.vector_store %arg8[%swap3A_625, %swap3A_626], %swap3A_629 {strides = array<i32>} : memref<32x512xf32, #tpu.memory_space<vmem>>, vector<1x16xf32>,
        %get3A_630 = arith.index_cast %scan3A_189 : i32 to index
        %get3A_631 = arith.constant 416 : index
        %get3A_632 = tpu.vector_load %arg8[%get3A_630, %get3A_631] {strides = array<i32>} : memref<32x512xf32, #tpu.memory_space<vmem>>, vector<1x16xf32>,
        %get3A_633 = vector.shape_cast %get3A_632 : vector<1x16xf32> to vector<16xf32>
        %mul3A_634 = arith.constant 22.6274166 : f32
        %mul3A_635 = vector.broadcast %mul3A_634 : f32 to vector<16xf32>
        %mul3A_636 = arith.mulf %get3A_633, %mul3A_635 : vector<16xf32>
        %get3A_637 = arith.index_cast %scan3A_189 : i32 to index
        %get3A_638 = arith.constant 416 : index
        %get3A_639 = tpu.vector_load %arg7[%get3A_637, %get3A_638] {strides = array<i32>} : memref<32x512xf32, #tpu.memory_space<vmem>>, vector<1x16xf32>,
        %get3A_640 = vector.shape_cast %get3A_639 : vector<1x16xf32> to vector<16xf32>
        %add3A_641 = arith.addf %mul3A_636, %get3A_640 : vector<16xf32>
        %swap3A_642 = arith.index_cast %scan3A_189 : i32 to index
        %swap3A_643 = arith.constant 416 : index
        %swap3A_644 = tpu.vector_load %arg8[%swap3A_642, %swap3A_643] {strides = array<i32>} : memref<32x512xf32, #tpu.memory_space<vmem>>, vector<1x16xf32>,
        %swap3A_645 = vector.shape_cast %swap3A_644 : vector<1x16xf32> to vector<16xf32>
        %swap3A_646 = vector.shape_cast %add3A_641 : vector<16xf32> to vector<1x16xf32>
        tpu.vector_store %arg8[%swap3A_642, %swap3A_643], %swap3A_646 {strides = array<i32>} : memref<32x512xf32, #tpu.memory_space<vmem>>, vector<1x16xf32>,
        %get3A_647 = arith.index_cast %scan3A_189 : i32 to index
        %get3A_648 = arith.constant 432 : index
        %get3A_649 = tpu.vector_load %arg8[%get3A_647, %get3A_648] {strides = array<i32>} : memref<32x512xf32, #tpu.memory_space<vmem>>, vector<1x16xf32>,
        %get3A_650 = vector.shape_cast %get3A_649 : vector<1x16xf32> to vector<16xf32>
        %mul3A_651 = arith.constant 22.6274166 : f32
        %mul3A_652 = vector.broadcast %mul3A_651 : f32 to vector<16xf32>
        %mul3A_653 = arith.mulf %get3A_650, %mul3A_652 : vector<16xf32>
        %get3A_654 = arith.index_cast %scan3A_189 : i32 to index
        %get3A_655 = arith.constant 432 : index
        %get3A_656 = tpu.vector_load %arg7[%get3A_654, %get3A_655] {strides = array<i32>} : memref<32x512xf32, #tpu.memory_space<vmem>>, vector<1x16xf32>,
        %get3A_657 = vector.shape_cast %get3A_656 : vector<1x16xf32> to vector<16xf32>
        %add3A_658 = arith.addf %mul3A_653, %get3A_657 : vector<16xf32>
        %swap3A_659 = arith.index_cast %scan3A_189 : i32 to index
        %swap3A_660 = arith.constant 432 : index
        %swap3A_661 = tpu.vector_load %arg8[%swap3A_659, %swap3A_660] {strides = array<i32>} : memref<32x512xf32, #tpu.memory_space<vmem>>, vector<1x16xf32>,
        %swap3A_662 = vector.shape_cast %swap3A_661 : vector<1x16xf32> to vector<16xf32>
        %swap3A_663 = vector.shape_cast %add3A_658 : vector<16xf32> to vector<1x16xf32>
        tpu.vector_store %arg8[%swap3A_659, %swap3A_660], %swap3A_663 {strides = array<i32>} : memref<32x512xf32, #tpu.memory_space<vmem>>, vector<1x16xf32>,
        %get3A_664 = arith.index_cast %scan3A_189 : i32 to index
        %get3A_665 = arith.constant 448 : index
        %get3A_666 = tpu.vector_load %arg8[%get3A_664, %get3A_665] {strides = array<i32>} : memref<32x512xf32, #tpu.memory_space<vmem>>, vector<1x16xf32>,
        %get3A_667 = vector.shape_cast %get3A_666 : vector<1x16xf32> to vector<16xf32>
        %mul3A_668 = arith.constant 22.6274166 : f32
        %mul3A_669 = vector.broadcast %mul3A_668 : f32 to vector<16xf32>
        %mul3A_670 = arith.mulf %get3A_667, %mul3A_669 : vector<16xf32>
        %get3A_671 = arith.index_cast %scan3A_189 : i32 to index
        %get3A_672 = arith.constant 448 : index
        %get3A_673 = tpu.vector_load %arg7[%get3A_671, %get3A_672] {strides = array<i32>} : memref<32x512xf32, #tpu.memory_space<vmem>>, vector<1x16xf32>,
        %get3A_674 = vector.shape_cast %get3A_673 : vector<1x16xf32> to vector<16xf32>
        %add3A_675 = arith.addf %mul3A_670, %get3A_674 : vector<16xf32>
        %swap3A_676 = arith.index_cast %scan3A_189 : i32 to index
        %swap3A_677 = arith.constant 448 : index
        %swap3A_678 = tpu.vector_load %arg8[%swap3A_676, %swap3A_677] {strides = array<i32>} : memref<32x512xf32, #tpu.memory_space<vmem>>, vector<1x16xf32>,
        %swap3A_679 = vector.shape_cast %swap3A_678 : vector<1x16xf32> to vector<16xf32>
        %swap3A_680 = vector.shape_cast %add3A_675 : vector<16xf32> to vector<1x16xf32>
        tpu.vector_store %arg8[%swap3A_676, %swap3A_677], %swap3A_680 {strides = array<i32>} : memref<32x512xf32, #tpu.memory_space<vmem>>, vector<1x16xf32>,
        %get3A_681 = arith.index_cast %scan3A_189 : i32 to index
        %get3A_682 = arith.constant 464 : index
        %get3A_683 = tpu.vector_load %arg8[%get3A_681, %get3A_682] {strides = array<i32>} : memref<32x512xf32, #tpu.memory_space<vmem>>, vector<1x16xf32>,
        %get3A_684 = vector.shape_cast %get3A_683 : vector<1x16xf32> to vector<16xf32>
        %mul3A_685 = arith.constant 22.6274166 : f32
        %mul3A_686 = vector.broadcast %mul3A_685 : f32 to vector<16xf32>
        %mul3A_687 = arith.mulf %get3A_684, %mul3A_686 : vector<16xf32>
        %get3A_688 = arith.index_cast %scan3A_189 : i32 to index
        %get3A_689 = arith.constant 464 : index
        %get3A_690 = tpu.vector_load %arg7[%get3A_688, %get3A_689] {strides = array<i32>} : memref<32x512xf32, #tpu.memory_space<vmem>>, vector<1x16xf32>,
        %get3A_691 = vector.shape_cast %get3A_690 : vector<1x16xf32> to vector<16xf32>
        %add3A_692 = arith.addf %mul3A_687, %get3A_691 : vector<16xf32>
        %swap3A_693 = arith.index_cast %scan3A_189 : i32 to index
        %swap3A_694 = arith.constant 464 : index
        %swap3A_695 = tpu.vector_load %arg8[%swap3A_693, %swap3A_694] {strides = array<i32>} : memref<32x512xf32, #tpu.memory_space<vmem>>, vector<1x16xf32>,
        %swap3A_696 = vector.shape_cast %swap3A_695 : vector<1x16xf32> to vector<16xf32>
        %swap3A_697 = vector.shape_cast %add3A_692 : vector<16xf32> to vector<1x16xf32>
        tpu.vector_store %arg8[%swap3A_693, %swap3A_694], %swap3A_697 {strides = array<i32>} : memref<32x512xf32, #tpu.memory_space<vmem>>, vector<1x16xf32>,
        %get3A_698 = arith.index_cast %scan3A_189 : i32 to index
        %get3A_699 = arith.constant 480 : index
        %get3A_700 = tpu.vector_load %arg8[%get3A_698, %get3A_699] {strides = array<i32>} : memref<32x512xf32, #tpu.memory_space<vmem>>, vector<1x16xf32>,
        %get3A_701 = vector.shape_cast %get3A_700 : vector<1x16xf32> to vector<16xf32>
        %mul3A_702 = arith.constant 22.6274166 : f32
        %mul3A_703 = vector.broadcast %mul3A_702 : f32 to vector<16xf32>
        %mul3A_704 = arith.mulf %get3A_701, %mul3A_703 : vector<16xf32>
        %get3A_705 = arith.index_cast %scan3A_189 : i32 to index
        %get3A_706 = arith.constant 480 : index
        %get3A_707 = tpu.vector_load %arg7[%get3A_705, %get3A_706] {strides = array<i32>} : memref<32x512xf32, #tpu.memory_space<vmem>>, vector<1x16xf32>,
        %get3A_708 = vector.shape_cast %get3A_707 : vector<1x16xf32> to vector<16xf32>
        %add3A_709 = arith.addf %mul3A_704, %get3A_708 : vector<16xf32>
        %swap3A_710 = arith.index_cast %scan3A_189 : i32 to index
        %swap3A_711 = arith.constant 480 : index
        %swap3A_712 = tpu.vector_load %arg8[%swap3A_710, %swap3A_711] {strides = array<i32>} : memref<32x512xf32, #tpu.memory_space<vmem>>, vector<1x16xf32>,
        %swap3A_713 = vector.shape_cast %swap3A_712 : vector<1x16xf32> to vector<16xf32>
        %swap3A_714 = vector.shape_cast %add3A_709 : vector<16xf32> to vector<1x16xf32>
        tpu.vector_store %arg8[%swap3A_710, %swap3A_711], %swap3A_714 {strides = array<i32>} : memref<32x512xf32, #tpu.memory_space<vmem>>, vector<1x16xf32>,
        %get3A_715 = arith.index_cast %scan3A_189 : i32 to index
        %get3A_716 = arith.constant 496 : index
        %get3A_717 = tpu.vector_load %arg8[%get3A_715, %get3A_716] {strides = array<i32>} : memref<32x512xf32, #tpu.memory_space<vmem>>, vector<1x16xf32>,
        %get3A_718 = vector.shape_cast %get3A_717 : vector<1x16xf32> to vector<16xf32>
        %mul3A_719 = arith.constant 22.6274166 : f32
        %mul3A_720 = vector.broadcast %mul3A_719 : f32 to vector<16xf32>
        %mul3A_721 = arith.mulf %get3A_718, %mul3A_720 : vector<16xf32>
        %get3A_722 = arith.index_cast %scan3A_189 : i32 to index
        %get3A_723 = arith.constant 496 : index
        %get3A_724 = tpu.vector_load %arg7[%get3A_722, %get3A_723] {strides = array<i32>} : memref<32x512xf32, #tpu.memory_space<vmem>>, vector<1x16xf32>,
        %get3A_725 = vector.shape_cast %get3A_724 : vector<1x16xf32> to vector<16xf32>
        %add3A_726 = arith.addf %mul3A_721, %get3A_725 : vector<16xf32>
        %swap3A_727 = arith.index_cast %scan3A_189 : i32 to index
        %swap3A_728 = arith.constant 496 : index
        %swap3A_729 = tpu.vector_load %arg8[%swap3A_727, %swap3A_728] {strides = array<i32>} : memref<32x512xf32, #tpu.memory_space<vmem>>, vector<1x16xf32>,
        %swap3A_730 = vector.shape_cast %swap3A_729 : vector<1x16xf32> to vector<16xf32>
        %swap3A_731 = vector.shape_cast %add3A_726 : vector<16xf32> to vector<1x16xf32>
        tpu.vector_store %arg8[%swap3A_727, %swap3A_728], %swap3A_731 {strides = array<i32>} : memref<32x512xf32, #tpu.memory_space<vmem>>, vector<1x16xf32>,
      }
      %scan3A_81 = arith.constant 32 : i32
      %dma_start3A_82 = arith.constant 0 : i32
      %dma_start3A_83 = tpu.memref_slice %arg5[%add3A_69, %mul3A_2, %dma_start3A_82] : memref<64x1024x512xf32, #tpu.memory_space<hbm>> -> memref<1x32x512xf32, #tpu.memory_space<hbm>>
      %dma_start3A_84 = tpu.memref_squeeze %dma_start3A_83 : memref<1x32x512xf32, #tpu.memory_space<hbm>> -> memref<32x512xf32, #tpu.memory_space<hbm>>
      %dma_start3A_85 = arith.constant 0 : i32
      %dma_start3A_86 = tpu.memref_slice %arg5[%add3A_69, %mul3A_2, %dma_start3A_85] : memref<64x1024x512xf32, #tpu.memory_space<hbm>> -> memref<1x32x512xf32, #tpu.memory_space<hbm>>
      %dma_start3A_87 = tpu.memref_squeeze %dma_start3A_86 : memref<1x32x512xf32, #tpu.memory_space<hbm>> -> memref<32x512xf32, #tpu.memory_space<hbm>>
      tpu.enqueue_dma source(%arg8 : memref<32x512xf32, #tpu.memory_space<vmem>>) target(%dma_start3A_87 : memref<32x512xf32, #tpu.memory_space<hbm>>) target_semaphore(%arg16 : memref<!tpu.dma_semaphore, #tpu.memory_space<semaphore_mem>>)
      %add3A_88 = arith.constant 3 : i32
      %add3A_89 = arith.addi %add3A_69, %add3A_88 : i32
      %ge3A = arith.constant 4 : i32
      %ge3A_90 = arith.cmpi sge, %add3A_89, %ge3A : i32
      %lt3A = arith.constant 64 : i32
      %lt3A_91 = arith.cmpi slt, %add3A_89, %lt3A : i32
      %and3A = arith.andi %ge3A_90, %lt3A_91 : i1
      %convert_element_type3A = arith.extui %and3A : i1 to i32
      %cond3A = arith.constant 0 : i32
      %cond3A_92 = arith.cmpi ne, %convert_element_type3A, %cond3A : i32
      scf.if %cond3A_92 {
        %dma_wait3A_189 = arith.constant 0 : i32
        %dma_wait3A_190 = arith.constant 0 : i32
        %dma_wait3A_191 = tpu.memref_slice %arg5[%dma_wait3A_189, %mul3A_2, %dma_wait3A_190] : memref<64x1024x512xf32, #tpu.memory_space<hbm>> -> memref<1x32x512xf32, #tpu.memory_space<hbm>>
        %dma_wait3A_192 = tpu.memref_squeeze %dma_wait3A_191 : memref<1x32x512xf32, #tpu.memory_space<hbm>> -> memref<32x512xf32, #tpu.memory_space<hbm>>
        %dma_wait3A_193 = arith.constant 0 : i32
        %dma_wait3A_194 = tpu.memref_slice %arg5[%dma_wait3A_189, %mul3A_2, %dma_wait3A_193] : memref<64x1024x512xf32, #tpu.memory_space<hbm>> -> memref<1x32x512xf32, #tpu.memory_space<hbm>>
        %dma_wait3A_195 = tpu.memref_squeeze %dma_wait3A_194 : memref<1x32x512xf32, #tpu.memory_space<hbm>> -> memref<32x512xf32, #tpu.memory_space<hbm>>
        tpu.wait_dma2 semaphore(%arg19 : memref<!tpu.dma_semaphore, #tpu.memory_space<semaphore_mem>>) src(%arg11 : memref<32x512xf32, #tpu.memory_space<vmem>>) dst(%dma_wait3A_195 : memref<32x512xf32, #tpu.memory_space<hbm>>)
        %dma_start3A_196 = arith.constant 0 : i32
        %dma_start3A_197 = tpu.memref_slice %arg6[%add3A_89, %dma_start3A_196] : memref<64x32xi32, #tpu.memory_space<vmem>> -> memref<1x32xi32, #tpu.memory_space<vmem>>
        %dma_start3A_198 = tpu.memref_squeeze %dma_start3A_197 : memref<1x32xi32, #tpu.memory_space<vmem>> -> memref<32xi32, #tpu.memory_space<vmem>>
        %dma_start3A_199 = arith.constant 0 : i32
        %dma_start3A_200 = arith.constant 0 : i32
        %dma_start3A_201 = tpu.memref_slice %arg4[%dma_start3A_199, %dma_start3A_200] : memref<151667x512xf32, #tpu.memory_space<hbm>> -> memref<151667x512xf32, #tpu.memory_space<hbm>>
        tpu.enqueue_indirect_dma source(%dma_start3A_201 : memref<151667x512xf32, #tpu.memory_space<hbm>>) target(%arg11 : memref<32x512xf32, #tpu.memory_space<vmem>>) offsets(%dma_start3A_198 : memref<32xi32, #tpu.memory_space<vmem>>) semaphore(%arg15 : memref<!tpu.dma_semaphore, #tpu.memory_space<semaphore_mem>>)
      } else {
      }
      %mul3A_93 = arith.constant 4 : i32
      %mul3A_94 = arith.muli %add3A_65, %mul3A_93 : i32
      %add3A_95 = arith.constant 1 : i32
      %add3A_96 = arith.addi %mul3A_94, %add3A_95 : i32
      %dma_wait3A_97 = arith.constant 0 : i32
      %dma_wait3A_98 = arith.constant 0 : i32
      %dma_wait3A_99 = tpu.memref_slice %arg6[%dma_wait3A_97, %dma_wait3A_98] : memref<64x32xi32, #tpu.memory_space<vmem>> -> memref<1x32xi32, #tpu.memory_space<vmem>>
      %dma_wait3A_100 = tpu.memref_squeeze %dma_wait3A_99 : memref<1x32xi32, #tpu.memory_space<vmem>> -> memref<32xi32, #tpu.memory_space<vmem>>
      %dma_wait3A_101 = arith.constant 0 : i32
      %dma_wait3A_102 = arith.constant 0 : i32
      %dma_wait3A_103 = tpu.memref_slice %arg4[%dma_wait3A_101, %dma_wait3A_102] : memref<151667x512xf32, #tpu.memory_space<hbm>> -> memref<151667x512xf32, #tpu.memory_space<hbm>>
      tpu.wait_indirect_dma semaphore(%arg13 : memref<!tpu.dma_semaphore, #tpu.memory_space<semaphore_mem>>) src(%dma_wait3A_103 : memref<151667x512xf32, #tpu.memory_space<hbm>>) dst(%arg9 : memref<32x512xf32, #tpu.memory_space<vmem>>)
      %scan3A_104 = arith.constant 0 : i32
      %scan3A_105 = arith.constant 32 : i32
      %scan3A_106 = arith.addi %scan3A_104, %scan3A_105 : i32
      %scan3A_107 = arith.constant 1 : i32
      scf.for %scan3A_189 = %scan3A_104 to %scan3A_106 step %scan3A_107  : i32 {
        %get3A = arith.index_cast %scan3A_189 : i32 to index
        %get3A_190 = arith.constant 0 : index
        %get3A_191 = tpu.vector_load %arg9[%get3A, %get3A_190] {strides = array<i32>} : memref<32x512xf32, #tpu.memory_space<vmem>>, vector<1x16xf32>,
        %get3A_192 = vector.shape_cast %get3A_191 : vector<1x16xf32> to vector<16xf32>
        %mul3A_193 = arith.constant 22.6274166 : f32
        %mul3A_194 = vector.broadcast %mul3A_193 : f32 to vector<16xf32>
        %mul3A_195 = arith.mulf %get3A_192, %mul3A_194 : vector<16xf32>
        %get3A_196 = arith.index_cast %scan3A_189 : i32 to index
        %get3A_197 = arith.constant 0 : index
        %get3A_198 = tpu.vector_load %arg7[%get3A_196, %get3A_197] {strides = array<i32>} : memref<32x512xf32, #tpu.memory_space<vmem>>, vector<1x16xf32>,
        %get3A_199 = vector.shape_cast %get3A_198 : vector<1x16xf32> to vector<16xf32>
        %add3A_200 = arith.addf %mul3A_195, %get3A_199 : vector<16xf32>
        %swap3A = arith.index_cast %scan3A_189 : i32 to index
        %swap3A_201 = arith.constant 0 : index
        %swap3A_202 = tpu.vector_load %arg9[%swap3A, %swap3A_201] {strides = array<i32>} : memref<32x512xf32, #tpu.memory_space<vmem>>, vector<1x16xf32>,
        %swap3A_203 = vector.shape_cast %swap3A_202 : vector<1x16xf32> to vector<16xf32>
        %swap3A_204 = vector.shape_cast %add3A_200 : vector<16xf32> to vector<1x16xf32>
        tpu.vector_store %arg9[%swap3A, %swap3A_201], %swap3A_204 {strides = array<i32>} : memref<32x512xf32, #tpu.memory_space<vmem>>, vector<1x16xf32>,
        %get3A_205 = arith.index_cast %scan3A_189 : i32 to index
        %get3A_206 = arith.constant 16 : index
        %get3A_207 = tpu.vector_load %arg9[%get3A_205, %get3A_206] {strides = array<i32>} : memref<32x512xf32, #tpu.memory_space<vmem>>, vector<1x16xf32>,
        %get3A_208 = vector.shape_cast %get3A_207 : vector<1x16xf32> to vector<16xf32>
        %mul3A_209 = arith.constant 22.6274166 : f32
        %mul3A_210 = vector.broadcast %mul3A_209 : f32 to vector<16xf32>
        %mul3A_211 = arith.mulf %get3A_208, %mul3A_210 : vector<16xf32>
        %get3A_212 = arith.index_cast %scan3A_189 : i32 to index
        %get3A_213 = arith.constant 16 : index
        %get3A_214 = tpu.vector_load %arg7[%get3A_212, %get3A_213] {strides = array<i32>} : memref<32x512xf32, #tpu.memory_space<vmem>>, vector<1x16xf32>,
        %get3A_215 = vector.shape_cast %get3A_214 : vector<1x16xf32> to vector<16xf32>
        %add3A_216 = arith.addf %mul3A_211, %get3A_215 : vector<16xf32>
        %swap3A_217 = arith.index_cast %scan3A_189 : i32 to index
        %swap3A_218 = arith.constant 16 : index
        %swap3A_219 = tpu.vector_load %arg9[%swap3A_217, %swap3A_218] {strides = array<i32>} : memref<32x512xf32, #tpu.memory_space<vmem>>, vector<1x16xf32>,
        %swap3A_220 = vector.shape_cast %swap3A_219 : vector<1x16xf32> to vector<16xf32>
        %swap3A_221 = vector.shape_cast %add3A_216 : vector<16xf32> to vector<1x16xf32>
        tpu.vector_store %arg9[%swap3A_217, %swap3A_218], %swap3A_221 {strides = array<i32>} : memref<32x512xf32, #tpu.memory_space<vmem>>, vector<1x16xf32>,
        %get3A_222 = arith.index_cast %scan3A_189 : i32 to index
        %get3A_223 = arith.constant 32 : index
        %get3A_224 = tpu.vector_load %arg9[%get3A_222, %get3A_223] {strides = array<i32>} : memref<32x512xf32, #tpu.memory_space<vmem>>, vector<1x16xf32>,
        %get3A_225 = vector.shape_cast %get3A_224 : vector<1x16xf32> to vector<16xf32>
        %mul3A_226 = arith.constant 22.6274166 : f32
        %mul3A_227 = vector.broadcast %mul3A_226 : f32 to vector<16xf32>
        %mul3A_228 = arith.mulf %get3A_225, %mul3A_227 : vector<16xf32>
        %get3A_229 = arith.index_cast %scan3A_189 : i32 to index
        %get3A_230 = arith.constant 32 : index
        %get3A_231 = tpu.vector_load %arg7[%get3A_229, %get3A_230] {strides = array<i32>} : memref<32x512xf32, #tpu.memory_space<vmem>>, vector<1x16xf32>,
        %get3A_232 = vector.shape_cast %get3A_231 : vector<1x16xf32> to vector<16xf32>
        %add3A_233 = arith.addf %mul3A_228, %get3A_232 : vector<16xf32>
        %swap3A_234 = arith.index_cast %scan3A_189 : i32 to index
        %swap3A_235 = arith.constant 32 : index
        %swap3A_236 = tpu.vector_load %arg9[%swap3A_234, %swap3A_235] {strides = array<i32>} : memref<32x512xf32, #tpu.memory_space<vmem>>, vector<1x16xf32>,
        %swap3A_237 = vector.shape_cast %swap3A_236 : vector<1x16xf32> to vector<16xf32>
        %swap3A_238 = vector.shape_cast %add3A_233 : vector<16xf32> to vector<1x16xf32>
        tpu.vector_store %arg9[%swap3A_234, %swap3A_235], %swap3A_238 {strides = array<i32>} : memref<32x512xf32, #tpu.memory_space<vmem>>, vector<1x16xf32>,
        %get3A_239 = arith.index_cast %scan3A_189 : i32 to index
        %get3A_240 = arith.constant 48 : index
        %get3A_241 = tpu.vector_load %arg9[%get3A_239, %get3A_240] {strides = array<i32>} : memref<32x512xf32, #tpu.memory_space<vmem>>, vector<1x16xf32>,
        %get3A_242 = vector.shape_cast %get3A_241 : vector<1x16xf32> to vector<16xf32>
        %mul3A_243 = arith.constant 22.6274166 : f32
        %mul3A_244 = vector.broadcast %mul3A_243 : f32 to vector<16xf32>
        %mul3A_245 = arith.mulf %get3A_242, %mul3A_244 : vector<16xf32>
        %get3A_246 = arith.index_cast %scan3A_189 : i32 to index
        %get3A_247 = arith.constant 48 : index
        %get3A_248 = tpu.vector_load %arg7[%get3A_246, %get3A_247] {strides = array<i32>} : memref<32x512xf32, #tpu.memory_space<vmem>>, vector<1x16xf32>,
        %get3A_249 = vector.shape_cast %get3A_248 : vector<1x16xf32> to vector<16xf32>
        %add3A_250 = arith.addf %mul3A_245, %get3A_249 : vector<16xf32>
        %swap3A_251 = arith.index_cast %scan3A_189 : i32 to index
        %swap3A_252 = arith.constant 48 : index
        %swap3A_253 = tpu.vector_load %arg9[%swap3A_251, %swap3A_252] {strides = array<i32>} : memref<32x512xf32, #tpu.memory_space<vmem>>, vector<1x16xf32>,
        %swap3A_254 = vector.shape_cast %swap3A_253 : vector<1x16xf32> to vector<16xf32>
        %swap3A_255 = vector.shape_cast %add3A_250 : vector<16xf32> to vector<1x16xf32>
        tpu.vector_store %arg9[%swap3A_251, %swap3A_252], %swap3A_255 {strides = array<i32>} : memref<32x512xf32, #tpu.memory_space<vmem>>, vector<1x16xf32>,
        %get3A_256 = arith.index_cast %scan3A_189 : i32 to index
        %get3A_257 = arith.constant 64 : index
        %get3A_258 = tpu.vector_load %arg9[%get3A_256, %get3A_257] {strides = array<i32>} : memref<32x512xf32, #tpu.memory_space<vmem>>, vector<1x16xf32>,
        %get3A_259 = vector.shape_cast %get3A_258 : vector<1x16xf32> to vector<16xf32>
        %mul3A_260 = arith.constant 22.6274166 : f32
        %mul3A_261 = vector.broadcast %mul3A_260 : f32 to vector<16xf32>
        %mul3A_262 = arith.mulf %get3A_259, %mul3A_261 : vector<16xf32>
        %get3A_263 = arith.index_cast %scan3A_189 : i32 to index
        %get3A_264 = arith.constant 64 : index
        %get3A_265 = tpu.vector_load %arg7[%get3A_263, %get3A_264] {strides = array<i32>} : memref<32x512xf32, #tpu.memory_space<vmem>>, vector<1x16xf32>,
        %get3A_266 = vector.shape_cast %get3A_265 : vector<1x16xf32> to vector<16xf32>
        %add3A_267 = arith.addf %mul3A_262, %get3A_266 : vector<16xf32>
        %swap3A_268 = arith.index_cast %scan3A_189 : i32 to index
        %swap3A_269 = arith.constant 64 : index
        %swap3A_270 = tpu.vector_load %arg9[%swap3A_268, %swap3A_269] {strides = array<i32>} : memref<32x512xf32, #tpu.memory_space<vmem>>, vector<1x16xf32>,
        %swap3A_271 = vector.shape_cast %swap3A_270 : vector<1x16xf32> to vector<16xf32>
        %swap3A_272 = vector.shape_cast %add3A_267 : vector<16xf32> to vector<1x16xf32>
        tpu.vector_store %arg9[%swap3A_268, %swap3A_269], %swap3A_272 {strides = array<i32>} : memref<32x512xf32, #tpu.memory_space<vmem>>, vector<1x16xf32>,
        %get3A_273 = arith.index_cast %scan3A_189 : i32 to index
        %get3A_274 = arith.constant 80 : index
        %get3A_275 = tpu.vector_load %arg9[%get3A_273, %get3A_274] {strides = array<i32>} : memref<32x512xf32, #tpu.memory_space<vmem>>, vector<1x16xf32>,
        %get3A_276 = vector.shape_cast %get3A_275 : vector<1x16xf32> to vector<16xf32>
        %mul3A_277 = arith.constant 22.6274166 : f32
        %mul3A_278 = vector.broadcast %mul3A_277 : f32 to vector<16xf32>
        %mul3A_279 = arith.mulf %get3A_276, %mul3A_278 : vector<16xf32>
        %get3A_280 = arith.index_cast %scan3A_189 : i32 to index
        %get3A_281 = arith.constant 80 : index
        %get3A_282 = tpu.vector_load %arg7[%get3A_280, %get3A_281] {strides = array<i32>} : memref<32x512xf32, #tpu.memory_space<vmem>>, vector<1x16xf32>,
        %get3A_283 = vector.shape_cast %get3A_282 : vector<1x16xf32> to vector<16xf32>
        %add3A_284 = arith.addf %mul3A_279, %get3A_283 : vector<16xf32>
        %swap3A_285 = arith.index_cast %scan3A_189 : i32 to index
        %swap3A_286 = arith.constant 80 : index
        %swap3A_287 = tpu.vector_load %arg9[%swap3A_285, %swap3A_286] {strides = array<i32>} : memref<32x512xf32, #tpu.memory_space<vmem>>, vector<1x16xf32>,
        %swap3A_288 = vector.shape_cast %swap3A_287 : vector<1x16xf32> to vector<16xf32>
        %swap3A_289 = vector.shape_cast %add3A_284 : vector<16xf32> to vector<1x16xf32>
        tpu.vector_store %arg9[%swap3A_285, %swap3A_286], %swap3A_289 {strides = array<i32>} : memref<32x512xf32, #tpu.memory_space<vmem>>, vector<1x16xf32>,
        %get3A_290 = arith.index_cast %scan3A_189 : i32 to index
        %get3A_291 = arith.constant 96 : index
        %get3A_292 = tpu.vector_load %arg9[%get3A_290, %get3A_291] {strides = array<i32>} : memref<32x512xf32, #tpu.memory_space<vmem>>, vector<1x16xf32>,
        %get3A_293 = vector.shape_cast %get3A_292 : vector<1x16xf32> to vector<16xf32>
        %mul3A_294 = arith.constant 22.6274166 : f32
        %mul3A_295 = vector.broadcast %mul3A_294 : f32 to vector<16xf32>
        %mul3A_296 = arith.mulf %get3A_293, %mul3A_295 : vector<16xf32>
        %get3A_297 = arith.index_cast %scan3A_189 : i32 to index
        %get3A_298 = arith.constant 96 : index
        %get3A_299 = tpu.vector_load %arg7[%get3A_297, %get3A_298] {strides = array<i32>} : memref<32x512xf32, #tpu.memory_space<vmem>>, vector<1x16xf32>,
        %get3A_300 = vector.shape_cast %get3A_299 : vector<1x16xf32> to vector<16xf32>
        %add3A_301 = arith.addf %mul3A_296, %get3A_300 : vector<16xf32>
        %swap3A_302 = arith.index_cast %scan3A_189 : i32 to index
        %swap3A_303 = arith.constant 96 : index
        %swap3A_304 = tpu.vector_load %arg9[%swap3A_302, %swap3A_303] {strides = array<i32>} : memref<32x512xf32, #tpu.memory_space<vmem>>, vector<1x16xf32>,
        %swap3A_305 = vector.shape_cast %swap3A_304 : vector<1x16xf32> to vector<16xf32>
        %swap3A_306 = vector.shape_cast %add3A_301 : vector<16xf32> to vector<1x16xf32>
        tpu.vector_store %arg9[%swap3A_302, %swap3A_303], %swap3A_306 {strides = array<i32>} : memref<32x512xf32, #tpu.memory_space<vmem>>, vector<1x16xf32>,
        %get3A_307 = arith.index_cast %scan3A_189 : i32 to index
        %get3A_308 = arith.constant 112 : index
        %get3A_309 = tpu.vector_load %arg9[%get3A_307, %get3A_308] {strides = array<i32>} : memref<32x512xf32, #tpu.memory_space<vmem>>, vector<1x16xf32>,
        %get3A_310 = vector.shape_cast %get3A_309 : vector<1x16xf32> to vector<16xf32>
        %mul3A_311 = arith.constant 22.6274166 : f32
        %mul3A_312 = vector.broadcast %mul3A_311 : f32 to vector<16xf32>
        %mul3A_313 = arith.mulf %get3A_310, %mul3A_312 : vector<16xf32>
        %get3A_314 = arith.index_cast %scan3A_189 : i32 to index
        %get3A_315 = arith.constant 112 : index
        %get3A_316 = tpu.vector_load %arg7[%get3A_314, %get3A_315] {strides = array<i32>} : memref<32x512xf32, #tpu.memory_space<vmem>>, vector<1x16xf32>,
        %get3A_317 = vector.shape_cast %get3A_316 : vector<1x16xf32> to vector<16xf32>
        %add3A_318 = arith.addf %mul3A_313, %get3A_317 : vector<16xf32>
        %swap3A_319 = arith.index_cast %scan3A_189 : i32 to index
        %swap3A_320 = arith.constant 112 : index
        %swap3A_321 = tpu.vector_load %arg9[%swap3A_319, %swap3A_320] {strides = array<i32>} : memref<32x512xf32, #tpu.memory_space<vmem>>, vector<1x16xf32>,
        %swap3A_322 = vector.shape_cast %swap3A_321 : vector<1x16xf32> to vector<16xf32>
        %swap3A_323 = vector.shape_cast %add3A_318 : vector<16xf32> to vector<1x16xf32>
        tpu.vector_store %arg9[%swap3A_319, %swap3A_320], %swap3A_323 {strides = array<i32>} : memref<32x512xf32, #tpu.memory_space<vmem>>, vector<1x16xf32>,
        %get3A_324 = arith.index_cast %scan3A_189 : i32 to index
        %get3A_325 = arith.constant 128 : index
        %get3A_326 = tpu.vector_load %arg9[%get3A_324, %get3A_325] {strides = array<i32>} : memref<32x512xf32, #tpu.memory_space<vmem>>, vector<1x16xf32>,
        %get3A_327 = vector.shape_cast %get3A_326 : vector<1x16xf32> to vector<16xf32>
        %mul3A_328 = arith.constant 22.6274166 : f32
        %mul3A_329 = vector.broadcast %mul3A_328 : f32 to vector<16xf32>
        %mul3A_330 = arith.mulf %get3A_327, %mul3A_329 : vector<16xf32>
        %get3A_331 = arith.index_cast %scan3A_189 : i32 to index
        %get3A_332 = arith.constant 128 : index
        %get3A_333 = tpu.vector_load %arg7[%get3A_331, %get3A_332] {strides = array<i32>} : memref<32x512xf32, #tpu.memory_space<vmem>>, vector<1x16xf32>,
        %get3A_334 = vector.shape_cast %get3A_333 : vector<1x16xf32> to vector<16xf32>
        %add3A_335 = arith.addf %mul3A_330, %get3A_334 : vector<16xf32>
        %swap3A_336 = arith.index_cast %scan3A_189 : i32 to index
        %swap3A_337 = arith.constant 128 : index
        %swap3A_338 = tpu.vector_load %arg9[%swap3A_336, %swap3A_337] {strides = array<i32>} : memref<32x512xf32, #tpu.memory_space<vmem>>, vector<1x16xf32>,
        %swap3A_339 = vector.shape_cast %swap3A_338 : vector<1x16xf32> to vector<16xf32>
        %swap3A_340 = vector.shape_cast %add3A_335 : vector<16xf32> to vector<1x16xf32>
        tpu.vector_store %arg9[%swap3A_336, %swap3A_337], %swap3A_340 {strides = array<i32>} : memref<32x512xf32, #tpu.memory_space<vmem>>, vector<1x16xf32>,
        %get3A_341 = arith.index_cast %scan3A_189 : i32 to index
        %get3A_342 = arith.constant 144 : index
        %get3A_343 = tpu.vector_load %arg9[%get3A_341, %get3A_342] {strides = array<i32>} : memref<32x512xf32, #tpu.memory_space<vmem>>, vector<1x16xf32>,
        %get3A_344 = vector.shape_cast %get3A_343 : vector<1x16xf32> to vector<16xf32>
        %mul3A_345 = arith.constant 22.6274166 : f32
        %mul3A_346 = vector.broadcast %mul3A_345 : f32 to vector<16xf32>
        %mul3A_347 = arith.mulf %get3A_344, %mul3A_346 : vector<16xf32>
        %get3A_348 = arith.index_cast %scan3A_189 : i32 to index
        %get3A_349 = arith.constant 144 : index
        %get3A_350 = tpu.vector_load %arg7[%get3A_348, %get3A_349] {strides = array<i32>} : memref<32x512xf32, #tpu.memory_space<vmem>>, vector<1x16xf32>,
        %get3A_351 = vector.shape_cast %get3A_350 : vector<1x16xf32> to vector<16xf32>
        %add3A_352 = arith.addf %mul3A_347, %get3A_351 : vector<16xf32>
        %swap3A_353 = arith.index_cast %scan3A_189 : i32 to index
        %swap3A_354 = arith.constant 144 : index
        %swap3A_355 = tpu.vector_load %arg9[%swap3A_353, %swap3A_354] {strides = array<i32>} : memref<32x512xf32, #tpu.memory_space<vmem>>, vector<1x16xf32>,
        %swap3A_356 = vector.shape_cast %swap3A_355 : vector<1x16xf32> to vector<16xf32>
        %swap3A_357 = vector.shape_cast %add3A_352 : vector<16xf32> to vector<1x16xf32>
        tpu.vector_store %arg9[%swap3A_353, %swap3A_354], %swap3A_357 {strides = array<i32>} : memref<32x512xf32, #tpu.memory_space<vmem>>, vector<1x16xf32>,
        %get3A_358 = arith.index_cast %scan3A_189 : i32 to index
        %get3A_359 = arith.constant 160 : index
        %get3A_360 = tpu.vector_load %arg9[%get3A_358, %get3A_359] {strides = array<i32>} : memref<32x512xf32, #tpu.memory_space<vmem>>, vector<1x16xf32>,
        %get3A_361 = vector.shape_cast %get3A_360 : vector<1x16xf32> to vector<16xf32>
        %mul3A_362 = arith.constant 22.6274166 : f32
        %mul3A_363 = vector.broadcast %mul3A_362 : f32 to vector<16xf32>
        %mul3A_364 = arith.mulf %get3A_361, %mul3A_363 : vector<16xf32>
        %get3A_365 = arith.index_cast %scan3A_189 : i32 to index
        %get3A_366 = arith.constant 160 : index
        %get3A_367 = tpu.vector_load %arg7[%get3A_365, %get3A_366] {strides = array<i32>} : memref<32x512xf32, #tpu.memory_space<vmem>>, vector<1x16xf32>,
        %get3A_368 = vector.shape_cast %get3A_367 : vector<1x16xf32> to vector<16xf32>
        %add3A_369 = arith.addf %mul3A_364, %get3A_368 : vector<16xf32>
        %swap3A_370 = arith.index_cast %scan3A_189 : i32 to index
        %swap3A_371 = arith.constant 160 : index
        %swap3A_372 = tpu.vector_load %arg9[%swap3A_370, %swap3A_371] {strides = array<i32>} : memref<32x512xf32, #tpu.memory_space<vmem>>, vector<1x16xf32>,
        %swap3A_373 = vector.shape_cast %swap3A_372 : vector<1x16xf32> to vector<16xf32>
        %swap3A_374 = vector.shape_cast %add3A_369 : vector<16xf32> to vector<1x16xf32>
        tpu.vector_store %arg9[%swap3A_370, %swap3A_371], %swap3A_374 {strides = array<i32>} : memref<32x512xf32, #tpu.memory_space<vmem>>, vector<1x16xf32>,
        %get3A_375 = arith.index_cast %scan3A_189 : i32 to index
        %get3A_376 = arith.constant 176 : index
        %get3A_377 = tpu.vector_load %arg9[%get3A_375, %get3A_376] {strides = array<i32>} : memref<32x512xf32, #tpu.memory_space<vmem>>, vector<1x16xf32>,
        %get3A_378 = vector.shape_cast %get3A_377 : vector<1x16xf32> to vector<16xf32>
        %mul3A_379 = arith.constant 22.6274166 : f32
        %mul3A_380 = vector.broadcast %mul3A_379 : f32 to vector<16xf32>
        %mul3A_381 = arith.mulf %get3A_378, %mul3A_380 : vector<16xf32>
        %get3A_382 = arith.index_cast %scan3A_189 : i32 to index
        %get3A_383 = arith.constant 176 : index
        %get3A_384 = tpu.vector_load %arg7[%get3A_382, %get3A_383] {strides = array<i32>} : memref<32x512xf32, #tpu.memory_space<vmem>>, vector<1x16xf32>,
        %get3A_385 = vector.shape_cast %get3A_384 : vector<1x16xf32> to vector<16xf32>
        %add3A_386 = arith.addf %mul3A_381, %get3A_385 : vector<16xf32>
        %swap3A_387 = arith.index_cast %scan3A_189 : i32 to index
        %swap3A_388 = arith.constant 176 : index
        %swap3A_389 = tpu.vector_load %arg9[%swap3A_387, %swap3A_388] {strides = array<i32>} : memref<32x512xf32, #tpu.memory_space<vmem>>, vector<1x16xf32>,
        %swap3A_390 = vector.shape_cast %swap3A_389 : vector<1x16xf32> to vector<16xf32>
        %swap3A_391 = vector.shape_cast %add3A_386 : vector<16xf32> to vector<1x16xf32>
        tpu.vector_store %arg9[%swap3A_387, %swap3A_388], %swap3A_391 {strides = array<i32>} : memref<32x512xf32, #tpu.memory_space<vmem>>, vector<1x16xf32>,
        %get3A_392 = arith.index_cast %scan3A_189 : i32 to index
        %get3A_393 = arith.constant 192 : index
        %get3A_394 = tpu.vector_load %arg9[%get3A_392, %get3A_393] {strides = array<i32>} : memref<32x512xf32, #tpu.memory_space<vmem>>, vector<1x16xf32>,
        %get3A_395 = vector.shape_cast %get3A_394 : vector<1x16xf32> to vector<16xf32>
        %mul3A_396 = arith.constant 22.6274166 : f32
        %mul3A_397 = vector.broadcast %mul3A_396 : f32 to vector<16xf32>
        %mul3A_398 = arith.mulf %get3A_395, %mul3A_397 : vector<16xf32>
        %get3A_399 = arith.index_cast %scan3A_189 : i32 to index
        %get3A_400 = arith.constant 192 : index
        %get3A_401 = tpu.vector_load %arg7[%get3A_399, %get3A_400] {strides = array<i32>} : memref<32x512xf32, #tpu.memory_space<vmem>>, vector<1x16xf32>,
        %get3A_402 = vector.shape_cast %get3A_401 : vector<1x16xf32> to vector<16xf32>
        %add3A_403 = arith.addf %mul3A_398, %get3A_402 : vector<16xf32>
        %swap3A_404 = arith.index_cast %scan3A_189 : i32 to index
        %swap3A_405 = arith.constant 192 : index
        %swap3A_406 = tpu.vector_load %arg9[%swap3A_404, %swap3A_405] {strides = array<i32>} : memref<32x512xf32, #tpu.memory_space<vmem>>, vector<1x16xf32>,
        %swap3A_407 = vector.shape_cast %swap3A_406 : vector<1x16xf32> to vector<16xf32>
        %swap3A_408 = vector.shape_cast %add3A_403 : vector<16xf32> to vector<1x16xf32>
        tpu.vector_store %arg9[%swap3A_404, %swap3A_405], %swap3A_408 {strides = array<i32>} : memref<32x512xf32, #tpu.memory_space<vmem>>, vector<1x16xf32>,
        %get3A_409 = arith.index_cast %scan3A_189 : i32 to index
        %get3A_410 = arith.constant 208 : index
        %get3A_411 = tpu.vector_load %arg9[%get3A_409, %get3A_410] {strides = array<i32>} : memref<32x512xf32, #tpu.memory_space<vmem>>, vector<1x16xf32>,
        %get3A_412 = vector.shape_cast %get3A_411 : vector<1x16xf32> to vector<16xf32>
        %mul3A_413 = arith.constant 22.6274166 : f32
        %mul3A_414 = vector.broadcast %mul3A_413 : f32 to vector<16xf32>
        %mul3A_415 = arith.mulf %get3A_412, %mul3A_414 : vector<16xf32>
        %get3A_416 = arith.index_cast %scan3A_189 : i32 to index
        %get3A_417 = arith.constant 208 : index
        %get3A_418 = tpu.vector_load %arg7[%get3A_416, %get3A_417] {strides = array<i32>} : memref<32x512xf32, #tpu.memory_space<vmem>>, vector<1x16xf32>,
        %get3A_419 = vector.shape_cast %get3A_418 : vector<1x16xf32> to vector<16xf32>
        %add3A_420 = arith.addf %mul3A_415, %get3A_419 : vector<16xf32>
        %swap3A_421 = arith.index_cast %scan3A_189 : i32 to index
        %swap3A_422 = arith.constant 208 : index
        %swap3A_423 = tpu.vector_load %arg9[%swap3A_421, %swap3A_422] {strides = array<i32>} : memref<32x512xf32, #tpu.memory_space<vmem>>, vector<1x16xf32>,
        %swap3A_424 = vector.shape_cast %swap3A_423 : vector<1x16xf32> to vector<16xf32>
        %swap3A_425 = vector.shape_cast %add3A_420 : vector<16xf32> to vector<1x16xf32>
        tpu.vector_store %arg9[%swap3A_421, %swap3A_422], %swap3A_425 {strides = array<i32>} : memref<32x512xf32, #tpu.memory_space<vmem>>, vector<1x16xf32>,
        %get3A_426 = arith.index_cast %scan3A_189 : i32 to index
        %get3A_427 = arith.constant 224 : index
        %get3A_428 = tpu.vector_load %arg9[%get3A_426, %get3A_427] {strides = array<i32>} : memref<32x512xf32, #tpu.memory_space<vmem>>, vector<1x16xf32>,
        %get3A_429 = vector.shape_cast %get3A_428 : vector<1x16xf32> to vector<16xf32>
        %mul3A_430 = arith.constant 22.6274166 : f32
        %mul3A_431 = vector.broadcast %mul3A_430 : f32 to vector<16xf32>
        %mul3A_432 = arith.mulf %get3A_429, %mul3A_431 : vector<16xf32>
        %get3A_433 = arith.index_cast %scan3A_189 : i32 to index
        %get3A_434 = arith.constant 224 : index
        %get3A_435 = tpu.vector_load %arg7[%get3A_433, %get3A_434] {strides = array<i32>} : memref<32x512xf32, #tpu.memory_space<vmem>>, vector<1x16xf32>,
        %get3A_436 = vector.shape_cast %get3A_435 : vector<1x16xf32> to vector<16xf32>
        %add3A_437 = arith.addf %mul3A_432, %get3A_436 : vector<16xf32>
        %swap3A_438 = arith.index_cast %scan3A_189 : i32 to index
        %swap3A_439 = arith.constant 224 : index
        %swap3A_440 = tpu.vector_load %arg9[%swap3A_438, %swap3A_439] {strides = array<i32>} : memref<32x512xf32, #tpu.memory_space<vmem>>, vector<1x16xf32>,
        %swap3A_441 = vector.shape_cast %swap3A_440 : vector<1x16xf32> to vector<16xf32>
        %swap3A_442 = vector.shape_cast %add3A_437 : vector<16xf32> to vector<1x16xf32>
        tpu.vector_store %arg9[%swap3A_438, %swap3A_439], %swap3A_442 {strides = array<i32>} : memref<32x512xf32, #tpu.memory_space<vmem>>, vector<1x16xf32>,
        %get3A_443 = arith.index_cast %scan3A_189 : i32 to index
        %get3A_444 = arith.constant 240 : index
        %get3A_445 = tpu.vector_load %arg9[%get3A_443, %get3A_444] {strides = array<i32>} : memref<32x512xf32, #tpu.memory_space<vmem>>, vector<1x16xf32>,
        %get3A_446 = vector.shape_cast %get3A_445 : vector<1x16xf32> to vector<16xf32>
        %mul3A_447 = arith.constant 22.6274166 : f32
        %mul3A_448 = vector.broadcast %mul3A_447 : f32 to vector<16xf32>
        %mul3A_449 = arith.mulf %get3A_446, %mul3A_448 : vector<16xf32>
        %get3A_450 = arith.index_cast %scan3A_189 : i32 to index
        %get3A_451 = arith.constant 240 : index
        %get3A_452 = tpu.vector_load %arg7[%get3A_450, %get3A_451] {strides = array<i32>} : memref<32x512xf32, #tpu.memory_space<vmem>>, vector<1x16xf32>,
        %get3A_453 = vector.shape_cast %get3A_452 : vector<1x16xf32> to vector<16xf32>
        %add3A_454 = arith.addf %mul3A_449, %get3A_453 : vector<16xf32>
        %swap3A_455 = arith.index_cast %scan3A_189 : i32 to index
        %swap3A_456 = arith.constant 240 : index
        %swap3A_457 = tpu.vector_load %arg9[%swap3A_455, %swap3A_456] {strides = array<i32>} : memref<32x512xf32, #tpu.memory_space<vmem>>, vector<1x16xf32>,
        %swap3A_458 = vector.shape_cast %swap3A_457 : vector<1x16xf32> to vector<16xf32>
        %swap3A_459 = vector.shape_cast %add3A_454 : vector<16xf32> to vector<1x16xf32>
        tpu.vector_store %arg9[%swap3A_455, %swap3A_456], %swap3A_459 {strides = array<i32>} : memref<32x512xf32, #tpu.memory_space<vmem>>, vector<1x16xf32>,
        %get3A_460 = arith.index_cast %scan3A_189 : i32 to index
        %get3A_461 = arith.constant 256 : index
        %get3A_462 = tpu.vector_load %arg9[%get3A_460, %get3A_461] {strides = array<i32>} : memref<32x512xf32, #tpu.memory_space<vmem>>, vector<1x16xf32>,
        %get3A_463 = vector.shape_cast %get3A_462 : vector<1x16xf32> to vector<16xf32>
        %mul3A_464 = arith.constant 22.6274166 : f32
        %mul3A_465 = vector.broadcast %mul3A_464 : f32 to vector<16xf32>
        %mul3A_466 = arith.mulf %get3A_463, %mul3A_465 : vector<16xf32>
        %get3A_467 = arith.index_cast %scan3A_189 : i32 to index
        %get3A_468 = arith.constant 256 : index
        %get3A_469 = tpu.vector_load %arg7[%get3A_467, %get3A_468] {strides = array<i32>} : memref<32x512xf32, #tpu.memory_space<vmem>>, vector<1x16xf32>,
        %get3A_470 = vector.shape_cast %get3A_469 : vector<1x16xf32> to vector<16xf32>
        %add3A_471 = arith.addf %mul3A_466, %get3A_470 : vector<16xf32>
        %swap3A_472 = arith.index_cast %scan3A_189 : i32 to index
        %swap3A_473 = arith.constant 256 : index
        %swap3A_474 = tpu.vector_load %arg9[%swap3A_472, %swap3A_473] {strides = array<i32>} : memref<32x512xf32, #tpu.memory_space<vmem>>, vector<1x16xf32>,
        %swap3A_475 = vector.shape_cast %swap3A_474 : vector<1x16xf32> to vector<16xf32>
        %swap3A_476 = vector.shape_cast %add3A_471 : vector<16xf32> to vector<1x16xf32>
        tpu.vector_store %arg9[%swap3A_472, %swap3A_473], %swap3A_476 {strides = array<i32>} : memref<32x512xf32, #tpu.memory_space<vmem>>, vector<1x16xf32>,
        %get3A_477 = arith.index_cast %scan3A_189 : i32 to index
        %get3A_478 = arith.constant 272 : index
        %get3A_479 = tpu.vector_load %arg9[%get3A_477, %get3A_478] {strides = array<i32>} : memref<32x512xf32, #tpu.memory_space<vmem>>, vector<1x16xf32>,
        %get3A_480 = vector.shape_cast %get3A_479 : vector<1x16xf32> to vector<16xf32>
        %mul3A_481 = arith.constant 22.6274166 : f32
        %mul3A_482 = vector.broadcast %mul3A_481 : f32 to vector<16xf32>
        %mul3A_483 = arith.mulf %get3A_480, %mul3A_482 : vector<16xf32>
        %get3A_484 = arith.index_cast %scan3A_189 : i32 to index
        %get3A_485 = arith.constant 272 : index
        %get3A_486 = tpu.vector_load %arg7[%get3A_484, %get3A_485] {strides = array<i32>} : memref<32x512xf32, #tpu.memory_space<vmem>>, vector<1x16xf32>,
        %get3A_487 = vector.shape_cast %get3A_486 : vector<1x16xf32> to vector<16xf32>
        %add3A_488 = arith.addf %mul3A_483, %get3A_487 : vector<16xf32>
        %swap3A_489 = arith.index_cast %scan3A_189 : i32 to index
        %swap3A_490 = arith.constant 272 : index
        %swap3A_491 = tpu.vector_load %arg9[%swap3A_489, %swap3A_490] {strides = array<i32>} : memref<32x512xf32, #tpu.memory_space<vmem>>, vector<1x16xf32>,
        %swap3A_492 = vector.shape_cast %swap3A_491 : vector<1x16xf32> to vector<16xf32>
        %swap3A_493 = vector.shape_cast %add3A_488 : vector<16xf32> to vector<1x16xf32>
        tpu.vector_store %arg9[%swap3A_489, %swap3A_490], %swap3A_493 {strides = array<i32>} : memref<32x512xf32, #tpu.memory_space<vmem>>, vector<1x16xf32>,
        %get3A_494 = arith.index_cast %scan3A_189 : i32 to index
        %get3A_495 = arith.constant 288 : index
        %get3A_496 = tpu.vector_load %arg9[%get3A_494, %get3A_495] {strides = array<i32>} : memref<32x512xf32, #tpu.memory_space<vmem>>, vector<1x16xf32>,
        %get3A_497 = vector.shape_cast %get3A_496 : vector<1x16xf32> to vector<16xf32>
        %mul3A_498 = arith.constant 22.6274166 : f32
        %mul3A_499 = vector.broadcast %mul3A_498 : f32 to vector<16xf32>
        %mul3A_500 = arith.mulf %get3A_497, %mul3A_499 : vector<16xf32>
        %get3A_501 = arith.index_cast %scan3A_189 : i32 to index
        %get3A_502 = arith.constant 288 : index
        %get3A_503 = tpu.vector_load %arg7[%get3A_501, %get3A_502] {strides = array<i32>} : memref<32x512xf32, #tpu.memory_space<vmem>>, vector<1x16xf32>,
        %get3A_504 = vector.shape_cast %get3A_503 : vector<1x16xf32> to vector<16xf32>
        %add3A_505 = arith.addf %mul3A_500, %get3A_504 : vector<16xf32>
        %swap3A_506 = arith.index_cast %scan3A_189 : i32 to index
        %swap3A_507 = arith.constant 288 : index
        %swap3A_508 = tpu.vector_load %arg9[%swap3A_506, %swap3A_507] {strides = array<i32>} : memref<32x512xf32, #tpu.memory_space<vmem>>, vector<1x16xf32>,
        %swap3A_509 = vector.shape_cast %swap3A_508 : vector<1x16xf32> to vector<16xf32>
        %swap3A_510 = vector.shape_cast %add3A_505 : vector<16xf32> to vector<1x16xf32>
        tpu.vector_store %arg9[%swap3A_506, %swap3A_507], %swap3A_510 {strides = array<i32>} : memref<32x512xf32, #tpu.memory_space<vmem>>, vector<1x16xf32>,
        %get3A_511 = arith.index_cast %scan3A_189 : i32 to index
        %get3A_512 = arith.constant 304 : index
        %get3A_513 = tpu.vector_load %arg9[%get3A_511, %get3A_512] {strides = array<i32>} : memref<32x512xf32, #tpu.memory_space<vmem>>, vector<1x16xf32>,
        %get3A_514 = vector.shape_cast %get3A_513 : vector<1x16xf32> to vector<16xf32>
        %mul3A_515 = arith.constant 22.6274166 : f32
        %mul3A_516 = vector.broadcast %mul3A_515 : f32 to vector<16xf32>
        %mul3A_517 = arith.mulf %get3A_514, %mul3A_516 : vector<16xf32>
        %get3A_518 = arith.index_cast %scan3A_189 : i32 to index
        %get3A_519 = arith.constant 304 : index
        %get3A_520 = tpu.vector_load %arg7[%get3A_518, %get3A_519] {strides = array<i32>} : memref<32x512xf32, #tpu.memory_space<vmem>>, vector<1x16xf32>,
        %get3A_521 = vector.shape_cast %get3A_520 : vector<1x16xf32> to vector<16xf32>
        %add3A_522 = arith.addf %mul3A_517, %get3A_521 : vector<16xf32>
        %swap3A_523 = arith.index_cast %scan3A_189 : i32 to index
        %swap3A_524 = arith.constant 304 : index
        %swap3A_525 = tpu.vector_load %arg9[%swap3A_523, %swap3A_524] {strides = array<i32>} : memref<32x512xf32, #tpu.memory_space<vmem>>, vector<1x16xf32>,
        %swap3A_526 = vector.shape_cast %swap3A_525 : vector<1x16xf32> to vector<16xf32>
        %swap3A_527 = vector.shape_cast %add3A_522 : vector<16xf32> to vector<1x16xf32>
        tpu.vector_store %arg9[%swap3A_523, %swap3A_524], %swap3A_527 {strides = array<i32>} : memref<32x512xf32, #tpu.memory_space<vmem>>, vector<1x16xf32>,
        %get3A_528 = arith.index_cast %scan3A_189 : i32 to index
        %get3A_529 = arith.constant 320 : index
        %get3A_530 = tpu.vector_load %arg9[%get3A_528, %get3A_529] {strides = array<i32>} : memref<32x512xf32, #tpu.memory_space<vmem>>, vector<1x16xf32>,
        %get3A_531 = vector.shape_cast %get3A_530 : vector<1x16xf32> to vector<16xf32>
        %mul3A_532 = arith.constant 22.6274166 : f32
        %mul3A_533 = vector.broadcast %mul3A_532 : f32 to vector<16xf32>
        %mul3A_534 = arith.mulf %get3A_531, %mul3A_533 : vector<16xf32>
        %get3A_535 = arith.index_cast %scan3A_189 : i32 to index
        %get3A_536 = arith.constant 320 : index
        %get3A_537 = tpu.vector_load %arg7[%get3A_535, %get3A_536] {strides = array<i32>} : memref<32x512xf32, #tpu.memory_space<vmem>>, vector<1x16xf32>,
        %get3A_538 = vector.shape_cast %get3A_537 : vector<1x16xf32> to vector<16xf32>
        %add3A_539 = arith.addf %mul3A_534, %get3A_538 : vector<16xf32>
        %swap3A_540 = arith.index_cast %scan3A_189 : i32 to index
        %swap3A_541 = arith.constant 320 : index
        %swap3A_542 = tpu.vector_load %arg9[%swap3A_540, %swap3A_541] {strides = array<i32>} : memref<32x512xf32, #tpu.memory_space<vmem>>, vector<1x16xf32>,
        %swap3A_543 = vector.shape_cast %swap3A_542 : vector<1x16xf32> to vector<16xf32>
        %swap3A_544 = vector.shape_cast %add3A_539 : vector<16xf32> to vector<1x16xf32>
        tpu.vector_store %arg9[%swap3A_540, %swap3A_541], %swap3A_544 {strides = array<i32>} : memref<32x512xf32, #tpu.memory_space<vmem>>, vector<1x16xf32>,
        %get3A_545 = arith.index_cast %scan3A_189 : i32 to index
        %get3A_546 = arith.constant 336 : index
        %get3A_547 = tpu.vector_load %arg9[%get3A_545, %get3A_546] {strides = array<i32>} : memref<32x512xf32, #tpu.memory_space<vmem>>, vector<1x16xf32>,
        %get3A_548 = vector.shape_cast %get3A_547 : vector<1x16xf32> to vector<16xf32>
        %mul3A_549 = arith.constant 22.6274166 : f32
        %mul3A_550 = vector.broadcast %mul3A_549 : f32 to vector<16xf32>
        %mul3A_551 = arith.mulf %get3A_548, %mul3A_550 : vector<16xf32>
        %get3A_552 = arith.index_cast %scan3A_189 : i32 to index
        %get3A_553 = arith.constant 336 : index
        %get3A_554 = tpu.vector_load %arg7[%get3A_552, %get3A_553] {strides = array<i32>} : memref<32x512xf32, #tpu.memory_space<vmem>>, vector<1x16xf32>,
        %get3A_555 = vector.shape_cast %get3A_554 : vector<1x16xf32> to vector<16xf32>
        %add3A_556 = arith.addf %mul3A_551, %get3A_555 : vector<16xf32>
        %swap3A_557 = arith.index_cast %scan3A_189 : i32 to index
        %swap3A_558 = arith.constant 336 : index
        %swap3A_559 = tpu.vector_load %arg9[%swap3A_557, %swap3A_558] {strides = array<i32>} : memref<32x512xf32, #tpu.memory_space<vmem>>, vector<1x16xf32>,
        %swap3A_560 = vector.shape_cast %swap3A_559 : vector<1x16xf32> to vector<16xf32>
        %swap3A_561 = vector.shape_cast %add3A_556 : vector<16xf32> to vector<1x16xf32>
        tpu.vector_store %arg9[%swap3A_557, %swap3A_558], %swap3A_561 {strides = array<i32>} : memref<32x512xf32, #tpu.memory_space<vmem>>, vector<1x16xf32>,
        %get3A_562 = arith.index_cast %scan3A_189 : i32 to index
        %get3A_563 = arith.constant 352 : index
        %get3A_564 = tpu.vector_load %arg9[%get3A_562, %get3A_563] {strides = array<i32>} : memref<32x512xf32, #tpu.memory_space<vmem>>, vector<1x16xf32>,
        %get3A_565 = vector.shape_cast %get3A_564 : vector<1x16xf32> to vector<16xf32>
        %mul3A_566 = arith.constant 22.6274166 : f32
        %mul3A_567 = vector.broadcast %mul3A_566 : f32 to vector<16xf32>
        %mul3A_568 = arith.mulf %get3A_565, %mul3A_567 : vector<16xf32>
        %get3A_569 = arith.index_cast %scan3A_189 : i32 to index
        %get3A_570 = arith.constant 352 : index
        %get3A_571 = tpu.vector_load %arg7[%get3A_569, %get3A_570] {strides = array<i32>} : memref<32x512xf32, #tpu.memory_space<vmem>>, vector<1x16xf32>,
        %get3A_572 = vector.shape_cast %get3A_571 : vector<1x16xf32> to vector<16xf32>
        %add3A_573 = arith.addf %mul3A_568, %get3A_572 : vector<16xf32>
        %swap3A_574 = arith.index_cast %scan3A_189 : i32 to index
        %swap3A_575 = arith.constant 352 : index
        %swap3A_576 = tpu.vector_load %arg9[%swap3A_574, %swap3A_575] {strides = array<i32>} : memref<32x512xf32, #tpu.memory_space<vmem>>, vector<1x16xf32>,
        %swap3A_577 = vector.shape_cast %swap3A_576 : vector<1x16xf32> to vector<16xf32>
        %swap3A_578 = vector.shape_cast %add3A_573 : vector<16xf32> to vector<1x16xf32>
        tpu.vector_store %arg9[%swap3A_574, %swap3A_575], %swap3A_578 {strides = array<i32>} : memref<32x512xf32, #tpu.memory_space<vmem>>, vector<1x16xf32>,
        %get3A_579 = arith.index_cast %scan3A_189 : i32 to index
        %get3A_580 = arith.constant 368 : index
        %get3A_581 = tpu.vector_load %arg9[%get3A_579, %get3A_580] {strides = array<i32>} : memref<32x512xf32, #tpu.memory_space<vmem>>, vector<1x16xf32>,
        %get3A_582 = vector.shape_cast %get3A_581 : vector<1x16xf32> to vector<16xf32>
        %mul3A_583 = arith.constant 22.6274166 : f32
        %mul3A_584 = vector.broadcast %mul3A_583 : f32 to vector<16xf32>
        %mul3A_585 = arith.mulf %get3A_582, %mul3A_584 : vector<16xf32>
        %get3A_586 = arith.index_cast %scan3A_189 : i32 to index
        %get3A_587 = arith.constant 368 : index
        %get3A_588 = tpu.vector_load %arg7[%get3A_586, %get3A_587] {strides = array<i32>} : memref<32x512xf32, #tpu.memory_space<vmem>>, vector<1x16xf32>,
        %get3A_589 = vector.shape_cast %get3A_588 : vector<1x16xf32> to vector<16xf32>
        %add3A_590 = arith.addf %mul3A_585, %get3A_589 : vector<16xf32>
        %swap3A_591 = arith.index_cast %scan3A_189 : i32 to index
        %swap3A_592 = arith.constant 368 : index
        %swap3A_593 = tpu.vector_load %arg9[%swap3A_591, %swap3A_592] {strides = array<i32>} : memref<32x512xf32, #tpu.memory_space<vmem>>, vector<1x16xf32>,
        %swap3A_594 = vector.shape_cast %swap3A_593 : vector<1x16xf32> to vector<16xf32>
        %swap3A_595 = vector.shape_cast %add3A_590 : vector<16xf32> to vector<1x16xf32>
        tpu.vector_store %arg9[%swap3A_591, %swap3A_592], %swap3A_595 {strides = array<i32>} : memref<32x512xf32, #tpu.memory_space<vmem>>, vector<1x16xf32>,
        %get3A_596 = arith.index_cast %scan3A_189 : i32 to index
        %get3A_597 = arith.constant 384 : index
        %get3A_598 = tpu.vector_load %arg9[%get3A_596, %get3A_597] {strides = array<i32>} : memref<32x512xf32, #tpu.memory_space<vmem>>, vector<1x16xf32>,
        %get3A_599 = vector.shape_cast %get3A_598 : vector<1x16xf32> to vector<16xf32>
        %mul3A_600 = arith.constant 22.6274166 : f32
        %mul3A_601 = vector.broadcast %mul3A_600 : f32 to vector<16xf32>
        %mul3A_602 = arith.mulf %get3A_599, %mul3A_601 : vector<16xf32>
        %get3A_603 = arith.index_cast %scan3A_189 : i32 to index
        %get3A_604 = arith.constant 384 : index
        %get3A_605 = tpu.vector_load %arg7[%get3A_603, %get3A_604] {strides = array<i32>} : memref<32x512xf32, #tpu.memory_space<vmem>>, vector<1x16xf32>,
        %get3A_606 = vector.shape_cast %get3A_605 : vector<1x16xf32> to vector<16xf32>
        %add3A_607 = arith.addf %mul3A_602, %get3A_606 : vector<16xf32>
        %swap3A_608 = arith.index_cast %scan3A_189 : i32 to index
        %swap3A_609 = arith.constant 384 : index
        %swap3A_610 = tpu.vector_load %arg9[%swap3A_608, %swap3A_609] {strides = array<i32>} : memref<32x512xf32, #tpu.memory_space<vmem>>, vector<1x16xf32>,
        %swap3A_611 = vector.shape_cast %swap3A_610 : vector<1x16xf32> to vector<16xf32>
        %swap3A_612 = vector.shape_cast %add3A_607 : vector<16xf32> to vector<1x16xf32>
        tpu.vector_store %arg9[%swap3A_608, %swap3A_609], %swap3A_612 {strides = array<i32>} : memref<32x512xf32, #tpu.memory_space<vmem>>, vector<1x16xf32>,
        %get3A_613 = arith.index_cast %scan3A_189 : i32 to index
        %get3A_614 = arith.constant 400 : index
        %get3A_615 = tpu.vector_load %arg9[%get3A_613, %get3A_614] {strides = array<i32>} : memref<32x512xf32, #tpu.memory_space<vmem>>, vector<1x16xf32>,
        %get3A_616 = vector.shape_cast %get3A_615 : vector<1x16xf32> to vector<16xf32>
        %mul3A_617 = arith.constant 22.6274166 : f32
        %mul3A_618 = vector.broadcast %mul3A_617 : f32 to vector<16xf32>
        %mul3A_619 = arith.mulf %get3A_616, %mul3A_618 : vector<16xf32>
        %get3A_620 = arith.index_cast %scan3A_189 : i32 to index
        %get3A_621 = arith.constant 400 : index
        %get3A_622 = tpu.vector_load %arg7[%get3A_620, %get3A_621] {strides = array<i32>} : memref<32x512xf32, #tpu.memory_space<vmem>>, vector<1x16xf32>,
        %get3A_623 = vector.shape_cast %get3A_622 : vector<1x16xf32> to vector<16xf32>
        %add3A_624 = arith.addf %mul3A_619, %get3A_623 : vector<16xf32>
        %swap3A_625 = arith.index_cast %scan3A_189 : i32 to index
        %swap3A_626 = arith.constant 400 : index
        %swap3A_627 = tpu.vector_load %arg9[%swap3A_625, %swap3A_626] {strides = array<i32>} : memref<32x512xf32, #tpu.memory_space<vmem>>, vector<1x16xf32>,
        %swap3A_628 = vector.shape_cast %swap3A_627 : vector<1x16xf32> to vector<16xf32>
        %swap3A_629 = vector.shape_cast %add3A_624 : vector<16xf32> to vector<1x16xf32>
        tpu.vector_store %arg9[%swap3A_625, %swap3A_626], %swap3A_629 {strides = array<i32>} : memref<32x512xf32, #tpu.memory_space<vmem>>, vector<1x16xf32>,
        %get3A_630 = arith.index_cast %scan3A_189 : i32 to index
        %get3A_631 = arith.constant 416 : index
        %get3A_632 = tpu.vector_load %arg9[%get3A_630, %get3A_631] {strides = array<i32>} : memref<32x512xf32, #tpu.memory_space<vmem>>, vector<1x16xf32>,
        %get3A_633 = vector.shape_cast %get3A_632 : vector<1x16xf32> to vector<16xf32>
        %mul3A_634 = arith.constant 22.6274166 : f32
        %mul3A_635 = vector.broadcast %mul3A_634 : f32 to vector<16xf32>
        %mul3A_636 = arith.mulf %get3A_633, %mul3A_635 : vector<16xf32>
        %get3A_637 = arith.index_cast %scan3A_189 : i32 to index
        %get3A_638 = arith.constant 416 : index
        %get3A_639 = tpu.vector_load %arg7[%get3A_637, %get3A_638] {strides = array<i32>} : memref<32x512xf32, #tpu.memory_space<vmem>>, vector<1x16xf32>,
        %get3A_640 = vector.shape_cast %get3A_639 : vector<1x16xf32> to vector<16xf32>
        %add3A_641 = arith.addf %mul3A_636, %get3A_640 : vector<16xf32>
        %swap3A_642 = arith.index_cast %scan3A_189 : i32 to index
        %swap3A_643 = arith.constant 416 : index
        %swap3A_644 = tpu.vector_load %arg9[%swap3A_642, %swap3A_643] {strides = array<i32>} : memref<32x512xf32, #tpu.memory_space<vmem>>, vector<1x16xf32>,
        %swap3A_645 = vector.shape_cast %swap3A_644 : vector<1x16xf32> to vector<16xf32>
        %swap3A_646 = vector.shape_cast %add3A_641 : vector<16xf32> to vector<1x16xf32>
        tpu.vector_store %arg9[%swap3A_642, %swap3A_643], %swap3A_646 {strides = array<i32>} : memref<32x512xf32, #tpu.memory_space<vmem>>, vector<1x16xf32>,
        %get3A_647 = arith.index_cast %scan3A_189 : i32 to index
        %get3A_648 = arith.constant 432 : index
        %get3A_649 = tpu.vector_load %arg9[%get3A_647, %get3A_648] {strides = array<i32>} : memref<32x512xf32, #tpu.memory_space<vmem>>, vector<1x16xf32>,
        %get3A_650 = vector.shape_cast %get3A_649 : vector<1x16xf32> to vector<16xf32>
        %mul3A_651 = arith.constant 22.6274166 : f32
        %mul3A_652 = vector.broadcast %mul3A_651 : f32 to vector<16xf32>
        %mul3A_653 = arith.mulf %get3A_650, %mul3A_652 : vector<16xf32>
        %get3A_654 = arith.index_cast %scan3A_189 : i32 to index
        %get3A_655 = arith.constant 432 : index
        %get3A_656 = tpu.vector_load %arg7[%get3A_654, %get3A_655] {strides = array<i32>} : memref<32x512xf32, #tpu.memory_space<vmem>>, vector<1x16xf32>,
        %get3A_657 = vector.shape_cast %get3A_656 : vector<1x16xf32> to vector<16xf32>
        %add3A_658 = arith.addf %mul3A_653, %get3A_657 : vector<16xf32>
        %swap3A_659 = arith.index_cast %scan3A_189 : i32 to index
        %swap3A_660 = arith.constant 432 : index
        %swap3A_661 = tpu.vector_load %arg9[%swap3A_659, %swap3A_660] {strides = array<i32>} : memref<32x512xf32, #tpu.memory_space<vmem>>, vector<1x16xf32>,
        %swap3A_662 = vector.shape_cast %swap3A_661 : vector<1x16xf32> to vector<16xf32>
        %swap3A_663 = vector.shape_cast %add3A_658 : vector<16xf32> to vector<1x16xf32>
        tpu.vector_store %arg9[%swap3A_659, %swap3A_660], %swap3A_663 {strides = array<i32>} : memref<32x512xf32, #tpu.memory_space<vmem>>, vector<1x16xf32>,
        %get3A_664 = arith.index_cast %scan3A_189 : i32 to index
        %get3A_665 = arith.constant 448 : index
        %get3A_666 = tpu.vector_load %arg9[%get3A_664, %get3A_665] {strides = array<i32>} : memref<32x512xf32, #tpu.memory_space<vmem>>, vector<1x16xf32>,
        %get3A_667 = vector.shape_cast %get3A_666 : vector<1x16xf32> to vector<16xf32>
        %mul3A_668 = arith.constant 22.6274166 : f32
        %mul3A_669 = vector.broadcast %mul3A_668 : f32 to vector<16xf32>
        %mul3A_670 = arith.mulf %get3A_667, %mul3A_669 : vector<16xf32>
        %get3A_671 = arith.index_cast %scan3A_189 : i32 to index
        %get3A_672 = arith.constant 448 : index
        %get3A_673 = tpu.vector_load %arg7[%get3A_671, %get3A_672] {strides = array<i32>} : memref<32x512xf32, #tpu.memory_space<vmem>>, vector<1x16xf32>,
        %get3A_674 = vector.shape_cast %get3A_673 : vector<1x16xf32> to vector<16xf32>
        %add3A_675 = arith.addf %mul3A_670, %get3A_674 : vector<16xf32>
        %swap3A_676 = arith.index_cast %scan3A_189 : i32 to index
        %swap3A_677 = arith.constant 448 : index
        %swap3A_678 = tpu.vector_load %arg9[%swap3A_676, %swap3A_677] {strides = array<i32>} : memref<32x512xf32, #tpu.memory_space<vmem>>, vector<1x16xf32>,
        %swap3A_679 = vector.shape_cast %swap3A_678 : vector<1x16xf32> to vector<16xf32>
        %swap3A_680 = vector.shape_cast %add3A_675 : vector<16xf32> to vector<1x16xf32>
        tpu.vector_store %arg9[%swap3A_676, %swap3A_677], %swap3A_680 {strides = array<i32>} : memref<32x512xf32, #tpu.memory_space<vmem>>, vector<1x16xf32>,
        %get3A_681 = arith.index_cast %scan3A_189 : i32 to index
        %get3A_682 = arith.constant 464 : index
        %get3A_683 = tpu.vector_load %arg9[%get3A_681, %get3A_682] {strides = array<i32>} : memref<32x512xf32, #tpu.memory_space<vmem>>, vector<1x16xf32>,
        %get3A_684 = vector.shape_cast %get3A_683 : vector<1x16xf32> to vector<16xf32>
        %mul3A_685 = arith.constant 22.6274166 : f32
        %mul3A_686 = vector.broadcast %mul3A_685 : f32 to vector<16xf32>
        %mul3A_687 = arith.mulf %get3A_684, %mul3A_686 : vector<16xf32>
        %get3A_688 = arith.index_cast %scan3A_189 : i32 to index
        %get3A_689 = arith.constant 464 : index
        %get3A_690 = tpu.vector_load %arg7[%get3A_688, %get3A_689] {strides = array<i32>} : memref<32x512xf32, #tpu.memory_space<vmem>>, vector<1x16xf32>,
        %get3A_691 = vector.shape_cast %get3A_690 : vector<1x16xf32> to vector<16xf32>
        %add3A_692 = arith.addf %mul3A_687, %get3A_691 : vector<16xf32>
        %swap3A_693 = arith.index_cast %scan3A_189 : i32 to index
        %swap3A_694 = arith.constant 464 : index
        %swap3A_695 = tpu.vector_load %arg9[%swap3A_693, %swap3A_694] {strides = array<i32>} : memref<32x512xf32, #tpu.memory_space<vmem>>, vector<1x16xf32>,
        %swap3A_696 = vector.shape_cast %swap3A_695 : vector<1x16xf32> to vector<16xf32>
        %swap3A_697 = vector.shape_cast %add3A_692 : vector<16xf32> to vector<1x16xf32>
        tpu.vector_store %arg9[%swap3A_693, %swap3A_694], %swap3A_697 {strides = array<i32>} : memref<32x512xf32, #tpu.memory_space<vmem>>, vector<1x16xf32>,
        %get3A_698 = arith.index_cast %scan3A_189 : i32 to index
        %get3A_699 = arith.constant 480 : index
        %get3A_700 = tpu.vector_load %arg9[%get3A_698, %get3A_699] {strides = array<i32>} : memref<32x512xf32, #tpu.memory_space<vmem>>, vector<1x16xf32>,
        %get3A_701 = vector.shape_cast %get3A_700 : vector<1x16xf32> to vector<16xf32>
        %mul3A_702 = arith.constant 22.6274166 : f32
        %mul3A_703 = vector.broadcast %mul3A_702 : f32 to vector<16xf32>
        %mul3A_704 = arith.mulf %get3A_701, %mul3A_703 : vector<16xf32>
        %get3A_705 = arith.index_cast %scan3A_189 : i32 to index
        %get3A_706 = arith.constant 480 : index
        %get3A_707 = tpu.vector_load %arg7[%get3A_705, %get3A_706] {strides = array<i32>} : memref<32x512xf32, #tpu.memory_space<vmem>>, vector<1x16xf32>,
        %get3A_708 = vector.shape_cast %get3A_707 : vector<1x16xf32> to vector<16xf32>
        %add3A_709 = arith.addf %mul3A_704, %get3A_708 : vector<16xf32>
        %swap3A_710 = arith.index_cast %scan3A_189 : i32 to index
        %swap3A_711 = arith.constant 480 : index
        %swap3A_712 = tpu.vector_load %arg9[%swap3A_710, %swap3A_711] {strides = array<i32>} : memref<32x512xf32, #tpu.memory_space<vmem>>, vector<1x16xf32>,
        %swap3A_713 = vector.shape_cast %swap3A_712 : vector<1x16xf32> to vector<16xf32>
        %swap3A_714 = vector.shape_cast %add3A_709 : vector<16xf32> to vector<1x16xf32>
        tpu.vector_store %arg9[%swap3A_710, %swap3A_711], %swap3A_714 {strides = array<i32>} : memref<32x512xf32, #tpu.memory_space<vmem>>, vector<1x16xf32>,
        %get3A_715 = arith.index_cast %scan3A_189 : i32 to index
        %get3A_716 = arith.constant 496 : index
        %get3A_717 = tpu.vector_load %arg9[%get3A_715, %get3A_716] {strides = array<i32>} : memref<32x512xf32, #tpu.memory_space<vmem>>, vector<1x16xf32>,
        %get3A_718 = vector.shape_cast %get3A_717 : vector<1x16xf32> to vector<16xf32>
        %mul3A_719 = arith.constant 22.6274166 : f32
        %mul3A_720 = vector.broadcast %mul3A_719 : f32 to vector<16xf32>
        %mul3A_721 = arith.mulf %get3A_718, %mul3A_720 : vector<16xf32>
        %get3A_722 = arith.index_cast %scan3A_189 : i32 to index
        %get3A_723 = arith.constant 496 : index
        %get3A_724 = tpu.vector_load %arg7[%get3A_722, %get3A_723] {strides = array<i32>} : memref<32x512xf32, #tpu.memory_space<vmem>>, vector<1x16xf32>,
        %get3A_725 = vector.shape_cast %get3A_724 : vector<1x16xf32> to vector<16xf32>
        %add3A_726 = arith.addf %mul3A_721, %get3A_725 : vector<16xf32>
        %swap3A_727 = arith.index_cast %scan3A_189 : i32 to index
        %swap3A_728 = arith.constant 496 : index
        %swap3A_729 = tpu.vector_load %arg9[%swap3A_727, %swap3A_728] {strides = array<i32>} : memref<32x512xf32, #tpu.memory_space<vmem>>, vector<1x16xf32>,
        %swap3A_730 = vector.shape_cast %swap3A_729 : vector<1x16xf32> to vector<16xf32>
        %swap3A_731 = vector.shape_cast %add3A_726 : vector<16xf32> to vector<1x16xf32>
        tpu.vector_store %arg9[%swap3A_727, %swap3A_728], %swap3A_731 {strides = array<i32>} : memref<32x512xf32, #tpu.memory_space<vmem>>, vector<1x16xf32>,
      }
      %scan3A_108 = arith.constant 32 : i32
      %dma_start3A_109 = arith.constant 0 : i32
      %dma_start3A_110 = tpu.memref_slice %arg5[%add3A_96, %mul3A_2, %dma_start3A_109] : memref<64x1024x512xf32, #tpu.memory_space<hbm>> -> memref<1x32x512xf32, #tpu.memory_space<hbm>>
      %dma_start3A_111 = tpu.memref_squeeze %dma_start3A_110 : memref<1x32x512xf32, #tpu.memory_space<hbm>> -> memref<32x512xf32, #tpu.memory_space<hbm>>
      %dma_start3A_112 = arith.constant 0 : i32
      %dma_start3A_113 = tpu.memref_slice %arg5[%add3A_96, %mul3A_2, %dma_start3A_112] : memref<64x1024x512xf32, #tpu.memory_space<hbm>> -> memref<1x32x512xf32, #tpu.memory_space<hbm>>
      %dma_start3A_114 = tpu.memref_squeeze %dma_start3A_113 : memref<1x32x512xf32, #tpu.memory_space<hbm>> -> memref<32x512xf32, #tpu.memory_space<hbm>>
      tpu.enqueue_dma source(%arg9 : memref<32x512xf32, #tpu.memory_space<vmem>>) target(%dma_start3A_114 : memref<32x512xf32, #tpu.memory_space<hbm>>) target_semaphore(%arg17 : memref<!tpu.dma_semaphore, #tpu.memory_space<semaphore_mem>>)
      %add3A_115 = arith.constant 3 : i32
      %add3A_116 = arith.addi %add3A_96, %add3A_115 : i32
      %ge3A_117 = arith.constant 4 : i32
      %ge3A_118 = arith.cmpi sge, %add3A_116, %ge3A_117 : i32
      %lt3A_119 = arith.constant 64 : i32
      %lt3A_120 = arith.cmpi slt, %add3A_116, %lt3A_119 : i32
      %and3A_121 = arith.andi %ge3A_118, %lt3A_120 : i1
      %convert_element_type3A_122 = arith.extui %and3A_121 : i1 to i32
      %cond3A_123 = arith.constant 0 : i32
      %cond3A_124 = arith.cmpi ne, %convert_element_type3A_122, %cond3A_123 : i32
      scf.if %cond3A_124 {
        %dma_wait3A_189 = arith.constant 0 : i32
        %dma_wait3A_190 = arith.constant 0 : i32
        %dma_wait3A_191 = tpu.memref_slice %arg5[%dma_wait3A_189, %mul3A_2, %dma_wait3A_190] : memref<64x1024x512xf32, #tpu.memory_space<hbm>> -> memref<1x32x512xf32, #tpu.memory_space<hbm>>
        %dma_wait3A_192 = tpu.memref_squeeze %dma_wait3A_191 : memref<1x32x512xf32, #tpu.memory_space<hbm>> -> memref<32x512xf32, #tpu.memory_space<hbm>>
        %dma_wait3A_193 = arith.constant 0 : i32
        %dma_wait3A_194 = tpu.memref_slice %arg5[%dma_wait3A_189, %mul3A_2, %dma_wait3A_193] : memref<64x1024x512xf32, #tpu.memory_space<hbm>> -> memref<1x32x512xf32, #tpu.memory_space<hbm>>
        %dma_wait3A_195 = tpu.memref_squeeze %dma_wait3A_194 : memref<1x32x512xf32, #tpu.memory_space<hbm>> -> memref<32x512xf32, #tpu.memory_space<hbm>>
        tpu.wait_dma2 semaphore(%arg16 : memref<!tpu.dma_semaphore, #tpu.memory_space<semaphore_mem>>) src(%arg8 : memref<32x512xf32, #tpu.memory_space<vmem>>) dst(%dma_wait3A_195 : memref<32x512xf32, #tpu.memory_space<hbm>>)
        %dma_start3A_196 = arith.constant 0 : i32
        %dma_start3A_197 = tpu.memref_slice %arg6[%add3A_116, %dma_start3A_196] : memref<64x32xi32, #tpu.memory_space<vmem>> -> memref<1x32xi32, #tpu.memory_space<vmem>>
        %dma_start3A_198 = tpu.memref_squeeze %dma_start3A_197 : memref<1x32xi32, #tpu.memory_space<vmem>> -> memref<32xi32, #tpu.memory_space<vmem>>
        %dma_start3A_199 = arith.constant 0 : i32
        %dma_start3A_200 = arith.constant 0 : i32
        %dma_start3A_201 = tpu.memref_slice %arg4[%dma_start3A_199, %dma_start3A_200] : memref<151667x512xf32, #tpu.memory_space<hbm>> -> memref<151667x512xf32, #tpu.memory_space<hbm>>
        tpu.enqueue_indirect_dma source(%dma_start3A_201 : memref<151667x512xf32, #tpu.memory_space<hbm>>) target(%arg8 : memref<32x512xf32, #tpu.memory_space<vmem>>) offsets(%dma_start3A_198 : memref<32xi32, #tpu.memory_space<vmem>>) semaphore(%arg12 : memref<!tpu.dma_semaphore, #tpu.memory_space<semaphore_mem>>)
      } else {
      }
      %mul3A_125 = arith.constant 4 : i32
      %mul3A_126 = arith.muli %add3A_65, %mul3A_125 : i32
      %add3A_127 = arith.constant 2 : i32
      %add3A_128 = arith.addi %mul3A_126, %add3A_127 : i32
      %dma_wait3A_129 = arith.constant 0 : i32
      %dma_wait3A_130 = arith.constant 0 : i32
      %dma_wait3A_131 = tpu.memref_slice %arg6[%dma_wait3A_129, %dma_wait3A_130] : memref<64x32xi32, #tpu.memory_space<vmem>> -> memref<1x32xi32, #tpu.memory_space<vmem>>
      %dma_wait3A_132 = tpu.memref_squeeze %dma_wait3A_131 : memref<1x32xi32, #tpu.memory_space<vmem>> -> memref<32xi32, #tpu.memory_space<vmem>>
      %dma_wait3A_133 = arith.constant 0 : i32
      %dma_wait3A_134 = arith.constant 0 : i32
      %dma_wait3A_135 = tpu.memref_slice %arg4[%dma_wait3A_133, %dma_wait3A_134] : memref<151667x512xf32, #tpu.memory_space<hbm>> -> memref<151667x512xf32, #tpu.memory_space<hbm>>
      tpu.wait_indirect_dma semaphore(%arg14 : memref<!tpu.dma_semaphore, #tpu.memory_space<semaphore_mem>>) src(%dma_wait3A_135 : memref<151667x512xf32, #tpu.memory_space<hbm>>) dst(%arg10 : memref<32x512xf32, #tpu.memory_space<vmem>>)
      %scan3A_136 = arith.constant 0 : i32
      %scan3A_137 = arith.constant 32 : i32
      %scan3A_138 = arith.addi %scan3A_136, %scan3A_137 : i32
      %scan3A_139 = arith.constant 1 : i32
      scf.for %scan3A_189 = %scan3A_136 to %scan3A_138 step %scan3A_139  : i32 {
        %get3A = arith.index_cast %scan3A_189 : i32 to index
        %get3A_190 = arith.constant 0 : index
        %get3A_191 = tpu.vector_load %arg10[%get3A, %get3A_190] {strides = array<i32>} : memref<32x512xf32, #tpu.memory_space<vmem>>, vector<1x16xf32>,
        %get3A_192 = vector.shape_cast %get3A_191 : vector<1x16xf32> to vector<16xf32>
        %mul3A_193 = arith.constant 22.6274166 : f32
        %mul3A_194 = vector.broadcast %mul3A_193 : f32 to vector<16xf32>
        %mul3A_195 = arith.mulf %get3A_192, %mul3A_194 : vector<16xf32>
        %get3A_196 = arith.index_cast %scan3A_189 : i32 to index
        %get3A_197 = arith.constant 0 : index
        %get3A_198 = tpu.vector_load %arg7[%get3A_196, %get3A_197] {strides = array<i32>} : memref<32x512xf32, #tpu.memory_space<vmem>>, vector<1x16xf32>,
        %get3A_199 = vector.shape_cast %get3A_198 : vector<1x16xf32> to vector<16xf32>
        %add3A_200 = arith.addf %mul3A_195, %get3A_199 : vector<16xf32>
        %swap3A = arith.index_cast %scan3A_189 : i32 to index
        %swap3A_201 = arith.constant 0 : index
        %swap3A_202 = tpu.vector_load %arg10[%swap3A, %swap3A_201] {strides = array<i32>} : memref<32x512xf32, #tpu.memory_space<vmem>>, vector<1x16xf32>,
        %swap3A_203 = vector.shape_cast %swap3A_202 : vector<1x16xf32> to vector<16xf32>
        %swap3A_204 = vector.shape_cast %add3A_200 : vector<16xf32> to vector<1x16xf32>
        tpu.vector_store %arg10[%swap3A, %swap3A_201], %swap3A_204 {strides = array<i32>} : memref<32x512xf32, #tpu.memory_space<vmem>>, vector<1x16xf32>,
        %get3A_205 = arith.index_cast %scan3A_189 : i32 to index
        %get3A_206 = arith.constant 16 : index
        %get3A_207 = tpu.vector_load %arg10[%get3A_205, %get3A_206] {strides = array<i32>} : memref<32x512xf32, #tpu.memory_space<vmem>>, vector<1x16xf32>,
        %get3A_208 = vector.shape_cast %get3A_207 : vector<1x16xf32> to vector<16xf32>
        %mul3A_209 = arith.constant 22.6274166 : f32
        %mul3A_210 = vector.broadcast %mul3A_209 : f32 to vector<16xf32>
        %mul3A_211 = arith.mulf %get3A_208, %mul3A_210 : vector<16xf32>
        %get3A_212 = arith.index_cast %scan3A_189 : i32 to index
        %get3A_213 = arith.constant 16 : index
        %get3A_214 = tpu.vector_load %arg7[%get3A_212, %get3A_213] {strides = array<i32>} : memref<32x512xf32, #tpu.memory_space<vmem>>, vector<1x16xf32>,
        %get3A_215 = vector.shape_cast %get3A_214 : vector<1x16xf32> to vector<16xf32>
        %add3A_216 = arith.addf %mul3A_211, %get3A_215 : vector<16xf32>
        %swap3A_217 = arith.index_cast %scan3A_189 : i32 to index
        %swap3A_218 = arith.constant 16 : index
        %swap3A_219 = tpu.vector_load %arg10[%swap3A_217, %swap3A_218] {strides = array<i32>} : memref<32x512xf32, #tpu.memory_space<vmem>>, vector<1x16xf32>,
        %swap3A_220 = vector.shape_cast %swap3A_219 : vector<1x16xf32> to vector<16xf32>
        %swap3A_221 = vector.shape_cast %add3A_216 : vector<16xf32> to vector<1x16xf32>
        tpu.vector_store %arg10[%swap3A_217, %swap3A_218], %swap3A_221 {strides = array<i32>} : memref<32x512xf32, #tpu.memory_space<vmem>>, vector<1x16xf32>,
        %get3A_222 = arith.index_cast %scan3A_189 : i32 to index
        %get3A_223 = arith.constant 32 : index
        %get3A_224 = tpu.vector_load %arg10[%get3A_222, %get3A_223] {strides = array<i32>} : memref<32x512xf32, #tpu.memory_space<vmem>>, vector<1x16xf32>,
        %get3A_225 = vector.shape_cast %get3A_224 : vector<1x16xf32> to vector<16xf32>
        %mul3A_226 = arith.constant 22.6274166 : f32
        %mul3A_227 = vector.broadcast %mul3A_226 : f32 to vector<16xf32>
        %mul3A_228 = arith.mulf %get3A_225, %mul3A_227 : vector<16xf32>
        %get3A_229 = arith.index_cast %scan3A_189 : i32 to index
        %get3A_230 = arith.constant 32 : index
        %get3A_231 = tpu.vector_load %arg7[%get3A_229, %get3A_230] {strides = array<i32>} : memref<32x512xf32, #tpu.memory_space<vmem>>, vector<1x16xf32>,
        %get3A_232 = vector.shape_cast %get3A_231 : vector<1x16xf32> to vector<16xf32>
        %add3A_233 = arith.addf %mul3A_228, %get3A_232 : vector<16xf32>
        %swap3A_234 = arith.index_cast %scan3A_189 : i32 to index
        %swap3A_235 = arith.constant 32 : index
        %swap3A_236 = tpu.vector_load %arg10[%swap3A_234, %swap3A_235] {strides = array<i32>} : memref<32x512xf32, #tpu.memory_space<vmem>>, vector<1x16xf32>,
        %swap3A_237 = vector.shape_cast %swap3A_236 : vector<1x16xf32> to vector<16xf32>
        %swap3A_238 = vector.shape_cast %add3A_233 : vector<16xf32> to vector<1x16xf32>
        tpu.vector_store %arg10[%swap3A_234, %swap3A_235], %swap3A_238 {strides = array<i32>} : memref<32x512xf32, #tpu.memory_space<vmem>>, vector<1x16xf32>,
        %get3A_239 = arith.index_cast %scan3A_189 : i32 to index
        %get3A_240 = arith.constant 48 : index
        %get3A_241 = tpu.vector_load %arg10[%get3A_239, %get3A_240] {strides = array<i32>} : memref<32x512xf32, #tpu.memory_space<vmem>>, vector<1x16xf32>,
        %get3A_242 = vector.shape_cast %get3A_241 : vector<1x16xf32> to vector<16xf32>
        %mul3A_243 = arith.constant 22.6274166 : f32
        %mul3A_244 = vector.broadcast %mul3A_243 : f32 to vector<16xf32>
        %mul3A_245 = arith.mulf %get3A_242, %mul3A_244 : vector<16xf32>
        %get3A_246 = arith.index_cast %scan3A_189 : i32 to index
        %get3A_247 = arith.constant 48 : index
        %get3A_248 = tpu.vector_load %arg7[%get3A_246, %get3A_247] {strides = array<i32>} : memref<32x512xf32, #tpu.memory_space<vmem>>, vector<1x16xf32>,
        %get3A_249 = vector.shape_cast %get3A_248 : vector<1x16xf32> to vector<16xf32>
        %add3A_250 = arith.addf %mul3A_245, %get3A_249 : vector<16xf32>
        %swap3A_251 = arith.index_cast %scan3A_189 : i32 to index
        %swap3A_252 = arith.constant 48 : index
        %swap3A_253 = tpu.vector_load %arg10[%swap3A_251, %swap3A_252] {strides = array<i32>} : memref<32x512xf32, #tpu.memory_space<vmem>>, vector<1x16xf32>,
        %swap3A_254 = vector.shape_cast %swap3A_253 : vector<1x16xf32> to vector<16xf32>
        %swap3A_255 = vector.shape_cast %add3A_250 : vector<16xf32> to vector<1x16xf32>
        tpu.vector_store %arg10[%swap3A_251, %swap3A_252], %swap3A_255 {strides = array<i32>} : memref<32x512xf32, #tpu.memory_space<vmem>>, vector<1x16xf32>,
        %get3A_256 = arith.index_cast %scan3A_189 : i32 to index
        %get3A_257 = arith.constant 64 : index
        %get3A_258 = tpu.vector_load %arg10[%get3A_256, %get3A_257] {strides = array<i32>} : memref<32x512xf32, #tpu.memory_space<vmem>>, vector<1x16xf32>,
        %get3A_259 = vector.shape_cast %get3A_258 : vector<1x16xf32> to vector<16xf32>
        %mul3A_260 = arith.constant 22.6274166 : f32
        %mul3A_261 = vector.broadcast %mul3A_260 : f32 to vector<16xf32>
        %mul3A_262 = arith.mulf %get3A_259, %mul3A_261 : vector<16xf32>
        %get3A_263 = arith.index_cast %scan3A_189 : i32 to index
        %get3A_264 = arith.constant 64 : index
        %get3A_265 = tpu.vector_load %arg7[%get3A_263, %get3A_264] {strides = array<i32>} : memref<32x512xf32, #tpu.memory_space<vmem>>, vector<1x16xf32>,
        %get3A_266 = vector.shape_cast %get3A_265 : vector<1x16xf32> to vector<16xf32>
        %add3A_267 = arith.addf %mul3A_262, %get3A_266 : vector<16xf32>
        %swap3A_268 = arith.index_cast %scan3A_189 : i32 to index
        %swap3A_269 = arith.constant 64 : index
        %swap3A_270 = tpu.vector_load %arg10[%swap3A_268, %swap3A_269] {strides = array<i32>} : memref<32x512xf32, #tpu.memory_space<vmem>>, vector<1x16xf32>,
        %swap3A_271 = vector.shape_cast %swap3A_270 : vector<1x16xf32> to vector<16xf32>
        %swap3A_272 = vector.shape_cast %add3A_267 : vector<16xf32> to vector<1x16xf32>
        tpu.vector_store %arg10[%swap3A_268, %swap3A_269], %swap3A_272 {strides = array<i32>} : memref<32x512xf32, #tpu.memory_space<vmem>>, vector<1x16xf32>,
        %get3A_273 = arith.index_cast %scan3A_189 : i32 to index
        %get3A_274 = arith.constant 80 : index
        %get3A_275 = tpu.vector_load %arg10[%get3A_273, %get3A_274] {strides = array<i32>} : memref<32x512xf32, #tpu.memory_space<vmem>>, vector<1x16xf32>,
        %get3A_276 = vector.shape_cast %get3A_275 : vector<1x16xf32> to vector<16xf32>
        %mul3A_277 = arith.constant 22.6274166 : f32
        %mul3A_278 = vector.broadcast %mul3A_277 : f32 to vector<16xf32>
        %mul3A_279 = arith.mulf %get3A_276, %mul3A_278 : vector<16xf32>
        %get3A_280 = arith.index_cast %scan3A_189 : i32 to index
        %get3A_281 = arith.constant 80 : index
        %get3A_282 = tpu.vector_load %arg7[%get3A_280, %get3A_281] {strides = array<i32>} : memref<32x512xf32, #tpu.memory_space<vmem>>, vector<1x16xf32>,
        %get3A_283 = vector.shape_cast %get3A_282 : vector<1x16xf32> to vector<16xf32>
        %add3A_284 = arith.addf %mul3A_279, %get3A_283 : vector<16xf32>
        %swap3A_285 = arith.index_cast %scan3A_189 : i32 to index
        %swap3A_286 = arith.constant 80 : index
        %swap3A_287 = tpu.vector_load %arg10[%swap3A_285, %swap3A_286] {strides = array<i32>} : memref<32x512xf32, #tpu.memory_space<vmem>>, vector<1x16xf32>,
        %swap3A_288 = vector.shape_cast %swap3A_287 : vector<1x16xf32> to vector<16xf32>
        %swap3A_289 = vector.shape_cast %add3A_284 : vector<16xf32> to vector<1x16xf32>
        tpu.vector_store %arg10[%swap3A_285, %swap3A_286], %swap3A_289 {strides = array<i32>} : memref<32x512xf32, #tpu.memory_space<vmem>>, vector<1x16xf32>,
        %get3A_290 = arith.index_cast %scan3A_189 : i32 to index
        %get3A_291 = arith.constant 96 : index
        %get3A_292 = tpu.vector_load %arg10[%get3A_290, %get3A_291] {strides = array<i32>} : memref<32x512xf32, #tpu.memory_space<vmem>>, vector<1x16xf32>,
        %get3A_293 = vector.shape_cast %get3A_292 : vector<1x16xf32> to vector<16xf32>
        %mul3A_294 = arith.constant 22.6274166 : f32
        %mul3A_295 = vector.broadcast %mul3A_294 : f32 to vector<16xf32>
        %mul3A_296 = arith.mulf %get3A_293, %mul3A_295 : vector<16xf32>
        %get3A_297 = arith.index_cast %scan3A_189 : i32 to index
        %get3A_298 = arith.constant 96 : index
        %get3A_299 = tpu.vector_load %arg7[%get3A_297, %get3A_298] {strides = array<i32>} : memref<32x512xf32, #tpu.memory_space<vmem>>, vector<1x16xf32>,
        %get3A_300 = vector.shape_cast %get3A_299 : vector<1x16xf32> to vector<16xf32>
        %add3A_301 = arith.addf %mul3A_296, %get3A_300 : vector<16xf32>
        %swap3A_302 = arith.index_cast %scan3A_189 : i32 to index
        %swap3A_303 = arith.constant 96 : index
        %swap3A_304 = tpu.vector_load %arg10[%swap3A_302, %swap3A_303] {strides = array<i32>} : memref<32x512xf32, #tpu.memory_space<vmem>>, vector<1x16xf32>,
        %swap3A_305 = vector.shape_cast %swap3A_304 : vector<1x16xf32> to vector<16xf32>
        %swap3A_306 = vector.shape_cast %add3A_301 : vector<16xf32> to vector<1x16xf32>
        tpu.vector_store %arg10[%swap3A_302, %swap3A_303], %swap3A_306 {strides = array<i32>} : memref<32x512xf32, #tpu.memory_space<vmem>>, vector<1x16xf32>,
        %get3A_307 = arith.index_cast %scan3A_189 : i32 to index
        %get3A_308 = arith.constant 112 : index
        %get3A_309 = tpu.vector_load %arg10[%get3A_307, %get3A_308] {strides = array<i32>} : memref<32x512xf32, #tpu.memory_space<vmem>>, vector<1x16xf32>,
        %get3A_310 = vector.shape_cast %get3A_309 : vector<1x16xf32> to vector<16xf32>
        %mul3A_311 = arith.constant 22.6274166 : f32
        %mul3A_312 = vector.broadcast %mul3A_311 : f32 to vector<16xf32>
        %mul3A_313 = arith.mulf %get3A_310, %mul3A_312 : vector<16xf32>
        %get3A_314 = arith.index_cast %scan3A_189 : i32 to index
        %get3A_315 = arith.constant 112 : index
        %get3A_316 = tpu.vector_load %arg7[%get3A_314, %get3A_315] {strides = array<i32>} : memref<32x512xf32, #tpu.memory_space<vmem>>, vector<1x16xf32>,
        %get3A_317 = vector.shape_cast %get3A_316 : vector<1x16xf32> to vector<16xf32>
        %add3A_318 = arith.addf %mul3A_313, %get3A_317 : vector<16xf32>
        %swap3A_319 = arith.index_cast %scan3A_189 : i32 to index
        %swap3A_320 = arith.constant 112 : index
        %swap3A_321 = tpu.vector_load %arg10[%swap3A_319, %swap3A_320] {strides = array<i32>} : memref<32x512xf32, #tpu.memory_space<vmem>>, vector<1x16xf32>,
        %swap3A_322 = vector.shape_cast %swap3A_321 : vector<1x16xf32> to vector<16xf32>
        %swap3A_323 = vector.shape_cast %add3A_318 : vector<16xf32> to vector<1x16xf32>
        tpu.vector_store %arg10[%swap3A_319, %swap3A_320], %swap3A_323 {strides = array<i32>} : memref<32x512xf32, #tpu.memory_space<vmem>>, vector<1x16xf32>,
        %get3A_324 = arith.index_cast %scan3A_189 : i32 to index
        %get3A_325 = arith.constant 128 : index
        %get3A_326 = tpu.vector_load %arg10[%get3A_324, %get3A_325] {strides = array<i32>} : memref<32x512xf32, #tpu.memory_space<vmem>>, vector<1x16xf32>,
        %get3A_327 = vector.shape_cast %get3A_326 : vector<1x16xf32> to vector<16xf32>
        %mul3A_328 = arith.constant 22.6274166 : f32
        %mul3A_329 = vector.broadcast %mul3A_328 : f32 to vector<16xf32>
        %mul3A_330 = arith.mulf %get3A_327, %mul3A_329 : vector<16xf32>
        %get3A_331 = arith.index_cast %scan3A_189 : i32 to index
        %get3A_332 = arith.constant 128 : index
        %get3A_333 = tpu.vector_load %arg7[%get3A_331, %get3A_332] {strides = array<i32>} : memref<32x512xf32, #tpu.memory_space<vmem>>, vector<1x16xf32>,
        %get3A_334 = vector.shape_cast %get3A_333 : vector<1x16xf32> to vector<16xf32>
        %add3A_335 = arith.addf %mul3A_330, %get3A_334 : vector<16xf32>
        %swap3A_336 = arith.index_cast %scan3A_189 : i32 to index
        %swap3A_337 = arith.constant 128 : index
        %swap3A_338 = tpu.vector_load %arg10[%swap3A_336, %swap3A_337] {strides = array<i32>} : memref<32x512xf32, #tpu.memory_space<vmem>>, vector<1x16xf32>,
        %swap3A_339 = vector.shape_cast %swap3A_338 : vector<1x16xf32> to vector<16xf32>
        %swap3A_340 = vector.shape_cast %add3A_335 : vector<16xf32> to vector<1x16xf32>
        tpu.vector_store %arg10[%swap3A_336, %swap3A_337], %swap3A_340 {strides = array<i32>} : memref<32x512xf32, #tpu.memory_space<vmem>>, vector<1x16xf32>,
        %get3A_341 = arith.index_cast %scan3A_189 : i32 to index
        %get3A_342 = arith.constant 144 : index
        %get3A_343 = tpu.vector_load %arg10[%get3A_341, %get3A_342] {strides = array<i32>} : memref<32x512xf32, #tpu.memory_space<vmem>>, vector<1x16xf32>,
        %get3A_344 = vector.shape_cast %get3A_343 : vector<1x16xf32> to vector<16xf32>
        %mul3A_345 = arith.constant 22.6274166 : f32
        %mul3A_346 = vector.broadcast %mul3A_345 : f32 to vector<16xf32>
        %mul3A_347 = arith.mulf %get3A_344, %mul3A_346 : vector<16xf32>
        %get3A_348 = arith.index_cast %scan3A_189 : i32 to index
        %get3A_349 = arith.constant 144 : index
        %get3A_350 = tpu.vector_load %arg7[%get3A_348, %get3A_349] {strides = array<i32>} : memref<32x512xf32, #tpu.memory_space<vmem>>, vector<1x16xf32>,
        %get3A_351 = vector.shape_cast %get3A_350 : vector<1x16xf32> to vector<16xf32>
        %add3A_352 = arith.addf %mul3A_347, %get3A_351 : vector<16xf32>
        %swap3A_353 = arith.index_cast %scan3A_189 : i32 to index
        %swap3A_354 = arith.constant 144 : index
        %swap3A_355 = tpu.vector_load %arg10[%swap3A_353, %swap3A_354] {strides = array<i32>} : memref<32x512xf32, #tpu.memory_space<vmem>>, vector<1x16xf32>,
        %swap3A_356 = vector.shape_cast %swap3A_355 : vector<1x16xf32> to vector<16xf32>
        %swap3A_357 = vector.shape_cast %add3A_352 : vector<16xf32> to vector<1x16xf32>
        tpu.vector_store %arg10[%swap3A_353, %swap3A_354], %swap3A_357 {strides = array<i32>} : memref<32x512xf32, #tpu.memory_space<vmem>>, vector<1x16xf32>,
        %get3A_358 = arith.index_cast %scan3A_189 : i32 to index
        %get3A_359 = arith.constant 160 : index
        %get3A_360 = tpu.vector_load %arg10[%get3A_358, %get3A_359] {strides = array<i32>} : memref<32x512xf32, #tpu.memory_space<vmem>>, vector<1x16xf32>,
        %get3A_361 = vector.shape_cast %get3A_360 : vector<1x16xf32> to vector<16xf32>
        %mul3A_362 = arith.constant 22.6274166 : f32
        %mul3A_363 = vector.broadcast %mul3A_362 : f32 to vector<16xf32>
        %mul3A_364 = arith.mulf %get3A_361, %mul3A_363 : vector<16xf32>
        %get3A_365 = arith.index_cast %scan3A_189 : i32 to index
        %get3A_366 = arith.constant 160 : index
        %get3A_367 = tpu.vector_load %arg7[%get3A_365, %get3A_366] {strides = array<i32>} : memref<32x512xf32, #tpu.memory_space<vmem>>, vector<1x16xf32>,
        %get3A_368 = vector.shape_cast %get3A_367 : vector<1x16xf32> to vector<16xf32>
        %add3A_369 = arith.addf %mul3A_364, %get3A_368 : vector<16xf32>
        %swap3A_370 = arith.index_cast %scan3A_189 : i32 to index
        %swap3A_371 = arith.constant 160 : index
        %swap3A_372 = tpu.vector_load %arg10[%swap3A_370, %swap3A_371] {strides = array<i32>} : memref<32x512xf32, #tpu.memory_space<vmem>>, vector<1x16xf32>,
        %swap3A_373 = vector.shape_cast %swap3A_372 : vector<1x16xf32> to vector<16xf32>
        %swap3A_374 = vector.shape_cast %add3A_369 : vector<16xf32> to vector<1x16xf32>
        tpu.vector_store %arg10[%swap3A_370, %swap3A_371], %swap3A_374 {strides = array<i32>} : memref<32x512xf32, #tpu.memory_space<vmem>>, vector<1x16xf32>,
        %get3A_375 = arith.index_cast %scan3A_189 : i32 to index
        %get3A_376 = arith.constant 176 : index
        %get3A_377 = tpu.vector_load %arg10[%get3A_375, %get3A_376] {strides = array<i32>} : memref<32x512xf32, #tpu.memory_space<vmem>>, vector<1x16xf32>,
        %get3A_378 = vector.shape_cast %get3A_377 : vector<1x16xf32> to vector<16xf32>
        %mul3A_379 = arith.constant 22.6274166 : f32
        %mul3A_380 = vector.broadcast %mul3A_379 : f32 to vector<16xf32>
        %mul3A_381 = arith.mulf %get3A_378, %mul3A_380 : vector<16xf32>
        %get3A_382 = arith.index_cast %scan3A_189 : i32 to index
        %get3A_383 = arith.constant 176 : index
        %get3A_384 = tpu.vector_load %arg7[%get3A_382, %get3A_383] {strides = array<i32>} : memref<32x512xf32, #tpu.memory_space<vmem>>, vector<1x16xf32>,
        %get3A_385 = vector.shape_cast %get3A_384 : vector<1x16xf32> to vector<16xf32>
        %add3A_386 = arith.addf %mul3A_381, %get3A_385 : vector<16xf32>
        %swap3A_387 = arith.index_cast %scan3A_189 : i32 to index
        %swap3A_388 = arith.constant 176 : index
        %swap3A_389 = tpu.vector_load %arg10[%swap3A_387, %swap3A_388] {strides = array<i32>} : memref<32x512xf32, #tpu.memory_space<vmem>>, vector<1x16xf32>,
        %swap3A_390 = vector.shape_cast %swap3A_389 : vector<1x16xf32> to vector<16xf32>
        %swap3A_391 = vector.shape_cast %add3A_386 : vector<16xf32> to vector<1x16xf32>
        tpu.vector_store %arg10[%swap3A_387, %swap3A_388], %swap3A_391 {strides = array<i32>} : memref<32x512xf32, #tpu.memory_space<vmem>>, vector<1x16xf32>,
        %get3A_392 = arith.index_cast %scan3A_189 : i32 to index
        %get3A_393 = arith.constant 192 : index
        %get3A_394 = tpu.vector_load %arg10[%get3A_392, %get3A_393] {strides = array<i32>} : memref<32x512xf32, #tpu.memory_space<vmem>>, vector<1x16xf32>,
        %get3A_395 = vector.shape_cast %get3A_394 : vector<1x16xf32> to vector<16xf32>
        %mul3A_396 = arith.constant 22.6274166 : f32
        %mul3A_397 = vector.broadcast %mul3A_396 : f32 to vector<16xf32>
        %mul3A_398 = arith.mulf %get3A_395, %mul3A_397 : vector<16xf32>
        %get3A_399 = arith.index_cast %scan3A_189 : i32 to index
        %get3A_400 = arith.constant 192 : index
        %get3A_401 = tpu.vector_load %arg7[%get3A_399, %get3A_400] {strides = array<i32>} : memref<32x512xf32, #tpu.memory_space<vmem>>, vector<1x16xf32>,
        %get3A_402 = vector.shape_cast %get3A_401 : vector<1x16xf32> to vector<16xf32>
        %add3A_403 = arith.addf %mul3A_398, %get3A_402 : vector<16xf32>
        %swap3A_404 = arith.index_cast %scan3A_189 : i32 to index
        %swap3A_405 = arith.constant 192 : index
        %swap3A_406 = tpu.vector_load %arg10[%swap3A_404, %swap3A_405] {strides = array<i32>} : memref<32x512xf32, #tpu.memory_space<vmem>>, vector<1x16xf32>,
        %swap3A_407 = vector.shape_cast %swap3A_406 : vector<1x16xf32> to vector<16xf32>
        %swap3A_408 = vector.shape_cast %add3A_403 : vector<16xf32> to vector<1x16xf32>
        tpu.vector_store %arg10[%swap3A_404, %swap3A_405], %swap3A_408 {strides = array<i32>} : memref<32x512xf32, #tpu.memory_space<vmem>>, vector<1x16xf32>,
        %get3A_409 = arith.index_cast %scan3A_189 : i32 to index
        %get3A_410 = arith.constant 208 : index
        %get3A_411 = tpu.vector_load %arg10[%get3A_409, %get3A_410] {strides = array<i32>} : memref<32x512xf32, #tpu.memory_space<vmem>>, vector<1x16xf32>,
        %get3A_412 = vector.shape_cast %get3A_411 : vector<1x16xf32> to vector<16xf32>
        %mul3A_413 = arith.constant 22.6274166 : f32
        %mul3A_414 = vector.broadcast %mul3A_413 : f32 to vector<16xf32>
        %mul3A_415 = arith.mulf %get3A_412, %mul3A_414 : vector<16xf32>
        %get3A_416 = arith.index_cast %scan3A_189 : i32 to index
        %get3A_417 = arith.constant 208 : index
        %get3A_418 = tpu.vector_load %arg7[%get3A_416, %get3A_417] {strides = array<i32>} : memref<32x512xf32, #tpu.memory_space<vmem>>, vector<1x16xf32>,
        %get3A_419 = vector.shape_cast %get3A_418 : vector<1x16xf32> to vector<16xf32>
        %add3A_420 = arith.addf %mul3A_415, %get3A_419 : vector<16xf32>
        %swap3A_421 = arith.index_cast %scan3A_189 : i32 to index
        %swap3A_422 = arith.constant 208 : index
        %swap3A_423 = tpu.vector_load %arg10[%swap3A_421, %swap3A_422] {strides = array<i32>} : memref<32x512xf32, #tpu.memory_space<vmem>>, vector<1x16xf32>,
        %swap3A_424 = vector.shape_cast %swap3A_423 : vector<1x16xf32> to vector<16xf32>
        %swap3A_425 = vector.shape_cast %add3A_420 : vector<16xf32> to vector<1x16xf32>
        tpu.vector_store %arg10[%swap3A_421, %swap3A_422], %swap3A_425 {strides = array<i32>} : memref<32x512xf32, #tpu.memory_space<vmem>>, vector<1x16xf32>,
        %get3A_426 = arith.index_cast %scan3A_189 : i32 to index
        %get3A_427 = arith.constant 224 : index
        %get3A_428 = tpu.vector_load %arg10[%get3A_426, %get3A_427] {strides = array<i32>} : memref<32x512xf32, #tpu.memory_space<vmem>>, vector<1x16xf32>,
        %get3A_429 = vector.shape_cast %get3A_428 : vector<1x16xf32> to vector<16xf32>
        %mul3A_430 = arith.constant 22.6274166 : f32
        %mul3A_431 = vector.broadcast %mul3A_430 : f32 to vector<16xf32>
        %mul3A_432 = arith.mulf %get3A_429, %mul3A_431 : vector<16xf32>
        %get3A_433 = arith.index_cast %scan3A_189 : i32 to index
        %get3A_434 = arith.constant 224 : index
        %get3A_435 = tpu.vector_load %arg7[%get3A_433, %get3A_434] {strides = array<i32>} : memref<32x512xf32, #tpu.memory_space<vmem>>, vector<1x16xf32>,
        %get3A_436 = vector.shape_cast %get3A_435 : vector<1x16xf32> to vector<16xf32>
        %add3A_437 = arith.addf %mul3A_432, %get3A_436 : vector<16xf32>
        %swap3A_438 = arith.index_cast %scan3A_189 : i32 to index
        %swap3A_439 = arith.constant 224 : index
        %swap3A_440 = tpu.vector_load %arg10[%swap3A_438, %swap3A_439] {strides = array<i32>} : memref<32x512xf32, #tpu.memory_space<vmem>>, vector<1x16xf32>,
        %swap3A_441 = vector.shape_cast %swap3A_440 : vector<1x16xf32> to vector<16xf32>
        %swap3A_442 = vector.shape_cast %add3A_437 : vector<16xf32> to vector<1x16xf32>
        tpu.vector_store %arg10[%swap3A_438, %swap3A_439], %swap3A_442 {strides = array<i32>} : memref<32x512xf32, #tpu.memory_space<vmem>>, vector<1x16xf32>,
        %get3A_443 = arith.index_cast %scan3A_189 : i32 to index
        %get3A_444 = arith.constant 240 : index
        %get3A_445 = tpu.vector_load %arg10[%get3A_443, %get3A_444] {strides = array<i32>} : memref<32x512xf32, #tpu.memory_space<vmem>>, vector<1x16xf32>,
        %get3A_446 = vector.shape_cast %get3A_445 : vector<1x16xf32> to vector<16xf32>
        %mul3A_447 = arith.constant 22.6274166 : f32
        %mul3A_448 = vector.broadcast %mul3A_447 : f32 to vector<16xf32>
        %mul3A_449 = arith.mulf %get3A_446, %mul3A_448 : vector<16xf32>
        %get3A_450 = arith.index_cast %scan3A_189 : i32 to index
        %get3A_451 = arith.constant 240 : index
        %get3A_452 = tpu.vector_load %arg7[%get3A_450, %get3A_451] {strides = array<i32>} : memref<32x512xf32, #tpu.memory_space<vmem>>, vector<1x16xf32>,
        %get3A_453 = vector.shape_cast %get3A_452 : vector<1x16xf32> to vector<16xf32>
        %add3A_454 = arith.addf %mul3A_449, %get3A_453 : vector<16xf32>
        %swap3A_455 = arith.index_cast %scan3A_189 : i32 to index
        %swap3A_456 = arith.constant 240 : index
        %swap3A_457 = tpu.vector_load %arg10[%swap3A_455, %swap3A_456] {strides = array<i32>} : memref<32x512xf32, #tpu.memory_space<vmem>>, vector<1x16xf32>,
        %swap3A_458 = vector.shape_cast %swap3A_457 : vector<1x16xf32> to vector<16xf32>
        %swap3A_459 = vector.shape_cast %add3A_454 : vector<16xf32> to vector<1x16xf32>
        tpu.vector_store %arg10[%swap3A_455, %swap3A_456], %swap3A_459 {strides = array<i32>} : memref<32x512xf32, #tpu.memory_space<vmem>>, vector<1x16xf32>,
        %get3A_460 = arith.index_cast %scan3A_189 : i32 to index
        %get3A_461 = arith.constant 256 : index
        %get3A_462 = tpu.vector_load %arg10[%get3A_460, %get3A_461] {strides = array<i32>} : memref<32x512xf32, #tpu.memory_space<vmem>>, vector<1x16xf32>,
        %get3A_463 = vector.shape_cast %get3A_462 : vector<1x16xf32> to vector<16xf32>
        %mul3A_464 = arith.constant 22.6274166 : f32
        %mul3A_465 = vector.broadcast %mul3A_464 : f32 to vector<16xf32>
        %mul3A_466 = arith.mulf %get3A_463, %mul3A_465 : vector<16xf32>
        %get3A_467 = arith.index_cast %scan3A_189 : i32 to index
        %get3A_468 = arith.constant 256 : index
        %get3A_469 = tpu.vector_load %arg7[%get3A_467, %get3A_468] {strides = array<i32>} : memref<32x512xf32, #tpu.memory_space<vmem>>, vector<1x16xf32>,
        %get3A_470 = vector.shape_cast %get3A_469 : vector<1x16xf32> to vector<16xf32>
        %add3A_471 = arith.addf %mul3A_466, %get3A_470 : vector<16xf32>
        %swap3A_472 = arith.index_cast %scan3A_189 : i32 to index
        %swap3A_473 = arith.constant 256 : index
        %swap3A_474 = tpu.vector_load %arg10[%swap3A_472, %swap3A_473] {strides = array<i32>} : memref<32x512xf32, #tpu.memory_space<vmem>>, vector<1x16xf32>,
        %swap3A_475 = vector.shape_cast %swap3A_474 : vector<1x16xf32> to vector<16xf32>
        %swap3A_476 = vector.shape_cast %add3A_471 : vector<16xf32> to vector<1x16xf32>
        tpu.vector_store %arg10[%swap3A_472, %swap3A_473], %swap3A_476 {strides = array<i32>} : memref<32x512xf32, #tpu.memory_space<vmem>>, vector<1x16xf32>,
        %get3A_477 = arith.index_cast %scan3A_189 : i32 to index
        %get3A_478 = arith.constant 272 : index
        %get3A_479 = tpu.vector_load %arg10[%get3A_477, %get3A_478] {strides = array<i32>} : memref<32x512xf32, #tpu.memory_space<vmem>>, vector<1x16xf32>,
        %get3A_480 = vector.shape_cast %get3A_479 : vector<1x16xf32> to vector<16xf32>
        %mul3A_481 = arith.constant 22.6274166 : f32
        %mul3A_482 = vector.broadcast %mul3A_481 : f32 to vector<16xf32>
        %mul3A_483 = arith.mulf %get3A_480, %mul3A_482 : vector<16xf32>
        %get3A_484 = arith.index_cast %scan3A_189 : i32 to index
        %get3A_485 = arith.constant 272 : index
        %get3A_486 = tpu.vector_load %arg7[%get3A_484, %get3A_485] {strides = array<i32>} : memref<32x512xf32, #tpu.memory_space<vmem>>, vector<1x16xf32>,
        %get3A_487 = vector.shape_cast %get3A_486 : vector<1x16xf32> to vector<16xf32>
        %add3A_488 = arith.addf %mul3A_483, %get3A_487 : vector<16xf32>
        %swap3A_489 = arith.index_cast %scan3A_189 : i32 to index
        %swap3A_490 = arith.constant 272 : index
        %swap3A_491 = tpu.vector_load %arg10[%swap3A_489, %swap3A_490] {strides = array<i32>} : memref<32x512xf32, #tpu.memory_space<vmem>>, vector<1x16xf32>,
        %swap3A_492 = vector.shape_cast %swap3A_491 : vector<1x16xf32> to vector<16xf32>
        %swap3A_493 = vector.shape_cast %add3A_488 : vector<16xf32> to vector<1x16xf32>
        tpu.vector_store %arg10[%swap3A_489, %swap3A_490], %swap3A_493 {strides = array<i32>} : memref<32x512xf32, #tpu.memory_space<vmem>>, vector<1x16xf32>,
        %get3A_494 = arith.index_cast %scan3A_189 : i32 to index
        %get3A_495 = arith.constant 288 : index
        %get3A_496 = tpu.vector_load %arg10[%get3A_494, %get3A_495] {strides = array<i32>} : memref<32x512xf32, #tpu.memory_space<vmem>>, vector<1x16xf32>,
        %get3A_497 = vector.shape_cast %get3A_496 : vector<1x16xf32> to vector<16xf32>
        %mul3A_498 = arith.constant 22.6274166 : f32
        %mul3A_499 = vector.broadcast %mul3A_498 : f32 to vector<16xf32>
        %mul3A_500 = arith.mulf %get3A_497, %mul3A_499 : vector<16xf32>
        %get3A_501 = arith.index_cast %scan3A_189 : i32 to index
        %get3A_502 = arith.constant 288 : index
        %get3A_503 = tpu.vector_load %arg7[%get3A_501, %get3A_502] {strides = array<i32>} : memref<32x512xf32, #tpu.memory_space<vmem>>, vector<1x16xf32>,
        %get3A_504 = vector.shape_cast %get3A_503 : vector<1x16xf32> to vector<16xf32>
        %add3A_505 = arith.addf %mul3A_500, %get3A_504 : vector<16xf32>
        %swap3A_506 = arith.index_cast %scan3A_189 : i32 to index
        %swap3A_507 = arith.constant 288 : index
        %swap3A_508 = tpu.vector_load %arg10[%swap3A_506, %swap3A_507] {strides = array<i32>} : memref<32x512xf32, #tpu.memory_space<vmem>>, vector<1x16xf32>,
        %swap3A_509 = vector.shape_cast %swap3A_508 : vector<1x16xf32> to vector<16xf32>
        %swap3A_510 = vector.shape_cast %add3A_505 : vector<16xf32> to vector<1x16xf32>
        tpu.vector_store %arg10[%swap3A_506, %swap3A_507], %swap3A_510 {strides = array<i32>} : memref<32x512xf32, #tpu.memory_space<vmem>>, vector<1x16xf32>,
        %get3A_511 = arith.index_cast %scan3A_189 : i32 to index
        %get3A_512 = arith.constant 304 : index
        %get3A_513 = tpu.vector_load %arg10[%get3A_511, %get3A_512] {strides = array<i32>} : memref<32x512xf32, #tpu.memory_space<vmem>>, vector<1x16xf32>,
        %get3A_514 = vector.shape_cast %get3A_513 : vector<1x16xf32> to vector<16xf32>
        %mul3A_515 = arith.constant 22.6274166 : f32
        %mul3A_516 = vector.broadcast %mul3A_515 : f32 to vector<16xf32>
        %mul3A_517 = arith.mulf %get3A_514, %mul3A_516 : vector<16xf32>
        %get3A_518 = arith.index_cast %scan3A_189 : i32 to index
        %get3A_519 = arith.constant 304 : index
        %get3A_520 = tpu.vector_load %arg7[%get3A_518, %get3A_519] {strides = array<i32>} : memref<32x512xf32, #tpu.memory_space<vmem>>, vector<1x16xf32>,
        %get3A_521 = vector.shape_cast %get3A_520 : vector<1x16xf32> to vector<16xf32>
        %add3A_522 = arith.addf %mul3A_517, %get3A_521 : vector<16xf32>
        %swap3A_523 = arith.index_cast %scan3A_189 : i32 to index
        %swap3A_524 = arith.constant 304 : index
        %swap3A_525 = tpu.vector_load %arg10[%swap3A_523, %swap3A_524] {strides = array<i32>} : memref<32x512xf32, #tpu.memory_space<vmem>>, vector<1x16xf32>,
        %swap3A_526 = vector.shape_cast %swap3A_525 : vector<1x16xf32> to vector<16xf32>
        %swap3A_527 = vector.shape_cast %add3A_522 : vector<16xf32> to vector<1x16xf32>
        tpu.vector_store %arg10[%swap3A_523, %swap3A_524], %swap3A_527 {strides = array<i32>} : memref<32x512xf32, #tpu.memory_space<vmem>>, vector<1x16xf32>,
        %get3A_528 = arith.index_cast %scan3A_189 : i32 to index
        %get3A_529 = arith.constant 320 : index
        %get3A_530 = tpu.vector_load %arg10[%get3A_528, %get3A_529] {strides = array<i32>} : memref<32x512xf32, #tpu.memory_space<vmem>>, vector<1x16xf32>,
        %get3A_531 = vector.shape_cast %get3A_530 : vector<1x16xf32> to vector<16xf32>
        %mul3A_532 = arith.constant 22.6274166 : f32
        %mul3A_533 = vector.broadcast %mul3A_532 : f32 to vector<16xf32>
        %mul3A_534 = arith.mulf %get3A_531, %mul3A_533 : vector<16xf32>
        %get3A_535 = arith.index_cast %scan3A_189 : i32 to index
        %get3A_536 = arith.constant 320 : index
        %get3A_537 = tpu.vector_load %arg7[%get3A_535, %get3A_536] {strides = array<i32>} : memref<32x512xf32, #tpu.memory_space<vmem>>, vector<1x16xf32>,
        %get3A_538 = vector.shape_cast %get3A_537 : vector<1x16xf32> to vector<16xf32>
        %add3A_539 = arith.addf %mul3A_534, %get3A_538 : vector<16xf32>
        %swap3A_540 = arith.index_cast %scan3A_189 : i32 to index
        %swap3A_541 = arith.constant 320 : index
        %swap3A_542 = tpu.vector_load %arg10[%swap3A_540, %swap3A_541] {strides = array<i32>} : memref<32x512xf32, #tpu.memory_space<vmem>>, vector<1x16xf32>,
        %swap3A_543 = vector.shape_cast %swap3A_542 : vector<1x16xf32> to vector<16xf32>
        %swap3A_544 = vector.shape_cast %add3A_539 : vector<16xf32> to vector<1x16xf32>
        tpu.vector_store %arg10[%swap3A_540, %swap3A_541], %swap3A_544 {strides = array<i32>} : memref<32x512xf32, #tpu.memory_space<vmem>>, vector<1x16xf32>,
        %get3A_545 = arith.index_cast %scan3A_189 : i32 to index
        %get3A_546 = arith.constant 336 : index
        %get3A_547 = tpu.vector_load %arg10[%get3A_545, %get3A_546] {strides = array<i32>} : memref<32x512xf32, #tpu.memory_space<vmem>>, vector<1x16xf32>,
        %get3A_548 = vector.shape_cast %get3A_547 : vector<1x16xf32> to vector<16xf32>
        %mul3A_549 = arith.constant 22.6274166 : f32
        %mul3A_550 = vector.broadcast %mul3A_549 : f32 to vector<16xf32>
        %mul3A_551 = arith.mulf %get3A_548, %mul3A_550 : vector<16xf32>
        %get3A_552 = arith.index_cast %scan3A_189 : i32 to index
        %get3A_553 = arith.constant 336 : index
        %get3A_554 = tpu.vector_load %arg7[%get3A_552, %get3A_553] {strides = array<i32>} : memref<32x512xf32, #tpu.memory_space<vmem>>, vector<1x16xf32>,
        %get3A_555 = vector.shape_cast %get3A_554 : vector<1x16xf32> to vector<16xf32>
        %add3A_556 = arith.addf %mul3A_551, %get3A_555 : vector<16xf32>
        %swap3A_557 = arith.index_cast %scan3A_189 : i32 to index
        %swap3A_558 = arith.constant 336 : index
        %swap3A_559 = tpu.vector_load %arg10[%swap3A_557, %swap3A_558] {strides = array<i32>} : memref<32x512xf32, #tpu.memory_space<vmem>>, vector<1x16xf32>,
        %swap3A_560 = vector.shape_cast %swap3A_559 : vector<1x16xf32> to vector<16xf32>
        %swap3A_561 = vector.shape_cast %add3A_556 : vector<16xf32> to vector<1x16xf32>
        tpu.vector_store %arg10[%swap3A_557, %swap3A_558], %swap3A_561 {strides = array<i32>} : memref<32x512xf32, #tpu.memory_space<vmem>>, vector<1x16xf32>,
        %get3A_562 = arith.index_cast %scan3A_189 : i32 to index
        %get3A_563 = arith.constant 352 : index
        %get3A_564 = tpu.vector_load %arg10[%get3A_562, %get3A_563] {strides = array<i32>} : memref<32x512xf32, #tpu.memory_space<vmem>>, vector<1x16xf32>,
        %get3A_565 = vector.shape_cast %get3A_564 : vector<1x16xf32> to vector<16xf32>
        %mul3A_566 = arith.constant 22.6274166 : f32
        %mul3A_567 = vector.broadcast %mul3A_566 : f32 to vector<16xf32>
        %mul3A_568 = arith.mulf %get3A_565, %mul3A_567 : vector<16xf32>
        %get3A_569 = arith.index_cast %scan3A_189 : i32 to index
        %get3A_570 = arith.constant 352 : index
        %get3A_571 = tpu.vector_load %arg7[%get3A_569, %get3A_570] {strides = array<i32>} : memref<32x512xf32, #tpu.memory_space<vmem>>, vector<1x16xf32>,
        %get3A_572 = vector.shape_cast %get3A_571 : vector<1x16xf32> to vector<16xf32>
        %add3A_573 = arith.addf %mul3A_568, %get3A_572 : vector<16xf32>
        %swap3A_574 = arith.index_cast %scan3A_189 : i32 to index
        %swap3A_575 = arith.constant 352 : index
        %swap3A_576 = tpu.vector_load %arg10[%swap3A_574, %swap3A_575] {strides = array<i32>} : memref<32x512xf32, #tpu.memory_space<vmem>>, vector<1x16xf32>,
        %swap3A_577 = vector.shape_cast %swap3A_576 : vector<1x16xf32> to vector<16xf32>
        %swap3A_578 = vector.shape_cast %add3A_573 : vector<16xf32> to vector<1x16xf32>
        tpu.vector_store %arg10[%swap3A_574, %swap3A_575], %swap3A_578 {strides = array<i32>} : memref<32x512xf32, #tpu.memory_space<vmem>>, vector<1x16xf32>,
        %get3A_579 = arith.index_cast %scan3A_189 : i32 to index
        %get3A_580 = arith.constant 368 : index
        %get3A_581 = tpu.vector_load %arg10[%get3A_579, %get3A_580] {strides = array<i32>} : memref<32x512xf32, #tpu.memory_space<vmem>>, vector<1x16xf32>,
        %get3A_582 = vector.shape_cast %get3A_581 : vector<1x16xf32> to vector<16xf32>
        %mul3A_583 = arith.constant 22.6274166 : f32
        %mul3A_584 = vector.broadcast %mul3A_583 : f32 to vector<16xf32>
        %mul3A_585 = arith.mulf %get3A_582, %mul3A_584 : vector<16xf32>
        %get3A_586 = arith.index_cast %scan3A_189 : i32 to index
        %get3A_587 = arith.constant 368 : index
        %get3A_588 = tpu.vector_load %arg7[%get3A_586, %get3A_587] {strides = array<i32>} : memref<32x512xf32, #tpu.memory_space<vmem>>, vector<1x16xf32>,
        %get3A_589 = vector.shape_cast %get3A_588 : vector<1x16xf32> to vector<16xf32>
        %add3A_590 = arith.addf %mul3A_585, %get3A_589 : vector<16xf32>
        %swap3A_591 = arith.index_cast %scan3A_189 : i32 to index
        %swap3A_592 = arith.constant 368 : index
        %swap3A_593 = tpu.vector_load %arg10[%swap3A_591, %swap3A_592] {strides = array<i32>} : memref<32x512xf32, #tpu.memory_space<vmem>>, vector<1x16xf32>,
        %swap3A_594 = vector.shape_cast %swap3A_593 : vector<1x16xf32> to vector<16xf32>
        %swap3A_595 = vector.shape_cast %add3A_590 : vector<16xf32> to vector<1x16xf32>
        tpu.vector_store %arg10[%swap3A_591, %swap3A_592], %swap3A_595 {strides = array<i32>} : memref<32x512xf32, #tpu.memory_space<vmem>>, vector<1x16xf32>,
        %get3A_596 = arith.index_cast %scan3A_189 : i32 to index
        %get3A_597 = arith.constant 384 : index
        %get3A_598 = tpu.vector_load %arg10[%get3A_596, %get3A_597] {strides = array<i32>} : memref<32x512xf32, #tpu.memory_space<vmem>>, vector<1x16xf32>,
        %get3A_599 = vector.shape_cast %get3A_598 : vector<1x16xf32> to vector<16xf32>
        %mul3A_600 = arith.constant 22.6274166 : f32
        %mul3A_601 = vector.broadcast %mul3A_600 : f32 to vector<16xf32>
        %mul3A_602 = arith.mulf %get3A_599, %mul3A_601 : vector<16xf32>
        %get3A_603 = arith.index_cast %scan3A_189 : i32 to index
        %get3A_604 = arith.constant 384 : index
        %get3A_605 = tpu.vector_load %arg7[%get3A_603, %get3A_604] {strides = array<i32>} : memref<32x512xf32, #tpu.memory_space<vmem>>, vector<1x16xf32>,
        %get3A_606 = vector.shape_cast %get3A_605 : vector<1x16xf32> to vector<16xf32>
        %add3A_607 = arith.addf %mul3A_602, %get3A_606 : vector<16xf32>
        %swap3A_608 = arith.index_cast %scan3A_189 : i32 to index
        %swap3A_609 = arith.constant 384 : index
        %swap3A_610 = tpu.vector_load %arg10[%swap3A_608, %swap3A_609] {strides = array<i32>} : memref<32x512xf32, #tpu.memory_space<vmem>>, vector<1x16xf32>,
        %swap3A_611 = vector.shape_cast %swap3A_610 : vector<1x16xf32> to vector<16xf32>
        %swap3A_612 = vector.shape_cast %add3A_607 : vector<16xf32> to vector<1x16xf32>
        tpu.vector_store %arg10[%swap3A_608, %swap3A_609], %swap3A_612 {strides = array<i32>} : memref<32x512xf32, #tpu.memory_space<vmem>>, vector<1x16xf32>,
        %get3A_613 = arith.index_cast %scan3A_189 : i32 to index
        %get3A_614 = arith.constant 400 : index
        %get3A_615 = tpu.vector_load %arg10[%get3A_613, %get3A_614] {strides = array<i32>} : memref<32x512xf32, #tpu.memory_space<vmem>>, vector<1x16xf32>,
        %get3A_616 = vector.shape_cast %get3A_615 : vector<1x16xf32> to vector<16xf32>
        %mul3A_617 = arith.constant 22.6274166 : f32
        %mul3A_618 = vector.broadcast %mul3A_617 : f32 to vector<16xf32>
        %mul3A_619 = arith.mulf %get3A_616, %mul3A_618 : vector<16xf32>
        %get3A_620 = arith.index_cast %scan3A_189 : i32 to index
        %get3A_621 = arith.constant 400 : index
        %get3A_622 = tpu.vector_load %arg7[%get3A_620, %get3A_621] {strides = array<i32>} : memref<32x512xf32, #tpu.memory_space<vmem>>, vector<1x16xf32>,
        %get3A_623 = vector.shape_cast %get3A_622 : vector<1x16xf32> to vector<16xf32>
        %add3A_624 = arith.addf %mul3A_619, %get3A_623 : vector<16xf32>
        %swap3A_625 = arith.index_cast %scan3A_189 : i32 to index
        %swap3A_626 = arith.constant 400 : index
        %swap3A_627 = tpu.vector_load %arg10[%swap3A_625, %swap3A_626] {strides = array<i32>} : memref<32x512xf32, #tpu.memory_space<vmem>>, vector<1x16xf32>,
        %swap3A_628 = vector.shape_cast %swap3A_627 : vector<1x16xf32> to vector<16xf32>
        %swap3A_629 = vector.shape_cast %add3A_624 : vector<16xf32> to vector<1x16xf32>
        tpu.vector_store %arg10[%swap3A_625, %swap3A_626], %swap3A_629 {strides = array<i32>} : memref<32x512xf32, #tpu.memory_space<vmem>>, vector<1x16xf32>,
        %get3A_630 = arith.index_cast %scan3A_189 : i32 to index
        %get3A_631 = arith.constant 416 : index
        %get3A_632 = tpu.vector_load %arg10[%get3A_630, %get3A_631] {strides = array<i32>} : memref<32x512xf32, #tpu.memory_space<vmem>>, vector<1x16xf32>,
        %get3A_633 = vector.shape_cast %get3A_632 : vector<1x16xf32> to vector<16xf32>
        %mul3A_634 = arith.constant 22.6274166 : f32
        %mul3A_635 = vector.broadcast %mul3A_634 : f32 to vector<16xf32>
        %mul3A_636 = arith.mulf %get3A_633, %mul3A_635 : vector<16xf32>
        %get3A_637 = arith.index_cast %scan3A_189 : i32 to index
        %get3A_638 = arith.constant 416 : index
        %get3A_639 = tpu.vector_load %arg7[%get3A_637, %get3A_638] {strides = array<i32>} : memref<32x512xf32, #tpu.memory_space<vmem>>, vector<1x16xf32>,
        %get3A_640 = vector.shape_cast %get3A_639 : vector<1x16xf32> to vector<16xf32>
        %add3A_641 = arith.addf %mul3A_636, %get3A_640 : vector<16xf32>
        %swap3A_642 = arith.index_cast %scan3A_189 : i32 to index
        %swap3A_643 = arith.constant 416 : index
        %swap3A_644 = tpu.vector_load %arg10[%swap3A_642, %swap3A_643] {strides = array<i32>} : memref<32x512xf32, #tpu.memory_space<vmem>>, vector<1x16xf32>,
        %swap3A_645 = vector.shape_cast %swap3A_644 : vector<1x16xf32> to vector<16xf32>
        %swap3A_646 = vector.shape_cast %add3A_641 : vector<16xf32> to vector<1x16xf32>
        tpu.vector_store %arg10[%swap3A_642, %swap3A_643], %swap3A_646 {strides = array<i32>} : memref<32x512xf32, #tpu.memory_space<vmem>>, vector<1x16xf32>,
        %get3A_647 = arith.index_cast %scan3A_189 : i32 to index
        %get3A_648 = arith.constant 432 : index
        %get3A_649 = tpu.vector_load %arg10[%get3A_647, %get3A_648] {strides = array<i32>} : memref<32x512xf32, #tpu.memory_space<vmem>>, vector<1x16xf32>,
        %get3A_650 = vector.shape_cast %get3A_649 : vector<1x16xf32> to vector<16xf32>
        %mul3A_651 = arith.constant 22.6274166 : f32
        %mul3A_652 = vector.broadcast %mul3A_651 : f32 to vector<16xf32>
        %mul3A_653 = arith.mulf %get3A_650, %mul3A_652 : vector<16xf32>
        %get3A_654 = arith.index_cast %scan3A_189 : i32 to index
        %get3A_655 = arith.constant 432 : index
        %get3A_656 = tpu.vector_load %arg7[%get3A_654, %get3A_655] {strides = array<i32>} : memref<32x512xf32, #tpu.memory_space<vmem>>, vector<1x16xf32>,
        %get3A_657 = vector.shape_cast %get3A_656 : vector<1x16xf32> to vector<16xf32>
        %add3A_658 = arith.addf %mul3A_653, %get3A_657 : vector<16xf32>
        %swap3A_659 = arith.index_cast %scan3A_189 : i32 to index
        %swap3A_660 = arith.constant 432 : index
        %swap3A_661 = tpu.vector_load %arg10[%swap3A_659, %swap3A_660] {strides = array<i32>} : memref<32x512xf32, #tpu.memory_space<vmem>>, vector<1x16xf32>,
        %swap3A_662 = vector.shape_cast %swap3A_661 : vector<1x16xf32> to vector<16xf32>
        %swap3A_663 = vector.shape_cast %add3A_658 : vector<16xf32> to vector<1x16xf32>
        tpu.vector_store %arg10[%swap3A_659, %swap3A_660], %swap3A_663 {strides = array<i32>} : memref<32x512xf32, #tpu.memory_space<vmem>>, vector<1x16xf32>,
        %get3A_664 = arith.index_cast %scan3A_189 : i32 to index
        %get3A_665 = arith.constant 448 : index
        %get3A_666 = tpu.vector_load %arg10[%get3A_664, %get3A_665] {strides = array<i32>} : memref<32x512xf32, #tpu.memory_space<vmem>>, vector<1x16xf32>,
        %get3A_667 = vector.shape_cast %get3A_666 : vector<1x16xf32> to vector<16xf32>
        %mul3A_668 = arith.constant 22.6274166 : f32
        %mul3A_669 = vector.broadcast %mul3A_668 : f32 to vector<16xf32>
        %mul3A_670 = arith.mulf %get3A_667, %mul3A_669 : vector<16xf32>
        %get3A_671 = arith.index_cast %scan3A_189 : i32 to index
        %get3A_672 = arith.constant 448 : index
        %get3A_673 = tpu.vector_load %arg7[%get3A_671, %get3A_672] {strides = array<i32>} : memref<32x512xf32, #tpu.memory_space<vmem>>, vector<1x16xf32>,
        %get3A_674 = vector.shape_cast %get3A_673 : vector<1x16xf32> to vector<16xf32>
        %add3A_675 = arith.addf %mul3A_670, %get3A_674 : vector<16xf32>
        %swap3A_676 = arith.index_cast %scan3A_189 : i32 to index
        %swap3A_677 = arith.constant 448 : index
        %swap3A_678 = tpu.vector_load %arg10[%swap3A_676, %swap3A_677] {strides = array<i32>} : memref<32x512xf32, #tpu.memory_space<vmem>>, vector<1x16xf32>,
        %swap3A_679 = vector.shape_cast %swap3A_678 : vector<1x16xf32> to vector<16xf32>
        %swap3A_680 = vector.shape_cast %add3A_675 : vector<16xf32> to vector<1x16xf32>
        tpu.vector_store %arg10[%swap3A_676, %swap3A_677], %swap3A_680 {strides = array<i32>} : memref<32x512xf32, #tpu.memory_space<vmem>>, vector<1x16xf32>,
        %get3A_681 = arith.index_cast %scan3A_189 : i32 to index
        %get3A_682 = arith.constant 464 : index
        %get3A_683 = tpu.vector_load %arg10[%get3A_681, %get3A_682] {strides = array<i32>} : memref<32x512xf32, #tpu.memory_space<vmem>>, vector<1x16xf32>,
        %get3A_684 = vector.shape_cast %get3A_683 : vector<1x16xf32> to vector<16xf32>
        %mul3A_685 = arith.constant 22.6274166 : f32
        %mul3A_686 = vector.broadcast %mul3A_685 : f32 to vector<16xf32>
        %mul3A_687 = arith.mulf %get3A_684, %mul3A_686 : vector<16xf32>
        %get3A_688 = arith.index_cast %scan3A_189 : i32 to index
        %get3A_689 = arith.constant 464 : index
        %get3A_690 = tpu.vector_load %arg7[%get3A_688, %get3A_689] {strides = array<i32>} : memref<32x512xf32, #tpu.memory_space<vmem>>, vector<1x16xf32>,
        %get3A_691 = vector.shape_cast %get3A_690 : vector<1x16xf32> to vector<16xf32>
        %add3A_692 = arith.addf %mul3A_687, %get3A_691 : vector<16xf32>
        %swap3A_693 = arith.index_cast %scan3A_189 : i32 to index
        %swap3A_694 = arith.constant 464 : index
        %swap3A_695 = tpu.vector_load %arg10[%swap3A_693, %swap3A_694] {strides = array<i32>} : memref<32x512xf32, #tpu.memory_space<vmem>>, vector<1x16xf32>,
        %swap3A_696 = vector.shape_cast %swap3A_695 : vector<1x16xf32> to vector<16xf32>
        %swap3A_697 = vector.shape_cast %add3A_692 : vector<16xf32> to vector<1x16xf32>
        tpu.vector_store %arg10[%swap3A_693, %swap3A_694], %swap3A_697 {strides = array<i32>} : memref<32x512xf32, #tpu.memory_space<vmem>>, vector<1x16xf32>,
        %get3A_698 = arith.index_cast %scan3A_189 : i32 to index
        %get3A_699 = arith.constant 480 : index
        %get3A_700 = tpu.vector_load %arg10[%get3A_698, %get3A_699] {strides = array<i32>} : memref<32x512xf32, #tpu.memory_space<vmem>>, vector<1x16xf32>,
        %get3A_701 = vector.shape_cast %get3A_700 : vector<1x16xf32> to vector<16xf32>
        %mul3A_702 = arith.constant 22.6274166 : f32
        %mul3A_703 = vector.broadcast %mul3A_702 : f32 to vector<16xf32>
        %mul3A_704 = arith.mulf %get3A_701, %mul3A_703 : vector<16xf32>
        %get3A_705 = arith.index_cast %scan3A_189 : i32 to index
        %get3A_706 = arith.constant 480 : index
        %get3A_707 = tpu.vector_load %arg7[%get3A_705, %get3A_706] {strides = array<i32>} : memref<32x512xf32, #tpu.memory_space<vmem>>, vector<1x16xf32>,
        %get3A_708 = vector.shape_cast %get3A_707 : vector<1x16xf32> to vector<16xf32>
        %add3A_709 = arith.addf %mul3A_704, %get3A_708 : vector<16xf32>
        %swap3A_710 = arith.index_cast %scan3A_189 : i32 to index
        %swap3A_711 = arith.constant 480 : index
        %swap3A_712 = tpu.vector_load %arg10[%swap3A_710, %swap3A_711] {strides = array<i32>} : memref<32x512xf32, #tpu.memory_space<vmem>>, vector<1x16xf32>,
        %swap3A_713 = vector.shape_cast %swap3A_712 : vector<1x16xf32> to vector<16xf32>
        %swap3A_714 = vector.shape_cast %add3A_709 : vector<16xf32> to vector<1x16xf32>
        tpu.vector_store %arg10[%swap3A_710, %swap3A_711], %swap3A_714 {strides = array<i32>} : memref<32x512xf32, #tpu.memory_space<vmem>>, vector<1x16xf32>,
        %get3A_715 = arith.index_cast %scan3A_189 : i32 to index
        %get3A_716 = arith.constant 496 : index
        %get3A_717 = tpu.vector_load %arg10[%get3A_715, %get3A_716] {strides = array<i32>} : memref<32x512xf32, #tpu.memory_space<vmem>>, vector<1x16xf32>,
        %get3A_718 = vector.shape_cast %get3A_717 : vector<1x16xf32> to vector<16xf32>
        %mul3A_719 = arith.constant 22.6274166 : f32
        %mul3A_720 = vector.broadcast %mul3A_719 : f32 to vector<16xf32>
        %mul3A_721 = arith.mulf %get3A_718, %mul3A_720 : vector<16xf32>
        %get3A_722 = arith.index_cast %scan3A_189 : i32 to index
        %get3A_723 = arith.constant 496 : index
        %get3A_724 = tpu.vector_load %arg7[%get3A_722, %get3A_723] {strides = array<i32>} : memref<32x512xf32, #tpu.memory_space<vmem>>, vector<1x16xf32>,
        %get3A_725 = vector.shape_cast %get3A_724 : vector<1x16xf32> to vector<16xf32>
        %add3A_726 = arith.addf %mul3A_721, %get3A_725 : vector<16xf32>
        %swap3A_727 = arith.index_cast %scan3A_189 : i32 to index
        %swap3A_728 = arith.constant 496 : index
        %swap3A_729 = tpu.vector_load %arg10[%swap3A_727, %swap3A_728] {strides = array<i32>} : memref<32x512xf32, #tpu.memory_space<vmem>>, vector<1x16xf32>,
        %swap3A_730 = vector.shape_cast %swap3A_729 : vector<1x16xf32> to vector<16xf32>
        %swap3A_731 = vector.shape_cast %add3A_726 : vector<16xf32> to vector<1x16xf32>
        tpu.vector_store %arg10[%swap3A_727, %swap3A_728], %swap3A_731 {strides = array<i32>} : memref<32x512xf32, #tpu.memory_space<vmem>>, vector<1x16xf32>,
      }
      %scan3A_140 = arith.constant 32 : i32
      %dma_start3A_141 = arith.constant 0 : i32
      %dma_start3A_142 = tpu.memref_slice %arg5[%add3A_128, %mul3A_2, %dma_start3A_141] : memref<64x1024x512xf32, #tpu.memory_space<hbm>> -> memref<1x32x512xf32, #tpu.memory_space<hbm>>
      %dma_start3A_143 = tpu.memref_squeeze %dma_start3A_142 : memref<1x32x512xf32, #tpu.memory_space<hbm>> -> memref<32x512xf32, #tpu.memory_space<hbm>>
      %dma_start3A_144 = arith.constant 0 : i32
      %dma_start3A_145 = tpu.memref_slice %arg5[%add3A_128, %mul3A_2, %dma_start3A_144] : memref<64x1024x512xf32, #tpu.memory_space<hbm>> -> memref<1x32x512xf32, #tpu.memory_space<hbm>>
      %dma_start3A_146 = tpu.memref_squeeze %dma_start3A_145 : memref<1x32x512xf32, #tpu.memory_space<hbm>> -> memref<32x512xf32, #tpu.memory_space<hbm>>
      tpu.enqueue_dma source(%arg10 : memref<32x512xf32, #tpu.memory_space<vmem>>) target(%dma_start3A_146 : memref<32x512xf32, #tpu.memory_space<hbm>>) target_semaphore(%arg18 : memref<!tpu.dma_semaphore, #tpu.memory_space<semaphore_mem>>)
      %add3A_147 = arith.constant 3 : i32
      %add3A_148 = arith.addi %add3A_128, %add3A_147 : i32
      %ge3A_149 = arith.constant 4 : i32
      %ge3A_150 = arith.cmpi sge, %add3A_148, %ge3A_149 : i32
      %lt3A_151 = arith.constant 64 : i32
      %lt3A_152 = arith.cmpi slt, %add3A_148, %lt3A_151 : i32
      %and3A_153 = arith.andi %ge3A_150, %lt3A_152 : i1
      %convert_element_type3A_154 = arith.extui %and3A_153 : i1 to i32
      %cond3A_155 = arith.constant 0 : i32
      %cond3A_156 = arith.cmpi ne, %convert_element_type3A_154, %cond3A_155 : i32
      scf.if %cond3A_156 {
        %dma_wait3A_189 = arith.constant 0 : i32
        %dma_wait3A_190 = arith.constant 0 : i32
        %dma_wait3A_191 = tpu.memref_slice %arg5[%dma_wait3A_189, %mul3A_2, %dma_wait3A_190] : memref<64x1024x512xf32, #tpu.memory_space<hbm>> -> memref<1x32x512xf32, #tpu.memory_space<hbm>>
        %dma_wait3A_192 = tpu.memref_squeeze %dma_wait3A_191 : memref<1x32x512xf32, #tpu.memory_space<hbm>> -> memref<32x512xf32, #tpu.memory_space<hbm>>
        %dma_wait3A_193 = arith.constant 0 : i32
        %dma_wait3A_194 = tpu.memref_slice %arg5[%dma_wait3A_189, %mul3A_2, %dma_wait3A_193] : memref<64x1024x512xf32, #tpu.memory_space<hbm>> -> memref<1x32x512xf32, #tpu.memory_space<hbm>>
        %dma_wait3A_195 = tpu.memref_squeeze %dma_wait3A_194 : memref<1x32x512xf32, #tpu.memory_space<hbm>> -> memref<32x512xf32, #tpu.memory_space<hbm>>
        tpu.wait_dma2 semaphore(%arg17 : memref<!tpu.dma_semaphore, #tpu.memory_space<semaphore_mem>>) src(%arg9 : memref<32x512xf32, #tpu.memory_space<vmem>>) dst(%dma_wait3A_195 : memref<32x512xf32, #tpu.memory_space<hbm>>)
        %dma_start3A_196 = arith.constant 0 : i32
        %dma_start3A_197 = tpu.memref_slice %arg6[%add3A_148, %dma_start3A_196] : memref<64x32xi32, #tpu.memory_space<vmem>> -> memref<1x32xi32, #tpu.memory_space<vmem>>
        %dma_start3A_198 = tpu.memref_squeeze %dma_start3A_197 : memref<1x32xi32, #tpu.memory_space<vmem>> -> memref<32xi32, #tpu.memory_space<vmem>>
        %dma_start3A_199 = arith.constant 0 : i32
        %dma_start3A_200 = arith.constant 0 : i32
        %dma_start3A_201 = tpu.memref_slice %arg4[%dma_start3A_199, %dma_start3A_200] : memref<151667x512xf32, #tpu.memory_space<hbm>> -> memref<151667x512xf32, #tpu.memory_space<hbm>>
        tpu.enqueue_indirect_dma source(%dma_start3A_201 : memref<151667x512xf32, #tpu.memory_space<hbm>>) target(%arg9 : memref<32x512xf32, #tpu.memory_space<vmem>>) offsets(%dma_start3A_198 : memref<32xi32, #tpu.memory_space<vmem>>) semaphore(%arg13 : memref<!tpu.dma_semaphore, #tpu.memory_space<semaphore_mem>>)
      } else {
      }
      %mul3A_157 = arith.constant 4 : i32
      %mul3A_158 = arith.muli %add3A_65, %mul3A_157 : i32
      %add3A_159 = arith.constant 3 : i32
      %add3A_160 = arith.addi %mul3A_158, %add3A_159 : i32
      %dma_wait3A_161 = arith.constant 0 : i32
      %dma_wait3A_162 = arith.constant 0 : i32
      %dma_wait3A_163 = tpu.memref_slice %arg6[%dma_wait3A_161, %dma_wait3A_162] : memref<64x32xi32, #tpu.memory_space<vmem>> -> memref<1x32xi32, #tpu.memory_space<vmem>>
      %dma_wait3A_164 = tpu.memref_squeeze %dma_wait3A_163 : memref<1x32xi32, #tpu.memory_space<vmem>> -> memref<32xi32, #tpu.memory_space<vmem>>
      %dma_wait3A_165 = arith.constant 0 : i32
      %dma_wait3A_166 = arith.constant 0 : i32
      %dma_wait3A_167 = tpu.memref_slice %arg4[%dma_wait3A_165, %dma_wait3A_166] : memref<151667x512xf32, #tpu.memory_space<hbm>> -> memref<151667x512xf32, #tpu.memory_space<hbm>>
      tpu.wait_indirect_dma semaphore(%arg15 : memref<!tpu.dma_semaphore, #tpu.memory_space<semaphore_mem>>) src(%dma_wait3A_167 : memref<151667x512xf32, #tpu.memory_space<hbm>>) dst(%arg11 : memref<32x512xf32, #tpu.memory_space<vmem>>)
      %scan3A_168 = arith.constant 0 : i32
      %scan3A_169 = arith.constant 32 : i32
      %scan3A_170 = arith.addi %scan3A_168, %scan3A_169 : i32
      %scan3A_171 = arith.constant 1 : i32
      scf.for %scan3A_189 = %scan3A_168 to %scan3A_170 step %scan3A_171  : i32 {
        %get3A = arith.index_cast %scan3A_189 : i32 to index
        %get3A_190 = arith.constant 0 : index
        %get3A_191 = tpu.vector_load %arg11[%get3A, %get3A_190] {strides = array<i32>} : memref<32x512xf32, #tpu.memory_space<vmem>>, vector<1x16xf32>,
        %get3A_192 = vector.shape_cast %get3A_191 : vector<1x16xf32> to vector<16xf32>
        %mul3A_193 = arith.constant 22.6274166 : f32
        %mul3A_194 = vector.broadcast %mul3A_193 : f32 to vector<16xf32>
        %mul3A_195 = arith.mulf %get3A_192, %mul3A_194 : vector<16xf32>
        %get3A_196 = arith.index_cast %scan3A_189 : i32 to index
        %get3A_197 = arith.constant 0 : index
        %get3A_198 = tpu.vector_load %arg7[%get3A_196, %get3A_197] {strides = array<i32>} : memref<32x512xf32, #tpu.memory_space<vmem>>, vector<1x16xf32>,
        %get3A_199 = vector.shape_cast %get3A_198 : vector<1x16xf32> to vector<16xf32>
        %add3A_200 = arith.addf %mul3A_195, %get3A_199 : vector<16xf32>
        %swap3A = arith.index_cast %scan3A_189 : i32 to index
        %swap3A_201 = arith.constant 0 : index
        %swap3A_202 = tpu.vector_load %arg11[%swap3A, %swap3A_201] {strides = array<i32>} : memref<32x512xf32, #tpu.memory_space<vmem>>, vector<1x16xf32>,
        %swap3A_203 = vector.shape_cast %swap3A_202 : vector<1x16xf32> to vector<16xf32>
        %swap3A_204 = vector.shape_cast %add3A_200 : vector<16xf32> to vector<1x16xf32>
        tpu.vector_store %arg11[%swap3A, %swap3A_201], %swap3A_204 {strides = array<i32>} : memref<32x512xf32, #tpu.memory_space<vmem>>, vector<1x16xf32>,
        %get3A_205 = arith.index_cast %scan3A_189 : i32 to index
        %get3A_206 = arith.constant 16 : index
        %get3A_207 = tpu.vector_load %arg11[%get3A_205, %get3A_206] {strides = array<i32>} : memref<32x512xf32, #tpu.memory_space<vmem>>, vector<1x16xf32>,
        %get3A_208 = vector.shape_cast %get3A_207 : vector<1x16xf32> to vector<16xf32>
        %mul3A_209 = arith.constant 22.6274166 : f32
        %mul3A_210 = vector.broadcast %mul3A_209 : f32 to vector<16xf32>
        %mul3A_211 = arith.mulf %get3A_208, %mul3A_210 : vector<16xf32>
        %get3A_212 = arith.index_cast %scan3A_189 : i32 to index
        %get3A_213 = arith.constant 16 : index
        %get3A_214 = tpu.vector_load %arg7[%get3A_212, %get3A_213] {strides = array<i32>} : memref<32x512xf32, #tpu.memory_space<vmem>>, vector<1x16xf32>,
        %get3A_215 = vector.shape_cast %get3A_214 : vector<1x16xf32> to vector<16xf32>
        %add3A_216 = arith.addf %mul3A_211, %get3A_215 : vector<16xf32>
        %swap3A_217 = arith.index_cast %scan3A_189 : i32 to index
        %swap3A_218 = arith.constant 16 : index
        %swap3A_219 = tpu.vector_load %arg11[%swap3A_217, %swap3A_218] {strides = array<i32>} : memref<32x512xf32, #tpu.memory_space<vmem>>, vector<1x16xf32>,
        %swap3A_220 = vector.shape_cast %swap3A_219 : vector<1x16xf32> to vector<16xf32>
        %swap3A_221 = vector.shape_cast %add3A_216 : vector<16xf32> to vector<1x16xf32>
        tpu.vector_store %arg11[%swap3A_217, %swap3A_218], %swap3A_221 {strides = array<i32>} : memref<32x512xf32, #tpu.memory_space<vmem>>, vector<1x16xf32>,
        %get3A_222 = arith.index_cast %scan3A_189 : i32 to index
        %get3A_223 = arith.constant 32 : index
        %get3A_224 = tpu.vector_load %arg11[%get3A_222, %get3A_223] {strides = array<i32>} : memref<32x512xf32, #tpu.memory_space<vmem>>, vector<1x16xf32>,
        %get3A_225 = vector.shape_cast %get3A_224 : vector<1x16xf32> to vector<16xf32>
        %mul3A_226 = arith.constant 22.6274166 : f32
        %mul3A_227 = vector.broadcast %mul3A_226 : f32 to vector<16xf32>
        %mul3A_228 = arith.mulf %get3A_225, %mul3A_227 : vector<16xf32>
        %get3A_229 = arith.index_cast %scan3A_189 : i32 to index
        %get3A_230 = arith.constant 32 : index
        %get3A_231 = tpu.vector_load %arg7[%get3A_229, %get3A_230] {strides = array<i32>} : memref<32x512xf32, #tpu.memory_space<vmem>>, vector<1x16xf32>,
        %get3A_232 = vector.shape_cast %get3A_231 : vector<1x16xf32> to vector<16xf32>
        %add3A_233 = arith.addf %mul3A_228, %get3A_232 : vector<16xf32>
        %swap3A_234 = arith.index_cast %scan3A_189 : i32 to index
        %swap3A_235 = arith.constant 32 : index
        %swap3A_236 = tpu.vector_load %arg11[%swap3A_234, %swap3A_235] {strides = array<i32>} : memref<32x512xf32, #tpu.memory_space<vmem>>, vector<1x16xf32>,
        %swap3A_237 = vector.shape_cast %swap3A_236 : vector<1x16xf32> to vector<16xf32>
        %swap3A_238 = vector.shape_cast %add3A_233 : vector<16xf32> to vector<1x16xf32>
        tpu.vector_store %arg11[%swap3A_234, %swap3A_235], %swap3A_238 {strides = array<i32>} : memref<32x512xf32, #tpu.memory_space<vmem>>, vector<1x16xf32>,
        %get3A_239 = arith.index_cast %scan3A_189 : i32 to index
        %get3A_240 = arith.constant 48 : index
        %get3A_241 = tpu.vector_load %arg11[%get3A_239, %get3A_240] {strides = array<i32>} : memref<32x512xf32, #tpu.memory_space<vmem>>, vector<1x16xf32>,
        %get3A_242 = vector.shape_cast %get3A_241 : vector<1x16xf32> to vector<16xf32>
        %mul3A_243 = arith.constant 22.6274166 : f32
        %mul3A_244 = vector.broadcast %mul3A_243 : f32 to vector<16xf32>
        %mul3A_245 = arith.mulf %get3A_242, %mul3A_244 : vector<16xf32>
        %get3A_246 = arith.index_cast %scan3A_189 : i32 to index
        %get3A_247 = arith.constant 48 : index
        %get3A_248 = tpu.vector_load %arg7[%get3A_246, %get3A_247] {strides = array<i32>} : memref<32x512xf32, #tpu.memory_space<vmem>>, vector<1x16xf32>,
        %get3A_249 = vector.shape_cast %get3A_248 : vector<1x16xf32> to vector<16xf32>
        %add3A_250 = arith.addf %mul3A_245, %get3A_249 : vector<16xf32>
        %swap3A_251 = arith.index_cast %scan3A_189 : i32 to index
        %swap3A_252 = arith.constant 48 : index
        %swap3A_253 = tpu.vector_load %arg11[%swap3A_251, %swap3A_252] {strides = array<i32>} : memref<32x512xf32, #tpu.memory_space<vmem>>, vector<1x16xf32>,
        %swap3A_254 = vector.shape_cast %swap3A_253 : vector<1x16xf32> to vector<16xf32>
        %swap3A_255 = vector.shape_cast %add3A_250 : vector<16xf32> to vector<1x16xf32>
        tpu.vector_store %arg11[%swap3A_251, %swap3A_252], %swap3A_255 {strides = array<i32>} : memref<32x512xf32, #tpu.memory_space<vmem>>, vector<1x16xf32>,
        %get3A_256 = arith.index_cast %scan3A_189 : i32 to index
        %get3A_257 = arith.constant 64 : index
        %get3A_258 = tpu.vector_load %arg11[%get3A_256, %get3A_257] {strides = array<i32>} : memref<32x512xf32, #tpu.memory_space<vmem>>, vector<1x16xf32>,
        %get3A_259 = vector.shape_cast %get3A_258 : vector<1x16xf32> to vector<16xf32>
        %mul3A_260 = arith.constant 22.6274166 : f32
        %mul3A_261 = vector.broadcast %mul3A_260 : f32 to vector<16xf32>
        %mul3A_262 = arith.mulf %get3A_259, %mul3A_261 : vector<16xf32>
        %get3A_263 = arith.index_cast %scan3A_189 : i32 to index
        %get3A_264 = arith.constant 64 : index
        %get3A_265 = tpu.vector_load %arg7[%get3A_263, %get3A_264] {strides = array<i32>} : memref<32x512xf32, #tpu.memory_space<vmem>>, vector<1x16xf32>,
        %get3A_266 = vector.shape_cast %get3A_265 : vector<1x16xf32> to vector<16xf32>
        %add3A_267 = arith.addf %mul3A_262, %get3A_266 : vector<16xf32>
        %swap3A_268 = arith.index_cast %scan3A_189 : i32 to index
        %swap3A_269 = arith.constant 64 : index
        %swap3A_270 = tpu.vector_load %arg11[%swap3A_268, %swap3A_269] {strides = array<i32>} : memref<32x512xf32, #tpu.memory_space<vmem>>, vector<1x16xf32>,
        %swap3A_271 = vector.shape_cast %swap3A_270 : vector<1x16xf32> to vector<16xf32>
        %swap3A_272 = vector.shape_cast %add3A_267 : vector<16xf32> to vector<1x16xf32>
        tpu.vector_store %arg11[%swap3A_268, %swap3A_269], %swap3A_272 {strides = array<i32>} : memref<32x512xf32, #tpu.memory_space<vmem>>, vector<1x16xf32>,
        %get3A_273 = arith.index_cast %scan3A_189 : i32 to index
        %get3A_274 = arith.constant 80 : index
        %get3A_275 = tpu.vector_load %arg11[%get3A_273, %get3A_274] {strides = array<i32>} : memref<32x512xf32, #tpu.memory_space<vmem>>, vector<1x16xf32>,
        %get3A_276 = vector.shape_cast %get3A_275 : vector<1x16xf32> to vector<16xf32>
        %mul3A_277 = arith.constant 22.6274166 : f32
        %mul3A_278 = vector.broadcast %mul3A_277 : f32 to vector<16xf32>
        %mul3A_279 = arith.mulf %get3A_276, %mul3A_278 : vector<16xf32>
        %get3A_280 = arith.index_cast %scan3A_189 : i32 to index
        %get3A_281 = arith.constant 80 : index
        %get3A_282 = tpu.vector_load %arg7[%get3A_280, %get3A_281] {strides = array<i32>} : memref<32x512xf32, #tpu.memory_space<vmem>>, vector<1x16xf32>,
        %get3A_283 = vector.shape_cast %get3A_282 : vector<1x16xf32> to vector<16xf32>
        %add3A_284 = arith.addf %mul3A_279, %get3A_283 : vector<16xf32>
        %swap3A_285 = arith.index_cast %scan3A_189 : i32 to index
        %swap3A_286 = arith.constant 80 : index
        %swap3A_287 = tpu.vector_load %arg11[%swap3A_285, %swap3A_286] {strides = array<i32>} : memref<32x512xf32, #tpu.memory_space<vmem>>, vector<1x16xf32>,
        %swap3A_288 = vector.shape_cast %swap3A_287 : vector<1x16xf32> to vector<16xf32>
        %swap3A_289 = vector.shape_cast %add3A_284 : vector<16xf32> to vector<1x16xf32>
        tpu.vector_store %arg11[%swap3A_285, %swap3A_286], %swap3A_289 {strides = array<i32>} : memref<32x512xf32, #tpu.memory_space<vmem>>, vector<1x16xf32>,
        %get3A_290 = arith.index_cast %scan3A_189 : i32 to index
        %get3A_291 = arith.constant 96 : index
        %get3A_292 = tpu.vector_load %arg11[%get3A_290, %get3A_291] {strides = array<i32>} : memref<32x512xf32, #tpu.memory_space<vmem>>, vector<1x16xf32>,
        %get3A_293 = vector.shape_cast %get3A_292 : vector<1x16xf32> to vector<16xf32>
        %mul3A_294 = arith.constant 22.6274166 : f32
        %mul3A_295 = vector.broadcast %mul3A_294 : f32 to vector<16xf32>
        %mul3A_296 = arith.mulf %get3A_293, %mul3A_295 : vector<16xf32>
        %get3A_297 = arith.index_cast %scan3A_189 : i32 to index
        %get3A_298 = arith.constant 96 : index
        %get3A_299 = tpu.vector_load %arg7[%get3A_297, %get3A_298] {strides = array<i32>} : memref<32x512xf32, #tpu.memory_space<vmem>>, vector<1x16xf32>,
        %get3A_300 = vector.shape_cast %get3A_299 : vector<1x16xf32> to vector<16xf32>
        %add3A_301 = arith.addf %mul3A_296, %get3A_300 : vector<16xf32>
        %swap3A_302 = arith.index_cast %scan3A_189 : i32 to index
        %swap3A_303 = arith.constant 96 : index
        %swap3A_304 = tpu.vector_load %arg11[%swap3A_302, %swap3A_303] {strides = array<i32>} : memref<32x512xf32, #tpu.memory_space<vmem>>, vector<1x16xf32>,
        %swap3A_305 = vector.shape_cast %swap3A_304 : vector<1x16xf32> to vector<16xf32>
        %swap3A_306 = vector.shape_cast %add3A_301 : vector<16xf32> to vector<1x16xf32>
        tpu.vector_store %arg11[%swap3A_302, %swap3A_303], %swap3A_306 {strides = array<i32>} : memref<32x512xf32, #tpu.memory_space<vmem>>, vector<1x16xf32>,
        %get3A_307 = arith.index_cast %scan3A_189 : i32 to index
        %get3A_308 = arith.constant 112 : index
        %get3A_309 = tpu.vector_load %arg11[%get3A_307, %get3A_308] {strides = array<i32>} : memref<32x512xf32, #tpu.memory_space<vmem>>, vector<1x16xf32>,
        %get3A_310 = vector.shape_cast %get3A_309 : vector<1x16xf32> to vector<16xf32>
        %mul3A_311 = arith.constant 22.6274166 : f32
        %mul3A_312 = vector.broadcast %mul3A_311 : f32 to vector<16xf32>
        %mul3A_313 = arith.mulf %get3A_310, %mul3A_312 : vector<16xf32>
        %get3A_314 = arith.index_cast %scan3A_189 : i32 to index
        %get3A_315 = arith.constant 112 : index
        %get3A_316 = tpu.vector_load %arg7[%get3A_314, %get3A_315] {strides = array<i32>} : memref<32x512xf32, #tpu.memory_space<vmem>>, vector<1x16xf32>,
        %get3A_317 = vector.shape_cast %get3A_316 : vector<1x16xf32> to vector<16xf32>
        %add3A_318 = arith.addf %mul3A_313, %get3A_317 : vector<16xf32>
        %swap3A_319 = arith.index_cast %scan3A_189 : i32 to index
        %swap3A_320 = arith.constant 112 : index
        %swap3A_321 = tpu.vector_load %arg11[%swap3A_319, %swap3A_320] {strides = array<i32>} : memref<32x512xf32, #tpu.memory_space<vmem>>, vector<1x16xf32>,
        %swap3A_322 = vector.shape_cast %swap3A_321 : vector<1x16xf32> to vector<16xf32>
        %swap3A_323 = vector.shape_cast %add3A_318 : vector<16xf32> to vector<1x16xf32>
        tpu.vector_store %arg11[%swap3A_319, %swap3A_320], %swap3A_323 {strides = array<i32>} : memref<32x512xf32, #tpu.memory_space<vmem>>, vector<1x16xf32>,
        %get3A_324 = arith.index_cast %scan3A_189 : i32 to index
        %get3A_325 = arith.constant 128 : index
        %get3A_326 = tpu.vector_load %arg11[%get3A_324, %get3A_325] {strides = array<i32>} : memref<32x512xf32, #tpu.memory_space<vmem>>, vector<1x16xf32>,
        %get3A_327 = vector.shape_cast %get3A_326 : vector<1x16xf32> to vector<16xf32>
        %mul3A_328 = arith.constant 22.6274166 : f32
        %mul3A_329 = vector.broadcast %mul3A_328 : f32 to vector<16xf32>
        %mul3A_330 = arith.mulf %get3A_327, %mul3A_329 : vector<16xf32>
        %get3A_331 = arith.index_cast %scan3A_189 : i32 to index
        %get3A_332 = arith.constant 128 : index
        %get3A_333 = tpu.vector_load %arg7[%get3A_331, %get3A_332] {strides = array<i32>} : memref<32x512xf32, #tpu.memory_space<vmem>>, vector<1x16xf32>,
        %get3A_334 = vector.shape_cast %get3A_333 : vector<1x16xf32> to vector<16xf32>
        %add3A_335 = arith.addf %mul3A_330, %get3A_334 : vector<16xf32>
        %swap3A_336 = arith.index_cast %scan3A_189 : i32 to index
        %swap3A_337 = arith.constant 128 : index
        %swap3A_338 = tpu.vector_load %arg11[%swap3A_336, %swap3A_337] {strides = array<i32>} : memref<32x512xf32, #tpu.memory_space<vmem>>, vector<1x16xf32>,
        %swap3A_339 = vector.shape_cast %swap3A_338 : vector<1x16xf32> to vector<16xf32>
        %swap3A_340 = vector.shape_cast %add3A_335 : vector<16xf32> to vector<1x16xf32>
        tpu.vector_store %arg11[%swap3A_336, %swap3A_337], %swap3A_340 {strides = array<i32>} : memref<32x512xf32, #tpu.memory_space<vmem>>, vector<1x16xf32>,
        %get3A_341 = arith.index_cast %scan3A_189 : i32 to index
        %get3A_342 = arith.constant 144 : index
        %get3A_343 = tpu.vector_load %arg11[%get3A_341, %get3A_342] {strides = array<i32>} : memref<32x512xf32, #tpu.memory_space<vmem>>, vector<1x16xf32>,
        %get3A_344 = vector.shape_cast %get3A_343 : vector<1x16xf32> to vector<16xf32>
        %mul3A_345 = arith.constant 22.6274166 : f32
        %mul3A_346 = vector.broadcast %mul3A_345 : f32 to vector<16xf32>
        %mul3A_347 = arith.mulf %get3A_344, %mul3A_346 : vector<16xf32>
        %get3A_348 = arith.index_cast %scan3A_189 : i32 to index
        %get3A_349 = arith.constant 144 : index
        %get3A_350 = tpu.vector_load %arg7[%get3A_348, %get3A_349] {strides = array<i32>} : memref<32x512xf32, #tpu.memory_space<vmem>>, vector<1x16xf32>,
        %get3A_351 = vector.shape_cast %get3A_350 : vector<1x16xf32> to vector<16xf32>
        %add3A_352 = arith.addf %mul3A_347, %get3A_351 : vector<16xf32>
        %swap3A_353 = arith.index_cast %scan3A_189 : i32 to index
        %swap3A_354 = arith.constant 144 : index
        %swap3A_355 = tpu.vector_load %arg11[%swap3A_353, %swap3A_354] {strides = array<i32>} : memref<32x512xf32, #tpu.memory_space<vmem>>, vector<1x16xf32>,
        %swap3A_356 = vector.shape_cast %swap3A_355 : vector<1x16xf32> to vector<16xf32>
        %swap3A_357 = vector.shape_cast %add3A_352 : vector<16xf32> to vector<1x16xf32>
        tpu.vector_store %arg11[%swap3A_353, %swap3A_354], %swap3A_357 {strides = array<i32>} : memref<32x512xf32, #tpu.memory_space<vmem>>, vector<1x16xf32>,
        %get3A_358 = arith.index_cast %scan3A_189 : i32 to index
        %get3A_359 = arith.constant 160 : index
        %get3A_360 = tpu.vector_load %arg11[%get3A_358, %get3A_359] {strides = array<i32>} : memref<32x512xf32, #tpu.memory_space<vmem>>, vector<1x16xf32>,
        %get3A_361 = vector.shape_cast %get3A_360 : vector<1x16xf32> to vector<16xf32>
        %mul3A_362 = arith.constant 22.6274166 : f32
        %mul3A_363 = vector.broadcast %mul3A_362 : f32 to vector<16xf32>
        %mul3A_364 = arith.mulf %get3A_361, %mul3A_363 : vector<16xf32>
        %get3A_365 = arith.index_cast %scan3A_189 : i32 to index
        %get3A_366 = arith.constant 160 : index
        %get3A_367 = tpu.vector_load %arg7[%get3A_365, %get3A_366] {strides = array<i32>} : memref<32x512xf32, #tpu.memory_space<vmem>>, vector<1x16xf32>,
        %get3A_368 = vector.shape_cast %get3A_367 : vector<1x16xf32> to vector<16xf32>
        %add3A_369 = arith.addf %mul3A_364, %get3A_368 : vector<16xf32>
        %swap3A_370 = arith.index_cast %scan3A_189 : i32 to index
        %swap3A_371 = arith.constant 160 : index
        %swap3A_372 = tpu.vector_load %arg11[%swap3A_370, %swap3A_371] {strides = array<i32>} : memref<32x512xf32, #tpu.memory_space<vmem>>, vector<1x16xf32>,
        %swap3A_373 = vector.shape_cast %swap3A_372 : vector<1x16xf32> to vector<16xf32>
        %swap3A_374 = vector.shape_cast %add3A_369 : vector<16xf32> to vector<1x16xf32>
        tpu.vector_store %arg11[%swap3A_370, %swap3A_371], %swap3A_374 {strides = array<i32>} : memref<32x512xf32, #tpu.memory_space<vmem>>, vector<1x16xf32>,
        %get3A_375 = arith.index_cast %scan3A_189 : i32 to index
        %get3A_376 = arith.constant 176 : index
        %get3A_377 = tpu.vector_load %arg11[%get3A_375, %get3A_376] {strides = array<i32>} : memref<32x512xf32, #tpu.memory_space<vmem>>, vector<1x16xf32>,
        %get3A_378 = vector.shape_cast %get3A_377 : vector<1x16xf32> to vector<16xf32>
        %mul3A_379 = arith.constant 22.6274166 : f32
        %mul3A_380 = vector.broadcast %mul3A_379 : f32 to vector<16xf32>
        %mul3A_381 = arith.mulf %get3A_378, %mul3A_380 : vector<16xf32>
        %get3A_382 = arith.index_cast %scan3A_189 : i32 to index
        %get3A_383 = arith.constant 176 : index
        %get3A_384 = tpu.vector_load %arg7[%get3A_382, %get3A_383] {strides = array<i32>} : memref<32x512xf32, #tpu.memory_space<vmem>>, vector<1x16xf32>,
        %get3A_385 = vector.shape_cast %get3A_384 : vector<1x16xf32> to vector<16xf32>
        %add3A_386 = arith.addf %mul3A_381, %get3A_385 : vector<16xf32>
        %swap3A_387 = arith.index_cast %scan3A_189 : i32 to index
        %swap3A_388 = arith.constant 176 : index
        %swap3A_389 = tpu.vector_load %arg11[%swap3A_387, %swap3A_388] {strides = array<i32>} : memref<32x512xf32, #tpu.memory_space<vmem>>, vector<1x16xf32>,
        %swap3A_390 = vector.shape_cast %swap3A_389 : vector<1x16xf32> to vector<16xf32>
        %swap3A_391 = vector.shape_cast %add3A_386 : vector<16xf32> to vector<1x16xf32>
        tpu.vector_store %arg11[%swap3A_387, %swap3A_388], %swap3A_391 {strides = array<i32>} : memref<32x512xf32, #tpu.memory_space<vmem>>, vector<1x16xf32>,
        %get3A_392 = arith.index_cast %scan3A_189 : i32 to index
        %get3A_393 = arith.constant 192 : index
        %get3A_394 = tpu.vector_load %arg11[%get3A_392, %get3A_393] {strides = array<i32>} : memref<32x512xf32, #tpu.memory_space<vmem>>, vector<1x16xf32>,
        %get3A_395 = vector.shape_cast %get3A_394 : vector<1x16xf32> to vector<16xf32>
        %mul3A_396 = arith.constant 22.6274166 : f32
        %mul3A_397 = vector.broadcast %mul3A_396 : f32 to vector<16xf32>
        %mul3A_398 = arith.mulf %get3A_395, %mul3A_397 : vector<16xf32>
        %get3A_399 = arith.index_cast %scan3A_189 : i32 to index
        %get3A_400 = arith.constant 192 : index
        %get3A_401 = tpu.vector_load %arg7[%get3A_399, %get3A_400] {strides = array<i32>} : memref<32x512xf32, #tpu.memory_space<vmem>>, vector<1x16xf32>,
        %get3A_402 = vector.shape_cast %get3A_401 : vector<1x16xf32> to vector<16xf32>
        %add3A_403 = arith.addf %mul3A_398, %get3A_402 : vector<16xf32>
        %swap3A_404 = arith.index_cast %scan3A_189 : i32 to index
        %swap3A_405 = arith.constant 192 : index
        %swap3A_406 = tpu.vector_load %arg11[%swap3A_404, %swap3A_405] {strides = array<i32>} : memref<32x512xf32, #tpu.memory_space<vmem>>, vector<1x16xf32>,
        %swap3A_407 = vector.shape_cast %swap3A_406 : vector<1x16xf32> to vector<16xf32>
        %swap3A_408 = vector.shape_cast %add3A_403 : vector<16xf32> to vector<1x16xf32>
        tpu.vector_store %arg11[%swap3A_404, %swap3A_405], %swap3A_408 {strides = array<i32>} : memref<32x512xf32, #tpu.memory_space<vmem>>, vector<1x16xf32>,
        %get3A_409 = arith.index_cast %scan3A_189 : i32 to index
        %get3A_410 = arith.constant 208 : index
        %get3A_411 = tpu.vector_load %arg11[%get3A_409, %get3A_410] {strides = array<i32>} : memref<32x512xf32, #tpu.memory_space<vmem>>, vector<1x16xf32>,
        %get3A_412 = vector.shape_cast %get3A_411 : vector<1x16xf32> to vector<16xf32>
        %mul3A_413 = arith.constant 22.6274166 : f32
        %mul3A_414 = vector.broadcast %mul3A_413 : f32 to vector<16xf32>
        %mul3A_415 = arith.mulf %get3A_412, %mul3A_414 : vector<16xf32>
        %get3A_416 = arith.index_cast %scan3A_189 : i32 to index
        %get3A_417 = arith.constant 208 : index
        %get3A_418 = tpu.vector_load %arg7[%get3A_416, %get3A_417] {strides = array<i32>} : memref<32x512xf32, #tpu.memory_space<vmem>>, vector<1x16xf32>,
        %get3A_419 = vector.shape_cast %get3A_418 : vector<1x16xf32> to vector<16xf32>
        %add3A_420 = arith.addf %mul3A_415, %get3A_419 : vector<16xf32>
        %swap3A_421 = arith.index_cast %scan3A_189 : i32 to index
        %swap3A_422 = arith.constant 208 : index
        %swap3A_423 = tpu.vector_load %arg11[%swap3A_421, %swap3A_422] {strides = array<i32>} : memref<32x512xf32, #tpu.memory_space<vmem>>, vector<1x16xf32>,
        %swap3A_424 = vector.shape_cast %swap3A_423 : vector<1x16xf32> to vector<16xf32>
        %swap3A_425 = vector.shape_cast %add3A_420 : vector<16xf32> to vector<1x16xf32>
        tpu.vector_store %arg11[%swap3A_421, %swap3A_422], %swap3A_425 {strides = array<i32>} : memref<32x512xf32, #tpu.memory_space<vmem>>, vector<1x16xf32>,
        %get3A_426 = arith.index_cast %scan3A_189 : i32 to index
        %get3A_427 = arith.constant 224 : index
        %get3A_428 = tpu.vector_load %arg11[%get3A_426, %get3A_427] {strides = array<i32>} : memref<32x512xf32, #tpu.memory_space<vmem>>, vector<1x16xf32>,
        %get3A_429 = vector.shape_cast %get3A_428 : vector<1x16xf32> to vector<16xf32>
        %mul3A_430 = arith.constant 22.6274166 : f32
        %mul3A_431 = vector.broadcast %mul3A_430 : f32 to vector<16xf32>
        %mul3A_432 = arith.mulf %get3A_429, %mul3A_431 : vector<16xf32>
        %get3A_433 = arith.index_cast %scan3A_189 : i32 to index
        %get3A_434 = arith.constant 224 : index
        %get3A_435 = tpu.vector_load %arg7[%get3A_433, %get3A_434] {strides = array<i32>} : memref<32x512xf32, #tpu.memory_space<vmem>>, vector<1x16xf32>,
        %get3A_436 = vector.shape_cast %get3A_435 : vector<1x16xf32> to vector<16xf32>
        %add3A_437 = arith.addf %mul3A_432, %get3A_436 : vector<16xf32>
        %swap3A_438 = arith.index_cast %scan3A_189 : i32 to index
        %swap3A_439 = arith.constant 224 : index
        %swap3A_440 = tpu.vector_load %arg11[%swap3A_438, %swap3A_439] {strides = array<i32>} : memref<32x512xf32, #tpu.memory_space<vmem>>, vector<1x16xf32>,
        %swap3A_441 = vector.shape_cast %swap3A_440 : vector<1x16xf32> to vector<16xf32>
        %swap3A_442 = vector.shape_cast %add3A_437 : vector<16xf32> to vector<1x16xf32>
        tpu.vector_store %arg11[%swap3A_438, %swap3A_439], %swap3A_442 {strides = array<i32>} : memref<32x512xf32, #tpu.memory_space<vmem>>, vector<1x16xf32>,
        %get3A_443 = arith.index_cast %scan3A_189 : i32 to index
        %get3A_444 = arith.constant 240 : index
        %get3A_445 = tpu.vector_load %arg11[%get3A_443, %get3A_444] {strides = array<i32>} : memref<32x512xf32, #tpu.memory_space<vmem>>, vector<1x16xf32>,
        %get3A_446 = vector.shape_cast %get3A_445 : vector<1x16xf32> to vector<16xf32>
        %mul3A_447 = arith.constant 22.6274166 : f32
        %mul3A_448 = vector.broadcast %mul3A_447 : f32 to vector<16xf32>
        %mul3A_449 = arith.mulf %get3A_446, %mul3A_448 : vector<16xf32>
        %get3A_450 = arith.index_cast %scan3A_189 : i32 to index
        %get3A_451 = arith.constant 240 : index
        %get3A_452 = tpu.vector_load %arg7[%get3A_450, %get3A_451] {strides = array<i32>} : memref<32x512xf32, #tpu.memory_space<vmem>>, vector<1x16xf32>,
        %get3A_453 = vector.shape_cast %get3A_452 : vector<1x16xf32> to vector<16xf32>
        %add3A_454 = arith.addf %mul3A_449, %get3A_453 : vector<16xf32>
        %swap3A_455 = arith.index_cast %scan3A_189 : i32 to index
        %swap3A_456 = arith.constant 240 : index
        %swap3A_457 = tpu.vector_load %arg11[%swap3A_455, %swap3A_456] {strides = array<i32>} : memref<32x512xf32, #tpu.memory_space<vmem>>, vector<1x16xf32>,
        %swap3A_458 = vector.shape_cast %swap3A_457 : vector<1x16xf32> to vector<16xf32>
        %swap3A_459 = vector.shape_cast %add3A_454 : vector<16xf32> to vector<1x16xf32>
        tpu.vector_store %arg11[%swap3A_455, %swap3A_456], %swap3A_459 {strides = array<i32>} : memref<32x512xf32, #tpu.memory_space<vmem>>, vector<1x16xf32>,
        %get3A_460 = arith.index_cast %scan3A_189 : i32 to index
        %get3A_461 = arith.constant 256 : index
        %get3A_462 = tpu.vector_load %arg11[%get3A_460, %get3A_461] {strides = array<i32>} : memref<32x512xf32, #tpu.memory_space<vmem>>, vector<1x16xf32>,
        %get3A_463 = vector.shape_cast %get3A_462 : vector<1x16xf32> to vector<16xf32>
        %mul3A_464 = arith.constant 22.6274166 : f32
        %mul3A_465 = vector.broadcast %mul3A_464 : f32 to vector<16xf32>
        %mul3A_466 = arith.mulf %get3A_463, %mul3A_465 : vector<16xf32>
        %get3A_467 = arith.index_cast %scan3A_189 : i32 to index
        %get3A_468 = arith.constant 256 : index
        %get3A_469 = tpu.vector_load %arg7[%get3A_467, %get3A_468] {strides = array<i32>} : memref<32x512xf32, #tpu.memory_space<vmem>>, vector<1x16xf32>,
        %get3A_470 = vector.shape_cast %get3A_469 : vector<1x16xf32> to vector<16xf32>
        %add3A_471 = arith.addf %mul3A_466, %get3A_470 : vector<16xf32>
        %swap3A_472 = arith.index_cast %scan3A_189 : i32 to index
        %swap3A_473 = arith.constant 256 : index
        %swap3A_474 = tpu.vector_load %arg11[%swap3A_472, %swap3A_473] {strides = array<i32>} : memref<32x512xf32, #tpu.memory_space<vmem>>, vector<1x16xf32>,
        %swap3A_475 = vector.shape_cast %swap3A_474 : vector<1x16xf32> to vector<16xf32>
        %swap3A_476 = vector.shape_cast %add3A_471 : vector<16xf32> to vector<1x16xf32>
        tpu.vector_store %arg11[%swap3A_472, %swap3A_473], %swap3A_476 {strides = array<i32>} : memref<32x512xf32, #tpu.memory_space<vmem>>, vector<1x16xf32>,
        %get3A_477 = arith.index_cast %scan3A_189 : i32 to index
        %get3A_478 = arith.constant 272 : index
        %get3A_479 = tpu.vector_load %arg11[%get3A_477, %get3A_478] {strides = array<i32>} : memref<32x512xf32, #tpu.memory_space<vmem>>, vector<1x16xf32>,
        %get3A_480 = vector.shape_cast %get3A_479 : vector<1x16xf32> to vector<16xf32>
        %mul3A_481 = arith.constant 22.6274166 : f32
        %mul3A_482 = vector.broadcast %mul3A_481 : f32 to vector<16xf32>
        %mul3A_483 = arith.mulf %get3A_480, %mul3A_482 : vector<16xf32>
        %get3A_484 = arith.index_cast %scan3A_189 : i32 to index
        %get3A_485 = arith.constant 272 : index
        %get3A_486 = tpu.vector_load %arg7[%get3A_484, %get3A_485] {strides = array<i32>} : memref<32x512xf32, #tpu.memory_space<vmem>>, vector<1x16xf32>,
        %get3A_487 = vector.shape_cast %get3A_486 : vector<1x16xf32> to vector<16xf32>
        %add3A_488 = arith.addf %mul3A_483, %get3A_487 : vector<16xf32>
        %swap3A_489 = arith.index_cast %scan3A_189 : i32 to index
        %swap3A_490 = arith.constant 272 : index
        %swap3A_491 = tpu.vector_load %arg11[%swap3A_489, %swap3A_490] {strides = array<i32>} : memref<32x512xf32, #tpu.memory_space<vmem>>, vector<1x16xf32>,
        %swap3A_492 = vector.shape_cast %swap3A_491 : vector<1x16xf32> to vector<16xf32>
        %swap3A_493 = vector.shape_cast %add3A_488 : vector<16xf32> to vector<1x16xf32>
        tpu.vector_store %arg11[%swap3A_489, %swap3A_490], %swap3A_493 {strides = array<i32>} : memref<32x512xf32, #tpu.memory_space<vmem>>, vector<1x16xf32>,
        %get3A_494 = arith.index_cast %scan3A_189 : i32 to index
        %get3A_495 = arith.constant 288 : index
        %get3A_496 = tpu.vector_load %arg11[%get3A_494, %get3A_495] {strides = array<i32>} : memref<32x512xf32, #tpu.memory_space<vmem>>, vector<1x16xf32>,
        %get3A_497 = vector.shape_cast %get3A_496 : vector<1x16xf32> to vector<16xf32>
        %mul3A_498 = arith.constant 22.6274166 : f32
        %mul3A_499 = vector.broadcast %mul3A_498 : f32 to vector<16xf32>
        %mul3A_500 = arith.mulf %get3A_497, %mul3A_499 : vector<16xf32>
        %get3A_501 = arith.index_cast %scan3A_189 : i32 to index
        %get3A_502 = arith.constant 288 : index
        %get3A_503 = tpu.vector_load %arg7[%get3A_501, %get3A_502] {strides = array<i32>} : memref<32x512xf32, #tpu.memory_space<vmem>>, vector<1x16xf32>,
        %get3A_504 = vector.shape_cast %get3A_503 : vector<1x16xf32> to vector<16xf32>
        %add3A_505 = arith.addf %mul3A_500, %get3A_504 : vector<16xf32>
        %swap3A_506 = arith.index_cast %scan3A_189 : i32 to index
        %swap3A_507 = arith.constant 288 : index
        %swap3A_508 = tpu.vector_load %arg11[%swap3A_506, %swap3A_507] {strides = array<i32>} : memref<32x512xf32, #tpu.memory_space<vmem>>, vector<1x16xf32>,
        %swap3A_509 = vector.shape_cast %swap3A_508 : vector<1x16xf32> to vector<16xf32>
        %swap3A_510 = vector.shape_cast %add3A_505 : vector<16xf32> to vector<1x16xf32>
        tpu.vector_store %arg11[%swap3A_506, %swap3A_507], %swap3A_510 {strides = array<i32>} : memref<32x512xf32, #tpu.memory_space<vmem>>, vector<1x16xf32>,
        %get3A_511 = arith.index_cast %scan3A_189 : i32 to index
        %get3A_512 = arith.constant 304 : index
        %get3A_513 = tpu.vector_load %arg11[%get3A_511, %get3A_512] {strides = array<i32>} : memref<32x512xf32, #tpu.memory_space<vmem>>, vector<1x16xf32>,
        %get3A_514 = vector.shape_cast %get3A_513 : vector<1x16xf32> to vector<16xf32>
        %mul3A_515 = arith.constant 22.6274166 : f32
        %mul3A_516 = vector.broadcast %mul3A_515 : f32 to vector<16xf32>
        %mul3A_517 = arith.mulf %get3A_514, %mul3A_516 : vector<16xf32>
        %get3A_518 = arith.index_cast %scan3A_189 : i32 to index
        %get3A_519 = arith.constant 304 : index
        %get3A_520 = tpu.vector_load %arg7[%get3A_518, %get3A_519] {strides = array<i32>} : memref<32x512xf32, #tpu.memory_space<vmem>>, vector<1x16xf32>,
        %get3A_521 = vector.shape_cast %get3A_520 : vector<1x16xf32> to vector<16xf32>
        %add3A_522 = arith.addf %mul3A_517, %get3A_521 : vector<16xf32>
        %swap3A_523 = arith.index_cast %scan3A_189 : i32 to index
        %swap3A_524 = arith.constant 304 : index
        %swap3A_525 = tpu.vector_load %arg11[%swap3A_523, %swap3A_524] {strides = array<i32>} : memref<32x512xf32, #tpu.memory_space<vmem>>, vector<1x16xf32>,
        %swap3A_526 = vector.shape_cast %swap3A_525 : vector<1x16xf32> to vector<16xf32>
        %swap3A_527 = vector.shape_cast %add3A_522 : vector<16xf32> to vector<1x16xf32>
        tpu.vector_store %arg11[%swap3A_523, %swap3A_524], %swap3A_527 {strides = array<i32>} : memref<32x512xf32, #tpu.memory_space<vmem>>, vector<1x16xf32>,
        %get3A_528 = arith.index_cast %scan3A_189 : i32 to index
        %get3A_529 = arith.constant 320 : index
        %get3A_530 = tpu.vector_load %arg11[%get3A_528, %get3A_529] {strides = array<i32>} : memref<32x512xf32, #tpu.memory_space<vmem>>, vector<1x16xf32>,
        %get3A_531 = vector.shape_cast %get3A_530 : vector<1x16xf32> to vector<16xf32>
        %mul3A_532 = arith.constant 22.6274166 : f32
        %mul3A_533 = vector.broadcast %mul3A_532 : f32 to vector<16xf32>
        %mul3A_534 = arith.mulf %get3A_531, %mul3A_533 : vector<16xf32>
        %get3A_535 = arith.index_cast %scan3A_189 : i32 to index
        %get3A_536 = arith.constant 320 : index
        %get3A_537 = tpu.vector_load %arg7[%get3A_535, %get3A_536] {strides = array<i32>} : memref<32x512xf32, #tpu.memory_space<vmem>>, vector<1x16xf32>,
        %get3A_538 = vector.shape_cast %get3A_537 : vector<1x16xf32> to vector<16xf32>
        %add3A_539 = arith.addf %mul3A_534, %get3A_538 : vector<16xf32>
        %swap3A_540 = arith.index_cast %scan3A_189 : i32 to index
        %swap3A_541 = arith.constant 320 : index
        %swap3A_542 = tpu.vector_load %arg11[%swap3A_540, %swap3A_541] {strides = array<i32>} : memref<32x512xf32, #tpu.memory_space<vmem>>, vector<1x16xf32>,
        %swap3A_543 = vector.shape_cast %swap3A_542 : vector<1x16xf32> to vector<16xf32>
        %swap3A_544 = vector.shape_cast %add3A_539 : vector<16xf32> to vector<1x16xf32>
        tpu.vector_store %arg11[%swap3A_540, %swap3A_541], %swap3A_544 {strides = array<i32>} : memref<32x512xf32, #tpu.memory_space<vmem>>, vector<1x16xf32>,
        %get3A_545 = arith.index_cast %scan3A_189 : i32 to index
        %get3A_546 = arith.constant 336 : index
        %get3A_547 = tpu.vector_load %arg11[%get3A_545, %get3A_546] {strides = array<i32>} : memref<32x512xf32, #tpu.memory_space<vmem>>, vector<1x16xf32>,
        %get3A_548 = vector.shape_cast %get3A_547 : vector<1x16xf32> to vector<16xf32>
        %mul3A_549 = arith.constant 22.6274166 : f32
        %mul3A_550 = vector.broadcast %mul3A_549 : f32 to vector<16xf32>
        %mul3A_551 = arith.mulf %get3A_548, %mul3A_550 : vector<16xf32>
        %get3A_552 = arith.index_cast %scan3A_189 : i32 to index
        %get3A_553 = arith.constant 336 : index
        %get3A_554 = tpu.vector_load %arg7[%get3A_552, %get3A_553] {strides = array<i32>} : memref<32x512xf32, #tpu.memory_space<vmem>>, vector<1x16xf32>,
        %get3A_555 = vector.shape_cast %get3A_554 : vector<1x16xf32> to vector<16xf32>
        %add3A_556 = arith.addf %mul3A_551, %get3A_555 : vector<16xf32>
        %swap3A_557 = arith.index_cast %scan3A_189 : i32 to index
        %swap3A_558 = arith.constant 336 : index
        %swap3A_559 = tpu.vector_load %arg11[%swap3A_557, %swap3A_558] {strides = array<i32>} : memref<32x512xf32, #tpu.memory_space<vmem>>, vector<1x16xf32>,
        %swap3A_560 = vector.shape_cast %swap3A_559 : vector<1x16xf32> to vector<16xf32>
        %swap3A_561 = vector.shape_cast %add3A_556 : vector<16xf32> to vector<1x16xf32>
        tpu.vector_store %arg11[%swap3A_557, %swap3A_558], %swap3A_561 {strides = array<i32>} : memref<32x512xf32, #tpu.memory_space<vmem>>, vector<1x16xf32>,
        %get3A_562 = arith.index_cast %scan3A_189 : i32 to index
        %get3A_563 = arith.constant 352 : index
        %get3A_564 = tpu.vector_load %arg11[%get3A_562, %get3A_563] {strides = array<i32>} : memref<32x512xf32, #tpu.memory_space<vmem>>, vector<1x16xf32>,
        %get3A_565 = vector.shape_cast %get3A_564 : vector<1x16xf32> to vector<16xf32>
        %mul3A_566 = arith.constant 22.6274166 : f32
        %mul3A_567 = vector.broadcast %mul3A_566 : f32 to vector<16xf32>
        %mul3A_568 = arith.mulf %get3A_565, %mul3A_567 : vector<16xf32>
        %get3A_569 = arith.index_cast %scan3A_189 : i32 to index
        %get3A_570 = arith.constant 352 : index
        %get3A_571 = tpu.vector_load %arg7[%get3A_569, %get3A_570] {strides = array<i32>} : memref<32x512xf32, #tpu.memory_space<vmem>>, vector<1x16xf32>,
        %get3A_572 = vector.shape_cast %get3A_571 : vector<1x16xf32> to vector<16xf32>
        %add3A_573 = arith.addf %mul3A_568, %get3A_572 : vector<16xf32>
        %swap3A_574 = arith.index_cast %scan3A_189 : i32 to index
        %swap3A_575 = arith.constant 352 : index
        %swap3A_576 = tpu.vector_load %arg11[%swap3A_574, %swap3A_575] {strides = array<i32>} : memref<32x512xf32, #tpu.memory_space<vmem>>, vector<1x16xf32>,
        %swap3A_577 = vector.shape_cast %swap3A_576 : vector<1x16xf32> to vector<16xf32>
        %swap3A_578 = vector.shape_cast %add3A_573 : vector<16xf32> to vector<1x16xf32>
        tpu.vector_store %arg11[%swap3A_574, %swap3A_575], %swap3A_578 {strides = array<i32>} : memref<32x512xf32, #tpu.memory_space<vmem>>, vector<1x16xf32>,
        %get3A_579 = arith.index_cast %scan3A_189 : i32 to index
        %get3A_580 = arith.constant 368 : index
        %get3A_581 = tpu.vector_load %arg11[%get3A_579, %get3A_580] {strides = array<i32>} : memref<32x512xf32, #tpu.memory_space<vmem>>, vector<1x16xf32>,
        %get3A_582 = vector.shape_cast %get3A_581 : vector<1x16xf32> to vector<16xf32>
        %mul3A_583 = arith.constant 22.6274166 : f32
        %mul3A_584 = vector.broadcast %mul3A_583 : f32 to vector<16xf32>
        %mul3A_585 = arith.mulf %get3A_582, %mul3A_584 : vector<16xf32>
        %get3A_586 = arith.index_cast %scan3A_189 : i32 to index
        %get3A_587 = arith.constant 368 : index
        %get3A_588 = tpu.vector_load %arg7[%get3A_586, %get3A_587] {strides = array<i32>} : memref<32x512xf32, #tpu.memory_space<vmem>>, vector<1x16xf32>,
        %get3A_589 = vector.shape_cast %get3A_588 : vector<1x16xf32> to vector<16xf32>
        %add3A_590 = arith.addf %mul3A_585, %get3A_589 : vector<16xf32>
        %swap3A_591 = arith.index_cast %scan3A_189 : i32 to index
        %swap3A_592 = arith.constant 368 : index
        %swap3A_593 = tpu.vector_load %arg11[%swap3A_591, %swap3A_592] {strides = array<i32>} : memref<32x512xf32, #tpu.memory_space<vmem>>, vector<1x16xf32>,
        %swap3A_594 = vector.shape_cast %swap3A_593 : vector<1x16xf32> to vector<16xf32>
        %swap3A_595 = vector.shape_cast %add3A_590 : vector<16xf32> to vector<1x16xf32>
        tpu.vector_store %arg11[%swap3A_591, %swap3A_592], %swap3A_595 {strides = array<i32>} : memref<32x512xf32, #tpu.memory_space<vmem>>, vector<1x16xf32>,
        %get3A_596 = arith.index_cast %scan3A_189 : i32 to index
        %get3A_597 = arith.constant 384 : index
        %get3A_598 = tpu.vector_load %arg11[%get3A_596, %get3A_597] {strides = array<i32>} : memref<32x512xf32, #tpu.memory_space<vmem>>, vector<1x16xf32>,
        %get3A_599 = vector.shape_cast %get3A_598 : vector<1x16xf32> to vector<16xf32>
        %mul3A_600 = arith.constant 22.6274166 : f32
        %mul3A_601 = vector.broadcast %mul3A_600 : f32 to vector<16xf32>
        %mul3A_602 = arith.mulf %get3A_599, %mul3A_601 : vector<16xf32>
        %get3A_603 = arith.index_cast %scan3A_189 : i32 to index
        %get3A_604 = arith.constant 384 : index
        %get3A_605 = tpu.vector_load %arg7[%get3A_603, %get3A_604] {strides = array<i32>} : memref<32x512xf32, #tpu.memory_space<vmem>>, vector<1x16xf32>,
        %get3A_606 = vector.shape_cast %get3A_605 : vector<1x16xf32> to vector<16xf32>
        %add3A_607 = arith.addf %mul3A_602, %get3A_606 : vector<16xf32>
        %swap3A_608 = arith.index_cast %scan3A_189 : i32 to index
        %swap3A_609 = arith.constant 384 : index
        %swap3A_610 = tpu.vector_load %arg11[%swap3A_608, %swap3A_609] {strides = array<i32>} : memref<32x512xf32, #tpu.memory_space<vmem>>, vector<1x16xf32>,
        %swap3A_611 = vector.shape_cast %swap3A_610 : vector<1x16xf32> to vector<16xf32>
        %swap3A_612 = vector.shape_cast %add3A_607 : vector<16xf32> to vector<1x16xf32>
        tpu.vector_store %arg11[%swap3A_608, %swap3A_609], %swap3A_612 {strides = array<i32>} : memref<32x512xf32, #tpu.memory_space<vmem>>, vector<1x16xf32>,
        %get3A_613 = arith.index_cast %scan3A_189 : i32 to index
        %get3A_614 = arith.constant 400 : index
        %get3A_615 = tpu.vector_load %arg11[%get3A_613, %get3A_614] {strides = array<i32>} : memref<32x512xf32, #tpu.memory_space<vmem>>, vector<1x16xf32>,
        %get3A_616 = vector.shape_cast %get3A_615 : vector<1x16xf32> to vector<16xf32>
        %mul3A_617 = arith.constant 22.6274166 : f32
        %mul3A_618 = vector.broadcast %mul3A_617 : f32 to vector<16xf32>
        %mul3A_619 = arith.mulf %get3A_616, %mul3A_618 : vector<16xf32>
        %get3A_620 = arith.index_cast %scan3A_189 : i32 to index
        %get3A_621 = arith.constant 400 : index
        %get3A_622 = tpu.vector_load %arg7[%get3A_620, %get3A_621] {strides = array<i32>} : memref<32x512xf32, #tpu.memory_space<vmem>>, vector<1x16xf32>,
        %get3A_623 = vector.shape_cast %get3A_622 : vector<1x16xf32> to vector<16xf32>
        %add3A_624 = arith.addf %mul3A_619, %get3A_623 : vector<16xf32>
        %swap3A_625 = arith.index_cast %scan3A_189 : i32 to index
        %swap3A_626 = arith.constant 400 : index
        %swap3A_627 = tpu.vector_load %arg11[%swap3A_625, %swap3A_626] {strides = array<i32>} : memref<32x512xf32, #tpu.memory_space<vmem>>, vector<1x16xf32>,
        %swap3A_628 = vector.shape_cast %swap3A_627 : vector<1x16xf32> to vector<16xf32>
        %swap3A_629 = vector.shape_cast %add3A_624 : vector<16xf32> to vector<1x16xf32>
        tpu.vector_store %arg11[%swap3A_625, %swap3A_626], %swap3A_629 {strides = array<i32>} : memref<32x512xf32, #tpu.memory_space<vmem>>, vector<1x16xf32>,
        %get3A_630 = arith.index_cast %scan3A_189 : i32 to index
        %get3A_631 = arith.constant 416 : index
        %get3A_632 = tpu.vector_load %arg11[%get3A_630, %get3A_631] {strides = array<i32>} : memref<32x512xf32, #tpu.memory_space<vmem>>, vector<1x16xf32>,
        %get3A_633 = vector.shape_cast %get3A_632 : vector<1x16xf32> to vector<16xf32>
        %mul3A_634 = arith.constant 22.6274166 : f32
        %mul3A_635 = vector.broadcast %mul3A_634 : f32 to vector<16xf32>
        %mul3A_636 = arith.mulf %get3A_633, %mul3A_635 : vector<16xf32>
        %get3A_637 = arith.index_cast %scan3A_189 : i32 to index
        %get3A_638 = arith.constant 416 : index
        %get3A_639 = tpu.vector_load %arg7[%get3A_637, %get3A_638] {strides = array<i32>} : memref<32x512xf32, #tpu.memory_space<vmem>>, vector<1x16xf32>,
        %get3A_640 = vector.shape_cast %get3A_639 : vector<1x16xf32> to vector<16xf32>
        %add3A_641 = arith.addf %mul3A_636, %get3A_640 : vector<16xf32>
        %swap3A_642 = arith.index_cast %scan3A_189 : i32 to index
        %swap3A_643 = arith.constant 416 : index
        %swap3A_644 = tpu.vector_load %arg11[%swap3A_642, %swap3A_643] {strides = array<i32>} : memref<32x512xf32, #tpu.memory_space<vmem>>, vector<1x16xf32>,
        %swap3A_645 = vector.shape_cast %swap3A_644 : vector<1x16xf32> to vector<16xf32>
        %swap3A_646 = vector.shape_cast %add3A_641 : vector<16xf32> to vector<1x16xf32>
        tpu.vector_store %arg11[%swap3A_642, %swap3A_643], %swap3A_646 {strides = array<i32>} : memref<32x512xf32, #tpu.memory_space<vmem>>, vector<1x16xf32>,
        %get3A_647 = arith.index_cast %scan3A_189 : i32 to index
        %get3A_648 = arith.constant 432 : index
        %get3A_649 = tpu.vector_load %arg11[%get3A_647, %get3A_648] {strides = array<i32>} : memref<32x512xf32, #tpu.memory_space<vmem>>, vector<1x16xf32>,
        %get3A_650 = vector.shape_cast %get3A_649 : vector<1x16xf32> to vector<16xf32>
        %mul3A_651 = arith.constant 22.6274166 : f32
        %mul3A_652 = vector.broadcast %mul3A_651 : f32 to vector<16xf32>
        %mul3A_653 = arith.mulf %get3A_650, %mul3A_652 : vector<16xf32>
        %get3A_654 = arith.index_cast %scan3A_189 : i32 to index
        %get3A_655 = arith.constant 432 : index
        %get3A_656 = tpu.vector_load %arg7[%get3A_654, %get3A_655] {strides = array<i32>} : memref<32x512xf32, #tpu.memory_space<vmem>>, vector<1x16xf32>,
        %get3A_657 = vector.shape_cast %get3A_656 : vector<1x16xf32> to vector<16xf32>
        %add3A_658 = arith.addf %mul3A_653, %get3A_657 : vector<16xf32>
        %swap3A_659 = arith.index_cast %scan3A_189 : i32 to index
        %swap3A_660 = arith.constant 432 : index
        %swap3A_661 = tpu.vector_load %arg11[%swap3A_659, %swap3A_660] {strides = array<i32>} : memref<32x512xf32, #tpu.memory_space<vmem>>, vector<1x16xf32>,
        %swap3A_662 = vector.shape_cast %swap3A_661 : vector<1x16xf32> to vector<16xf32>
        %swap3A_663 = vector.shape_cast %add3A_658 : vector<16xf32> to vector<1x16xf32>
        tpu.vector_store %arg11[%swap3A_659, %swap3A_660], %swap3A_663 {strides = array<i32>} : memref<32x512xf32, #tpu.memory_space<vmem>>, vector<1x16xf32>,
        %get3A_664 = arith.index_cast %scan3A_189 : i32 to index
        %get3A_665 = arith.constant 448 : index
        %get3A_666 = tpu.vector_load %arg11[%get3A_664, %get3A_665] {strides = array<i32>} : memref<32x512xf32, #tpu.memory_space<vmem>>, vector<1x16xf32>,
        %get3A_667 = vector.shape_cast %get3A_666 : vector<1x16xf32> to vector<16xf32>
        %mul3A_668 = arith.constant 22.6274166 : f32
        %mul3A_669 = vector.broadcast %mul3A_668 : f32 to vector<16xf32>
        %mul3A_670 = arith.mulf %get3A_667, %mul3A_669 : vector<16xf32>
        %get3A_671 = arith.index_cast %scan3A_189 : i32 to index
        %get3A_672 = arith.constant 448 : index
        %get3A_673 = tpu.vector_load %arg7[%get3A_671, %get3A_672] {strides = array<i32>} : memref<32x512xf32, #tpu.memory_space<vmem>>, vector<1x16xf32>,
        %get3A_674 = vector.shape_cast %get3A_673 : vector<1x16xf32> to vector<16xf32>
        %add3A_675 = arith.addf %mul3A_670, %get3A_674 : vector<16xf32>
        %swap3A_676 = arith.index_cast %scan3A_189 : i32 to index
        %swap3A_677 = arith.constant 448 : index
        %swap3A_678 = tpu.vector_load %arg11[%swap3A_676, %swap3A_677] {strides = array<i32>} : memref<32x512xf32, #tpu.memory_space<vmem>>, vector<1x16xf32>,
        %swap3A_679 = vector.shape_cast %swap3A_678 : vector<1x16xf32> to vector<16xf32>
        %swap3A_680 = vector.shape_cast %add3A_675 : vector<16xf32> to vector<1x16xf32>
        tpu.vector_store %arg11[%swap3A_676, %swap3A_677], %swap3A_680 {strides = array<i32>} : memref<32x512xf32, #tpu.memory_space<vmem>>, vector<1x16xf32>,
        %get3A_681 = arith.index_cast %scan3A_189 : i32 to index
        %get3A_682 = arith.constant 464 : index
        %get3A_683 = tpu.vector_load %arg11[%get3A_681, %get3A_682] {strides = array<i32>} : memref<32x512xf32, #tpu.memory_space<vmem>>, vector<1x16xf32>,
        %get3A_684 = vector.shape_cast %get3A_683 : vector<1x16xf32> to vector<16xf32>
        %mul3A_685 = arith.constant 22.6274166 : f32
        %mul3A_686 = vector.broadcast %mul3A_685 : f32 to vector<16xf32>
        %mul3A_687 = arith.mulf %get3A_684, %mul3A_686 : vector<16xf32>
        %get3A_688 = arith.index_cast %scan3A_189 : i32 to index
        %get3A_689 = arith.constant 464 : index
        %get3A_690 = tpu.vector_load %arg7[%get3A_688, %get3A_689] {strides = array<i32>} : memref<32x512xf32, #tpu.memory_space<vmem>>, vector<1x16xf32>,
        %get3A_691 = vector.shape_cast %get3A_690 : vector<1x16xf32> to vector<16xf32>
        %add3A_692 = arith.addf %mul3A_687, %get3A_691 : vector<16xf32>
        %swap3A_693 = arith.index_cast %scan3A_189 : i32 to index
        %swap3A_694 = arith.constant 464 : index
        %swap3A_695 = tpu.vector_load %arg11[%swap3A_693, %swap3A_694] {strides = array<i32>} : memref<32x512xf32, #tpu.memory_space<vmem>>, vector<1x16xf32>,
        %swap3A_696 = vector.shape_cast %swap3A_695 : vector<1x16xf32> to vector<16xf32>
        %swap3A_697 = vector.shape_cast %add3A_692 : vector<16xf32> to vector<1x16xf32>
        tpu.vector_store %arg11[%swap3A_693, %swap3A_694], %swap3A_697 {strides = array<i32>} : memref<32x512xf32, #tpu.memory_space<vmem>>, vector<1x16xf32>,
        %get3A_698 = arith.index_cast %scan3A_189 : i32 to index
        %get3A_699 = arith.constant 480 : index
        %get3A_700 = tpu.vector_load %arg11[%get3A_698, %get3A_699] {strides = array<i32>} : memref<32x512xf32, #tpu.memory_space<vmem>>, vector<1x16xf32>,
        %get3A_701 = vector.shape_cast %get3A_700 : vector<1x16xf32> to vector<16xf32>
        %mul3A_702 = arith.constant 22.6274166 : f32
        %mul3A_703 = vector.broadcast %mul3A_702 : f32 to vector<16xf32>
        %mul3A_704 = arith.mulf %get3A_701, %mul3A_703 : vector<16xf32>
        %get3A_705 = arith.index_cast %scan3A_189 : i32 to index
        %get3A_706 = arith.constant 480 : index
        %get3A_707 = tpu.vector_load %arg7[%get3A_705, %get3A_706] {strides = array<i32>} : memref<32x512xf32, #tpu.memory_space<vmem>>, vector<1x16xf32>,
        %get3A_708 = vector.shape_cast %get3A_707 : vector<1x16xf32> to vector<16xf32>
        %add3A_709 = arith.addf %mul3A_704, %get3A_708 : vector<16xf32>
        %swap3A_710 = arith.index_cast %scan3A_189 : i32 to index
        %swap3A_711 = arith.constant 480 : index
        %swap3A_712 = tpu.vector_load %arg11[%swap3A_710, %swap3A_711] {strides = array<i32>} : memref<32x512xf32, #tpu.memory_space<vmem>>, vector<1x16xf32>,
        %swap3A_713 = vector.shape_cast %swap3A_712 : vector<1x16xf32> to vector<16xf32>
        %swap3A_714 = vector.shape_cast %add3A_709 : vector<16xf32> to vector<1x16xf32>
        tpu.vector_store %arg11[%swap3A_710, %swap3A_711], %swap3A_714 {strides = array<i32>} : memref<32x512xf32, #tpu.memory_space<vmem>>, vector<1x16xf32>,
        %get3A_715 = arith.index_cast %scan3A_189 : i32 to index
        %get3A_716 = arith.constant 496 : index
        %get3A_717 = tpu.vector_load %arg11[%get3A_715, %get3A_716] {strides = array<i32>} : memref<32x512xf32, #tpu.memory_space<vmem>>, vector<1x16xf32>,
        %get3A_718 = vector.shape_cast %get3A_717 : vector<1x16xf32> to vector<16xf32>
        %mul3A_719 = arith.constant 22.6274166 : f32
        %mul3A_720 = vector.broadcast %mul3A_719 : f32 to vector<16xf32>
        %mul3A_721 = arith.mulf %get3A_718, %mul3A_720 : vector<16xf32>
        %get3A_722 = arith.index_cast %scan3A_189 : i32 to index
        %get3A_723 = arith.constant 496 : index
        %get3A_724 = tpu.vector_load %arg7[%get3A_722, %get3A_723] {strides = array<i32>} : memref<32x512xf32, #tpu.memory_space<vmem>>, vector<1x16xf32>,
        %get3A_725 = vector.shape_cast %get3A_724 : vector<1x16xf32> to vector<16xf32>
        %add3A_726 = arith.addf %mul3A_721, %get3A_725 : vector<16xf32>
        %swap3A_727 = arith.index_cast %scan3A_189 : i32 to index
        %swap3A_728 = arith.constant 496 : index
        %swap3A_729 = tpu.vector_load %arg11[%swap3A_727, %swap3A_728] {strides = array<i32>} : memref<32x512xf32, #tpu.memory_space<vmem>>, vector<1x16xf32>,
        %swap3A_730 = vector.shape_cast %swap3A_729 : vector<1x16xf32> to vector<16xf32>
        %swap3A_731 = vector.shape_cast %add3A_726 : vector<16xf32> to vector<1x16xf32>
        tpu.vector_store %arg11[%swap3A_727, %swap3A_728], %swap3A_731 {strides = array<i32>} : memref<32x512xf32, #tpu.memory_space<vmem>>, vector<1x16xf32>,
      }
      %scan3A_172 = arith.constant 32 : i32
      %dma_start3A_173 = arith.constant 0 : i32
      %dma_start3A_174 = tpu.memref_slice %arg5[%add3A_160, %mul3A_2, %dma_start3A_173] : memref<64x1024x512xf32, #tpu.memory_space<hbm>> -> memref<1x32x512xf32, #tpu.memory_space<hbm>>
      %dma_start3A_175 = tpu.memref_squeeze %dma_start3A_174 : memref<1x32x512xf32, #tpu.memory_space<hbm>> -> memref<32x512xf32, #tpu.memory_space<hbm>>
      %dma_start3A_176 = arith.constant 0 : i32
      %dma_start3A_177 = tpu.memref_slice %arg5[%add3A_160, %mul3A_2, %dma_start3A_176] : memref<64x1024x512xf32, #tpu.memory_space<hbm>> -> memref<1x32x512xf32, #tpu.memory_space<hbm>>
      %dma_start3A_178 = tpu.memref_squeeze %dma_start3A_177 : memref<1x32x512xf32, #tpu.memory_space<hbm>> -> memref<32x512xf32, #tpu.memory_space<hbm>>
      tpu.enqueue_dma source(%arg11 : memref<32x512xf32, #tpu.memory_space<vmem>>) target(%dma_start3A_178 : memref<32x512xf32, #tpu.memory_space<hbm>>) target_semaphore(%arg19 : memref<!tpu.dma_semaphore, #tpu.memory_space<semaphore_mem>>)
      %add3A_179 = arith.constant 3 : i32
      %add3A_180 = arith.addi %add3A_160, %add3A_179 : i32
      %ge3A_181 = arith.constant 4 : i32
      %ge3A_182 = arith.cmpi sge, %add3A_180, %ge3A_181 : i32
      %lt3A_183 = arith.constant 64 : i32
      %lt3A_184 = arith.cmpi slt, %add3A_180, %lt3A_183 : i32
      %and3A_185 = arith.andi %ge3A_182, %lt3A_184 : i1
      %convert_element_type3A_186 = arith.extui %and3A_185 : i1 to i32
      %cond3A_187 = arith.constant 0 : i32
      %cond3A_188 = arith.cmpi ne, %convert_element_type3A_186, %cond3A_187 : i32
      scf.if %cond3A_188 {
        %dma_wait3A_189 = arith.constant 0 : i32
        %dma_wait3A_190 = arith.constant 0 : i32
        %dma_wait3A_191 = tpu.memref_slice %arg5[%dma_wait3A_189, %mul3A_2, %dma_wait3A_190] : memref<64x1024x512xf32, #tpu.memory_space<hbm>> -> memref<1x32x512xf32, #tpu.memory_space<hbm>>
        %dma_wait3A_192 = tpu.memref_squeeze %dma_wait3A_191 : memref<1x32x512xf32, #tpu.memory_space<hbm>> -> memref<32x512xf32, #tpu.memory_space<hbm>>
        %dma_wait3A_193 = arith.constant 0 : i32
        %dma_wait3A_194 = tpu.memref_slice %arg5[%dma_wait3A_189, %mul3A_2, %dma_wait3A_193] : memref<64x1024x512xf32, #tpu.memory_space<hbm>> -> memref<1x32x512xf32, #tpu.memory_space<hbm>>
        %dma_wait3A_195 = tpu.memref_squeeze %dma_wait3A_194 : memref<1x32x512xf32, #tpu.memory_space<hbm>> -> memref<32x512xf32, #tpu.memory_space<hbm>>
        tpu.wait_dma2 semaphore(%arg18 : memref<!tpu.dma_semaphore, #tpu.memory_space<semaphore_mem>>) src(%arg10 : memref<32x512xf32, #tpu.memory_space<vmem>>) dst(%dma_wait3A_195 : memref<32x512xf32, #tpu.memory_space<hbm>>)
        %dma_start3A_196 = arith.constant 0 : i32
        %dma_start3A_197 = tpu.memref_slice %arg6[%add3A_180, %dma_start3A_196] : memref<64x32xi32, #tpu.memory_space<vmem>> -> memref<1x32xi32, #tpu.memory_space<vmem>>
        %dma_start3A_198 = tpu.memref_squeeze %dma_start3A_197 : memref<1x32xi32, #tpu.memory_space<vmem>> -> memref<32xi32, #tpu.memory_space<vmem>>
        %dma_start3A_199 = arith.constant 0 : i32
        %dma_start3A_200 = arith.constant 0 : i32
        %dma_start3A_201 = tpu.memref_slice %arg4[%dma_start3A_199, %dma_start3A_200] : memref<151667x512xf32, #tpu.memory_space<hbm>> -> memref<151667x512xf32, #tpu.memory_space<hbm>>
        tpu.enqueue_indirect_dma source(%dma_start3A_201 : memref<151667x512xf32, #tpu.memory_space<hbm>>) target(%arg10 : memref<32x512xf32, #tpu.memory_space<vmem>>) offsets(%dma_start3A_198 : memref<32xi32, #tpu.memory_space<vmem>>) semaphore(%arg14 : memref<!tpu.dma_semaphore, #tpu.memory_space<semaphore_mem>>)
      } else {
      }
    }
    %scan3A_33 = arith.constant 16 : i32
    %dma_wait3A = arith.constant 0 : i32
    %dma_wait3A_34 = arith.constant 0 : i32
    %dma_wait3A_35 = tpu.memref_slice %arg5[%dma_wait3A, %mul3A_2, %dma_wait3A_34] : memref<64x1024x512xf32, #tpu.memory_space<hbm>> -> memref<1x32x512xf32, #tpu.memory_space<hbm>>
    %dma_wait3A_36 = tpu.memref_squeeze %dma_wait3A_35 : memref<1x32x512xf32, #tpu.memory_space<hbm>> -> memref<32x512xf32, #tpu.memory_space<hbm>>
    %dma_wait3A_37 = arith.constant 0 : i32
    %dma_wait3A_38 = tpu.memref_slice %arg5[%dma_wait3A, %mul3A_2, %dma_wait3A_37] : memref<64x1024x512xf32, #tpu.memory_space<hbm>> -> memref<1x32x512xf32, #tpu.memory_space<hbm>>
    %dma_wait3A_39 = tpu.memref_squeeze %dma_wait3A_38 : memref<1x32x512xf32, #tpu.memory_space<hbm>> -> memref<32x512xf32, #tpu.memory_space<hbm>>
    tpu.wait_dma2 semaphore(%arg16 : memref<!tpu.dma_semaphore, #tpu.memory_space<semaphore_mem>>) src(%arg8 : memref<32x512xf32, #tpu.memory_space<vmem>>) dst(%dma_wait3A_39 : memref<32x512xf32, #tpu.memory_space<hbm>>)
    %dma_wait3A_40 = arith.constant 0 : i32
    %dma_wait3A_41 = arith.constant 0 : i32
    %dma_wait3A_42 = tpu.memref_slice %arg5[%dma_wait3A_40, %mul3A_2, %dma_wait3A_41] : memref<64x1024x512xf32, #tpu.memory_space<hbm>> -> memref<1x32x512xf32, #tpu.memory_space<hbm>>
    %dma_wait3A_43 = tpu.memref_squeeze %dma_wait3A_42 : memref<1x32x512xf32, #tpu.memory_space<hbm>> -> memref<32x512xf32, #tpu.memory_space<hbm>>
    %dma_wait3A_44 = arith.constant 0 : i32
    %dma_wait3A_45 = tpu.memref_slice %arg5[%dma_wait3A_40, %mul3A_2, %dma_wait3A_44] : memref<64x1024x512xf32, #tpu.memory_space<hbm>> -> memref<1x32x512xf32, #tpu.memory_space<hbm>>
    %dma_wait3A_46 = tpu.memref_squeeze %dma_wait3A_45 : memref<1x32x512xf32, #tpu.memory_space<hbm>> -> memref<32x512xf32, #tpu.memory_space<hbm>>
    tpu.wait_dma2 semaphore(%arg17 : memref<!tpu.dma_semaphore, #tpu.memory_space<semaphore_mem>>) src(%arg9 : memref<32x512xf32, #tpu.memory_space<vmem>>) dst(%dma_wait3A_46 : memref<32x512xf32, #tpu.memory_space<hbm>>)
    %dma_wait3A_47 = arith.constant 0 : i32
    %dma_wait3A_48 = arith.constant 0 : i32
    %dma_wait3A_49 = tpu.memref_slice %arg5[%dma_wait3A_47, %mul3A_2, %dma_wait3A_48] : memref<64x1024x512xf32, #tpu.memory_space<hbm>> -> memref<1x32x512xf32, #tpu.memory_space<hbm>>
    %dma_wait3A_50 = tpu.memref_squeeze %dma_wait3A_49 : memref<1x32x512xf32, #tpu.memory_space<hbm>> -> memref<32x512xf32, #tpu.memory_space<hbm>>
    %dma_wait3A_51 = arith.constant 0 : i32
    %dma_wait3A_52 = tpu.memref_slice %arg5[%dma_wait3A_47, %mul3A_2, %dma_wait3A_51] : memref<64x1024x512xf32, #tpu.memory_space<hbm>> -> memref<1x32x512xf32, #tpu.memory_space<hbm>>
    %dma_wait3A_53 = tpu.memref_squeeze %dma_wait3A_52 : memref<1x32x512xf32, #tpu.memory_space<hbm>> -> memref<32x512xf32, #tpu.memory_space<hbm>>
    tpu.wait_dma2 semaphore(%arg18 : memref<!tpu.dma_semaphore, #tpu.memory_space<semaphore_mem>>) src(%arg10 : memref<32x512xf32, #tpu.memory_space<vmem>>) dst(%dma_wait3A_53 : memref<32x512xf32, #tpu.memory_space<hbm>>)
    %dma_wait3A_54 = arith.constant 0 : i32
    %dma_wait3A_55 = arith.constant 0 : i32
    %dma_wait3A_56 = tpu.memref_slice %arg5[%dma_wait3A_54, %mul3A_2, %dma_wait3A_55] : memref<64x1024x512xf32, #tpu.memory_space<hbm>> -> memref<1x32x512xf32, #tpu.memory_space<hbm>>
    %dma_wait3A_57 = tpu.memref_squeeze %dma_wait3A_56 : memref<1x32x512xf32, #tpu.memory_space<hbm>> -> memref<32x512xf32, #tpu.memory_space<hbm>>
    %dma_wait3A_58 = arith.constant 0 : i32
    %dma_wait3A_59 = tpu.memref_slice %arg5[%dma_wait3A_54, %mul3A_2, %dma_wait3A_58] : memref<64x1024x512xf32, #tpu.memory_space<hbm>> -> memref<1x32x512xf32, #tpu.memory_space<hbm>>
    %dma_wait3A_60 = tpu.memref_squeeze %dma_wait3A_59 : memref<1x32x512xf32, #tpu.memory_space<hbm>> -> memref<32x512xf32, #tpu.memory_space<hbm>>
    tpu.wait_dma2 semaphore(%arg19 : memref<!tpu.dma_semaphore, #tpu.memory_space<semaphore_mem>>) src(%arg11 : memref<32x512xf32, #tpu.memory_space<vmem>>) dst(%dma_wait3A_60 : memref<32x512xf32, #tpu.memory_space<hbm>>)
    return
  }
}

</mosaic_0001>

<sc_bundles>
// kernel: kernel.3.cloned.1.call-start
scs
__scs_entry_jumppad:
0x0: {  	(pc) =	sbr.rel $0x88, $3  }
0x1: {  	(tag) =	ssettag $0x0;
	lr =	simm.s32 $0x1  }
0x2: {  	[smem:$0x3F9E] =	sst lr;
	_ =	strace $0xD0000000  }
0x3: {  	_ = 	snop  }
0x4: {  	_ = 	snop  }
0x5: {  	_ = 	snop  }
0x6: {  	_ = 	snop  }
0x7: {  	_ = 	snop  }
__scs_overlays_trampoline_lowered:
0x8: {  	[smem:$0x3FAD] =	sst s0  }
0x9: {  	[smem:$0x3FAE] =	sst s1  }
0xa: {  	[smem:$0x3FAF] =	sst s2  }
0xb: {  	[smem:$0x3FB0] =	sst s3  }
0xc: {  	[smem:$0x3FB1] =	sst s4  }
0xd: {  	[smem:$0x3FB2] =	sst s5  }
0xe: {  	[smem:$0x3FB3] =	sst s6  }
0xf: {  	[smem:$0x3FB4] =	sst s7  }
0x10: {  	[smem:$0x3FB5] =	sst s8  }
0x11: {  	[smem:$0x3FB6] =	sst s9;
	s0 =	simm.s32 @!p0 $0x0  }
0x12: {  	s1 =	sld [smem:$0x3F9C];
	s0 =	simm.s32 @p0 $0x1  }
0x13: {  	[smem:$0x3FB7] =	sst s0;
	s0 =	simm.s32 @!p1 $0x0  }
0x14: {  	s2 =	sld [smem:$0x3F9B];
	s0 =	simm.s32 @p1 $0x1  }
0x15: {  	[smem:$0x3FB8] =	sst s0;
	s0 =	simm.s32 @!p2 $0x0  }
0x16: {  	s3 =	sld [smem:$0x3FDB];
	s0 =	simm.s32 @p2 $0x1  }
0x17: {  	s4 =	simm.s32 $0x1BF5;
	[smem:$0x3FBA] =	sst s0  }
0x18: {  	s0 =	sld [smem:$0x3F9D];
	_ =	swait.ge [sflag:s4], $0x0  }
0x19: {  	s7 =	sld [smem:$0x3F9E]  }
0x1a: {  	s8 =	sadd.s32 $0xFFFFE003, lr  }
0x1b: {  	s9 =	sadd.s32 $0xFFFFFEF7, lr;
	s5 =	simm.s32 $0xFFFFFFFF;
	p2 =	slt.u32 s8, $0xFFFFF086  }
0x1c: {  	p1 =	slt.u32 s9, $0xF7A;
	s5 =	simm.s32 @!p2 $0x0  }
0x1d: {  	s5 =	simm.s32 @p1 $0x1;
	p0 =	seq.s32 s7, s2  }
0x1e: {  	s7 =	smul.u32 @!p0 $0xF7A, s2;
	p2 =	seq.s32 @!p0 s5, $0x0  }
0x1f: {  	s9 =	smul.u32 $0xF7A, s1;
	s8 =	simm.s32 @!p0 $0x1BF5;
	p2 =	por !p2, p0  }
0x20: {  	[sflag:s8] =	ssyncset.s32 @!p0 $0xFFFFF086;
	s6 =	sadd.s32 @!p0 s3, s7;
	s7 =	simm.s32 @!p0 $0x108  }
0x21: {  	s3 =	sadd.s32 s3, s9;
	s6 =	sadd.s32 @!p0 $0x88, s6;
	s7 =	simm.s32 @p2 $0x1082  }
0x22: {  	[simem:s7], [sflag:s8] =	dma.local @!p0 [hbm:s6], $0xF7A  }
0x23: {  	s9 =	sor.u32 $0xD0000000, s2;
	s6 =	simm.s32 $0x108;
	_ =	swait.ge @!p0 [sflag:s8], $0x0  }
0x24: {  	s3 =	sadd.s32 $0x88, s3;
	s6 =	simm.s32 @!p1 $0x1082;
	[sflag:s4] =	ssyncset.s32 $0xFFFFF086  }
0x25: {  	[simem:s6], [sflag:s4] =	dma.local [hbm:s3], $0xF7A  }
0x26: {  	[smem:$0x3F9E] =	sst s1;
	(tag) =	ssettag s2;
	_ =	strace s9  }
0x27: {  	s1 =	sld [smem:$0x3FAE]  }
0x28: {  	s2 =	sld [smem:$0x3FAF]  }
0x29: {  	s4 =	sld [smem:$0x3FB1]  }
0x2a: {  	p0 =	seq.s32 s5, $0x0;
	s5 =	sld [smem:$0x3FB2]  }
0x2b: {  	s6 =	sld [smem:$0x3FB3]  }
0x2c: {  	s7 =	sld [smem:$0x3FB4]  }
0x2d: {  	s3 =	simm.s32 $0x108;
	s8 =	sld [smem:$0x3FB5]  }
0x2e: {  	s3 =	simm.s32 @!p0 $0x1082;
	s9 =	sld [smem:$0x3FB6]  }
0x2f: {  	lr =	sadd.s32 s0, s3;
	s0 =	sld [smem:$0x3FAD]  }
0x30: {  	s3 =	sld [smem:$0x3FB0]  }
0x31: {  	[smem:$0x3FB9] =	sst s10  }
0x32: {  	s10 =	sld [smem:$0x3FB7];
	_ =	sdelay $0x3  }
0x33: {  	p0 =	seq.s32 s10, $0x1;
	s10 =	sld [smem:$0x3FB9];
	_ =	sdelay $0x3  }
0x34: {  	[smem:$0x3FB9] =	sst s10  }
0x35: {  	s10 =	sld [smem:$0x3FB8];
	_ =	sdelay $0x3  }
0x36: {  	p1 =	seq.s32 s10, $0x1;
	s10 =	sld [smem:$0x3FB9];
	_ =	sdelay $0x3  }
0x37: {  	[smem:$0x3FB9] =	sst s10  }
0x38: {  	s10 =	sld [smem:$0x3FBA]  }
0x39: {  	_ = 	snop;
	(pc) =	sbr.ind lr, $3  }
0x3a: {  	_ = 	snop  }
0x3b: {  	_ = 	snop  }
0x3c: {  	p2 =	seq.s32 s10, $0x1;
	s10 =	sld [smem:$0x3FB9]  }
0x3d: {  	_ =	shalt  }
0x3e: {  	_ =	shalt  }
0x3f: {  	_ =	shalt  }
0x40: {  	_ =	shalt  }
0x41: {  	_ =	shalt  }
0x42: {  	_ =	shalt  }
0x43: {  	_ =	shalt  }
0x44: {  	_ =	shalt  }
0x45: {  	_ =	shalt  }
0x46: {  	_ =	shalt  }
0x47: {  	_ =	shalt  }
0x48: {  	_ =	shalt  }
0x49: {  	_ =	shalt  }
0x4a: {  	_ =	shalt  }
0x4b: {  	_ =	shalt  }
0x4c: {  	_ =	shalt  }
0x4d: {  	_ =	shalt  }
0x4e: {  	_ =	shalt  }
0x4f: {  	_ =	shalt  }
0x50: {  	_ =	shalt  }
0x51: {  	_ =	shalt  }
0x52: {  	_ =	shalt  }
0x53: {  	_ =	shalt  }
0x54: {  	_ =	shalt  }
0x55: {  	_ =	shalt  }
0x56: {  	_ =	shalt  }
0x57: {  	_ =	shalt  }
0x58: {  	_ =	shalt  }
0x59: {  	_ =	shalt  }
0x5a: {  	_ =	shalt  }
0x5b: {  	_ =	shalt  }
0x5c: {  	_ =	shalt  }
0x5d: {  	_ =	shalt  }
0x5e: {  	_ =	shalt  }
0x5f: {  	_ =	shalt  }
0x60: {  	_ =	shalt  }
0x61: {  	_ =	shalt  }
0x62: {  	_ =	shalt  }
0x63: {  	_ =	shalt  }
0x64: {  	_ =	shalt  }
0x65: {  	_ =	shalt  }
0x66: {  	_ =	shalt  }
0x67: {  	_ =	shalt  }
0x68: {  	_ =	shalt  }
0x69: {  	_ =	shalt  }
0x6a: {  	_ =	shalt  }
0x6b: {  	_ =	shalt  }
0x6c: {  	_ =	shalt  }
0x6d: {  	_ =	shalt  }
0x6e: {  	_ =	shalt  }
0x6f: {  	_ =	shalt  }
0x70: {  	_ =	shalt  }
0x71: {  	_ =	shalt  }
0x72: {  	_ =	shalt  }
0x73: {  	_ =	shalt  }
0x74: {  	_ =	shalt  }
0x75: {  	_ =	shalt  }
0x76: {  	_ =	shalt  }
0x77: {  	_ =	shalt  }
0x78: {  	_ =	shalt  }
0x79: {  	_ =	shalt  }
0x7a: {  	_ =	shalt  }
0x7b: {  	_ =	shalt  }
0x7c: {  	_ =	shalt  }
0x7d: {  	_ =	shalt  }
0x7e: {  	_ =	shalt  }
0x7f: {  	_ =	shalt  }
0x80: {  	_ =	shalt  }
0x81: {  	_ =	shalt  }
0x82: {  	_ =	shalt  }
0x83: {  	_ =	shalt  }
0x84: {  	_ =	shalt  }
0x85: {  	_ =	shalt  }
0x86: {  	_ =	shalt  }
0x87: {  	_ =	shalt  }
.Lfunc_end0:
.L_simem_size_0:
called_computation_lowered:
.L_overlay_start_0:
0x88: {  	s2 =	sld [smem:$0x3FD9]  }
0x89: {  	s3 =	sld [smem:$0x3FFE];
	_ =	sdelay $0x1  }
0x8a: {  	s1 =	srdreg.scid  }
0x8b: {  	s0 =	sand.u32 $0x1, s1  }
0x8c: {  	s17 =	sshll.u32 s0, $0xA;
	s2 =	sadd.s32 s3, s2  }
0x8d: {  	s2 =	sadd.s32 s2, s17  }
0x8e: {  	[smem:$0x3FC5] =	sst s2  }
0x8f: {  	_ = 	snop  }
0x90: {  	s2 =	sld [smem:$0x3FC8]  }
0x91: {  	s18 =	sld [smem:$0x3FC7]  }
0x92: {  	s4 =	sld [smem:$0x3FD0];
	(tm) =	ssettm $0x1  }
0x93: {  	s5 =	sld [smem:$0x3FFB];
	_ =	sdelay $0x3  }
0x94: {  	_ =	strace s5  }
0x95: {  	s5 =	sld [smem:$0x3FFC];
	_ =	sdelay $0x3  }
0x96: {  	_ =	strace s5  }
0x97: {  	s5 =	sld [smem:$0x3FFD];
	_ =	sdelay $0x3  }
0x98: {  	_ =	strace s5  }
0x99: {  	_ =	strace $0x8FFFFFFF  }
0x9a: {  	s19 =	sld [smem:$0x3FDB];
	_ =	sdelay $0x1  }
0x9b: {  	s6 =	simm.s32 $_scs_section_size  }
0x9c: {  	s7 =	simm.s32 $_size__tile_overlayer_lowered;
	s8 =	simm.s32 $_tile_overlayer_lowered  }
0x9d: {  	s22 =	simm.s32 $0x1BFF;
	s21 =	sshll.u32 s8, $0x1;
	s5 =	sadd.s32 s6, s19  }
0x9e: {  	s9 =	simm.s32 $0x0;
	s20 =	sshll.u32 s7, $0x1;
	s7 =	sadd.s32 s21, s5  }
0x9f: {  	[timem:s9], [sflag:s22] =	dma.local [hbm:s7], s20  }
0xa0: {  	_ =	swait.ge [sflag:s22], s20  }
0xa1: {  	s6 =	ssub.s32 $0x0, s20;
	[sflag:s22] =	ssyncset.done $0x0  }
0xa2: {  	[sflag:s22] =	ssyncadd.s32 s6;
	_ =	sdelay $0x1  }
0xa3: {  	s23 =	simm.s32 $0x1B8B  }
0xa4: {  	_ =	swait.ge [sflag:s23], $0x1  }
0xa5: {  	[sflag:s23] =	ssyncset.done $0x0  }
0xa6: {  	s25 =	simm.s32 $0x1B8E;
	s24 =	sld [smem:$0x3FFE];
	[sflag:s23] =	ssyncadd.s32 $0xFFFFFFFF  }
0xa7: {  	s26 =	simm.s32 $execute0_lowered;
	[smem:$0x3FD2] =	sst s25  }
0xa8: {  	s7 =	sshll.u32 s26, $0x1;
	_ =	strace $0x80000046;
	[dreg:$0x1] =	wrdreg $0xFFFFFFFF  }
0xa9: {  	s28 =	simm.s32 $_size_execute0_lowered;
	s5 =	sadd.s32 s5, s7;
	[dreg:$0x0] =	wrdreg $0x0  }
0xaa: {  	s7 =	sshll.u32 s28, $0x1;
	[dreg:$0x2] =	wrdreg s5  }
0xab: {  	[dreg:$0x3] =	wrdreg s7  }
0xac: {  	[dreg:$0x4] =	wrdreg $0xC0  }
0xad: {  	_ =	task [dreg:s9], $0x5FFFF  }
0xae: {  	[dreg:$0x1] =	wrdreg $0xFFFFFFFF  }
0xaf: {  	[dreg:$0x0] =	wrdreg $0x60  }
0xb0: {  	[dreg:$0x2] =	wrdreg s24  }
0xb1: {  	[dreg:$0x3] =	wrdreg s18  }
0xb2: {  	[dreg:$0x4] =	wrdreg s2  }
0xb3: {  	[dreg:$0x5] =	wrdreg s4  }
0xb4: {  	[dreg:$0x6] =	wrdreg $0x9  }
0xb5: {  	_ =	task.clear_ibuf [dreg:s9], $0x7FFFF;
	_ =	strace $0x90000046  }
0xb6: {  	s29 =	simm.s32 $0x9;
	_ =	strace $0x80000048  }
0xb7: {  	_ =	swait.ge [sflag:s29], $0x1  }
0xb8: {  	[sflag:s29] =	ssyncadd.s32 $0xFFFFFFFF  }
0xb9: {  	_ =	strace $0x90000048  }
0xba: {  	_ =	sfence  }
0xbb: {  	s30 =	sld [smem:$0x0];
	_ =	sdelay $0x2  }
0xbc: {  	s31 =	sshll.u32 s1, $0xD;
	s1 =	sshrl.u32 s1, $0x2  }
0xbd: {  	s3 =	sand.u32 $0x4000, s31;
	s1 =	sadd.s32 s1, s30  }
0xbe: {  	s0 =	sor.u32 s3, s0;
	s1 =	sshll.u32 s1, $0x11  }
0xbf: {  	s0 =	sor.u32 s1, s0  }
0xc0: {  	s0 =	sadd.s32 $0x8F2B, s0  }
0xc1: {  	[sflag:s0] =	ssyncadd.remote.s32 $0x1  }
0xc2: {  	_ =	sfence.sel $0xFFFF  }
0xc3: {  	[dreg:$0x0] =	wrdreg $0xFFFFFFFF;
	(pc) =	sbr.abs _section_cstart, $3  }
0xc4: {  	[dreg:$0x1] =	wrdreg $0xFFFFFFFF  }
0xc5: {  	_ =	task.clear_ibuf [dreg:s9], $0x2FFFF;
	_ =	strace $0x9FFFFFFF  }
0xc6: {  	(tm) =	ssettm $0x7FFFFFFF  }
0xc7: {  	_ =	shalt  }
tec
execute0_lowered:
.L_overlay_start_1:
0x0: {  	(tag) =	ssettag $0x1  }
0x1: {  	s0 =	rddreg [dreg:$0x0]  }
0x2: {  	s1 =	rddreg [dreg:$0x1]  }
0x3: {  	s2 =	rddreg [dreg:$0x2]  }
0x4: {  	s3 =	rddreg [dreg:$0x3]  }
0x5: {  	s4 =	srdreg.scid;
	s6 =	stileid.u32  }
0x6: {  	s13 =	simm.s32 $0x6000;
	s21 =	simm.s32 $0xA000;
	s30 =	simm.s32 $0xE000  }
0x7: {  	s14 =	simm.s32 $0x10000;
	s15 =	simm.s32 $0x10800;
	s16 =	simm.s32 $0x11000  }
0x8: {  	s17 =	simm.s32 $0x11800;
	s18 =	simm.s32 $0x12000;
	s29 =	simm.s32 $0x1  }
0x9: {  	s19 =	simm.s32 $0x2;
	s20 =	simm.s32 $0x3;
	s22 =	simm.s32 $0x4  }
0xa: {  	s25 =	simm.s32 $0x7;
	s11 =	simm.s32 $0x0;
	s5 =	sand.u32 $0x1, s4  }
0xb: {  	s6 =	sshll.u32 s6, $0x1;
	s4 =	simm.s32 $0x0;
	s9 =	sadd.s32 $0x10000, s3  }
0xc: {  	s10 =	sadd.s32 $0x20000, s3;
	s7 =	sor.u32 s5, s6;
	s5 =	ssub.s32 $0x2, s5  }
0xd: {  	[smem:$0x7FF] =	sst s4;
	s6 =	sshll.u32 s7, $0xA;
	s8 =	sshrl.u32 s5, $0x1  }
.Ltmp0:
0xe: {  	_ =	strace $0x80000047;
	s0 =	sadd.s32 s6, s0;
	(pc) =	sbr.rel .LBB2_1-.Ltmp0, $4  }
0xf: {  	s28 =	sshll.u32 s7, $0xB;
	s5 =	ssub.s32 s5, s8;
	s0 =	sadd.s32 $0x400, s0  }
0x10: {  	v2 =	vlaneseq.u32;
	s7 =	sshll.u32 s7, $0xE;
	s31 =	smax.u32 s5, $0x1;
	[dreg:$0x5] =	wrdreg s0  }
0x11: {  	vm0 =	vmmov $0xffff;
	v1 =	vshrl.u32 v2, $0x3;
	s6 =	sadd.s32 $0x100, s2;
	s0 =	sadd.s32 s1, s28;
	[dreg:$0x7] =	wrdreg s31  }
0x12: {  	v0 =	vand.u32 $0x7, v2;
	v2 =	vor.u32 $0x8, v2;
	v1 =	vmul.u32 $0x8, v1;
	s1 =	simm.s32 $0xF800;
	[dreg:$0x6] =	wrdreg s0;
	s0 =	simm.s32 $0xF000  }
.LBB2_12:
0x13: {  	s5 =	simm.s32 $0x5  }
0x14: {  	_ =	swait.ge [sflag:s5], $0x4000  }
0x15: {  	[sflag:s5] =	ssyncset.done $0x0  }
0x16: {  	s28 =	simm.s32 $0x6;
	[sflag:s5] =	ssyncadd.s32 $0xFFFFC000  }
0x17: {  	_ =	swait.ge [sflag:s28], $0x4000  }
0x18: {  	[sflag:s28] =	ssyncset.done $0x0  }
0x19: {  	[sflag:s28] =	ssyncadd.s32 $0xFFFFC000  }
0x1a: {  	_ =	swait.ge [sflag:s25], $0x4000  }
0x1b: {  	[sflag:s25] =	ssyncset.done $0x0  }
0x1c: {  	s8 =	simm.s32 $0x8;
	[sflag:s25] =	ssyncadd.s32 $0xFFFFC000  }
0x1d: {  	_ =	swait.ge [sflag:s8], $0x4000  }
0x1e: {  	s11 =	rddreg [dreg:$0x8]  }
0x1f: {  	s31 =	rddreg [dreg:$0x7];
	s11 =	sadd.s32 $0x1, s11  }
0x20: {  	p0 =	sne.s32 s11, s31  }
.Ltmp1:
0x21: {  	_ = 	snop;
	(pc) =	sbr.rel @!p0 .LBB2_13-.Ltmp1, $3  }
0x22: {  	_ =	sdelay $0x1  }
0x23: {  	[sflag:s8] =	ssyncset.done $0x0  }
0x24: {  	[sflag:s8] =	ssyncadd.s32 $0xFFFFC000  }
.LBB2_1:
0x25: {  	[dreg:$0x8] =	wrdreg s11  }
0x26: {  	s5 =	rddreg [dreg:$0x5];
	s8 =	simm.s32 $0x9  }
0x27: {  	[tilespmem:s4], [sflag:$0x9] =	stream.linear.gather [hbm4b:s5+s4], $0x2000, $0x38;
	[tilespmem:$0x16000] =	vst v63  }
0x28: {  	_ =	swait.ge [sflag:s8], $0x2000  }
0x29: {  	[sflag:s8] =	ssyncset.done $0x0  }
0x2a: {  	[sflag:s8] =	ssyncadd.s32 $0xFFFFE000  }
0x2b: {  	v3 =	vld [tilespmem:$0x0];
	_ =	sdelay $0x4  }
0x2c: {  	v4 =	vshll.u32 v3, $0x2  }
0x2d: {  	v3 =	vand.u32 $0x7, v3;
	v4 =	vand.u32 $0xFFFFFFE0, v4  }
0x2e: {  	v3 =	vor.u32 v3, v4  }
0x2f: {  	v4 =	vperm.xlane v3, v0;
	_ =	sdelay $0x1  }
0x30: {  	v4 =	vadd.s32 v1, v4;
	_ =	sdelay $0x1  }
0x31: {  	v3 =	vperm.xlane v3, v2;
	_ =	sdelay $0x1  }
0x32: {  	v3 =	vadd.s32 v1, v3  }
0x33: {  	[tilespmem:s13], [sflag:$0x1] =	stream.indirect_vreg.gather [hbm4b:s2+s4], $0x80, v4, vm0, $0xb8;
	[tilespmem:$0x16000] =	vst v63  }
0x34: {  	s26 =	simm.s32 $0x6800  }
0x35: {  	[tilespmem:s26], [sflag:$0x1] =	stream.indirect_vreg.gather [hbm4b:s6+s4], $0x80, v4, vm0, $0xb8;
	[tilespmem:$0x16000] =	vst v63  }
0x36: {  	s28 =	simm.s32 $0x7000  }
0x37: {  	[tilespmem:s28], [sflag:$0x1] =	stream.indirect_vreg.gather [hbm4b:s2+s4], $0x80, v3, vm0, $0xb8;
	[tilespmem:$0x16000] =	vst v63  }
0x38: {  	s31 =	simm.s32 $0x7800  }
0x39: {  	[tilespmem:s31], [sflag:$0x1] =	stream.indirect_vreg.gather [hbm4b:s6+s4], $0x80, v3, vm0, $0xb8;
	[tilespmem:$0x16000] =	vst v63  }
0x3a: {  	v3 =	vld [tilespmem:$0x10];
	_ =	sdelay $0x4  }
0x3b: {  	v57 =	vshll.u32 v3, $0x2  }
0x3c: {  	v3 =	vand.u32 $0x7, v3;
	v4 =	vand.u32 $0xFFFFFFE0, v57  }
0x3d: {  	v3 =	vor.u32 v3, v4  }
0x3e: {  	v4 =	vperm.xlane v3, v0;
	_ =	sdelay $0x1  }
0x3f: {  	v4 =	vadd.s32 v1, v4;
	_ =	sdelay $0x1  }
0x40: {  	v3 =	vperm.xlane v3, v2;
	_ =	sdelay $0x1  }
0x41: {  	s11 =	simm.s32 $0x8000;
	v3 =	vadd.s32 v1, v3  }
0x42: {  	[tilespmem:s11], [sflag:$0x1] =	stream.indirect_vreg.gather [hbm4b:s2+s4], $0x80, v4, vm0, $0xb8;
	[tilespmem:$0x16000] =	vst v63  }
0x43: {  	s12 =	simm.s32 $0x8800  }
0x44: {  	[tilespmem:s12], [sflag:$0x1] =	stream.indirect_vreg.gather [hbm4b:s6+s4], $0x80, v4, vm0, $0xb8;
	[tilespmem:$0x16000] =	vst v63  }
0x45: {  	s23 =	simm.s32 $0x9000  }
0x46: {  	[tilespmem:s23], [sflag:$0x1] =	stream.indirect_vreg.gather [hbm4b:s2+s4], $0x80, v3, vm0, $0xb8;
	[tilespmem:$0x16000] =	vst v63  }
0x47: {  	s24 =	simm.s32 $0x9800  }
0x48: {  	[tilespmem:s24], [sflag:$0x1] =	stream.indirect_vreg.gather [hbm4b:s6+s4], $0x80, v3, vm0, $0xb8;
	[tilespmem:$0x16000] =	vst v63  }
0x49: {  	v3 =	vld [tilespmem:$0x80];
	_ =	sdelay $0x4  }
0x4a: {  	v58 =	vshll.u32 v3, $0x2  }
0x4b: {  	v3 =	vand.u32 $0x7, v3;
	v4 =	vand.u32 $0xFFFFFFE0, v58  }
0x4c: {  	v3 =	vor.u32 v3, v4  }
0x4d: {  	v4 =	vperm.xlane v3, v0;
	_ =	sdelay $0x1  }
0x4e: {  	v4 =	vadd.s32 v1, v4;
	_ =	sdelay $0x1  }
0x4f: {  	v3 =	vperm.xlane v3, v2;
	_ =	sdelay $0x1  }
0x50: {  	v3 =	vadd.s32 v1, v3  }
0x51: {  	[tilespmem:s21], [sflag:$0x2] =	stream.indirect_vreg.gather [hbm4b:s2+s4], $0x80, v4, vm0, $0xb8;
	[tilespmem:$0x16000] =	vst v63  }
0x52: {  	s26 =	simm.s32 $0xA800  }
0x53: {  	[tilespmem:s26], [sflag:$0x2] =	stream.indirect_vreg.gather [hbm4b:s6+s4], $0x80, v4, vm0, $0xb8;
	[tilespmem:$0x16000] =	vst v63  }
0x54: {  	s28 =	simm.s32 $0xB000  }
0x55: {  	[tilespmem:s28], [sflag:$0x2] =	stream.indirect_vreg.gather [hbm4b:s2+s4], $0x80, v3, vm0, $0xb8;
	[tilespmem:$0x16000] =	vst v63  }
0x56: {  	s31 =	simm.s32 $0xB800  }
0x57: {  	[tilespmem:s31], [sflag:$0x2] =	stream.indirect_vreg.gather [hbm4b:s6+s4], $0x80, v3, vm0, $0xb8;
	[tilespmem:$0x16000] =	vst v63  }
0x58: {  	v3 =	vld [tilespmem:$0x90];
	_ =	sdelay $0x4  }
0x59: {  	v59 =	vshll.u32 v3, $0x2  }
0x5a: {  	v3 =	vand.u32 $0x7, v3;
	v4 =	vand.u32 $0xFFFFFFE0, v59  }
0x5b: {  	v3 =	vor.u32 v3, v4  }
0x5c: {  	v4 =	vperm.xlane v3, v0;
	_ =	sdelay $0x1  }
0x5d: {  	v4 =	vadd.s32 v1, v4;
	_ =	sdelay $0x1  }
0x5e: {  	v3 =	vperm.xlane v3, v2;
	_ =	sdelay $0x1  }
0x5f: {  	s11 =	simm.s32 $0xC000;
	v3 =	vadd.s32 v1, v3  }
0x60: {  	[tilespmem:s11], [sflag:$0x2] =	stream.indirect_vreg.gather [hbm4b:s2+s4], $0x80, v4, vm0, $0xb8;
	[tilespmem:$0x16000] =	vst v63  }
0x61: {  	s12 =	simm.s32 $0xC800  }
0x62: {  	[tilespmem:s12], [sflag:$0x2] =	stream.indirect_vreg.gather [hbm4b:s6+s4], $0x80, v4, vm0, $0xb8;
	[tilespmem:$0x16000] =	vst v63  }
0x63: {  	s23 =	simm.s32 $0xD000  }
0x64: {  	[tilespmem:s23], [sflag:$0x2] =	stream.indirect_vreg.gather [hbm4b:s2+s4], $0x80, v3, vm0, $0xb8;
	[tilespmem:$0x16000] =	vst v63  }
0x65: {  	s24 =	simm.s32 $0xD800  }
0x66: {  	[tilespmem:s24], [sflag:$0x2] =	stream.indirect_vreg.gather [hbm4b:s6+s4], $0x80, v3, vm0, $0xb8;
	[tilespmem:$0x16000] =	vst v63  }
0x67: {  	v3 =	vld [tilespmem:$0x100];
	_ =	sdelay $0x4  }
0x68: {  	v60 =	vshll.u32 v3, $0x2  }
0x69: {  	v3 =	vand.u32 $0x7, v3;
	v4 =	vand.u32 $0xFFFFFFE0, v60  }
0x6a: {  	v3 =	vor.u32 v3, v4  }
0x6b: {  	v4 =	vperm.xlane v3, v0;
	_ =	sdelay $0x1  }
0x6c: {  	v4 =	vadd.s32 v1, v4;
	_ =	sdelay $0x1  }
0x6d: {  	v3 =	vperm.xlane v3, v2;
	_ =	sdelay $0x1  }
0x6e: {  	v3 =	vadd.s32 v1, v3  }
0x6f: {  	[tilespmem:s30], [sflag:$0x3] =	stream.indirect_vreg.gather [hbm4b:s2+s4], $0x80, v4, vm0, $0xb8;
	[tilespmem:$0x16000] =	vst v63  }
0x70: {  	s26 =	simm.s32 $0xE800  }
0x71: {  	[tilespmem:s26], [sflag:$0x3] =	stream.indirect_vreg.gather [hbm4b:s6+s4], $0x80, v4, vm0, $0xb8;
	[tilespmem:$0x16000] =	vst v63  }
0x72: {  	_ = 	snop  }
0x73: {  	[tilespmem:s0], [sflag:$0x3] =	stream.indirect_vreg.gather [hbm4b:s2+s4], $0x80, v3, vm0, $0xb8;
	[tilespmem:$0x16000] =	vst v63  }
0x74: {  	_ = 	snop  }
0x75: {  	[tilespmem:s1], [sflag:$0x3] =	stream.indirect_vreg.gather [hbm4b:s6+s4], $0x80, v3, vm0, $0xb8;
	[tilespmem:$0x16000] =	vst v63  }
0x76: {  	v3 =	vld [tilespmem:$0x110];
	_ =	sdelay $0x4  }
0x77: {  	v61 =	vshll.u32 v3, $0x2  }
0x78: {  	v3 =	vand.u32 $0x7, v3;
	v4 =	vand.u32 $0xFFFFFFE0, v61  }
0x79: {  	v3 =	vor.u32 v3, v4  }
0x7a: {  	v4 =	vperm.xlane v3, v0;
	_ =	sdelay $0x1  }
0x7b: {  	v4 =	vadd.s32 v1, v4;
	_ =	sdelay $0x1  }
0x7c: {  	v3 =	vperm.xlane v3, v2;
	_ =	sdelay $0x1  }
0x7d: {  	v3 =	vadd.s32 v1, v3  }
0x7e: {  	[tilespmem:s14], [sflag:$0x3] =	stream.indirect_vreg.gather [hbm4b:s2+s4], $0x80, v4, vm0, $0xb8;
	[tilespmem:$0x16000] =	vst v63  }
0x7f: {  	_ = 	snop  }
0x80: {  	[tilespmem:s15], [sflag:$0x3] =	stream.indirect_vreg.gather [hbm4b:s6+s4], $0x80, v4, vm0, $0xb8;
	[tilespmem:$0x16000] =	vst v63  }
0x81: {  	_ = 	snop  }
0x82: {  	[tilespmem:s16], [sflag:$0x3] =	stream.indirect_vreg.gather [hbm4b:s2+s4], $0x80, v3, vm0, $0xb8;
	[tilespmem:$0x16000] =	vst v63  }
0x83: {  	_ = 	snop  }
0x84: {  	[tilespmem:s17], [sflag:$0x3] =	stream.indirect_vreg.gather [hbm4b:s6+s4], $0x80, v3, vm0, $0xb8;
	[tilespmem:$0x16000] =	vst v63  }
0x85: {  	v3 =	vld [tilespmem:$0x180];
	_ =	sdelay $0x4  }
0x86: {  	v62 =	vshll.u32 v3, $0x2  }
0x87: {  	v3 =	vand.u32 $0x7, v3;
	v4 =	vand.u32 $0xFFFFFFE0, v62  }
0x88: {  	v3 =	vor.u32 v3, v4  }
0x89: {  	v4 =	vperm.xlane v3, v0;
	_ =	sdelay $0x1  }
0x8a: {  	v4 =	vadd.s32 v1, v4;
	_ =	sdelay $0x1  }
0x8b: {  	v3 =	vperm.xlane v3, v2;
	_ =	sdelay $0x1  }
0x8c: {  	v3 =	vadd.s32 v1, v3  }
0x8d: {  	[tilespmem:s18], [sflag:$0x4] =	stream.indirect_vreg.gather [hbm4b:s2+s4], $0x80, v4, vm0, $0xb8;
	[tilespmem:$0x16000] =	vst v63  }
0x8e: {  	s28 =	simm.s32 $0x12800  }
0x8f: {  	[tilespmem:s28], [sflag:$0x4] =	stream.indirect_vreg.gather [hbm4b:s6+s4], $0x80, v4, vm0, $0xb8;
	[tilespmem:$0x16000] =	vst v63  }
0x90: {  	s31 =	simm.s32 $0x13000  }
0x91: {  	[tilespmem:s31], [sflag:$0x4] =	stream.indirect_vreg.gather [hbm4b:s2+s4], $0x80, v3, vm0, $0xb8;
	[tilespmem:$0x16000] =	vst v63  }
0x92: {  	s11 =	simm.s32 $0x13800  }
0x93: {  	[tilespmem:s11], [sflag:$0x4] =	stream.indirect_vreg.gather [hbm4b:s6+s4], $0x80, v3, vm0, $0xb8;
	[tilespmem:$0x16000] =	vst v63  }
0x94: {  	v3 =	vld [tilespmem:$0x190];
	_ =	sdelay $0x4  }
0x95: {  	v63 =	vshll.u32 v3, $0x2  }
0x96: {  	v3 =	vand.u32 $0x7, v3;
	v4 =	vand.u32 $0xFFFFFFE0, v63  }
0x97: {  	v3 =	vor.u32 v3, v4  }
0x98: {  	v4 =	vperm.xlane v3, v0;
	_ =	sdelay $0x1  }
0x99: {  	v4 =	vadd.s32 v1, v4;
	_ =	sdelay $0x1  }
0x9a: {  	v3 =	vperm.xlane v3, v2;
	_ =	sdelay $0x1  }
0x9b: {  	s12 =	simm.s32 $0x14000;
	v3 =	vadd.s32 v1, v3  }
0x9c: {  	[tilespmem:s12], [sflag:$0x4] =	stream.indirect_vreg.gather [hbm4b:s2+s4], $0x80, v4, vm0, $0xb8;
	[tilespmem:$0x16000] =	vst v63  }
0x9d: {  	s23 =	simm.s32 $0x14800  }
0x9e: {  	[tilespmem:s23], [sflag:$0x4] =	stream.indirect_vreg.gather [hbm4b:s6+s4], $0x80, v4, vm0, $0xb8;
	[tilespmem:$0x16000] =	vst v63  }
0x9f: {  	s24 =	simm.s32 $0x15000  }
0xa0: {  	[tilespmem:s24], [sflag:$0x4] =	stream.indirect_vreg.gather [hbm4b:s2+s4], $0x80, v3, vm0, $0xb8;
	[tilespmem:$0x16000] =	vst v63  }
0xa1: {  	s26 =	simm.s32 $0x15800  }
0xa2: {  	[tilespmem:s26], [sflag:$0x4] =	stream.indirect_vreg.gather [hbm4b:s6+s4], $0x80, v3, vm0, $0xb8;
	[tilespmem:$0x16000] =	vst v63  }
0xa3: {  	s28 =	rddreg [dreg:$0x6];
	s31 =	simm.s32 $0x2000  }
0xa4: {  	[tilespmem:s31], [sflag:$0x9] =	stream.linear.gather [hbm4b:s28+s4], $0x4000, $0x38;
	[tilespmem:$0x16000] =	vst v63  }
0xa5: {  	_ =	swait.ge [sflag:s8], $0x4000  }
0xa6: {  	[sflag:s8] =	ssyncset.done $0x0  }
0xa7: {  	s5 =	simm.s32 $0x0;
	[sflag:s8] =	ssyncadd.s32 $0xFFFFC000  }
.LBB2_2:
0xa8: {  	_ =	swait.ge [sflag:s29], $0x4000;
	s11 =	simm.s32 $0x0  }
0xa9: {  	[sflag:s29] =	ssyncset.done $0x0;
	s8 =	sand.u32 $0x3000, s11;
	s12 =	sand.u32 $0x380, s11  }
0xaa: {  	[sflag:s29] =	ssyncadd.s32 $0xFFFFC000;
	s8 =	sor.u32 s12, s8  }
0xab: {  	v10 =	vld [tilespmem:s8+$0x2000]  }
0xac: {  	v11 =	vld [tilespmem:s8+$0x2010]  }
0xad: {  	v12 =	vld [tilespmem:s8+$0x2020]  }
0xae: {  	v13 =	vld [tilespmem:s8+$0x2030]  }
0xaf: {  	v14 =	vld [tilespmem:s8+$0x2040]  }
0xb0: {  	v15 =	vld [tilespmem:s8+$0x2050]  }
0xb1: {  	v16 =	vld [tilespmem:s8+$0x2060]  }
0xb2: {  	v17 =	vld [tilespmem:s8+$0x2070]  }
0xb3: {  	v18 =	vld [tilespmem:s8+$0x2400]  }
0xb4: {  	v19 =	vld [tilespmem:s8+$0x2410]  }
0xb5: {  	v20 =	vld [tilespmem:s8+$0x2420]  }
0xb6: {  	v21 =	vld [tilespmem:s8+$0x2430]  }
0xb7: {  	v22 =	vld [tilespmem:s8+$0x2440]  }
0xb8: {  	v23 =	vld [tilespmem:s8+$0x2450]  }
0xb9: {  	v24 =	vld [tilespmem:s8+$0x2460]  }
0xba: {  	v25 =	vld [tilespmem:s8+$0x2470]  }
0xbb: {  	v26 =	vld [tilespmem:s8+$0x2800]  }
0xbc: {  	v27 =	vld [tilespmem:s8+$0x2810]  }
0xbd: {  	v28 =	vld [tilespmem:s8+$0x2820]  }
0xbe: {  	v29 =	vld [tilespmem:s8+$0x2830]  }
0xbf: {  	v30 =	vld [tilespmem:s8+$0x2840]  }
0xc0: {  	v31 =	vld [tilespmem:s8+$0x2850]  }
0xc1: {  	v32 =	vld [tilespmem:s8+$0x2860]  }
0xc2: {  	v9 =	vld [tilespmem:s8+$0x2870]  }
0xc3: {  	v8 =	vld [tilespmem:s8+$0x2C00]  }
0xc4: {  	v7 =	vld [tilespmem:s8+$0x2C10]  }
0xc5: {  	v6 =	vld [tilespmem:s8+$0x2C20]  }
0xc6: {  	v5 =	vld [tilespmem:s8+$0x2C30]  }
0xc7: {  	v4 =	vld [tilespmem:s8+$0x2C40]  }
0xc8: {  	v3 =	vld [tilespmem:s8+$0x2C50]  }
0xc9: {  	v33 =	vld [tilespmem:s8+$0x6000]  }
0xca: {  	v34 =	vld [tilespmem:s8+$0x6010]  }
0xcb: {  	v35 =	vld [tilespmem:s8+$0x6020]  }
0xcc: {  	v36 =	vld [tilespmem:s8+$0x6030]  }
0xcd: {  	v37 =	vld [tilespmem:s8+$0x6040]  }
0xce: {  	v38 =	vld [tilespmem:s8+$0x6050];
	v33 =	vmul.f32 $2.262741660e+01, v33  }
0xcf: {  	v39 =	vld [tilespmem:s8+$0x6060];
	v34 =	vmul.f32 $2.262741660e+01, v34  }
0xd0: {  	v59 =	vld [tilespmem:s8+$0x6070];
	v58 =	vmul.f32 $2.262741660e+01, v35;
	v10 =	vadd.f32 v10, v33  }
0xd1: {  	v61 =	vld [tilespmem:s8+$0x6400];
	v60 =	vmul.f32 $2.262741660e+01, v36;
	v11 =	vadd.f32 v11, v34  }
0xd2: {  	v62 =	vld [tilespmem:s8+$0x6410];
	[tilespmem:s8+$0x6000] =	vst v10;
	v10 =	vadd.f32 v12, v58;
	v12 =	vmul.f32 $2.262741660e+01, v37  }
0xd3: {  	v63 =	vld [tilespmem:s8+$0x6420];
	[tilespmem:s8+$0x6010] =	vst v11;
	v11 =	vadd.f32 v13, v60;
	v13 =	vmul.f32 $2.262741660e+01, v38  }
0xd4: {  	[tilespmem:s8+$0x6020] =	vst v10;
	v10 =	vadd.f32 v14, v12;
	v12 =	vmul.f32 $2.262741660e+01, v39;
	v14 =	vld [tilespmem:s8+$0x6430]  }
0xd5: {  	[tilespmem:s8+$0x6030] =	vst v11;
	v11 =	vadd.f32 v15, v13;
	v13 =	vmul.f32 $2.262741660e+01, v59;
	v15 =	vld [tilespmem:s8+$0x6440]  }
0xd6: {  	[tilespmem:s8+$0x6040] =	vst v10;
	v10 =	vadd.f32 v16, v12;
	v12 =	vmul.f32 $2.262741660e+01, v61;
	v16 =	vld [tilespmem:s8+$0x6450]  }
0xd7: {  	[tilespmem:s8+$0x6050] =	vst v11;
	v11 =	vadd.f32 v17, v13;
	v13 =	vmul.f32 $2.262741660e+01, v62;
	v17 =	vld [tilespmem:s8+$0x6460]  }
0xd8: {  	[tilespmem:s8+$0x6060] =	vst v10;
	v10 =	vadd.f32 v18, v12;
	v12 =	vmul.f32 $2.262741660e+01, v63;
	v18 =	vld [tilespmem:s8+$0x6470]  }
0xd9: {  	[tilespmem:s8+$0x6070] =	vst v11;
	v11 =	vadd.f32 v19, v13;
	v13 =	vmul.f32 $2.262741660e+01, v14;
	v14 =	vld [tilespmem:s8+$0x6800]  }
0xda: {  	[tilespmem:s8+$0x6400] =	vst v10;
	v10 =	vadd.f32 v20, v12;
	v12 =	vmul.f32 $2.262741660e+01, v15;
	v15 =	vld [tilespmem:s8+$0x6810]  }
0xdb: {  	[tilespmem:s8+$0x6410] =	vst v11;
	v11 =	vadd.f32 v21, v13;
	v13 =	vmul.f32 $2.262741660e+01, v16;
	v16 =	vld [tilespmem:s8+$0x6820]  }
0xdc: {  	[tilespmem:s8+$0x6420] =	vst v10;
	v10 =	vadd.f32 v22, v12;
	v12 =	vmul.f32 $2.262741660e+01, v17;
	v17 =	vld [tilespmem:s8+$0x6830]  }
0xdd: {  	[tilespmem:s8+$0x6430] =	vst v11;
	v11 =	vadd.f32 v23, v13;
	v13 =	vmul.f32 $2.262741660e+01, v18;
	v18 =	vld [tilespmem:s8+$0x6840]  }
0xde: {  	v19 =	vld [tilespmem:s8+$0x6850];
	[tilespmem:s8+$0x6440] =	vst v10;
	v10 =	vadd.f32 v24, v12;
	v12 =	vmul.f32 $2.262741660e+01, v14  }
0xdf: {  	[tilespmem:s8+$0x6450] =	vst v11;
	v11 =	vadd.f32 v25, v13;
	v13 =	vmul.f32 $2.262741660e+01, v15;
	v15 =	vld [tilespmem:s8+$0x6860]  }
0xe0: {  	[tilespmem:s8+$0x6460] =	vst v10;
	v10 =	vadd.f32 v26, v12;
	v12 =	vmul.f32 $2.262741660e+01, v16;
	v16 =	vld [tilespmem:s8+$0x6870]  }
0xe1: {  	v20 =	vld [tilespmem:s8+$0x6C00];
	[tilespmem:s8+$0x6470] =	vst v11;
	v11 =	vadd.f32 v27, v13;
	v13 =	vmul.f32 $2.262741660e+01, v17  }
0xe2: {  	v14 =	vld [tilespmem:s8+$0x6C10];
	[tilespmem:s8+$0x6800] =	vst v10;
	v10 =	vadd.f32 v28, v12;
	v12 =	vmul.f32 $2.262741660e+01, v18  }
0xe3: {  	v17 =	vmul.f32 $2.262741660e+01, v19;
	[tilespmem:s8+$0x6810] =	vst v11;
	v11 =	vadd.f32 v29, v13;
	v13 =	vld [tilespmem:s8+$0x6C20]  }
0xe4: {  	[tilespmem:s8+$0x6820] =	vst v10;
	v10 =	vadd.f32 v30, v12;
	v18 =	vmul.f32 $2.262741660e+01, v15;
	v12 =	vld [tilespmem:s8+$0x6C30]  }
0xe5: {  	v15 =	vadd.f32 v31, v17;
	[tilespmem:s8+$0x6830] =	vst v11;
	v11 =	vld [tilespmem:s8+$0x6C40];
	v17 =	vmul.f32 $2.262741660e+01, v16  }
0xe6: {  	s23 =	simm.s32 $0x200;
	v16 =	vmul.f32 $2.262741660e+01, v20;
	[tilespmem:s8+$0x6840] =	vst v10;
	v18 =	vadd.f32 v32, v18;
	v10 =	vld [tilespmem:s8+$0x6C50]  }
.LBB2_3:
0xe7: {  	p0 =	sne.s32 s23, $0x3E00;
	[tilespmem:s8+$0x6850] =	vst v15;
	v9 =	vadd.f32 v9, v17;
	v14 =	vmul.f32 $2.262741660e+01, v14;
	v15 =	vld [tilespmem:s8+$0x6C60]  }
0xe8: {  	s11 =	sadd.s32 $0x80, s11;
	[tilespmem:s8+$0x6860] =	vst v18;
	v8 =	vadd.f32 v8, v16;
	v13 =	vmul.f32 $2.262741660e+01, v13;
	v16 =	vld [tilespmem:s8+$0x6C70]  }
0xe9: {  	s12 =	sand.u32 $0x3000, s23;
	s24 =	sand.u32 $0x380, s11;
	[tilespmem:s8+$0x6870] =	vst v9;
	v7 =	vadd.f32 v7, v14;
	v9 =	vmul.f32 $2.262741660e+01, v12;
	v12 =	vld [tilespmem:s8+$0x2C60]  }
0xea: {  	s12 =	sor.u32 s24, s12;
	[tilespmem:s8+$0x6C00] =	vst v8;
	v6 =	vadd.f32 v6, v13;
	v8 =	vmul.f32 $2.262741660e+01, v11;
	v11 =	vld [tilespmem:s8+$0x2C70]  }
0xeb: {  	v17 =	vld [tilespmem:s12+$0x2000];
	[tilespmem:s8+$0x6C10] =	vst v7;
	v5 =	vadd.f32 v5, v9;
	v7 =	vmul.f32 $2.262741660e+01, v10  }
0xec: {  	v18 =	vld [tilespmem:s12+$0x2010];
	[tilespmem:s8+$0x6C20] =	vst v6;
	v4 =	vadd.f32 v4, v8;
	v6 =	vmul.f32 $2.262741660e+01, v15  }
0xed: {  	v15 =	vld [tilespmem:s12+$0x2020];
	[tilespmem:s8+$0x6C30] =	vst v5;
	v3 =	vadd.f32 v3, v7;
	v5 =	vmul.f32 $2.262741660e+01, v16  }
0xee: {  	v16 =	vld [tilespmem:s12+$0x2030];
	[tilespmem:s8+$0x6C40] =	vst v4;
	v4 =	vadd.f32 v12, v6  }
0xef: {  	v19 =	vld [tilespmem:s12+$0x2040];
	[tilespmem:s8+$0x6C50] =	vst v3;
	v3 =	vadd.f32 v11, v5  }
0xf0: {  	v20 =	vld [tilespmem:s12+$0x2050];
	[tilespmem:s8+$0x6C60] =	vst v4  }
0xf1: {  	v21 =	vld [tilespmem:s12+$0x2060];
	[tilespmem:s8+$0x6C70] =	vst v3;
	s8 =	smov.u32 s12  }
0xf2: {  	v22 =	vld [tilespmem:s8+$0x2070]  }
0xf3: {  	v23 =	vld [tilespmem:s8+$0x2400]  }
0xf4: {  	v24 =	vld [tilespmem:s8+$0x2410]  }
0xf5: {  	v25 =	vld [tilespmem:s8+$0x2420]  }
0xf6: {  	v26 =	vld [tilespmem:s8+$0x2430]  }
0xf7: {  	v27 =	vld [tilespmem:s8+$0x2440]  }
0xf8: {  	v28 =	vld [tilespmem:s8+$0x2450]  }
0xf9: {  	v29 =	vld [tilespmem:s8+$0x2460]  }
0xfa: {  	v30 =	vld [tilespmem:s8+$0x2470]  }
0xfb: {  	v31 =	vld [tilespmem:s8+$0x2800]  }
0xfc: {  	v32 =	vld [tilespmem:s8+$0x2810]  }
0xfd: {  	v14 =	vld [tilespmem:s8+$0x2820]  }
0xfe: {  	v13 =	vld [tilespmem:s8+$0x2830]  }
0xff: {  	v12 =	vld [tilespmem:s8+$0x2840]  }
0x100: {  	v11 =	vld [tilespmem:s8+$0x2850]  }
0x101: {  	v10 =	vld [tilespmem:s8+$0x2860]  }
0x102: {  	v9 =	vld [tilespmem:s8+$0x2870]  }
0x103: {  	v8 =	vld [tilespmem:s8+$0x2C00]  }
0x104: {  	v7 =	vld [tilespmem:s8+$0x2C10]  }
0x105: {  	v6 =	vld [tilespmem:s8+$0x2C20]  }
0x106: {  	v5 =	vld [tilespmem:s8+$0x2C30]  }
0x107: {  	v4 =	vld [tilespmem:s8+$0x2C40]  }
0x108: {  	v3 =	vld [tilespmem:s8+$0x2C50]  }
0x109: {  	v33 =	vld [tilespmem:s8+$0x6000]  }
0x10a: {  	v34 =	vld [tilespmem:s8+$0x6010]  }
0x10b: {  	v35 =	vld [tilespmem:s8+$0x6020]  }
0x10c: {  	v36 =	vld [tilespmem:s8+$0x6030]  }
0x10d: {  	v37 =	vld [tilespmem:s8+$0x6040]  }
0x10e: {  	v33 =	vmul.f32 $2.262741660e+01, v33;
	v38 =	vld [tilespmem:s8+$0x6050]  }
0x10f: {  	v34 =	vmul.f32 $2.262741660e+01, v34;
	v39 =	vld [tilespmem:s8+$0x6060]  }
0x110: {  	v17 =	vadd.f32 v17, v33;
	v33 =	vmul.f32 $2.262741660e+01, v35;
	v35 =	vld [tilespmem:s8+$0x6070]  }
0x111: {  	v18 =	vadd.f32 v18, v34;
	v34 =	vmul.f32 $2.262741660e+01, v36;
	v36 =	vld [tilespmem:s8+$0x6400]  }
0x112: {  	[tilespmem:s8+$0x6000] =	vst v17;
	v15 =	vadd.f32 v15, v33;
	v17 =	vmul.f32 $2.262741660e+01, v37;
	v33 =	vld [tilespmem:s8+$0x6410]  }
0x113: {  	[tilespmem:s8+$0x6010] =	vst v18;
	v16 =	vadd.f32 v16, v34;
	v18 =	vmul.f32 $2.262741660e+01, v38;
	v34 =	vld [tilespmem:s8+$0x6420]  }
0x114: {  	[tilespmem:s8+$0x6020] =	vst v15;
	v15 =	vadd.f32 v19, v17;
	v17 =	vmul.f32 $2.262741660e+01, v39;
	v19 =	vld [tilespmem:s8+$0x6430]  }
0x115: {  	[tilespmem:s8+$0x6030] =	vst v16;
	v16 =	vadd.f32 v20, v18;
	v18 =	vmul.f32 $2.262741660e+01, v35;
	v20 =	vld [tilespmem:s8+$0x6440]  }
0x116: {  	[tilespmem:s8+$0x6040] =	vst v15;
	v15 =	vadd.f32 v21, v17;
	v17 =	vmul.f32 $2.262741660e+01, v36;
	v21 =	vld [tilespmem:s8+$0x6450]  }
0x117: {  	[tilespmem:s8+$0x6050] =	vst v16;
	v16 =	vadd.f32 v22, v18;
	v18 =	vmul.f32 $2.262741660e+01, v33;
	v22 =	vld [tilespmem:s8+$0x6460]  }
0x118: {  	[tilespmem:s8+$0x6060] =	vst v15;
	v15 =	vadd.f32 v23, v17;
	v17 =	vmul.f32 $2.262741660e+01, v34;
	v23 =	vld [tilespmem:s8+$0x6470]  }
0x119: {  	[tilespmem:s8+$0x6070] =	vst v16;
	v16 =	vadd.f32 v24, v18;
	v18 =	vmul.f32 $2.262741660e+01, v19;
	v19 =	vld [tilespmem:s8+$0x6800]  }
0x11a: {  	[tilespmem:s8+$0x6400] =	vst v15;
	v15 =	vadd.f32 v25, v17;
	v17 =	vmul.f32 $2.262741660e+01, v20;
	v20 =	vld [tilespmem:s8+$0x6810]  }
0x11b: {  	[tilespmem:s8+$0x6410] =	vst v16;
	v16 =	vadd.f32 v26, v18;
	v18 =	vmul.f32 $2.262741660e+01, v21;
	v21 =	vld [tilespmem:s8+$0x6820]  }
0x11c: {  	[tilespmem:s8+$0x6420] =	vst v15;
	v15 =	vadd.f32 v27, v17;
	v17 =	vmul.f32 $2.262741660e+01, v22;
	v22 =	vld [tilespmem:s8+$0x6830]  }
0x11d: {  	[tilespmem:s8+$0x6430] =	vst v16;
	v16 =	vadd.f32 v28, v18;
	v18 =	vmul.f32 $2.262741660e+01, v23;
	v23 =	vld [tilespmem:s8+$0x6840]  }
0x11e: {  	[tilespmem:s8+$0x6440] =	vst v15;
	v15 =	vadd.f32 v29, v17;
	v17 =	vmul.f32 $2.262741660e+01, v19;
	v19 =	vld [tilespmem:s8+$0x6850]  }
0x11f: {  	[tilespmem:s8+$0x6450] =	vst v16;
	v16 =	vadd.f32 v30, v18;
	v18 =	vmul.f32 $2.262741660e+01, v20;
	v20 =	vld [tilespmem:s8+$0x6860]  }
0x120: {  	[tilespmem:s8+$0x6460] =	vst v15;
	v15 =	vadd.f32 v31, v17;
	v17 =	vmul.f32 $2.262741660e+01, v21;
	v21 =	vld [tilespmem:s8+$0x6870]  }
0x121: {  	[tilespmem:s8+$0x6470] =	vst v16;
	v16 =	vadd.f32 v32, v18;
	v18 =	vmul.f32 $2.262741660e+01, v22;
	v22 =	vld [tilespmem:s8+$0x6C00]  }
.Ltmp2:
0x122: {  	[tilespmem:s8+$0x6800] =	vst v15;
	v15 =	vadd.f32 v14, v17;
	v17 =	vmul.f32 $2.262741660e+01, v23;
	v14 =	vld [tilespmem:s8+$0x6C10];
	(pc) =	sbr.rel @p0 .LBB2_3-.Ltmp2, $4  }
0x123: {  	[tilespmem:s8+$0x6810] =	vst v16;
	v16 =	vadd.f32 v13, v18;
	v18 =	vmul.f32 $2.262741660e+01, v19;
	v13 =	vld [tilespmem:s8+$0x6C20]  }
0x124: {  	[tilespmem:s8+$0x6820] =	vst v15;
	v19 =	vadd.f32 v12, v17;
	v20 =	vmul.f32 $2.262741660e+01, v20;
	v12 =	vld [tilespmem:s8+$0x6C30]  }
0x125: {  	[tilespmem:s8+$0x6830] =	vst v16;
	v15 =	vadd.f32 v11, v18;
	v17 =	vmul.f32 $2.262741660e+01, v21;
	v11 =	vld [tilespmem:s8+$0x6C40]  }
0x126: {  	s23 =	sadd.s32 $0x200, s23;
	[tilespmem:s8+$0x6840] =	vst v19;
	v18 =	vadd.f32 v10, v20;
	v16 =	vmul.f32 $2.262741660e+01, v22;
	v10 =	vld [tilespmem:s8+$0x6C50]  }
0x127: {  	v9 =	vadd.f32 v9, v17  }
0x128: {  	[tilespmem:s8+$0x6850] =	vst v15;
	v15 =	vld [tilespmem:s8+$0x6C60];
	v14 =	vmul.f32 $2.262741660e+01, v14  }
0x129: {  	v8 =	vadd.f32 v8, v16;
	v16 =	vld [tilespmem:s8+$0x6C70];
	[tilespmem:s8+$0x6870] =	vst v9;
	v9 =	vmul.f32 $2.262741660e+01, v13  }
0x12a: {  	[tilespmem:s8+$0x6860] =	vst v18;
	v13 =	vld [tilespmem:s8+$0x2C60];
	v7 =	vadd.f32 v7, v14;
	v12 =	vmul.f32 $2.262741660e+01, v12  }
0x12b: {  	[tilespmem:s8+$0x6C00] =	vst v8;
	v8 =	vmul.f32 $2.262741660e+01, v11;
	v6 =	vadd.f32 v6, v9;
	v9 =	vld [tilespmem:s8+$0x2C70]  }
0x12c: {  	[tilespmem:s8+$0x6C10] =	vst v7;
	v5 =	vadd.f32 v5, v12;
	v7 =	vmul.f32 $2.262741660e+01, v10  }
0x12d: {  	v4 =	vadd.f32 v4, v8;
	[tilespmem:s8+$0x6C20] =	vst v6;
	v6 =	vmul.f32 $2.262741660e+01, v15  }
0x12e: {  	[tilespmem:s8+$0x6C30] =	vst v5;
	v3 =	vadd.f32 v3, v7;
	v5 =	vmul.f32 $2.262741660e+01, v16  }
0x12f: {  	s11 =	sshll.u32 s5, $0x15;
	[tilespmem:s8+$0x6C40] =	vst v4;
	v4 =	vadd.f32 v13, v6  }
0x130: {  	s11 =	sor.u32 s7, s11;
	[tilespmem:s8+$0x6C50] =	vst v3;
	v3 =	vadd.f32 v9, v5  }
0x131: {  	p0 =	seq.s32 s5, $0x0;
	s11 =	sshrl.u32 s11, $0x3;
	[tilespmem:s8+$0x6C60] =	vst v4  }
0x132: {  	s12 =	simm.s32 @!p0 $0x8;
	s26 =	sadd.s32 s3, s11;
	[tilespmem:s8+$0x6C70] =	vst v3  }
0x133: {  	[hbm4b:s26+s4] =	stream.linear.scatter [tilespmem:s13], [sflag:$0x5], $0x4000, $0x38;
	[tilespmem:$0x16000] =	vst v63  }
0x134: {  	s8 =	sshllo.u32 s5, $0x2;
	_ =	swait.ge @!p0 [sflag:s12], $0x4000  }
0x135: {  	s23 =	sshll.u32 @!p0 s8, $0x7;
	[sflag:s12] =	ssyncset.done @!p0 $0x0  }
0x136: {  	[sflag:s12] =	ssyncadd.s32 @!p0 $0xFFFFC000;
	s12 =	sand.u32 @!p0 $0x3FFFFF80, s23  }
0x137: {  	v3 =	vld @!p0 [tilespmem:s12+$0x0];
	_ =	sdelay $0x4  }
0x138: {  	v4 =	vshll.u32 @!p0 v3, $0x2  }
0x139: {  	v5 =	vlaneseq.u32 @!p0;
	v3 =	vand.u32 @!p0 $0x7, v3;
	v4 =	vand.u32 @!p0 $0xFFFFFFE0, v4  }
0x13a: {  	v6 =	vshrl.u32 @!p0 v5, $0x3;
	v3 =	vor.u32 @!p0 v3, v4;
	v4 =	vand.u32 @!p0 $0x7, v5  }
0x13b: {  	v6 =	vmul.u32 @!p0 $0x8, v6;
	v7 =	vperm.xlane @!p0 v3, v4;
	_ =	sdelay $0x1  }
0x13c: {  	v7 =	vadd.s32 @!p0 v6, v7  }
0x13d: {  	v5 =	vor.u32 @!p0 $0x8, v5  }
0x13e: {  	v3 =	vperm.xlane @!p0 v3, v5;
	_ =	sdelay $0x1  }
0x13f: {  	vm1 =	vmmov @!p0 $0xffff;
	s24 =	simm.s32 @!p0 $0x12000;
	s23 =	simm.s32 @!p0 $0x0;
	v3 =	vadd.s32 @!p0 v6, v3  }
0x140: {  	[tilespmem:s24], [sflag:$0x4] =	stream.indirect_vreg.gather @!p0 [hbm4b:s2+s23], $0x80, v7, vm1, $0xb8;
	[tilespmem:$0x16000] =	vst v63  }
0x141: {  	s24 =	simm.s32 @!p0 $0x12800  }
0x142: {  	[tilespmem:s24], [sflag:$0x4] =	stream.indirect_vreg.gather @!p0 [hbm4b:s6+s23], $0x80, v7, vm1, $0xb8;
	[tilespmem:$0x16000] =	vst v63  }
0x143: {  	s24 =	simm.s32 @!p0 $0x13000  }
0x144: {  	[tilespmem:s24], [sflag:$0x4] =	stream.indirect_vreg.gather @!p0 [hbm4b:s2+s23], $0x80, v3, vm1, $0xb8;
	[tilespmem:$0x16000] =	vst v63  }
0x145: {  	s24 =	simm.s32 @!p0 $0x13800  }
0x146: {  	[tilespmem:s24], [sflag:$0x4] =	stream.indirect_vreg.gather @!p0 [hbm4b:s6+s23], $0x80, v3, vm1, $0xb8;
	[tilespmem:$0x16000] =	vst v63  }
0x147: {  	v3 =	vld @!p0 [tilespmem:s12+$0x10];
	_ =	sdelay $0x4  }
0x148: {  	v7 =	vshll.u32 @!p0 v3, $0x2  }
0x149: {  	v3 =	vand.u32 @!p0 $0x7, v3;
	v7 =	vand.u32 @!p0 $0xFFFFFFE0, v7  }
0x14a: {  	v3 =	vor.u32 @!p0 v3, v7  }
0x14b: {  	v4 =	vperm.xlane @!p0 v3, v4;
	_ =	sdelay $0x1  }
0x14c: {  	v4 =	vadd.s32 @!p0 v6, v4;
	_ =	sdelay $0x1  }
0x14d: {  	v3 =	vperm.xlane @!p0 v3, v5;
	_ =	sdelay $0x1  }
0x14e: {  	s12 =	simm.s32 @!p0 $0x14000;
	v3 =	vadd.s32 @!p0 v6, v3  }
0x14f: {  	[tilespmem:s12], [sflag:$0x4] =	stream.indirect_vreg.gather @!p0 [hbm4b:s2+s23], $0x80, v4, vm1, $0xb8;
	[tilespmem:$0x16000] =	vst v63  }
0x150: {  	s12 =	simm.s32 @!p0 $0x14800  }
0x151: {  	[tilespmem:s12], [sflag:$0x4] =	stream.indirect_vreg.gather @!p0 [hbm4b:s6+s23], $0x80, v4, vm1, $0xb8;
	[tilespmem:$0x16000] =	vst v63  }
0x152: {  	s12 =	simm.s32 @!p0 $0x15000  }
0x153: {  	[tilespmem:s12], [sflag:$0x4] =	stream.indirect_vreg.gather @!p0 [hbm4b:s2+s23], $0x80, v3, vm1, $0xb8;
	[tilespmem:$0x16000] =	vst v63  }
0x154: {  	s12 =	simm.s32 @!p0 $0x15800  }
0x155: {  	[tilespmem:s12], [sflag:$0x4] =	stream.indirect_vreg.gather @!p0 [hbm4b:s6+s23], $0x80, v3, vm1, $0xb8;
	[tilespmem:$0x16000] =	vst v63  }
0x156: {  	s24 =	simm.s32 $0x0;
	_ =	swait.ge [sflag:s19], $0x4000  }
0x157: {  	s28 =	sand.u32 $0x3000, s24;
	s31 =	sand.u32 $0x380, s24;
	[sflag:s19] =	ssyncset.done $0x0  }
0x158: {  	s23 =	sor.u32 s31, s28;
	[sflag:s19] =	ssyncadd.s32 $0xFFFFC000  }
0x159: {  	v10 =	vld [tilespmem:s23+$0x2000]  }
0x15a: {  	v11 =	vld [tilespmem:s23+$0x2010]  }
0x15b: {  	v12 =	vld [tilespmem:s23+$0x2020]  }
0x15c: {  	v13 =	vld [tilespmem:s23+$0x2030]  }
0x15d: {  	v14 =	vld [tilespmem:s23+$0x2040]  }
0x15e: {  	v15 =	vld [tilespmem:s23+$0x2050]  }
0x15f: {  	v16 =	vld [tilespmem:s23+$0x2060]  }
0x160: {  	v17 =	vld [tilespmem:s23+$0x2070]  }
0x161: {  	v18 =	vld [tilespmem:s23+$0x2400]  }
0x162: {  	v19 =	vld [tilespmem:s23+$0x2410]  }
0x163: {  	v20 =	vld [tilespmem:s23+$0x2420]  }
0x164: {  	v21 =	vld [tilespmem:s23+$0x2430]  }
0x165: {  	v22 =	vld [tilespmem:s23+$0x2440]  }
0x166: {  	v23 =	vld [tilespmem:s23+$0x2450]  }
0x167: {  	v24 =	vld [tilespmem:s23+$0x2460]  }
0x168: {  	v25 =	vld [tilespmem:s23+$0x2470]  }
0x169: {  	v26 =	vld [tilespmem:s23+$0x2800]  }
0x16a: {  	v27 =	vld [tilespmem:s23+$0x2810]  }
0x16b: {  	v28 =	vld [tilespmem:s23+$0x2820]  }
0x16c: {  	v29 =	vld [tilespmem:s23+$0x2830]  }
0x16d: {  	v30 =	vld [tilespmem:s23+$0x2840]  }
0x16e: {  	v31 =	vld [tilespmem:s23+$0x2850]  }
0x16f: {  	v32 =	vld [tilespmem:s23+$0x2860]  }
0x170: {  	v9 =	vld [tilespmem:s23+$0x2870]  }
0x171: {  	v8 =	vld [tilespmem:s23+$0x2C00]  }
0x172: {  	v7 =	vld [tilespmem:s23+$0x2C10]  }
0x173: {  	v6 =	vld [tilespmem:s23+$0x2C20]  }
0x174: {  	v5 =	vld [tilespmem:s23+$0x2C30]  }
0x175: {  	v4 =	vld [tilespmem:s23+$0x2C40]  }
0x176: {  	v3 =	vld [tilespmem:s23+$0x2C50]  }
0x177: {  	v33 =	vld [tilespmem:s23+$0xA000]  }
0x178: {  	v34 =	vld [tilespmem:s23+$0xA010]  }
0x179: {  	v35 =	vld [tilespmem:s23+$0xA020]  }
0x17a: {  	v36 =	vld [tilespmem:s23+$0xA030]  }
0x17b: {  	v37 =	vld [tilespmem:s23+$0xA040]  }
0x17c: {  	v38 =	vld [tilespmem:s23+$0xA050];
	v33 =	vmul.f32 $2.262741660e+01, v33  }
0x17d: {  	v39 =	vld [tilespmem:s23+$0xA060];
	v34 =	vmul.f32 $2.262741660e+01, v34  }
0x17e: {  	v59 =	vld [tilespmem:s23+$0xA070];
	v58 =	vmul.f32 $2.262741660e+01, v35;
	v10 =	vadd.f32 v10, v33  }
0x17f: {  	v61 =	vld [tilespmem:s23+$0xA400];
	v60 =	vmul.f32 $2.262741660e+01, v36;
	v11 =	vadd.f32 v11, v34  }
0x180: {  	v62 =	vld [tilespmem:s23+$0xA410];
	[tilespmem:s23+$0xA000] =	vst v10;
	v10 =	vadd.f32 v12, v58;
	v12 =	vmul.f32 $2.262741660e+01, v37  }
0x181: {  	v63 =	vld [tilespmem:s23+$0xA420];
	[tilespmem:s23+$0xA010] =	vst v11;
	v11 =	vadd.f32 v13, v60;
	v13 =	vmul.f32 $2.262741660e+01, v38  }
0x182: {  	[tilespmem:s23+$0xA020] =	vst v10;
	v10 =	vadd.f32 v14, v12;
	v12 =	vmul.f32 $2.262741660e+01, v39;
	v14 =	vld [tilespmem:s23+$0xA430]  }
0x183: {  	[tilespmem:s23+$0xA030] =	vst v11;
	v11 =	vadd.f32 v15, v13;
	v13 =	vmul.f32 $2.262741660e+01, v59;
	v15 =	vld [tilespmem:s23+$0xA440]  }
0x184: {  	[tilespmem:s23+$0xA040] =	vst v10;
	v10 =	vadd.f32 v16, v12;
	v12 =	vmul.f32 $2.262741660e+01, v61;
	v16 =	vld [tilespmem:s23+$0xA450]  }
0x185: {  	[tilespmem:s23+$0xA050] =	vst v11;
	v11 =	vadd.f32 v17, v13;
	v13 =	vmul.f32 $2.262741660e+01, v62;
	v17 =	vld [tilespmem:s23+$0xA460]  }
0x186: {  	[tilespmem:s23+$0xA060] =	vst v10;
	v10 =	vadd.f32 v18, v12;
	v12 =	vmul.f32 $2.262741660e+01, v63;
	v18 =	vld [tilespmem:s23+$0xA470]  }
0x187: {  	[tilespmem:s23+$0xA070] =	vst v11;
	v11 =	vadd.f32 v19, v13;
	v13 =	vmul.f32 $2.262741660e+01, v14;
	v14 =	vld [tilespmem:s23+$0xA800]  }
0x188: {  	[tilespmem:s23+$0xA400] =	vst v10;
	v10 =	vadd.f32 v20, v12;
	v12 =	vmul.f32 $2.262741660e+01, v15;
	v15 =	vld [tilespmem:s23+$0xA810]  }
0x189: {  	[tilespmem:s23+$0xA410] =	vst v11;
	v11 =	vadd.f32 v21, v13;
	v13 =	vmul.f32 $2.262741660e+01, v16;
	v16 =	vld [tilespmem:s23+$0xA820]  }
0x18a: {  	[tilespmem:s23+$0xA420] =	vst v10;
	v10 =	vadd.f32 v22, v12;
	v12 =	vmul.f32 $2.262741660e+01, v17;
	v17 =	vld [tilespmem:s23+$0xA830]  }
0x18b: {  	[tilespmem:s23+$0xA430] =	vst v11;
	v11 =	vadd.f32 v23, v13;
	v13 =	vmul.f32 $2.262741660e+01, v18;
	v18 =	vld [tilespmem:s23+$0xA840]  }
0x18c: {  	v19 =	vld [tilespmem:s23+$0xA850];
	[tilespmem:s23+$0xA440] =	vst v10;
	v10 =	vadd.f32 v24, v12;
	v12 =	vmul.f32 $2.262741660e+01, v14  }
0x18d: {  	[tilespmem:s23+$0xA450] =	vst v11;
	v11 =	vadd.f32 v25, v13;
	v13 =	vmul.f32 $2.262741660e+01, v15;
	v15 =	vld [tilespmem:s23+$0xA860]  }
0x18e: {  	[tilespmem:s23+$0xA460] =	vst v10;
	v10 =	vadd.f32 v26, v12;
	v12 =	vmul.f32 $2.262741660e+01, v16;
	v16 =	vld [tilespmem:s23+$0xA870]  }
0x18f: {  	v20 =	vld [tilespmem:s23+$0xAC00];
	[tilespmem:s23+$0xA470] =	vst v11;
	v11 =	vadd.f32 v27, v13;
	v13 =	vmul.f32 $2.262741660e+01, v17  }
0x190: {  	v14 =	vld [tilespmem:s23+$0xAC10];
	[tilespmem:s23+$0xA800] =	vst v10;
	v10 =	vadd.f32 v28, v12;
	v12 =	vmul.f32 $2.262741660e+01, v18  }
0x191: {  	v17 =	vmul.f32 $2.262741660e+01, v19;
	[tilespmem:s23+$0xA810] =	vst v11;
	v11 =	vadd.f32 v29, v13;
	v13 =	vld [tilespmem:s23+$0xAC20]  }
0x192: {  	[tilespmem:s23+$0xA820] =	vst v10;
	v10 =	vadd.f32 v30, v12;
	v18 =	vmul.f32 $2.262741660e+01, v15;
	v12 =	vld [tilespmem:s23+$0xAC30]  }
0x193: {  	v15 =	vadd.f32 v31, v17;
	[tilespmem:s23+$0xA830] =	vst v11;
	v11 =	vld [tilespmem:s23+$0xAC40];
	v17 =	vmul.f32 $2.262741660e+01, v16  }
0x194: {  	s26 =	simm.s32 $0x200;
	v16 =	vmul.f32 $2.262741660e+01, v20;
	[tilespmem:s23+$0xA840] =	vst v10;
	v18 =	vadd.f32 v32, v18;
	v10 =	vld [tilespmem:s23+$0xAC50]  }
.LBB2_5:
0x195: {  	p0 =	sne.s32 s26, $0x3E00;
	[tilespmem:s23+$0xA850] =	vst v15;
	v9 =	vadd.f32 v9, v17;
	v14 =	vmul.f32 $2.262741660e+01, v14;
	v15 =	vld [tilespmem:s23+$0xAC60]  }
0x196: {  	s24 =	sadd.s32 $0x80, s24;
	[tilespmem:s23+$0xA860] =	vst v18;
	v8 =	vadd.f32 v8, v16;
	v13 =	vmul.f32 $2.262741660e+01, v13;
	v16 =	vld [tilespmem:s23+$0xAC70]  }
0x197: {  	s12 =	sand.u32 $0x3000, s26;
	s28 =	sand.u32 $0x380, s24;
	[tilespmem:s23+$0xA870] =	vst v9;
	v7 =	vadd.f32 v7, v14;
	v9 =	vmul.f32 $2.262741660e+01, v12;
	v12 =	vld [tilespmem:s23+$0x2C60]  }
0x198: {  	s12 =	sor.u32 s28, s12;
	[tilespmem:s23+$0xAC00] =	vst v8;
	v6 =	vadd.f32 v6, v13;
	v8 =	vmul.f32 $2.262741660e+01, v11;
	v11 =	vld [tilespmem:s23+$0x2C70]  }
0x199: {  	v17 =	vld [tilespmem:s12+$0x2000];
	[tilespmem:s23+$0xAC10] =	vst v7;
	v5 =	vadd.f32 v5, v9;
	v7 =	vmul.f32 $2.262741660e+01, v10  }
0x19a: {  	v18 =	vld [tilespmem:s12+$0x2010];
	[tilespmem:s23+$0xAC20] =	vst v6;
	v4 =	vadd.f32 v4, v8;
	v6 =	vmul.f32 $2.262741660e+01, v15  }
0x19b: {  	v15 =	vld [tilespmem:s12+$0x2020];
	[tilespmem:s23+$0xAC30] =	vst v5;
	v3 =	vadd.f32 v3, v7;
	v5 =	vmul.f32 $2.262741660e+01, v16  }
0x19c: {  	v16 =	vld [tilespmem:s12+$0x2030];
	[tilespmem:s23+$0xAC40] =	vst v4;
	v4 =	vadd.f32 v12, v6  }
0x19d: {  	v19 =	vld [tilespmem:s12+$0x2040];
	[tilespmem:s23+$0xAC50] =	vst v3;
	v3 =	vadd.f32 v11, v5  }
0x19e: {  	v20 =	vld [tilespmem:s12+$0x2050];
	[tilespmem:s23+$0xAC60] =	vst v4  }
0x19f: {  	v21 =	vld [tilespmem:s12+$0x2060];
	[tilespmem:s23+$0xAC70] =	vst v3;
	s23 =	smov.u32 s12  }
0x1a0: {  	v22 =	vld [tilespmem:s23+$0x2070]  }
0x1a1: {  	v23 =	vld [tilespmem:s23+$0x2400]  }
0x1a2: {  	v24 =	vld [tilespmem:s23+$0x2410]  }
0x1a3: {  	v25 =	vld [tilespmem:s23+$0x2420]  }
0x1a4: {  	v26 =	vld [tilespmem:s23+$0x2430]  }
0x1a5: {  	v27 =	vld [tilespmem:s23+$0x2440]  }
0x1a6: {  	v28 =	vld [tilespmem:s23+$0x2450]  }
0x1a7: {  	v29 =	vld [tilespmem:s23+$0x2460]  }
0x1a8: {  	v30 =	vld [tilespmem:s23+$0x2470]  }
0x1a9: {  	v31 =	vld [tilespmem:s23+$0x2800]  }
0x1aa: {  	v32 =	vld [tilespmem:s23+$0x2810]  }
0x1ab: {  	v14 =	vld [tilespmem:s23+$0x2820]  }
0x1ac: {  	v13 =	vld [tilespmem:s23+$0x2830]  }
0x1ad: {  	v12 =	vld [tilespmem:s23+$0x2840]  }
0x1ae: {  	v11 =	vld [tilespmem:s23+$0x2850]  }
0x1af: {  	v10 =	vld [tilespmem:s23+$0x2860]  }
0x1b0: {  	v9 =	vld [tilespmem:s23+$0x2870]  }
0x1b1: {  	v8 =	vld [tilespmem:s23+$0x2C00]  }
0x1b2: {  	v7 =	vld [tilespmem:s23+$0x2C10]  }
0x1b3: {  	v6 =	vld [tilespmem:s23+$0x2C20]  }
0x1b4: {  	v5 =	vld [tilespmem:s23+$0x2C30]  }
0x1b5: {  	v4 =	vld [tilespmem:s23+$0x2C40]  }
0x1b6: {  	v3 =	vld [tilespmem:s23+$0x2C50]  }
0x1b7: {  	v33 =	vld [tilespmem:s23+$0xA000]  }
0x1b8: {  	v34 =	vld [tilespmem:s23+$0xA010]  }
0x1b9: {  	v35 =	vld [tilespmem:s23+$0xA020]  }
0x1ba: {  	v36 =	vld [tilespmem:s23+$0xA030]  }
0x1bb: {  	v37 =	vld [tilespmem:s23+$0xA040]  }
0x1bc: {  	v33 =	vmul.f32 $2.262741660e+01, v33;
	v38 =	vld [tilespmem:s23+$0xA050]  }
0x1bd: {  	v34 =	vmul.f32 $2.262741660e+01, v34;
	v39 =	vld [tilespmem:s23+$0xA060]  }
0x1be: {  	v17 =	vadd.f32 v17, v33;
	v33 =	vmul.f32 $2.262741660e+01, v35;
	v35 =	vld [tilespmem:s23+$0xA070]  }
0x1bf: {  	v18 =	vadd.f32 v18, v34;
	v34 =	vmul.f32 $2.262741660e+01, v36;
	v36 =	vld [tilespmem:s23+$0xA400]  }
0x1c0: {  	[tilespmem:s23+$0xA000] =	vst v17;
	v15 =	vadd.f32 v15, v33;
	v17 =	vmul.f32 $2.262741660e+01, v37;
	v33 =	vld [tilespmem:s23+$0xA410]  }
0x1c1: {  	[tilespmem:s23+$0xA010] =	vst v18;
	v16 =	vadd.f32 v16, v34;
	v18 =	vmul.f32 $2.262741660e+01, v38;
	v34 =	vld [tilespmem:s23+$0xA420]  }
0x1c2: {  	[tilespmem:s23+$0xA020] =	vst v15;
	v15 =	vadd.f32 v19, v17;
	v17 =	vmul.f32 $2.262741660e+01, v39;
	v19 =	vld [tilespmem:s23+$0xA430]  }
0x1c3: {  	[tilespmem:s23+$0xA030] =	vst v16;
	v16 =	vadd.f32 v20, v18;
	v18 =	vmul.f32 $2.262741660e+01, v35;
	v20 =	vld [tilespmem:s23+$0xA440]  }
0x1c4: {  	[tilespmem:s23+$0xA040] =	vst v15;
	v15 =	vadd.f32 v21, v17;
	v17 =	vmul.f32 $2.262741660e+01, v36;
	v21 =	vld [tilespmem:s23+$0xA450]  }
0x1c5: {  	[tilespmem:s23+$0xA050] =	vst v16;
	v16 =	vadd.f32 v22, v18;
	v18 =	vmul.f32 $2.262741660e+01, v33;
	v22 =	vld [tilespmem:s23+$0xA460]  }
0x1c6: {  	[tilespmem:s23+$0xA060] =	vst v15;
	v15 =	vadd.f32 v23, v17;
	v17 =	vmul.f32 $2.262741660e+01, v34;
	v23 =	vld [tilespmem:s23+$0xA470]  }
0x1c7: {  	[tilespmem:s23+$0xA070] =	vst v16;
	v16 =	vadd.f32 v24, v18;
	v18 =	vmul.f32 $2.262741660e+01, v19;
	v19 =	vld [tilespmem:s23+$0xA800]  }
0x1c8: {  	[tilespmem:s23+$0xA400] =	vst v15;
	v15 =	vadd.f32 v25, v17;
	v17 =	vmul.f32 $2.262741660e+01, v20;
	v20 =	vld [tilespmem:s23+$0xA810]  }
0x1c9: {  	[tilespmem:s23+$0xA410] =	vst v16;
	v16 =	vadd.f32 v26, v18;
	v18 =	vmul.f32 $2.262741660e+01, v21;
	v21 =	vld [tilespmem:s23+$0xA820]  }
0x1ca: {  	[tilespmem:s23+$0xA420] =	vst v15;
	v15 =	vadd.f32 v27, v17;
	v17 =	vmul.f32 $2.262741660e+01, v22;
	v22 =	vld [tilespmem:s23+$0xA830]  }
0x1cb: {  	[tilespmem:s23+$0xA430] =	vst v16;
	v16 =	vadd.f32 v28, v18;
	v18 =	vmul.f32 $2.262741660e+01, v23;
	v23 =	vld [tilespmem:s23+$0xA840]  }
0x1cc: {  	[tilespmem:s23+$0xA440] =	vst v15;
	v15 =	vadd.f32 v29, v17;
	v17 =	vmul.f32 $2.262741660e+01, v19;
	v19 =	vld [tilespmem:s23+$0xA850]  }
0x1cd: {  	[tilespmem:s23+$0xA450] =	vst v16;
	v16 =	vadd.f32 v30, v18;
	v18 =	vmul.f32 $2.262741660e+01, v20;
	v20 =	vld [tilespmem:s23+$0xA860]  }
0x1ce: {  	[tilespmem:s23+$0xA460] =	vst v15;
	v15 =	vadd.f32 v31, v17;
	v17 =	vmul.f32 $2.262741660e+01, v21;
	v21 =	vld [tilespmem:s23+$0xA870]  }
0x1cf: {  	[tilespmem:s23+$0xA470] =	vst v16;
	v16 =	vadd.f32 v32, v18;
	v18 =	vmul.f32 $2.262741660e+01, v22;
	v22 =	vld [tilespmem:s23+$0xAC00]  }
.Ltmp3:
0x1d0: {  	[tilespmem:s23+$0xA800] =	vst v15;
	v15 =	vadd.f32 v14, v17;
	v17 =	vmul.f32 $2.262741660e+01, v23;
	v14 =	vld [tilespmem:s23+$0xAC10];
	(pc) =	sbr.rel @p0 .LBB2_5-.Ltmp3, $4  }
0x1d1: {  	[tilespmem:s23+$0xA810] =	vst v16;
	v16 =	vadd.f32 v13, v18;
	v18 =	vmul.f32 $2.262741660e+01, v19;
	v13 =	vld [tilespmem:s23+$0xAC20]  }
0x1d2: {  	[tilespmem:s23+$0xA820] =	vst v15;
	v19 =	vadd.f32 v12, v17;
	v20 =	vmul.f32 $2.262741660e+01, v20;
	v12 =	vld [tilespmem:s23+$0xAC30]  }
0x1d3: {  	[tilespmem:s23+$0xA830] =	vst v16;
	v15 =	vadd.f32 v11, v18;
	v17 =	vmul.f32 $2.262741660e+01, v21;
	v11 =	vld [tilespmem:s23+$0xAC40]  }
0x1d4: {  	s26 =	sadd.s32 $0x200, s26;
	[tilespmem:s23+$0xA840] =	vst v19;
	v18 =	vadd.f32 v10, v20;
	v16 =	vmul.f32 $2.262741660e+01, v22;
	v10 =	vld [tilespmem:s23+$0xAC50]  }
0x1d5: {  	v9 =	vadd.f32 v9, v17  }
0x1d6: {  	[tilespmem:s23+$0xA850] =	vst v15;
	v15 =	vld [tilespmem:s23+$0xAC60];
	v14 =	vmul.f32 $2.262741660e+01, v14  }
0x1d7: {  	v8 =	vadd.f32 v8, v16;
	v16 =	vld [tilespmem:s23+$0xAC70];
	[tilespmem:s23+$0xA870] =	vst v9;
	v9 =	vmul.f32 $2.262741660e+01, v13  }
0x1d8: {  	[tilespmem:s23+$0xA860] =	vst v18;
	v13 =	vld [tilespmem:s23+$0x2C60];
	v7 =	vadd.f32 v7, v14;
	v12 =	vmul.f32 $2.262741660e+01, v12  }
0x1d9: {  	[tilespmem:s23+$0xAC00] =	vst v8;
	v8 =	vmul.f32 $2.262741660e+01, v11;
	v6 =	vadd.f32 v6, v9;
	v9 =	vld [tilespmem:s23+$0x2C70]  }
0x1da: {  	[tilespmem:s23+$0xAC10] =	vst v7;
	v5 =	vadd.f32 v5, v12;
	v7 =	vmul.f32 $2.262741660e+01, v10  }
0x1db: {  	v4 =	vadd.f32 v4, v8;
	[tilespmem:s23+$0xAC20] =	vst v6;
	v6 =	vmul.f32 $2.262741660e+01, v15  }
0x1dc: {  	[tilespmem:s23+$0xAC30] =	vst v5;
	v3 =	vadd.f32 v3, v7;
	v5 =	vmul.f32 $2.262741660e+01, v16  }
0x1dd: {  	[tilespmem:s23+$0xAC40] =	vst v4;
	v4 =	vadd.f32 v13, v6  }
0x1de: {  	[tilespmem:s23+$0xAC50] =	vst v3;
	v3 =	vadd.f32 v9, v5  }
0x1df: {  	[tilespmem:s23+$0xAC60] =	vst v4  }
0x1e0: {  	s12 =	sadd.s32 s11, s9;
	p0 =	seq.s32 s5, $0xF;
	[tilespmem:s23+$0xAC70] =	vst v3  }
0x1e1: {  	[hbm4b:s12+s4] =	stream.linear.scatter [tilespmem:s21], [sflag:$0x6], $0x4000, $0x38;
	[tilespmem:$0x16000] =	vst v63  }
0x1e2: {  	s12 =	simm.s32 @!p0 $0x5  }
0x1e3: {  	_ =	swait.ge @!p0 [sflag:s12], $0x4000  }
0x1e4: {  	s23 =	sshll.u32 @!p0 s5, $0x9;
	[sflag:s12] =	ssyncset.done @!p0 $0x0  }
0x1e5: {  	s23 =	sand.u32 @!p0 $0x3FFFFE00, s23;
	[sflag:s12] =	ssyncadd.s32 @!p0 $0xFFFFC000  }
0x1e6: {  	v3 =	vld @!p0 [tilespmem:s23+$0x200];
	_ =	sdelay $0x4  }
0x1e7: {  	v4 =	vshll.u32 @!p0 v3, $0x2  }
0x1e8: {  	v5 =	vlaneseq.u32 @!p0;
	v3 =	vand.u32 @!p0 $0x7, v3;
	v4 =	vand.u32 @!p0 $0xFFFFFFE0, v4  }
0x1e9: {  	v6 =	vshrl.u32 @!p0 v5, $0x3;
	v3 =	vor.u32 @!p0 v3, v4;
	v4 =	vand.u32 @!p0 $0x7, v5  }
0x1ea: {  	v6 =	vmul.u32 @!p0 $0x8, v6;
	v7 =	vperm.xlane @!p0 v3, v4;
	_ =	sdelay $0x1  }
0x1eb: {  	v7 =	vadd.s32 @!p0 v6, v7  }
0x1ec: {  	v5 =	vor.u32 @!p0 $0x8, v5  }
0x1ed: {  	v3 =	vperm.xlane @!p0 v3, v5;
	_ =	sdelay $0x1  }
0x1ee: {  	vm1 =	vmmov @!p0 $0xffff;
	s24 =	simm.s32 @!p0 $0x6000;
	s12 =	simm.s32 @!p0 $0x0;
	v3 =	vadd.s32 @!p0 v6, v3  }
0x1ef: {  	[tilespmem:s24], [sflag:$0x1] =	stream.indirect_vreg.gather @!p0 [hbm4b:s2+s12], $0x80, v7, vm1, $0xb8;
	[tilespmem:$0x16000] =	vst v63  }
0x1f0: {  	s24 =	simm.s32 @!p0 $0x6800  }
0x1f1: {  	[tilespmem:s24], [sflag:$0x1] =	stream.indirect_vreg.gather @!p0 [hbm4b:s6+s12], $0x80, v7, vm1, $0xb8;
	[tilespmem:$0x16000] =	vst v63  }
0x1f2: {  	s24 =	simm.s32 @!p0 $0x7000  }
0x1f3: {  	[tilespmem:s24], [sflag:$0x1] =	stream.indirect_vreg.gather @!p0 [hbm4b:s2+s12], $0x80, v3, vm1, $0xb8;
	[tilespmem:$0x16000] =	vst v63  }
0x1f4: {  	s24 =	simm.s32 @!p0 $0x7800  }
0x1f5: {  	[tilespmem:s24], [sflag:$0x1] =	stream.indirect_vreg.gather @!p0 [hbm4b:s6+s12], $0x80, v3, vm1, $0xb8;
	[tilespmem:$0x16000] =	vst v63  }
0x1f6: {  	v3 =	vld @!p0 [tilespmem:s23+$0x210];
	_ =	sdelay $0x4  }
0x1f7: {  	v7 =	vshll.u32 @!p0 v3, $0x2  }
0x1f8: {  	v3 =	vand.u32 @!p0 $0x7, v3;
	v7 =	vand.u32 @!p0 $0xFFFFFFE0, v7  }
0x1f9: {  	v3 =	vor.u32 @!p0 v3, v7  }
0x1fa: {  	v4 =	vperm.xlane @!p0 v3, v4;
	_ =	sdelay $0x1  }
0x1fb: {  	v4 =	vadd.s32 @!p0 v6, v4;
	_ =	sdelay $0x1  }
0x1fc: {  	v3 =	vperm.xlane @!p0 v3, v5;
	_ =	sdelay $0x1  }
0x1fd: {  	s24 =	simm.s32 @!p0 $0x8000;
	v3 =	vadd.s32 @!p0 v6, v3  }
0x1fe: {  	[tilespmem:s24], [sflag:$0x1] =	stream.indirect_vreg.gather @!p0 [hbm4b:s2+s12], $0x80, v4, vm1, $0xb8;
	[tilespmem:$0x16000] =	vst v63  }
0x1ff: {  	s24 =	simm.s32 @!p0 $0x8800  }
0x200: {  	[tilespmem:s24], [sflag:$0x1] =	stream.indirect_vreg.gather @!p0 [hbm4b:s6+s12], $0x80, v4, vm1, $0xb8;
	[tilespmem:$0x16000] =	vst v63  }
0x201: {  	s24 =	simm.s32 @!p0 $0x9000  }
0x202: {  	[tilespmem:s24], [sflag:$0x1] =	stream.indirect_vreg.gather @!p0 [hbm4b:s2+s12], $0x80, v3, vm1, $0xb8;
	[tilespmem:$0x16000] =	vst v63  }
0x203: {  	s24 =	simm.s32 @!p0 $0x9800  }
0x204: {  	[tilespmem:s24], [sflag:$0x1] =	stream.indirect_vreg.gather @!p0 [hbm4b:s6+s12], $0x80, v3, vm1, $0xb8;
	[tilespmem:$0x16000] =	vst v63  }
0x205: {  	s26 =	simm.s32 $0x0;
	_ =	swait.ge [sflag:s20], $0x4000  }
0x206: {  	s28 =	sand.u32 $0x3000, s26;
	s31 =	sand.u32 $0x380, s26;
	[sflag:s20] =	ssyncset.done $0x0  }
0x207: {  	s24 =	sor.u32 s31, s28;
	[sflag:s20] =	ssyncadd.s32 $0xFFFFC000  }
0x208: {  	v10 =	vld [tilespmem:s24+$0x2000]  }
0x209: {  	v11 =	vld [tilespmem:s24+$0x2010]  }
0x20a: {  	v12 =	vld [tilespmem:s24+$0x2020]  }
0x20b: {  	v13 =	vld [tilespmem:s24+$0x2030]  }
0x20c: {  	v14 =	vld [tilespmem:s24+$0x2040]  }
0x20d: {  	v15 =	vld [tilespmem:s24+$0x2050]  }
0x20e: {  	v16 =	vld [tilespmem:s24+$0x2060]  }
0x20f: {  	v17 =	vld [tilespmem:s24+$0x2070]  }
0x210: {  	v18 =	vld [tilespmem:s24+$0x2400]  }
0x211: {  	v19 =	vld [tilespmem:s24+$0x2410]  }
0x212: {  	v20 =	vld [tilespmem:s24+$0x2420]  }
0x213: {  	v21 =	vld [tilespmem:s24+$0x2430]  }
0x214: {  	v22 =	vld [tilespmem:s24+$0x2440]  }
0x215: {  	v23 =	vld [tilespmem:s24+$0x2450]  }
0x216: {  	v24 =	vld [tilespmem:s24+$0x2460]  }
0x217: {  	v25 =	vld [tilespmem:s24+$0x2470]  }
0x218: {  	v26 =	vld [tilespmem:s24+$0x2800]  }
0x219: {  	v27 =	vld [tilespmem:s24+$0x2810]  }
0x21a: {  	v28 =	vld [tilespmem:s24+$0x2820]  }
0x21b: {  	v29 =	vld [tilespmem:s24+$0x2830]  }
0x21c: {  	v30 =	vld [tilespmem:s24+$0x2840]  }
0x21d: {  	v31 =	vld [tilespmem:s24+$0x2850]  }
0x21e: {  	v32 =	vld [tilespmem:s24+$0x2860]  }
0x21f: {  	v9 =	vld [tilespmem:s24+$0x2870]  }
0x220: {  	v8 =	vld [tilespmem:s24+$0x2C00]  }
0x221: {  	v7 =	vld [tilespmem:s24+$0x2C10]  }
0x222: {  	v6 =	vld [tilespmem:s24+$0x2C20]  }
0x223: {  	v5 =	vld [tilespmem:s24+$0x2C30]  }
0x224: {  	v4 =	vld [tilespmem:s24+$0x2C40]  }
0x225: {  	v3 =	vld [tilespmem:s24+$0x2C50]  }
0x226: {  	v33 =	vld [tilespmem:s24+$0xE000]  }
0x227: {  	v34 =	vld [tilespmem:s24+$0xE010]  }
0x228: {  	v35 =	vld [tilespmem:s24+$0xE020]  }
0x229: {  	v36 =	vld [tilespmem:s24+$0xE030]  }
0x22a: {  	v37 =	vld [tilespmem:s24+$0xE040]  }
0x22b: {  	v38 =	vld [tilespmem:s24+$0xE050];
	v33 =	vmul.f32 $2.262741660e+01, v33  }
0x22c: {  	v39 =	vld [tilespmem:s24+$0xE060];
	v34 =	vmul.f32 $2.262741660e+01, v34  }
0x22d: {  	v59 =	vld [tilespmem:s24+$0xE070];
	v58 =	vmul.f32 $2.262741660e+01, v35;
	v10 =	vadd.f32 v10, v33  }
0x22e: {  	v61 =	vld [tilespmem:s24+$0xE400];
	v60 =	vmul.f32 $2.262741660e+01, v36;
	v11 =	vadd.f32 v11, v34  }
0x22f: {  	v62 =	vld [tilespmem:s24+$0xE410];
	[tilespmem:s24+$0xE000] =	vst v10;
	v10 =	vadd.f32 v12, v58;
	v12 =	vmul.f32 $2.262741660e+01, v37  }
0x230: {  	v63 =	vld [tilespmem:s24+$0xE420];
	[tilespmem:s24+$0xE010] =	vst v11;
	v11 =	vadd.f32 v13, v60;
	v13 =	vmul.f32 $2.262741660e+01, v38  }
0x231: {  	[tilespmem:s24+$0xE020] =	vst v10;
	v10 =	vadd.f32 v14, v12;
	v12 =	vmul.f32 $2.262741660e+01, v39;
	v14 =	vld [tilespmem:s24+$0xE430]  }
0x232: {  	[tilespmem:s24+$0xE030] =	vst v11;
	v11 =	vadd.f32 v15, v13;
	v13 =	vmul.f32 $2.262741660e+01, v59;
	v15 =	vld [tilespmem:s24+$0xE440]  }
0x233: {  	[tilespmem:s24+$0xE040] =	vst v10;
	v10 =	vadd.f32 v16, v12;
	v12 =	vmul.f32 $2.262741660e+01, v61;
	v16 =	vld [tilespmem:s24+$0xE450]  }
0x234: {  	[tilespmem:s24+$0xE050] =	vst v11;
	v11 =	vadd.f32 v17, v13;
	v13 =	vmul.f32 $2.262741660e+01, v62;
	v17 =	vld [tilespmem:s24+$0xE460]  }
0x235: {  	[tilespmem:s24+$0xE060] =	vst v10;
	v10 =	vadd.f32 v18, v12;
	v12 =	vmul.f32 $2.262741660e+01, v63;
	v18 =	vld [tilespmem:s24+$0xE470]  }
0x236: {  	[tilespmem:s24+$0xE070] =	vst v11;
	v11 =	vadd.f32 v19, v13;
	v13 =	vmul.f32 $2.262741660e+01, v14;
	v14 =	vld [tilespmem:s24+$0xE800]  }
0x237: {  	[tilespmem:s24+$0xE400] =	vst v10;
	v10 =	vadd.f32 v20, v12;
	v12 =	vmul.f32 $2.262741660e+01, v15;
	v15 =	vld [tilespmem:s24+$0xE810]  }
0x238: {  	[tilespmem:s24+$0xE410] =	vst v11;
	v11 =	vadd.f32 v21, v13;
	v13 =	vmul.f32 $2.262741660e+01, v16;
	v16 =	vld [tilespmem:s24+$0xE820]  }
0x239: {  	[tilespmem:s24+$0xE420] =	vst v10;
	v10 =	vadd.f32 v22, v12;
	v12 =	vmul.f32 $2.262741660e+01, v17;
	v17 =	vld [tilespmem:s24+$0xE830]  }
0x23a: {  	[tilespmem:s24+$0xE430] =	vst v11;
	v11 =	vadd.f32 v23, v13;
	v13 =	vmul.f32 $2.262741660e+01, v18;
	v18 =	vld [tilespmem:s24+$0xE840]  }
0x23b: {  	v19 =	vld [tilespmem:s24+$0xE850];
	[tilespmem:s24+$0xE440] =	vst v10;
	v10 =	vadd.f32 v24, v12;
	v12 =	vmul.f32 $2.262741660e+01, v14  }
0x23c: {  	[tilespmem:s24+$0xE450] =	vst v11;
	v11 =	vadd.f32 v25, v13;
	v13 =	vmul.f32 $2.262741660e+01, v15;
	v15 =	vld [tilespmem:s24+$0xE860]  }
0x23d: {  	[tilespmem:s24+$0xE460] =	vst v10;
	v10 =	vadd.f32 v26, v12;
	v12 =	vmul.f32 $2.262741660e+01, v16;
	v16 =	vld [tilespmem:s24+$0xE870]  }
0x23e: {  	v20 =	vld [tilespmem:s24+$0xEC00];
	[tilespmem:s24+$0xE470] =	vst v11;
	v11 =	vadd.f32 v27, v13;
	v13 =	vmul.f32 $2.262741660e+01, v17  }
0x23f: {  	v14 =	vld [tilespmem:s24+$0xEC10];
	[tilespmem:s24+$0xE800] =	vst v10;
	v10 =	vadd.f32 v28, v12;
	v12 =	vmul.f32 $2.262741660e+01, v18  }
0x240: {  	v17 =	vmul.f32 $2.262741660e+01, v19;
	[tilespmem:s24+$0xE810] =	vst v11;
	v11 =	vadd.f32 v29, v13;
	v13 =	vld [tilespmem:s24+$0xEC20]  }
0x241: {  	[tilespmem:s24+$0xE820] =	vst v10;
	v10 =	vadd.f32 v30, v12;
	v18 =	vmul.f32 $2.262741660e+01, v15;
	v12 =	vld [tilespmem:s24+$0xEC30]  }
0x242: {  	v15 =	vadd.f32 v31, v17;
	[tilespmem:s24+$0xE830] =	vst v11;
	v11 =	vld [tilespmem:s24+$0xEC40];
	v17 =	vmul.f32 $2.262741660e+01, v16  }
0x243: {  	s12 =	simm.s32 $0x200;
	v16 =	vmul.f32 $2.262741660e+01, v20;
	[tilespmem:s24+$0xE840] =	vst v10;
	v18 =	vadd.f32 v32, v18;
	v10 =	vld [tilespmem:s24+$0xEC50]  }
.LBB2_7:
0x244: {  	p1 =	sne.s32 s12, $0x3E00;
	[tilespmem:s24+$0xE850] =	vst v15;
	v9 =	vadd.f32 v9, v17;
	v14 =	vmul.f32 $2.262741660e+01, v14;
	v15 =	vld [tilespmem:s24+$0xEC60]  }
0x245: {  	s26 =	sadd.s32 $0x80, s26;
	[tilespmem:s24+$0xE860] =	vst v18;
	v8 =	vadd.f32 v8, v16;
	v13 =	vmul.f32 $2.262741660e+01, v13;
	v16 =	vld [tilespmem:s24+$0xEC70]  }
0x246: {  	s28 =	sand.u32 $0x3000, s12;
	s31 =	sand.u32 $0x380, s26;
	[tilespmem:s24+$0xE870] =	vst v9;
	v7 =	vadd.f32 v7, v14;
	v9 =	vmul.f32 $2.262741660e+01, v12;
	v12 =	vld [tilespmem:s24+$0x2C60]  }
0x247: {  	s28 =	sor.u32 s31, s28;
	[tilespmem:s24+$0xEC00] =	vst v8;
	v6 =	vadd.f32 v6, v13;
	v8 =	vmul.f32 $2.262741660e+01, v11;
	v11 =	vld [tilespmem:s24+$0x2C70]  }
0x248: {  	v17 =	vld [tilespmem:s28+$0x2000];
	[tilespmem:s24+$0xEC10] =	vst v7;
	v5 =	vadd.f32 v5, v9;
	v7 =	vmul.f32 $2.262741660e+01, v10  }
0x249: {  	v18 =	vld [tilespmem:s28+$0x2010];
	[tilespmem:s24+$0xEC20] =	vst v6;
	v4 =	vadd.f32 v4, v8;
	v6 =	vmul.f32 $2.262741660e+01, v15  }
0x24a: {  	v15 =	vld [tilespmem:s28+$0x2020];
	[tilespmem:s24+$0xEC30] =	vst v5;
	v3 =	vadd.f32 v3, v7;
	v5 =	vmul.f32 $2.262741660e+01, v16  }
0x24b: {  	v16 =	vld [tilespmem:s28+$0x2030];
	[tilespmem:s24+$0xEC40] =	vst v4;
	v4 =	vadd.f32 v12, v6  }
0x24c: {  	v19 =	vld [tilespmem:s28+$0x2040];
	[tilespmem:s24+$0xEC50] =	vst v3;
	v3 =	vadd.f32 v11, v5  }
0x24d: {  	v20 =	vld [tilespmem:s28+$0x2050];
	[tilespmem:s24+$0xEC60] =	vst v4  }
0x24e: {  	v21 =	vld [tilespmem:s28+$0x2060];
	[tilespmem:s24+$0xEC70] =	vst v3;
	s24 =	smov.u32 s28  }
0x24f: {  	v22 =	vld [tilespmem:s24+$0x2070]  }
0x250: {  	v23 =	vld [tilespmem:s24+$0x2400]  }
0x251: {  	v24 =	vld [tilespmem:s24+$0x2410]  }
0x252: {  	v25 =	vld [tilespmem:s24+$0x2420]  }
0x253: {  	v26 =	vld [tilespmem:s24+$0x2430]  }
0x254: {  	v27 =	vld [tilespmem:s24+$0x2440]  }
0x255: {  	v28 =	vld [tilespmem:s24+$0x2450]  }
0x256: {  	v29 =	vld [tilespmem:s24+$0x2460]  }
0x257: {  	v30 =	vld [tilespmem:s24+$0x2470]  }
0x258: {  	v31 =	vld [tilespmem:s24+$0x2800]  }
0x259: {  	v32 =	vld [tilespmem:s24+$0x2810]  }
0x25a: {  	v14 =	vld [tilespmem:s24+$0x2820]  }
0x25b: {  	v13 =	vld [tilespmem:s24+$0x2830]  }
0x25c: {  	v12 =	vld [tilespmem:s24+$0x2840]  }
0x25d: {  	v11 =	vld [tilespmem:s24+$0x2850]  }
0x25e: {  	v10 =	vld [tilespmem:s24+$0x2860]  }
0x25f: {  	v9 =	vld [tilespmem:s24+$0x2870]  }
0x260: {  	v8 =	vld [tilespmem:s24+$0x2C00]  }
0x261: {  	v7 =	vld [tilespmem:s24+$0x2C10]  }
0x262: {  	v6 =	vld [tilespmem:s24+$0x2C20]  }
0x263: {  	v5 =	vld [tilespmem:s24+$0x2C30]  }
0x264: {  	v4 =	vld [tilespmem:s24+$0x2C40]  }
0x265: {  	v3 =	vld [tilespmem:s24+$0x2C50]  }
0x266: {  	v33 =	vld [tilespmem:s24+$0xE000]  }
0x267: {  	v34 =	vld [tilespmem:s24+$0xE010]  }
0x268: {  	v35 =	vld [tilespmem:s24+$0xE020]  }
0x269: {  	v36 =	vld [tilespmem:s24+$0xE030]  }
0x26a: {  	v37 =	vld [tilespmem:s24+$0xE040]  }
0x26b: {  	v33 =	vmul.f32 $2.262741660e+01, v33;
	v38 =	vld [tilespmem:s24+$0xE050]  }
0x26c: {  	v34 =	vmul.f32 $2.262741660e+01, v34;
	v39 =	vld [tilespmem:s24+$0xE060]  }
0x26d: {  	v17 =	vadd.f32 v17, v33;
	v33 =	vmul.f32 $2.262741660e+01, v35;
	v35 =	vld [tilespmem:s24+$0xE070]  }
0x26e: {  	v18 =	vadd.f32 v18, v34;
	v34 =	vmul.f32 $2.262741660e+01, v36;
	v36 =	vld [tilespmem:s24+$0xE400]  }
0x26f: {  	[tilespmem:s24+$0xE000] =	vst v17;
	v15 =	vadd.f32 v15, v33;
	v17 =	vmul.f32 $2.262741660e+01, v37;
	v33 =	vld [tilespmem:s24+$0xE410]  }
0x270: {  	[tilespmem:s24+$0xE010] =	vst v18;
	v16 =	vadd.f32 v16, v34;
	v18 =	vmul.f32 $2.262741660e+01, v38;
	v34 =	vld [tilespmem:s24+$0xE420]  }
0x271: {  	[tilespmem:s24+$0xE020] =	vst v15;
	v15 =	vadd.f32 v19, v17;
	v17 =	vmul.f32 $2.262741660e+01, v39;
	v19 =	vld [tilespmem:s24+$0xE430]  }
0x272: {  	[tilespmem:s24+$0xE030] =	vst v16;
	v16 =	vadd.f32 v20, v18;
	v18 =	vmul.f32 $2.262741660e+01, v35;
	v20 =	vld [tilespmem:s24+$0xE440]  }
0x273: {  	[tilespmem:s24+$0xE040] =	vst v15;
	v15 =	vadd.f32 v21, v17;
	v17 =	vmul.f32 $2.262741660e+01, v36;
	v21 =	vld [tilespmem:s24+$0xE450]  }
0x274: {  	[tilespmem:s24+$0xE050] =	vst v16;
	v16 =	vadd.f32 v22, v18;
	v18 =	vmul.f32 $2.262741660e+01, v33;
	v22 =	vld [tilespmem:s24+$0xE460]  }
0x275: {  	[tilespmem:s24+$0xE060] =	vst v15;
	v15 =	vadd.f32 v23, v17;
	v17 =	vmul.f32 $2.262741660e+01, v34;
	v23 =	vld [tilespmem:s24+$0xE470]  }
0x276: {  	[tilespmem:s24+$0xE070] =	vst v16;
	v16 =	vadd.f32 v24, v18;
	v18 =	vmul.f32 $2.262741660e+01, v19;
	v19 =	vld [tilespmem:s24+$0xE800]  }
0x277: {  	[tilespmem:s24+$0xE400] =	vst v15;
	v15 =	vadd.f32 v25, v17;
	v17 =	vmul.f32 $2.262741660e+01, v20;
	v20 =	vld [tilespmem:s24+$0xE810]  }
0x278: {  	[tilespmem:s24+$0xE410] =	vst v16;
	v16 =	vadd.f32 v26, v18;
	v18 =	vmul.f32 $2.262741660e+01, v21;
	v21 =	vld [tilespmem:s24+$0xE820]  }
0x279: {  	[tilespmem:s24+$0xE420] =	vst v15;
	v15 =	vadd.f32 v27, v17;
	v17 =	vmul.f32 $2.262741660e+01, v22;
	v22 =	vld [tilespmem:s24+$0xE830]  }
0x27a: {  	[tilespmem:s24+$0xE430] =	vst v16;
	v16 =	vadd.f32 v28, v18;
	v18 =	vmul.f32 $2.262741660e+01, v23;
	v23 =	vld [tilespmem:s24+$0xE840]  }
0x27b: {  	[tilespmem:s24+$0xE440] =	vst v15;
	v15 =	vadd.f32 v29, v17;
	v17 =	vmul.f32 $2.262741660e+01, v19;
	v19 =	vld [tilespmem:s24+$0xE850]  }
0x27c: {  	[tilespmem:s24+$0xE450] =	vst v16;
	v16 =	vadd.f32 v30, v18;
	v18 =	vmul.f32 $2.262741660e+01, v20;
	v20 =	vld [tilespmem:s24+$0xE860]  }
0x27d: {  	[tilespmem:s24+$0xE460] =	vst v15;
	v15 =	vadd.f32 v31, v17;
	v17 =	vmul.f32 $2.262741660e+01, v21;
	v21 =	vld [tilespmem:s24+$0xE870]  }
0x27e: {  	[tilespmem:s24+$0xE470] =	vst v16;
	v16 =	vadd.f32 v32, v18;
	v18 =	vmul.f32 $2.262741660e+01, v22;
	v22 =	vld [tilespmem:s24+$0xEC00]  }
.Ltmp4:
0x27f: {  	[tilespmem:s24+$0xE800] =	vst v15;
	v15 =	vadd.f32 v14, v17;
	v17 =	vmul.f32 $2.262741660e+01, v23;
	v14 =	vld [tilespmem:s24+$0xEC10];
	(pc) =	sbr.rel @p1 .LBB2_7-.Ltmp4, $4  }
0x280: {  	[tilespmem:s24+$0xE810] =	vst v16;
	v16 =	vadd.f32 v13, v18;
	v18 =	vmul.f32 $2.262741660e+01, v19;
	v13 =	vld [tilespmem:s24+$0xEC20]  }
0x281: {  	[tilespmem:s24+$0xE820] =	vst v15;
	v19 =	vadd.f32 v12, v17;
	v20 =	vmul.f32 $2.262741660e+01, v20;
	v12 =	vld [tilespmem:s24+$0xEC30]  }
0x282: {  	[tilespmem:s24+$0xE830] =	vst v16;
	v15 =	vadd.f32 v11, v18;
	v17 =	vmul.f32 $2.262741660e+01, v21;
	v11 =	vld [tilespmem:s24+$0xEC40]  }
0x283: {  	s12 =	sadd.s32 $0x200, s12;
	[tilespmem:s24+$0xE840] =	vst v19;
	v18 =	vadd.f32 v10, v20;
	v16 =	vmul.f32 $2.262741660e+01, v22;
	v10 =	vld [tilespmem:s24+$0xEC50]  }
0x284: {  	v9 =	vadd.f32 v9, v17  }
0x285: {  	[tilespmem:s24+$0xE850] =	vst v15;
	v15 =	vld [tilespmem:s24+$0xEC60];
	v14 =	vmul.f32 $2.262741660e+01, v14  }
0x286: {  	v8 =	vadd.f32 v8, v16;
	v16 =	vld [tilespmem:s24+$0xEC70];
	[tilespmem:s24+$0xE870] =	vst v9;
	v9 =	vmul.f32 $2.262741660e+01, v13  }
0x287: {  	[tilespmem:s24+$0xE860] =	vst v18;
	v13 =	vld [tilespmem:s24+$0x2C60];
	v7 =	vadd.f32 v7, v14;
	v12 =	vmul.f32 $2.262741660e+01, v12  }
0x288: {  	[tilespmem:s24+$0xEC00] =	vst v8;
	v8 =	vmul.f32 $2.262741660e+01, v11;
	v6 =	vadd.f32 v6, v9;
	v9 =	vld [tilespmem:s24+$0x2C70]  }
0x289: {  	[tilespmem:s24+$0xEC10] =	vst v7;
	v5 =	vadd.f32 v5, v12;
	v7 =	vmul.f32 $2.262741660e+01, v10  }
0x28a: {  	v4 =	vadd.f32 v4, v8;
	[tilespmem:s24+$0xEC20] =	vst v6;
	v6 =	vmul.f32 $2.262741660e+01, v15  }
0x28b: {  	[tilespmem:s24+$0xEC30] =	vst v5;
	v3 =	vadd.f32 v3, v7;
	v5 =	vmul.f32 $2.262741660e+01, v16  }
0x28c: {  	[tilespmem:s24+$0xEC40] =	vst v4;
	v4 =	vadd.f32 v13, v6  }
0x28d: {  	[tilespmem:s24+$0xEC50] =	vst v3;
	v3 =	vadd.f32 v9, v5  }
0x28e: {  	[tilespmem:s24+$0xEC60] =	vst v4  }
0x28f: {  	s11 =	sadd.s32 s11, s10;
	[tilespmem:s24+$0xEC70] =	vst v3  }
0x290: {  	[hbm4b:s11+s4] =	stream.linear.scatter [tilespmem:s30], [sflag:$0x7], $0x4000, $0x38;
	[tilespmem:$0x16000] =	vst v63  }
0x291: {  	s11 =	simm.s32 @!p0 $0x6  }
0x292: {  	_ =	swait.ge @!p0 [sflag:s11], $0x4000  }
0x293: {  	[sflag:s11] =	ssyncset.done @!p0 $0x0  }
0x294: {  	[sflag:s11] =	ssyncadd.s32 @!p0 $0xFFFFC000  }
0x295: {  	v3 =	vld @!p0 [tilespmem:s23+$0x280];
	_ =	sdelay $0x4  }
0x296: {  	v4 =	vshll.u32 @!p0 v3, $0x2  }
0x297: {  	v5 =	vlaneseq.u32 @!p0;
	v3 =	vand.u32 @!p0 $0x7, v3;
	v4 =	vand.u32 @!p0 $0xFFFFFFE0, v4  }
0x298: {  	v6 =	vshrl.u32 @!p0 v5, $0x3;
	v3 =	vor.u32 @!p0 v3, v4;
	v4 =	vand.u32 @!p0 $0x7, v5  }
0x299: {  	v6 =	vmul.u32 @!p0 $0x8, v6;
	v7 =	vperm.xlane @!p0 v3, v4;
	_ =	sdelay $0x1  }
0x29a: {  	v7 =	vadd.s32 @!p0 v6, v7  }
0x29b: {  	v5 =	vor.u32 @!p0 $0x8, v5  }
0x29c: {  	v3 =	vperm.xlane @!p0 v3, v5;
	_ =	sdelay $0x1  }
0x29d: {  	s12 =	simm.s32 @!p0 $0xA000;
	s11 =	simm.s32 @!p0 $0x0;
	v3 =	vadd.s32 @!p0 v6, v3  }
0x29e: {  	[tilespmem:s12], [sflag:$0x2] =	stream.indirect_vreg.gather @!p0 [hbm4b:s2+s11], $0x80, v7, vm1, $0xb8;
	[tilespmem:$0x16000] =	vst v63  }
0x29f: {  	s12 =	simm.s32 @!p0 $0xA800  }
0x2a0: {  	[tilespmem:s12], [sflag:$0x2] =	stream.indirect_vreg.gather @!p0 [hbm4b:s6+s11], $0x80, v7, vm1, $0xb8;
	[tilespmem:$0x16000] =	vst v63  }
0x2a1: {  	s12 =	simm.s32 @!p0 $0xB000  }
0x2a2: {  	[tilespmem:s12], [sflag:$0x2] =	stream.indirect_vreg.gather @!p0 [hbm4b:s2+s11], $0x80, v3, vm1, $0xb8;
	[tilespmem:$0x16000] =	vst v63  }
0x2a3: {  	s12 =	simm.s32 @!p0 $0xB800  }
0x2a4: {  	[tilespmem:s12], [sflag:$0x2] =	stream.indirect_vreg.gather @!p0 [hbm4b:s6+s11], $0x80, v3, vm1, $0xb8;
	[tilespmem:$0x16000] =	vst v63  }
0x2a5: {  	v3 =	vld @!p0 [tilespmem:s23+$0x290];
	_ =	sdelay $0x4  }
0x2a6: {  	v7 =	vshll.u32 @!p0 v3, $0x2  }
0x2a7: {  	v3 =	vand.u32 @!p0 $0x7, v3;
	v7 =	vand.u32 @!p0 $0xFFFFFFE0, v7  }
0x2a8: {  	v3 =	vor.u32 @!p0 v3, v7  }
0x2a9: {  	v4 =	vperm.xlane @!p0 v3, v4;
	_ =	sdelay $0x1  }
0x2aa: {  	v4 =	vadd.s32 @!p0 v6, v4;
	_ =	sdelay $0x1  }
0x2ab: {  	v3 =	vperm.xlane @!p0 v3, v5;
	_ =	sdelay $0x1  }
0x2ac: {  	s12 =	simm.s32 @!p0 $0xC000;
	v3 =	vadd.s32 @!p0 v6, v3  }
0x2ad: {  	[tilespmem:s12], [sflag:$0x2] =	stream.indirect_vreg.gather @!p0 [hbm4b:s2+s11], $0x80, v4, vm1, $0xb8;
	[tilespmem:$0x16000] =	vst v63  }
0x2ae: {  	s12 =	simm.s32 @!p0 $0xC800  }
0x2af: {  	[tilespmem:s12], [sflag:$0x2] =	stream.indirect_vreg.gather @!p0 [hbm4b:s6+s11], $0x80, v4, vm1, $0xb8;
	[tilespmem:$0x16000] =	vst v63  }
0x2b0: {  	s12 =	simm.s32 @!p0 $0xD000  }
0x2b1: {  	[tilespmem:s12], [sflag:$0x2] =	stream.indirect_vreg.gather @!p0 [hbm4b:s2+s11], $0x80, v3, vm1, $0xb8;
	[tilespmem:$0x16000] =	vst v63  }
0x2b2: {  	s12 =	simm.s32 @!p0 $0xD800  }
0x2b3: {  	[tilespmem:s12], [sflag:$0x2] =	stream.indirect_vreg.gather @!p0 [hbm4b:s6+s11], $0x80, v3, vm1, $0xb8;
	[tilespmem:$0x16000] =	vst v63  }
0x2b4: {  	s23 =	simm.s32 $0x0;
	_ =	swait.ge [sflag:s22], $0x4000  }
0x2b5: {  	s28 =	sand.u32 $0x3000, s23;
	s31 =	sand.u32 $0x380, s23;
	[sflag:s22] =	ssyncset.done $0x0  }
0x2b6: {  	s11 =	sor.u32 s31, s28;
	[sflag:s22] =	ssyncadd.s32 $0xFFFFC000  }
0x2b7: {  	v10 =	vld [tilespmem:s11+$0x2000]  }
0x2b8: {  	v11 =	vld [tilespmem:s11+$0x2010]  }
0x2b9: {  	v12 =	vld [tilespmem:s11+$0x2020]  }
0x2ba: {  	v13 =	vld [tilespmem:s11+$0x2030]  }
0x2bb: {  	v14 =	vld [tilespmem:s11+$0x2040]  }
0x2bc: {  	v15 =	vld [tilespmem:s11+$0x2050]  }
0x2bd: {  	v16 =	vld [tilespmem:s11+$0x2060]  }
0x2be: {  	v17 =	vld [tilespmem:s11+$0x2070]  }
0x2bf: {  	v18 =	vld [tilespmem:s11+$0x2400]  }
0x2c0: {  	v19 =	vld [tilespmem:s11+$0x2410]  }
0x2c1: {  	v20 =	vld [tilespmem:s11+$0x2420]  }
0x2c2: {  	v21 =	vld [tilespmem:s11+$0x2430]  }
0x2c3: {  	v22 =	vld [tilespmem:s11+$0x2440]  }
0x2c4: {  	v23 =	vld [tilespmem:s11+$0x2450]  }
0x2c5: {  	v24 =	vld [tilespmem:s11+$0x2460]  }
0x2c6: {  	v25 =	vld [tilespmem:s11+$0x2470]  }
0x2c7: {  	v26 =	vld [tilespmem:s11+$0x2800]  }
0x2c8: {  	v27 =	vld [tilespmem:s11+$0x2810]  }
0x2c9: {  	v28 =	vld [tilespmem:s11+$0x2820]  }
0x2ca: {  	v29 =	vld [tilespmem:s11+$0x2830]  }
0x2cb: {  	v30 =	vld [tilespmem:s11+$0x2840]  }
0x2cc: {  	v31 =	vld [tilespmem:s11+$0x2850]  }
0x2cd: {  	v32 =	vld [tilespmem:s11+$0x2860]  }
0x2ce: {  	v9 =	vld [tilespmem:s11+$0x2870]  }
0x2cf: {  	v8 =	vld [tilespmem:s11+$0x2C00]  }
0x2d0: {  	v7 =	vld [tilespmem:s11+$0x2C10]  }
0x2d1: {  	v6 =	vld [tilespmem:s11+$0x2C20]  }
0x2d2: {  	v5 =	vld [tilespmem:s11+$0x2C30]  }
0x2d3: {  	v4 =	vld [tilespmem:s11+$0x2C40]  }
0x2d4: {  	v3 =	vld [tilespmem:s11+$0x2C50]  }
0x2d5: {  	v33 =	vld [tilespmem:s11+$0x12000]  }
0x2d6: {  	v34 =	vld [tilespmem:s11+$0x12010]  }
0x2d7: {  	v35 =	vld [tilespmem:s11+$0x12020]  }
0x2d8: {  	v36 =	vld [tilespmem:s11+$0x12030]  }
0x2d9: {  	v37 =	vld [tilespmem:s11+$0x12040]  }
0x2da: {  	v38 =	vld [tilespmem:s11+$0x12050];
	v33 =	vmul.f32 $2.262741660e+01, v33  }
0x2db: {  	v39 =	vld [tilespmem:s11+$0x12060];
	v34 =	vmul.f32 $2.262741660e+01, v34  }
0x2dc: {  	v59 =	vld [tilespmem:s11+$0x12070];
	v58 =	vmul.f32 $2.262741660e+01, v35;
	v10 =	vadd.f32 v10, v33  }
0x2dd: {  	v61 =	vld [tilespmem:s11+$0x12400];
	v60 =	vmul.f32 $2.262741660e+01, v36;
	v11 =	vadd.f32 v11, v34  }
0x2de: {  	v62 =	vld [tilespmem:s11+$0x12410];
	[tilespmem:s11+$0x12000] =	vst v10;
	v10 =	vadd.f32 v12, v58;
	v12 =	vmul.f32 $2.262741660e+01, v37  }
0x2df: {  	v63 =	vld [tilespmem:s11+$0x12420];
	[tilespmem:s11+$0x12010] =	vst v11;
	v11 =	vadd.f32 v13, v60;
	v13 =	vmul.f32 $2.262741660e+01, v38  }
0x2e0: {  	[tilespmem:s11+$0x12020] =	vst v10;
	v10 =	vadd.f32 v14, v12;
	v12 =	vmul.f32 $2.262741660e+01, v39;
	v14 =	vld [tilespmem:s11+$0x12430]  }
0x2e1: {  	[tilespmem:s11+$0x12030] =	vst v11;
	v11 =	vadd.f32 v15, v13;
	v13 =	vmul.f32 $2.262741660e+01, v59;
	v15 =	vld [tilespmem:s11+$0x12440]  }
0x2e2: {  	[tilespmem:s11+$0x12040] =	vst v10;
	v10 =	vadd.f32 v16, v12;
	v12 =	vmul.f32 $2.262741660e+01, v61;
	v16 =	vld [tilespmem:s11+$0x12450]  }
0x2e3: {  	[tilespmem:s11+$0x12050] =	vst v11;
	v11 =	vadd.f32 v17, v13;
	v13 =	vmul.f32 $2.262741660e+01, v62;
	v17 =	vld [tilespmem:s11+$0x12460]  }
0x2e4: {  	[tilespmem:s11+$0x12060] =	vst v10;
	v10 =	vadd.f32 v18, v12;
	v12 =	vmul.f32 $2.262741660e+01, v63;
	v18 =	vld [tilespmem:s11+$0x12470]  }
0x2e5: {  	[tilespmem:s11+$0x12070] =	vst v11;
	v11 =	vadd.f32 v19, v13;
	v13 =	vmul.f32 $2.262741660e+01, v14;
	v14 =	vld [tilespmem:s11+$0x12800]  }
0x2e6: {  	[tilespmem:s11+$0x12400] =	vst v10;
	v10 =	vadd.f32 v20, v12;
	v12 =	vmul.f32 $2.262741660e+01, v15;
	v15 =	vld [tilespmem:s11+$0x12810]  }
0x2e7: {  	[tilespmem:s11+$0x12410] =	vst v11;
	v11 =	vadd.f32 v21, v13;
	v13 =	vmul.f32 $2.262741660e+01, v16;
	v16 =	vld [tilespmem:s11+$0x12820]  }
0x2e8: {  	[tilespmem:s11+$0x12420] =	vst v10;
	v10 =	vadd.f32 v22, v12;
	v12 =	vmul.f32 $2.262741660e+01, v17;
	v17 =	vld [tilespmem:s11+$0x12830]  }
0x2e9: {  	[tilespmem:s11+$0x12430] =	vst v11;
	v11 =	vadd.f32 v23, v13;
	v13 =	vmul.f32 $2.262741660e+01, v18;
	v18 =	vld [tilespmem:s11+$0x12840]  }
0x2ea: {  	v19 =	vld [tilespmem:s11+$0x12850];
	[tilespmem:s11+$0x12440] =	vst v10;
	v10 =	vadd.f32 v24, v12;
	v12 =	vmul.f32 $2.262741660e+01, v14  }
0x2eb: {  	[tilespmem:s11+$0x12450] =	vst v11;
	v11 =	vadd.f32 v25, v13;
	v13 =	vmul.f32 $2.262741660e+01, v15;
	v15 =	vld [tilespmem:s11+$0x12860]  }
0x2ec: {  	[tilespmem:s11+$0x12460] =	vst v10;
	v10 =	vadd.f32 v26, v12;
	v12 =	vmul.f32 $2.262741660e+01, v16;
	v16 =	vld [tilespmem:s11+$0x12870]  }
0x2ed: {  	v20 =	vld [tilespmem:s11+$0x12C00];
	[tilespmem:s11+$0x12470] =	vst v11;
	v11 =	vadd.f32 v27, v13;
	v13 =	vmul.f32 $2.262741660e+01, v17  }
0x2ee: {  	v14 =	vld [tilespmem:s11+$0x12C10];
	[tilespmem:s11+$0x12800] =	vst v10;
	v10 =	vadd.f32 v28, v12;
	v12 =	vmul.f32 $2.262741660e+01, v18  }
0x2ef: {  	v17 =	vmul.f32 $2.262741660e+01, v19;
	[tilespmem:s11+$0x12810] =	vst v11;
	v11 =	vadd.f32 v29, v13;
	v13 =	vld [tilespmem:s11+$0x12C20]  }
0x2f0: {  	[tilespmem:s11+$0x12820] =	vst v10;
	v10 =	vadd.f32 v30, v12;
	v18 =	vmul.f32 $2.262741660e+01, v15;
	v12 =	vld [tilespmem:s11+$0x12C30]  }
0x2f1: {  	v15 =	vadd.f32 v31, v17;
	[tilespmem:s11+$0x12830] =	vst v11;
	v11 =	vld [tilespmem:s11+$0x12C40];
	v17 =	vmul.f32 $2.262741660e+01, v16  }
0x2f2: {  	s12 =	simm.s32 $0x200;
	v16 =	vmul.f32 $2.262741660e+01, v20;
	[tilespmem:s11+$0x12840] =	vst v10;
	v18 =	vadd.f32 v32, v18;
	v10 =	vld [tilespmem:s11+$0x12C50]  }
.LBB2_9:
0x2f3: {  	p1 =	sne.s32 s12, $0x3E00;
	[tilespmem:s11+$0x12850] =	vst v15;
	v9 =	vadd.f32 v9, v17;
	v14 =	vmul.f32 $2.262741660e+01, v14;
	v15 =	vld [tilespmem:s11+$0x12C60]  }
0x2f4: {  	s23 =	sadd.s32 $0x80, s23;
	[tilespmem:s11+$0x12860] =	vst v18;
	v8 =	vadd.f32 v8, v16;
	v13 =	vmul.f32 $2.262741660e+01, v13;
	v16 =	vld [tilespmem:s11+$0x12C70]  }
0x2f5: {  	s24 =	sand.u32 $0x3000, s12;
	s26 =	sand.u32 $0x380, s23;
	[tilespmem:s11+$0x12870] =	vst v9;
	v7 =	vadd.f32 v7, v14;
	v9 =	vmul.f32 $2.262741660e+01, v12;
	v12 =	vld [tilespmem:s11+$0x2C60]  }
0x2f6: {  	s24 =	sor.u32 s26, s24;
	[tilespmem:s11+$0x12C00] =	vst v8;
	v6 =	vadd.f32 v6, v13;
	v8 =	vmul.f32 $2.262741660e+01, v11;
	v11 =	vld [tilespmem:s11+$0x2C70]  }
0x2f7: {  	v17 =	vld [tilespmem:s24+$0x2000];
	[tilespmem:s11+$0x12C10] =	vst v7;
	v5 =	vadd.f32 v5, v9;
	v7 =	vmul.f32 $2.262741660e+01, v10  }
0x2f8: {  	v18 =	vld [tilespmem:s24+$0x2010];
	[tilespmem:s11+$0x12C20] =	vst v6;
	v4 =	vadd.f32 v4, v8;
	v6 =	vmul.f32 $2.262741660e+01, v15  }
0x2f9: {  	v15 =	vld [tilespmem:s24+$0x2020];
	[tilespmem:s11+$0x12C30] =	vst v5;
	v3 =	vadd.f32 v3, v7;
	v5 =	vmul.f32 $2.262741660e+01, v16  }
0x2fa: {  	v16 =	vld [tilespmem:s24+$0x2030];
	[tilespmem:s11+$0x12C40] =	vst v4;
	v4 =	vadd.f32 v12, v6  }
0x2fb: {  	v19 =	vld [tilespmem:s24+$0x2040];
	[tilespmem:s11+$0x12C50] =	vst v3;
	v3 =	vadd.f32 v11, v5  }
0x2fc: {  	v20 =	vld [tilespmem:s24+$0x2050];
	[tilespmem:s11+$0x12C60] =	vst v4  }
0x2fd: {  	v21 =	vld [tilespmem:s24+$0x2060];
	[tilespmem:s11+$0x12C70] =	vst v3;
	s11 =	smov.u32 s24  }
0x2fe: {  	v22 =	vld [tilespmem:s11+$0x2070]  }
0x2ff: {  	v23 =	vld [tilespmem:s11+$0x2400]  }
0x300: {  	v24 =	vld [tilespmem:s11+$0x2410]  }
0x301: {  	v25 =	vld [tilespmem:s11+$0x2420]  }
0x302: {  	v26 =	vld [tilespmem:s11+$0x2430]  }
0x303: {  	v27 =	vld [tilespmem:s11+$0x2440]  }
0x304: {  	v28 =	vld [tilespmem:s11+$0x2450]  }
0x305: {  	v29 =	vld [tilespmem:s11+$0x2460]  }
0x306: {  	v30 =	vld [tilespmem:s11+$0x2470]  }
0x307: {  	v31 =	vld [tilespmem:s11+$0x2800]  }
0x308: {  	v32 =	vld [tilespmem:s11+$0x2810]  }
0x309: {  	v14 =	vld [tilespmem:s11+$0x2820]  }
0x30a: {  	v13 =	vld [tilespmem:s11+$0x2830]  }
0x30b: {  	v12 =	vld [tilespmem:s11+$0x2840]  }
0x30c: {  	v11 =	vld [tilespmem:s11+$0x2850]  }
0x30d: {  	v10 =	vld [tilespmem:s11+$0x2860]  }
0x30e: {  	v9 =	vld [tilespmem:s11+$0x2870]  }
0x30f: {  	v8 =	vld [tilespmem:s11+$0x2C00]  }
0x310: {  	v7 =	vld [tilespmem:s11+$0x2C10]  }
0x311: {  	v6 =	vld [tilespmem:s11+$0x2C20]  }
0x312: {  	v5 =	vld [tilespmem:s11+$0x2C30]  }
0x313: {  	v4 =	vld [tilespmem:s11+$0x2C40]  }
0x314: {  	v3 =	vld [tilespmem:s11+$0x2C50]  }
0x315: {  	v33 =	vld [tilespmem:s11+$0x12000]  }
0x316: {  	v34 =	vld [tilespmem:s11+$0x12010]  }
0x317: {  	v35 =	vld [tilespmem:s11+$0x12020]  }
0x318: {  	v36 =	vld [tilespmem:s11+$0x12030]  }
0x319: {  	v37 =	vld [tilespmem:s11+$0x12040]  }
0x31a: {  	v33 =	vmul.f32 $2.262741660e+01, v33;
	v38 =	vld [tilespmem:s11+$0x12050]  }
0x31b: {  	v34 =	vmul.f32 $2.262741660e+01, v34;
	v39 =	vld [tilespmem:s11+$0x12060]  }
0x31c: {  	v17 =	vadd.f32 v17, v33;
	v33 =	vmul.f32 $2.262741660e+01, v35;
	v35 =	vld [tilespmem:s11+$0x12070]  }
0x31d: {  	v18 =	vadd.f32 v18, v34;
	v34 =	vmul.f32 $2.262741660e+01, v36;
	v36 =	vld [tilespmem:s11+$0x12400]  }
0x31e: {  	[tilespmem:s11+$0x12000] =	vst v17;
	v15 =	vadd.f32 v15, v33;
	v17 =	vmul.f32 $2.262741660e+01, v37;
	v33 =	vld [tilespmem:s11+$0x12410]  }
0x31f: {  	[tilespmem:s11+$0x12010] =	vst v18;
	v16 =	vadd.f32 v16, v34;
	v18 =	vmul.f32 $2.262741660e+01, v38;
	v34 =	vld [tilespmem:s11+$0x12420]  }
0x320: {  	[tilespmem:s11+$0x12020] =	vst v15;
	v15 =	vadd.f32 v19, v17;
	v17 =	vmul.f32 $2.262741660e+01, v39;
	v19 =	vld [tilespmem:s11+$0x12430]  }
0x321: {  	[tilespmem:s11+$0x12030] =	vst v16;
	v16 =	vadd.f32 v20, v18;
	v18 =	vmul.f32 $2.262741660e+01, v35;
	v20 =	vld [tilespmem:s11+$0x12440]  }
0x322: {  	[tilespmem:s11+$0x12040] =	vst v15;
	v15 =	vadd.f32 v21, v17;
	v17 =	vmul.f32 $2.262741660e+01, v36;
	v21 =	vld [tilespmem:s11+$0x12450]  }
0x323: {  	[tilespmem:s11+$0x12050] =	vst v16;
	v16 =	vadd.f32 v22, v18;
	v18 =	vmul.f32 $2.262741660e+01, v33;
	v22 =	vld [tilespmem:s11+$0x12460]  }
0x324: {  	[tilespmem:s11+$0x12060] =	vst v15;
	v15 =	vadd.f32 v23, v17;
	v17 =	vmul.f32 $2.262741660e+01, v34;
	v23 =	vld [tilespmem:s11+$0x12470]  }
0x325: {  	[tilespmem:s11+$0x12070] =	vst v16;
	v16 =	vadd.f32 v24, v18;
	v18 =	vmul.f32 $2.262741660e+01, v19;
	v19 =	vld [tilespmem:s11+$0x12800]  }
0x326: {  	[tilespmem:s11+$0x12400] =	vst v15;
	v15 =	vadd.f32 v25, v17;
	v17 =	vmul.f32 $2.262741660e+01, v20;
	v20 =	vld [tilespmem:s11+$0x12810]  }
0x327: {  	[tilespmem:s11+$0x12410] =	vst v16;
	v16 =	vadd.f32 v26, v18;
	v18 =	vmul.f32 $2.262741660e+01, v21;
	v21 =	vld [tilespmem:s11+$0x12820]  }
0x328: {  	[tilespmem:s11+$0x12420] =	vst v15;
	v15 =	vadd.f32 v27, v17;
	v17 =	vmul.f32 $2.262741660e+01, v22;
	v22 =	vld [tilespmem:s11+$0x12830]  }
0x329: {  	[tilespmem:s11+$0x12430] =	vst v16;
	v16 =	vadd.f32 v28, v18;
	v18 =	vmul.f32 $2.262741660e+01, v23;
	v23 =	vld [tilespmem:s11+$0x12840]  }
0x32a: {  	[tilespmem:s11+$0x12440] =	vst v15;
	v15 =	vadd.f32 v29, v17;
	v17 =	vmul.f32 $2.262741660e+01, v19;
	v19 =	vld [tilespmem:s11+$0x12850]  }
0x32b: {  	[tilespmem:s11+$0x12450] =	vst v16;
	v16 =	vadd.f32 v30, v18;
	v18 =	vmul.f32 $2.262741660e+01, v20;
	v20 =	vld [tilespmem:s11+$0x12860]  }
0x32c: {  	[tilespmem:s11+$0x12460] =	vst v15;
	v15 =	vadd.f32 v31, v17;
	v17 =	vmul.f32 $2.262741660e+01, v21;
	v21 =	vld [tilespmem:s11+$0x12870]  }
0x32d: {  	[tilespmem:s11+$0x12470] =	vst v16;
	v16 =	vadd.f32 v32, v18;
	v18 =	vmul.f32 $2.262741660e+01, v22;
	v22 =	vld [tilespmem:s11+$0x12C00]  }
.Ltmp5:
0x32e: {  	[tilespmem:s11+$0x12800] =	vst v15;
	v15 =	vadd.f32 v14, v17;
	v17 =	vmul.f32 $2.262741660e+01, v23;
	v14 =	vld [tilespmem:s11+$0x12C10];
	(pc) =	sbr.rel @p1 .LBB2_9-.Ltmp5, $4  }
0x32f: {  	[tilespmem:s11+$0x12810] =	vst v16;
	v16 =	vadd.f32 v13, v18;
	v18 =	vmul.f32 $2.262741660e+01, v19;
	v13 =	vld [tilespmem:s11+$0x12C20]  }
0x330: {  	[tilespmem:s11+$0x12820] =	vst v15;
	v19 =	vadd.f32 v12, v17;
	v20 =	vmul.f32 $2.262741660e+01, v20;
	v12 =	vld [tilespmem:s11+$0x12C30]  }
0x331: {  	[tilespmem:s11+$0x12830] =	vst v16;
	v15 =	vadd.f32 v11, v18;
	v17 =	vmul.f32 $2.262741660e+01, v21;
	v11 =	vld [tilespmem:s11+$0x12C40]  }
0x332: {  	s12 =	sadd.s32 $0x200, s12;
	[tilespmem:s11+$0x12840] =	vst v19;
	v18 =	vadd.f32 v10, v20;
	v16 =	vmul.f32 $2.262741660e+01, v22;
	v10 =	vld [tilespmem:s11+$0x12C50]  }
0x333: {  	[tilespmem:s11+$0x12850] =	vst v15;
	v9 =	vadd.f32 v9, v17;
	v54 =	vld [tilespmem:s11+$0x12C60];
	v14 =	vmul.f32 $2.262741660e+01, v14  }
0x334: {  	v55 =	vld [tilespmem:s11+$0x12C70];
	[tilespmem:s11+$0x12860] =	vst v18;
	v8 =	vadd.f32 v8, v16;
	v56 =	vmul.f32 $2.262741660e+01, v13  }
0x335: {  	v57 =	vld [tilespmem:s11+$0x2C60];
	[tilespmem:s11+$0x12870] =	vst v9;
	v7 =	vadd.f32 v7, v14;
	v12 =	vmul.f32 $2.262741660e+01, v12  }
0x336: {  	v59 =	vld [tilespmem:s11+$0x2C70];
	[tilespmem:s11+$0x12C00] =	vst v8;
	v6 =	vadd.f32 v6, v56;
	v58 =	vmul.f32 $2.262741660e+01, v11  }
0x337: {  	[tilespmem:s11+$0x12C10] =	vst v7;
	v5 =	vadd.f32 v5, v12;
	v60 =	vmul.f32 $2.262741660e+01, v10  }
0x338: {  	[tilespmem:s11+$0x12C20] =	vst v6;
	v4 =	vadd.f32 v4, v58;
	v61 =	vmul.f32 $2.262741660e+01, v54  }
0x339: {  	v62 =	vmul.f32 $2.262741660e+01, v55;
	[tilespmem:s11+$0x12C30] =	vst v5;
	v3 =	vadd.f32 v3, v60  }
.Ltmp6:
0x33a: {  	s8 =	sshll.u32 s8, $0x13;
	[tilespmem:s11+$0x12C40] =	vst v4;
	v63 =	vadd.f32 v57, v61;
	(pc) =	sbr.rel @p0 .LBB2_12-.Ltmp6, $4  }
0x33b: {  	s8 =	sor.u32 s7, s8;
	[tilespmem:s11+$0x12C50] =	vst v3;
	v3 =	vadd.f32 v59, v62  }
0x33c: {  	s8 =	sshrl.u32 s8, $0x3;
	[tilespmem:s11+$0x12C60] =	vst v63  }
0x33d: {  	s8 =	sadd.s32 s3, s8;
	[tilespmem:s11+$0x12C70] =	vst v3  }
0x33e: {  	[hbm4b:s8+s4] =	stream.linear.scatter [tilespmem:s18], [sflag:$0x8], $0x4000, $0x38;
	[tilespmem:$0x16000] =	vst v63  }
0x33f: {  	_ =	swait.ge [sflag:s25], $0x4000  }
0x340: {  	s8 =	sshll.u32 s5, $0x9;
	[sflag:s25] =	ssyncset.done $0x0  }
0x341: {  	s8 =	sand.u32 $0x3FFFFE00, s8;
	[sflag:s25] =	ssyncadd.s32 $0xFFFFC000  }
0x342: {  	v3 =	vld [tilespmem:s8+$0x300];
	_ =	sdelay $0x4  }
0x343: {  	v4 =	vshll.u32 v3, $0x2  }
0x344: {  	v3 =	vand.u32 $0x7, v3;
	v4 =	vand.u32 $0xFFFFFFE0, v4  }
0x345: {  	v3 =	vor.u32 v3, v4  }
0x346: {  	v4 =	vperm.xlane v3, v0;
	_ =	sdelay $0x1  }
0x347: {  	v4 =	vadd.s32 v1, v4;
	_ =	sdelay $0x1  }
0x348: {  	v3 =	vperm.xlane v3, v2;
	_ =	sdelay $0x1  }
0x349: {  	v3 =	vadd.s32 v1, v3  }
0x34a: {  	[tilespmem:s30], [sflag:$0x3] =	stream.indirect_vreg.gather [hbm4b:s2+s4], $0x80, v4, vm0, $0xb8;
	[tilespmem:$0x16000] =	vst v63  }
0x34b: {  	s11 =	simm.s32 $0xE800  }
0x34c: {  	[tilespmem:s11], [sflag:$0x3] =	stream.indirect_vreg.gather [hbm4b:s6+s4], $0x80, v4, vm0, $0xb8;
	[tilespmem:$0x16000] =	vst v63  }
0x34d: {  	_ = 	snop  }
0x34e: {  	[tilespmem:s0], [sflag:$0x3] =	stream.indirect_vreg.gather [hbm4b:s2+s4], $0x80, v3, vm0, $0xb8;
	[tilespmem:$0x16000] =	vst v63  }
0x34f: {  	_ = 	snop  }
0x350: {  	[tilespmem:s1], [sflag:$0x3] =	stream.indirect_vreg.gather [hbm4b:s6+s4], $0x80, v3, vm0, $0xb8;
	[tilespmem:$0x16000] =	vst v63  }
0x351: {  	v3 =	vld [tilespmem:s8+$0x310];
	_ =	sdelay $0x4  }
0x352: {  	v63 =	vshll.u32 v3, $0x2  }
0x353: {  	v3 =	vand.u32 $0x7, v3;
	v4 =	vand.u32 $0xFFFFFFE0, v63  }
0x354: {  	v3 =	vor.u32 v3, v4  }
0x355: {  	v4 =	vperm.xlane v3, v0;
	_ =	sdelay $0x1  }
0x356: {  	v4 =	vadd.s32 v1, v4;
	_ =	sdelay $0x2  }
0x357: {  	v3 =	vperm.xlane v3, v2;
	_ =	sdelay $0x1  }
0x358: {  	v3 =	vadd.s32 v1, v3;
	[tilespmem:s14], [sflag:$0x3] =	stream.indirect_vreg.gather [hbm4b:s2+s4], $0x80, v4, vm0, $0xb8;
	[tilespmem:$0x16000] =	vst v63  }
0x359: {  	_ = 	snop  }
0x35a: {  	[tilespmem:s15], [sflag:$0x3] =	stream.indirect_vreg.gather [hbm4b:s6+s4], $0x80, v4, vm0, $0xb8;
	[tilespmem:$0x16000] =	vst v63  }
.Ltmp7:
0x35b: {  	_ = 	snop;
	(pc) =	sbr.rel .LBB2_2-.Ltmp7, $4  }
0x35c: {  	_ = 	snop  }
0x35d: {  	[tilespmem:s16], [sflag:$0x3] =	stream.indirect_vreg.gather [hbm4b:s2+s4], $0x80, v3, vm0, $0xb8;
	[tilespmem:$0x16000] =	vst v63  }
0x35e: {  	s5 =	sadd.s32 $0x1, s5  }
0x35f: {  	[tilespmem:s17], [sflag:$0x3] =	stream.indirect_vreg.gather [hbm4b:s6+s4], $0x80, v3, vm0, $0xb8;
	[tilespmem:$0x16000] =	vst v63  }
.LBB2_13:
0x360: {  	_ =	sfence.sel $0x180000  }
0x361: {  	[bflag:$0x0] =	sbarrier.arrive $0xFFFF  }
0x362: {  	_ =	strace $0x90000047  }
0x363: {  	s0 =	stileid.u32;
	[bflag:$0x2] =	sbarrier.arrive $0xFFFF  }
0x364: {  	p0 =	sne.s32 s0, $0x0;
	s0 =	rddreg [dreg:$0x4]  }
0x365: {  	s0 =	sadd.s32 @!p0 $0x100000, s0  }
0x366: {  	[sflag:s0] =	ssyncadd.tile.s32 @!p0 $0x1;
	_ =	shalt  }
.Lfunc_end2:
_tile_overlayer_lowered:
.L_overlay_start_2:
0x367: {  	(tag) =	ssettag $0x2  }
0x368: {  	s0 =	rddreg [dreg:$0x0];
	s2 =	stileid.u32  }
0x369: {  	s1 =	rddreg [dreg:$0x1];
	p0 =	sne.s32 s2, $0x0  }
0x36a: {  	s3 =	rddreg [dreg:$0x2];
	[bflag:$0x3] =	sbarrier.arrive $0xFFFF;
	s2 =	simm.s32 @!p0 $0x1C09  }
0x36b: {  	[timem:s3], [sflag:s2] =	dma.local @!p0 [hbm:s0], s1  }
0x36c: {  	s0 =	simm.s32 @!p0 $0x9  }
0x36d: {  	_ =	swait.ge @!p0 [sflag:s0], s1  }
0x36e: {  	s1 =	ssub.s32 @!p0 $0x0, s1;
	[sflag:s0] =	ssyncset.done @!p0 $0x0  }
0x36f: {  	[sflag:s0] =	ssyncadd.s32 @!p0 s1  }
0x370: {  	[bflag:$0x3] =	sbarrier.arrive $0xFFFF  }
0x371: {  	_ =	shalt  }

</sc_bundles>
